<compile_context>
chip_gen: v7x
topology: tpu7x:2x2x1
jax: 0.10.2.dev20260603
libtpu: 0.0.44.dev20260713+nightly
codegen_flags: <defaults>
</compile_context>

<pallas_src>
import functools

import jax
import jax.numpy as jnp
from jax import lax
from jax.experimental import pallas as pl
from jax.experimental.pallas import tpu as pltpu
from jax.experimental.pallas import tpu_sc as plsc

_B = 128
_N = 32768
_K = 64
_L = 16
_BINBITS = 10
_NBINS = 1 << _BINBITS
_LOWBITS = 32 - _BINBITS
_NW = 32
_ROWS_PER_W = _B // _NW
_NV = _N // _L
_UNROLL = 8


def _sc_body(x_hbm, out_hbm, row_a, row_b, hist_v, cand_v,
             sem_ia, sem_ib, sem_oa, sem_ob):
    wid = lax.axis_index("s") * 2 + lax.axis_index("c")
    base = wid * _ROWS_PER_W
    lane = lax.broadcasted_iota(jnp.int32, (_L,), 0)
    ones = jnp.ones((_L,), jnp.int32)
    zeros = jnp.zeros((_L,), jnp.int32)
    lanebs = [((lane + u) & (_L - 1)) + jnp.int32((_NBINS // 2) * _L)
              for u in range(_UNROLL)]

    bufs = [row_a, row_b]
    sin = [sem_ia, sem_ib]
    sout = [sem_oa, sem_ob]
    in_h = [None, None]
    out_h = [None, None]
    in_h[0] = pltpu.async_copy(x_hbm.at[base], row_a, sin[0])

    @plsc.parallel_loop(0, _NBINS, unroll=_UNROLL)
    def _(i):
        hist_v[pl.ds(i * _L, _L)] = zeros
    for r in range(_ROWS_PER_W):
        p = r % 2
        q = 1 - p
        row_v = bufs[p]
        in_h[p].wait()

        @plsc.parallel_loop(0, _NV // _UNROLL, carry=jnp.full(
            (_L,), -(_NBINS // 2), jnp.int32))
        def dmax(i, acc):
            for u in range(_UNROLL):
                iv = row_v[pl.ds((i * _UNROLL + u) * _L, _L)]
                d = (iv >> _LOWBITS) ^ ((iv >> 31) & jnp.int32(0x1FF))
                plsc.addupdate_scatter(hist_v, [(d << 4) + lanebs[u]], ones)
                acc = jnp.maximum(acc, d)
            return acc

        bmax = lax.reduce_max(dmax, (0,))

        def bin_sum(b):
            return lax.reduce_sum(
                hist_v[pl.ds(b * _L + (_NBINS // 2) * _L, _L)], (0,))

        def walk_cond(c):
            _, above, cnt = c
            return above + cnt < _K

        def walk_body(c):
            b, above, cnt = c
            return (b - 1, above + cnt, bin_sum(b - 1))

        b_t, above, _ = lax.while_loop(
            walk_cond, walk_body, (bmax, jnp.int32(0), bin_sum(bmax)))
        kprime = _K - above

        if r + 1 < _ROWS_PER_W:
            if out_h[q] is not None:
                out_h[q].wait()
            in_h[q] = pltpu.async_copy(x_hbm.at[base + r + 1], bufs[q], sin[q])

        @plsc.parallel_loop(0, _NV, unroll=_UNROLL, carry=zeros)
        def n_vec(i, off):
            iv = row_v[pl.ds(i * _L, _L)]
            kv = iv ^ ((iv >> 31) & jnp.int32(0x7FFFFFFF))
            m = (kv >> _LOWBITS) == b_t
            plsc.store_scatter(cand_v, [(off << 4) | lane], kv, mask=m)
            return off + m.astype(jnp.int32)

        nv_cand = lax.reduce_max(n_vec, (0,))

        @plsc.parallel_loop(0, _NBINS, unroll=_UNROLL)
        def _(i):
            hist_v[pl.ds(i * _L, _L)] = zeros

        def pad_body(j, _):
            sl = pl.ds(j * _L, _L)
            lv = cand_v[sl]
            cand_v[sl] = jnp.where(j < n_vec, lv,
                                   jnp.int32(-2147483647 - 1))
            return 0

        lax.fori_loop(0, nv_cand, pad_body, 0)

        kprime_vec = jnp.full((_L,), 1, jnp.int32) * kprime

        def bit_body(b, t_vec):
            cand_vec = t_vec | (jnp.full((_L,), 1, jnp.int32) <<
                                (jnp.int32(_LOWBITS - 1) - b))

            def cnt_body(j, acc):
                m = cand_v[pl.ds(j * _L, _L)] >= cand_vec
                return acc + plsc.all_reduce_population_count(m)

            cvec = lax.fori_loop(0, nv_cand, cnt_body, zeros)
            return jnp.where(cvec >= kprime_vec, cand_vec, t_vec)

        t_vec = lax.fori_loop(
            0, _LOWBITS, bit_body,
            jnp.full((_L,), 1, jnp.int32) * (b_t << _LOWBITS))
        t_key = lax.reduce_max(t_vec, (0,))

        one_f = jnp.int32(0x3F800000)

        @pl.when(t_key >= 0)
        def _():
            @plsc.parallel_loop(0, _NV, unroll=_UNROLL)
            def _(i):
                sl = pl.ds(i * _L, _L)
                iv = row_v[sl]
                row_v[sl] = jnp.where(iv >= t_key, one_f, jnp.int32(0))

        @pl.when(t_key < 0)
        def _():
            t_raw = t_key ^ jnp.int32(0x7FFFFFFF)

            @plsc.parallel_loop(0, _NV, unroll=_UNROLL)
            def _(i):
                sl = pl.ds(i * _L, _L)
                iv = row_v[sl]
                row_v[sl] = jnp.where((iv >= 0) | (iv <= t_raw),
                                      one_f, jnp.int32(0))

        out_h[p] = pltpu.async_copy(row_v, out_hbm.at[base + r], sout[p])

    for p in (0, 1):
        if out_h[p] is not None:
            out_h[p].wait()


def kernel(logits):
    x = lax.bitcast_convert_type(jnp.squeeze(logits, axis=1), jnp.int32)
    mesh = plsc.VectorSubcoreMesh(core_axis_name="c", subcore_axis_name="s")
    f = functools.partial(
        pl.kernel,
        mesh=mesh,
        compiler_params=pltpu.CompilerParams(needs_layout_passes=False),
        out_type=jax.ShapeDtypeStruct((_B, _N), jnp.int32),
        scratch_types=[
            pltpu.VMEM((_N,), jnp.int32),
            pltpu.VMEM((_N,), jnp.int32),
            pltpu.VMEM((_NBINS * _L,), jnp.int32),
            pltpu.VMEM((_N,), jnp.int32),
            pltpu.SemaphoreType.DMA,
            pltpu.SemaphoreType.DMA,
            pltpu.SemaphoreType.DMA,
            pltpu.SemaphoreType.DMA,
        ],
    )(_sc_body)
    return lax.bitcast_convert_type(f(x), jnp.float32)

# --- scband reference (transcript-rebuilt; emitter-appended) ---
"""Pipeline reference for scband-gumbel-top-ksampler-3487513445107 (READ-ONLY COPY).

The authoritative reference and input builder live on the scoring server;
editing this copy changes nothing except your own understanding.
"""

import jax, jax.numpy as jnp
import numpy as np

T = 0.5
K = 64


def setup_inputs(seed: int = 0) -> dict:
    key = jax.random.key(seed)
    logits = jax.random.normal(key, (128, 1, 32768), dtype=jnp.float32)
    return {"logits": logits}


def reference(logits):
    # Eval-mode forward of GumbelTopKSampler: csamples is None, only discrete samples.
    # sample_discrete: threshold = topk(logits, k, sorted=True)[0][..., -1]
    vals, _ = jax.lax.top_k(logits, K)  # [B, 1, K], sorted descending on last axis
    threshold = vals[..., -1]           # [B, 1] -- k-th largest value
    dsamples = (jnp.squeeze(logits, axis=1) >= threshold).astype(jnp.float32)  # [B, N]
    return dsamples

if __name__ == "__main__":
    import jax
    _d = setup_inputs()
    print(jax.jit(kernel)(*tuple(_d.values())))

</pallas_src>

<mosaic_0001>
#map = affine_map<(d0, d1) -> (0, 0)>
module attributes {stable_mosaic.version = 14 : i64} {
  func.func @_sc_body(%arg0: i32, %arg1: i32, %arg2: memref<128x32768xi32, #tpu.memory_space<hbm>>, %arg3: memref<128x32768xi32, #tpu.memory_space<hbm>>, %arg4: memref<32768xi32, #tpu.memory_space<vmem>>, %arg5: memref<32768xi32, #tpu.memory_space<vmem>>, %arg6: memref<16384xi32, #tpu.memory_space<vmem>>, %arg7: memref<32768xi32, #tpu.memory_space<vmem>>, %arg8: memref<!tpu.dma_semaphore, #tpu.memory_space<semaphore_mem>>, %arg9: memref<!tpu.dma_semaphore, #tpu.memory_space<semaphore_mem>>, %arg10: memref<!tpu.dma_semaphore, #tpu.memory_space<semaphore_mem>>, %arg11: memref<!tpu.dma_semaphore, #tpu.memory_space<semaphore_mem>>) attributes {dimension_semantics = [#tpu.dimension_semantics<core_parallel>, #tpu.dimension_semantics<subcore_parallel>], iteration_bounds = array<i64: 2, 16>, scalar_prefetch = 0 : i64, scratch_operands = 8 : i64, tpu.core_type = #tpu.core_type<sc_vector_subcore>, window_params = [{transform_indices = #map}, {transform_indices = #map}]} {
    %mul3A = arith.constant 2 : i32
    %mul3A_0 = arith.muli %arg1, %mul3A : i32
    %add3A = arith.addi %mul3A_0, %arg0 : i32
    %mul3A_1 = arith.constant 4 : i32
    %mul3A_2 = arith.muli %add3A, %mul3A_1 : i32
    %iota3A = tpu.iota {dimensions = array<i32: 0>} : vector<16xi32>
    %broadcast_in_dim3A = arith.constant 1 : i32
    %broadcast_in_dim3A_3 = vector.broadcast %broadcast_in_dim3A : i32 to vector<16xi32>
    %broadcast_in_dim3A_4 = arith.constant 0 : i32
    %broadcast_in_dim3A_5 = vector.broadcast %broadcast_in_dim3A_4 : i32 to vector<16xi32>
    %add3A_6 = arith.constant 0 : i32
    %add3A_7 = vector.broadcast %add3A_6 : i32 to vector<16xi32>
    %add3A_8 = arith.addi %iota3A, %add3A_7 : vector<16xi32>
    %and3A = arith.constant 15 : i32
    %and3A_9 = vector.broadcast %and3A : i32 to vector<16xi32>
    %and3A_10 = arith.andi %add3A_8, %and3A_9 : vector<16xi32>
    %add3A_11 = arith.constant 8192 : i32
    %add3A_12 = vector.broadcast %add3A_11 : i32 to vector<16xi32>
    %add3A_13 = arith.addi %and3A_10, %add3A_12 : vector<16xi32>
    %add3A_14 = arith.constant 1 : i32
    %add3A_15 = vector.broadcast %add3A_14 : i32 to vector<16xi32>
    %add3A_16 = arith.addi %iota3A, %add3A_15 : vector<16xi32>
    %and3A_17 = arith.constant 15 : i32
    %and3A_18 = vector.broadcast %and3A_17 : i32 to vector<16xi32>
    %and3A_19 = arith.andi %add3A_16, %and3A_18 : vector<16xi32>
    %add3A_20 = arith.constant 8192 : i32
    %add3A_21 = vector.broadcast %add3A_20 : i32 to vector<16xi32>
    %add3A_22 = arith.addi %and3A_19, %add3A_21 : vector<16xi32>
    %add3A_23 = arith.constant 2 : i32
    %add3A_24 = vector.broadcast %add3A_23 : i32 to vector<16xi32>
    %add3A_25 = arith.addi %iota3A, %add3A_24 : vector<16xi32>
    %and3A_26 = arith.constant 15 : i32
    %and3A_27 = vector.broadcast %and3A_26 : i32 to vector<16xi32>
    %and3A_28 = arith.andi %add3A_25, %and3A_27 : vector<16xi32>
    %add3A_29 = arith.constant 8192 : i32
    %add3A_30 = vector.broadcast %add3A_29 : i32 to vector<16xi32>
    %add3A_31 = arith.addi %and3A_28, %add3A_30 : vector<16xi32>
    %add3A_32 = arith.constant 3 : i32
    %add3A_33 = vector.broadcast %add3A_32 : i32 to vector<16xi32>
    %add3A_34 = arith.addi %iota3A, %add3A_33 : vector<16xi32>
    %and3A_35 = arith.constant 15 : i32
    %and3A_36 = vector.broadcast %and3A_35 : i32 to vector<16xi32>
    %and3A_37 = arith.andi %add3A_34, %and3A_36 : vector<16xi32>
    %add3A_38 = arith.constant 8192 : i32
    %add3A_39 = vector.broadcast %add3A_38 : i32 to vector<16xi32>
    %add3A_40 = arith.addi %and3A_37, %add3A_39 : vector<16xi32>
    %add3A_41 = arith.constant 4 : i32
    %add3A_42 = vector.broadcast %add3A_41 : i32 to vector<16xi32>
    %add3A_43 = arith.addi %iota3A, %add3A_42 : vector<16xi32>
    %and3A_44 = arith.constant 15 : i32
    %and3A_45 = vector.broadcast %and3A_44 : i32 to vector<16xi32>
    %and3A_46 = arith.andi %add3A_43, %and3A_45 : vector<16xi32>
    %add3A_47 = arith.constant 8192 : i32
    %add3A_48 = vector.broadcast %add3A_47 : i32 to vector<16xi32>
    %add3A_49 = arith.addi %and3A_46, %add3A_48 : vector<16xi32>
    %add3A_50 = arith.constant 5 : i32
    %add3A_51 = vector.broadcast %add3A_50 : i32 to vector<16xi32>
    %add3A_52 = arith.addi %iota3A, %add3A_51 : vector<16xi32>
    %and3A_53 = arith.constant 15 : i32
    %and3A_54 = vector.broadcast %and3A_53 : i32 to vector<16xi32>
    %and3A_55 = arith.andi %add3A_52, %and3A_54 : vector<16xi32>
    %add3A_56 = arith.constant 8192 : i32
    %add3A_57 = vector.broadcast %add3A_56 : i32 to vector<16xi32>
    %add3A_58 = arith.addi %and3A_55, %add3A_57 : vector<16xi32>
    %add3A_59 = arith.constant 6 : i32
    %add3A_60 = vector.broadcast %add3A_59 : i32 to vector<16xi32>
    %add3A_61 = arith.addi %iota3A, %add3A_60 : vector<16xi32>
    %and3A_62 = arith.constant 15 : i32
    %and3A_63 = vector.broadcast %and3A_62 : i32 to vector<16xi32>
    %and3A_64 = arith.andi %add3A_61, %and3A_63 : vector<16xi32>
    %add3A_65 = arith.constant 8192 : i32
    %add3A_66 = vector.broadcast %add3A_65 : i32 to vector<16xi32>
    %add3A_67 = arith.addi %and3A_64, %add3A_66 : vector<16xi32>
    %add3A_68 = arith.constant 7 : i32
    %add3A_69 = vector.broadcast %add3A_68 : i32 to vector<16xi32>
    %add3A_70 = arith.addi %iota3A, %add3A_69 : vector<16xi32>
    %and3A_71 = arith.constant 15 : i32
    %and3A_72 = vector.broadcast %and3A_71 : i32 to vector<16xi32>
    %and3A_73 = arith.andi %add3A_70, %and3A_72 : vector<16xi32>
    %add3A_74 = arith.constant 8192 : i32
    %add3A_75 = vector.broadcast %add3A_74 : i32 to vector<16xi32>
    %add3A_76 = arith.addi %and3A_73, %add3A_75 : vector<16xi32>
    %dma_start3A = arith.constant 0 : i32
    %dma_start3A_77 = tpu.memref_slice %arg2[%mul3A_2, %dma_start3A] : memref<128x32768xi32, #tpu.memory_space<hbm>> -> memref<1x32768xi32, #tpu.memory_space<hbm>>
    %dma_start3A_78 = tpu.memref_squeeze %dma_start3A_77 : memref<1x32768xi32, #tpu.memory_space<hbm>> -> memref<32768xi32, #tpu.memory_space<hbm>>
    %dma_start3A_79 = arith.constant 0 : i32
    %dma_start3A_80 = tpu.memref_slice %arg2[%mul3A_2, %dma_start3A_79] : memref<128x32768xi32, #tpu.memory_space<hbm>> -> memref<1x32768xi32, #tpu.memory_space<hbm>>
    %dma_start3A_81 = tpu.memref_squeeze %dma_start3A_80 : memref<1x32768xi32, #tpu.memory_space<hbm>> -> memref<32768xi32, #tpu.memory_space<hbm>>
    tpu.enqueue_dma source(%dma_start3A_81 : memref<32768xi32, #tpu.memory_space<hbm>>) target(%arg4 : memref<32768xi32, #tpu.memory_space<vmem>>) target_semaphore(%arg8 : memref<!tpu.dma_semaphore, #tpu.memory_space<semaphore_mem>>)
    %parallel_loop3A = arith.constant 0 : i32
    %parallel_loop3A_82 = arith.constant 1024 : i32
    %parallel_loop3A_83 = arith.constant 1 : i32
    scf.for %parallel_loop3A_546 = %parallel_loop3A to %parallel_loop3A_82 step %parallel_loop3A_83  : i32 {
      %parallel_loop3A_547 = arith.constant 16 : i32
      %parallel_loop3A_548 = arith.muli %parallel_loop3A_546, %parallel_loop3A_547 : i32
      %parallel_loop3A_549 = arith.index_cast %parallel_loop3A_548 : i32 to index
      %parallel_loop3A_550 = tpu.vector_load %arg6[%parallel_loop3A_549] {strides = array<i32>} : memref<16384xi32, #tpu.memory_space<vmem>>, vector<16xi32>,
      tpu.vector_store %arg6[%parallel_loop3A_549], %broadcast_in_dim3A_5 {strides = array<i32>} : memref<16384xi32, #tpu.memory_space<vmem>>, vector<16xi32>,
    } {sc.loop_unroll_factor = 8 : i64, sc.parallel_access}
    %dma_wait3A = arith.constant 0 : i32
    %dma_wait3A_84 = tpu.memref_slice %arg2[%mul3A_2, %dma_wait3A] : memref<128x32768xi32, #tpu.memory_space<hbm>> -> memref<1x32768xi32, #tpu.memory_space<hbm>>
    %dma_wait3A_85 = tpu.memref_squeeze %dma_wait3A_84 : memref<1x32768xi32, #tpu.memory_space<hbm>> -> memref<32768xi32, #tpu.memory_space<hbm>>
    %dma_wait3A_86 = arith.constant 0 : i32
    %dma_wait3A_87 = tpu.memref_slice %arg2[%mul3A_2, %dma_wait3A_86] : memref<128x32768xi32, #tpu.memory_space<hbm>> -> memref<1x32768xi32, #tpu.memory_space<hbm>>
    %dma_wait3A_88 = tpu.memref_squeeze %dma_wait3A_87 : memref<1x32768xi32, #tpu.memory_space<hbm>> -> memref<32768xi32, #tpu.memory_space<hbm>>
    tpu.wait_dma2 semaphore(%arg8 : memref<!tpu.dma_semaphore, #tpu.memory_space<semaphore_mem>>) src(%dma_wait3A_88 : memref<32768xi32, #tpu.memory_space<hbm>>) dst(%arg4 : memref<32768xi32, #tpu.memory_space<vmem>>)
    %broadcast_in_dim3A_89 = arith.constant -512 : i32
    %broadcast_in_dim3A_90 = vector.broadcast %broadcast_in_dim3A_89 : i32 to vector<16xi32>
    %parallel_loop3A_91 = arith.constant 0 : i32
    %parallel_loop3A_92 = arith.constant 256 : i32
    %parallel_loop3A_93 = arith.constant 1 : i32
    %parallel_loop3A_94 = scf.for %parallel_loop3A_546 = %parallel_loop3A_91 to %parallel_loop3A_92 step %parallel_loop3A_93 iter_args(%parallel_loop3A_547 = %broadcast_in_dim3A_90) -> (vector<16xi32>)  : i32 {
      %parallel_loop3A_548 = arith.constant 8 : i32
      %parallel_loop3A_549 = arith.muli %parallel_loop3A_546, %parallel_loop3A_548 : i32
      %parallel_loop3A_550 = arith.constant 0 : i32
      %parallel_loop3A_551 = arith.addi %parallel_loop3A_549, %parallel_loop3A_550 : i32
      %parallel_loop3A_552 = arith.constant 16 : i32
      %parallel_loop3A_553 = arith.muli %parallel_loop3A_551, %parallel_loop3A_552 : i32
      %parallel_loop3A_554 = arith.index_cast %parallel_loop3A_553 : i32 to index
      %parallel_loop3A_555 = tpu.vector_load %arg4[%parallel_loop3A_554] {strides = array<i32>} : memref<32768xi32, #tpu.memory_space<vmem>>, vector<16xi32>,
      %parallel_loop3A_556 = arith.constant 22 : i32
      %parallel_loop3A_557 = vector.broadcast %parallel_loop3A_556 : i32 to vector<16xi32>
      %parallel_loop3A_558 = arith.shrsi %parallel_loop3A_555, %parallel_loop3A_557 : vector<16xi32>
      %parallel_loop3A_559 = arith.constant 31 : i32
      %parallel_loop3A_560 = vector.broadcast %parallel_loop3A_559 : i32 to vector<16xi32>
      %parallel_loop3A_561 = arith.shrsi %parallel_loop3A_555, %parallel_loop3A_560 : vector<16xi32>
      %parallel_loop3A_562 = arith.constant 511 : i32
      %parallel_loop3A_563 = vector.broadcast %parallel_loop3A_562 : i32 to vector<16xi32>
      %parallel_loop3A_564 = arith.andi %parallel_loop3A_561, %parallel_loop3A_563 : vector<16xi32>
      %parallel_loop3A_565 = arith.xori %parallel_loop3A_558, %parallel_loop3A_564 : vector<16xi32>
      %parallel_loop3A_566 = arith.constant 4 : i32
      %parallel_loop3A_567 = vector.broadcast %parallel_loop3A_566 : i32 to vector<16xi32>
      %parallel_loop3A_568 = arith.shli %parallel_loop3A_565, %parallel_loop3A_567 : vector<16xi32>
      %parallel_loop3A_569 = arith.addi %parallel_loop3A_568, %add3A_13 : vector<16xi32>
      tpu.vector_store_idx %arg6[%parallel_loop3A_569], %broadcast_in_dim3A_3 {add = true} : memref<16384xi32, #tpu.memory_space<vmem>>[vector<16xi32>], vector<16xi32>,
      %parallel_loop3A_570 = arith.maxsi %parallel_loop3A_547, %parallel_loop3A_565 : vector<16xi32>
      %parallel_loop3A_571 = arith.constant 8 : i32
      %parallel_loop3A_572 = arith.muli %parallel_loop3A_546, %parallel_loop3A_571 : i32
      %parallel_loop3A_573 = arith.constant 1 : i32
      %parallel_loop3A_574 = arith.addi %parallel_loop3A_572, %parallel_loop3A_573 : i32
      %parallel_loop3A_575 = arith.constant 16 : i32
      %parallel_loop3A_576 = arith.muli %parallel_loop3A_574, %parallel_loop3A_575 : i32
      %parallel_loop3A_577 = arith.index_cast %parallel_loop3A_576 : i32 to index
      %parallel_loop3A_578 = tpu.vector_load %arg4[%parallel_loop3A_577] {strides = array<i32>} : memref<32768xi32, #tpu.memory_space<vmem>>, vector<16xi32>,
      %parallel_loop3A_579 = arith.constant 22 : i32
      %parallel_loop3A_580 = vector.broadcast %parallel_loop3A_579 : i32 to vector<16xi32>
      %parallel_loop3A_581 = arith.shrsi %parallel_loop3A_578, %parallel_loop3A_580 : vector<16xi32>
      %parallel_loop3A_582 = arith.constant 31 : i32
      %parallel_loop3A_583 = vector.broadcast %parallel_loop3A_582 : i32 to vector<16xi32>
      %parallel_loop3A_584 = arith.shrsi %parallel_loop3A_578, %parallel_loop3A_583 : vector<16xi32>
      %parallel_loop3A_585 = arith.constant 511 : i32
      %parallel_loop3A_586 = vector.broadcast %parallel_loop3A_585 : i32 to vector<16xi32>
      %parallel_loop3A_587 = arith.andi %parallel_loop3A_584, %parallel_loop3A_586 : vector<16xi32>
      %parallel_loop3A_588 = arith.xori %parallel_loop3A_581, %parallel_loop3A_587 : vector<16xi32>
      %parallel_loop3A_589 = arith.constant 4 : i32
      %parallel_loop3A_590 = vector.broadcast %parallel_loop3A_589 : i32 to vector<16xi32>
      %parallel_loop3A_591 = arith.shli %parallel_loop3A_588, %parallel_loop3A_590 : vector<16xi32>
      %parallel_loop3A_592 = arith.addi %parallel_loop3A_591, %add3A_22 : vector<16xi32>
      tpu.vector_store_idx %arg6[%parallel_loop3A_592], %broadcast_in_dim3A_3 {add = true} : memref<16384xi32, #tpu.memory_space<vmem>>[vector<16xi32>], vector<16xi32>,
      %parallel_loop3A_593 = arith.maxsi %parallel_loop3A_570, %parallel_loop3A_588 : vector<16xi32>
      %parallel_loop3A_594 = arith.constant 8 : i32
      %parallel_loop3A_595 = arith.muli %parallel_loop3A_546, %parallel_loop3A_594 : i32
      %parallel_loop3A_596 = arith.constant 2 : i32
      %parallel_loop3A_597 = arith.addi %parallel_loop3A_595, %parallel_loop3A_596 : i32
      %parallel_loop3A_598 = arith.constant 16 : i32
      %parallel_loop3A_599 = arith.muli %parallel_loop3A_597, %parallel_loop3A_598 : i32
      %parallel_loop3A_600 = arith.index_cast %parallel_loop3A_599 : i32 to index
      %parallel_loop3A_601 = tpu.vector_load %arg4[%parallel_loop3A_600] {strides = array<i32>} : memref<32768xi32, #tpu.memory_space<vmem>>, vector<16xi32>,
      %parallel_loop3A_602 = arith.constant 22 : i32
      %parallel_loop3A_603 = vector.broadcast %parallel_loop3A_602 : i32 to vector<16xi32>
      %parallel_loop3A_604 = arith.shrsi %parallel_loop3A_601, %parallel_loop3A_603 : vector<16xi32>
      %parallel_loop3A_605 = arith.constant 31 : i32
      %parallel_loop3A_606 = vector.broadcast %parallel_loop3A_605 : i32 to vector<16xi32>
      %parallel_loop3A_607 = arith.shrsi %parallel_loop3A_601, %parallel_loop3A_606 : vector<16xi32>
      %parallel_loop3A_608 = arith.constant 511 : i32
      %parallel_loop3A_609 = vector.broadcast %parallel_loop3A_608 : i32 to vector<16xi32>
      %parallel_loop3A_610 = arith.andi %parallel_loop3A_607, %parallel_loop3A_609 : vector<16xi32>
      %parallel_loop3A_611 = arith.xori %parallel_loop3A_604, %parallel_loop3A_610 : vector<16xi32>
      %parallel_loop3A_612 = arith.constant 4 : i32
      %parallel_loop3A_613 = vector.broadcast %parallel_loop3A_612 : i32 to vector<16xi32>
      %parallel_loop3A_614 = arith.shli %parallel_loop3A_611, %parallel_loop3A_613 : vector<16xi32>
      %parallel_loop3A_615 = arith.addi %parallel_loop3A_614, %add3A_31 : vector<16xi32>
      tpu.vector_store_idx %arg6[%parallel_loop3A_615], %broadcast_in_dim3A_3 {add = true} : memref<16384xi32, #tpu.memory_space<vmem>>[vector<16xi32>], vector<16xi32>,
      %parallel_loop3A_616 = arith.maxsi %parallel_loop3A_593, %parallel_loop3A_611 : vector<16xi32>
      %parallel_loop3A_617 = arith.constant 8 : i32
      %parallel_loop3A_618 = arith.muli %parallel_loop3A_546, %parallel_loop3A_617 : i32
      %parallel_loop3A_619 = arith.constant 3 : i32
      %parallel_loop3A_620 = arith.addi %parallel_loop3A_618, %parallel_loop3A_619 : i32
      %parallel_loop3A_621 = arith.constant 16 : i32
      %parallel_loop3A_622 = arith.muli %parallel_loop3A_620, %parallel_loop3A_621 : i32
      %parallel_loop3A_623 = arith.index_cast %parallel_loop3A_622 : i32 to index
      %parallel_loop3A_624 = tpu.vector_load %arg4[%parallel_loop3A_623] {strides = array<i32>} : memref<32768xi32, #tpu.memory_space<vmem>>, vector<16xi32>,
      %parallel_loop3A_625 = arith.constant 22 : i32
      %parallel_loop3A_626 = vector.broadcast %parallel_loop3A_625 : i32 to vector<16xi32>
      %parallel_loop3A_627 = arith.shrsi %parallel_loop3A_624, %parallel_loop3A_626 : vector<16xi32>
      %parallel_loop3A_628 = arith.constant 31 : i32
      %parallel_loop3A_629 = vector.broadcast %parallel_loop3A_628 : i32 to vector<16xi32>
      %parallel_loop3A_630 = arith.shrsi %parallel_loop3A_624, %parallel_loop3A_629 : vector<16xi32>
      %parallel_loop3A_631 = arith.constant 511 : i32
      %parallel_loop3A_632 = vector.broadcast %parallel_loop3A_631 : i32 to vector<16xi32>
      %parallel_loop3A_633 = arith.andi %parallel_loop3A_630, %parallel_loop3A_632 : vector<16xi32>
      %parallel_loop3A_634 = arith.xori %parallel_loop3A_627, %parallel_loop3A_633 : vector<16xi32>
      %parallel_loop3A_635 = arith.constant 4 : i32
      %parallel_loop3A_636 = vector.broadcast %parallel_loop3A_635 : i32 to vector<16xi32>
      %parallel_loop3A_637 = arith.shli %parallel_loop3A_634, %parallel_loop3A_636 : vector<16xi32>
      %parallel_loop3A_638 = arith.addi %parallel_loop3A_637, %add3A_40 : vector<16xi32>
      tpu.vector_store_idx %arg6[%parallel_loop3A_638], %broadcast_in_dim3A_3 {add = true} : memref<16384xi32, #tpu.memory_space<vmem>>[vector<16xi32>], vector<16xi32>,
      %parallel_loop3A_639 = arith.maxsi %parallel_loop3A_616, %parallel_loop3A_634 : vector<16xi32>
      %parallel_loop3A_640 = arith.constant 8 : i32
      %parallel_loop3A_641 = arith.muli %parallel_loop3A_546, %parallel_loop3A_640 : i32
      %parallel_loop3A_642 = arith.constant 4 : i32
      %parallel_loop3A_643 = arith.addi %parallel_loop3A_641, %parallel_loop3A_642 : i32
      %parallel_loop3A_644 = arith.constant 16 : i32
      %parallel_loop3A_645 = arith.muli %parallel_loop3A_643, %parallel_loop3A_644 : i32
      %parallel_loop3A_646 = arith.index_cast %parallel_loop3A_645 : i32 to index
      %parallel_loop3A_647 = tpu.vector_load %arg4[%parallel_loop3A_646] {strides = array<i32>} : memref<32768xi32, #tpu.memory_space<vmem>>, vector<16xi32>,
      %parallel_loop3A_648 = arith.constant 22 : i32
      %parallel_loop3A_649 = vector.broadcast %parallel_loop3A_648 : i32 to vector<16xi32>
      %parallel_loop3A_650 = arith.shrsi %parallel_loop3A_647, %parallel_loop3A_649 : vector<16xi32>
      %parallel_loop3A_651 = arith.constant 31 : i32
      %parallel_loop3A_652 = vector.broadcast %parallel_loop3A_651 : i32 to vector<16xi32>
      %parallel_loop3A_653 = arith.shrsi %parallel_loop3A_647, %parallel_loop3A_652 : vector<16xi32>
      %parallel_loop3A_654 = arith.constant 511 : i32
      %parallel_loop3A_655 = vector.broadcast %parallel_loop3A_654 : i32 to vector<16xi32>
      %parallel_loop3A_656 = arith.andi %parallel_loop3A_653, %parallel_loop3A_655 : vector<16xi32>
      %parallel_loop3A_657 = arith.xori %parallel_loop3A_650, %parallel_loop3A_656 : vector<16xi32>
      %parallel_loop3A_658 = arith.constant 4 : i32
      %parallel_loop3A_659 = vector.broadcast %parallel_loop3A_658 : i32 to vector<16xi32>
      %parallel_loop3A_660 = arith.shli %parallel_loop3A_657, %parallel_loop3A_659 : vector<16xi32>
      %parallel_loop3A_661 = arith.addi %parallel_loop3A_660, %add3A_49 : vector<16xi32>
      tpu.vector_store_idx %arg6[%parallel_loop3A_661], %broadcast_in_dim3A_3 {add = true} : memref<16384xi32, #tpu.memory_space<vmem>>[vector<16xi32>], vector<16xi32>,
      %parallel_loop3A_662 = arith.maxsi %parallel_loop3A_639, %parallel_loop3A_657 : vector<16xi32>
      %parallel_loop3A_663 = arith.constant 8 : i32
      %parallel_loop3A_664 = arith.muli %parallel_loop3A_546, %parallel_loop3A_663 : i32
      %parallel_loop3A_665 = arith.constant 5 : i32
      %parallel_loop3A_666 = arith.addi %parallel_loop3A_664, %parallel_loop3A_665 : i32
      %parallel_loop3A_667 = arith.constant 16 : i32
      %parallel_loop3A_668 = arith.muli %parallel_loop3A_666, %parallel_loop3A_667 : i32
      %parallel_loop3A_669 = arith.index_cast %parallel_loop3A_668 : i32 to index
      %parallel_loop3A_670 = tpu.vector_load %arg4[%parallel_loop3A_669] {strides = array<i32>} : memref<32768xi32, #tpu.memory_space<vmem>>, vector<16xi32>,
      %parallel_loop3A_671 = arith.constant 22 : i32
      %parallel_loop3A_672 = vector.broadcast %parallel_loop3A_671 : i32 to vector<16xi32>
      %parallel_loop3A_673 = arith.shrsi %parallel_loop3A_670, %parallel_loop3A_672 : vector<16xi32>
      %parallel_loop3A_674 = arith.constant 31 : i32
      %parallel_loop3A_675 = vector.broadcast %parallel_loop3A_674 : i32 to vector<16xi32>
      %parallel_loop3A_676 = arith.shrsi %parallel_loop3A_670, %parallel_loop3A_675 : vector<16xi32>
      %parallel_loop3A_677 = arith.constant 511 : i32
      %parallel_loop3A_678 = vector.broadcast %parallel_loop3A_677 : i32 to vector<16xi32>
      %parallel_loop3A_679 = arith.andi %parallel_loop3A_676, %parallel_loop3A_678 : vector<16xi32>
      %parallel_loop3A_680 = arith.xori %parallel_loop3A_673, %parallel_loop3A_679 : vector<16xi32>
      %parallel_loop3A_681 = arith.constant 4 : i32
      %parallel_loop3A_682 = vector.broadcast %parallel_loop3A_681 : i32 to vector<16xi32>
      %parallel_loop3A_683 = arith.shli %parallel_loop3A_680, %parallel_loop3A_682 : vector<16xi32>
      %parallel_loop3A_684 = arith.addi %parallel_loop3A_683, %add3A_58 : vector<16xi32>
      tpu.vector_store_idx %arg6[%parallel_loop3A_684], %broadcast_in_dim3A_3 {add = true} : memref<16384xi32, #tpu.memory_space<vmem>>[vector<16xi32>], vector<16xi32>,
      %parallel_loop3A_685 = arith.maxsi %parallel_loop3A_662, %parallel_loop3A_680 : vector<16xi32>
      %parallel_loop3A_686 = arith.constant 8 : i32
      %parallel_loop3A_687 = arith.muli %parallel_loop3A_546, %parallel_loop3A_686 : i32
      %parallel_loop3A_688 = arith.constant 6 : i32
      %parallel_loop3A_689 = arith.addi %parallel_loop3A_687, %parallel_loop3A_688 : i32
      %parallel_loop3A_690 = arith.constant 16 : i32
      %parallel_loop3A_691 = arith.muli %parallel_loop3A_689, %parallel_loop3A_690 : i32
      %parallel_loop3A_692 = arith.index_cast %parallel_loop3A_691 : i32 to index
      %parallel_loop3A_693 = tpu.vector_load %arg4[%parallel_loop3A_692] {strides = array<i32>} : memref<32768xi32, #tpu.memory_space<vmem>>, vector<16xi32>,
      %parallel_loop3A_694 = arith.constant 22 : i32
      %parallel_loop3A_695 = vector.broadcast %parallel_loop3A_694 : i32 to vector<16xi32>
      %parallel_loop3A_696 = arith.shrsi %parallel_loop3A_693, %parallel_loop3A_695 : vector<16xi32>
      %parallel_loop3A_697 = arith.constant 31 : i32
      %parallel_loop3A_698 = vector.broadcast %parallel_loop3A_697 : i32 to vector<16xi32>
      %parallel_loop3A_699 = arith.shrsi %parallel_loop3A_693, %parallel_loop3A_698 : vector<16xi32>
      %parallel_loop3A_700 = arith.constant 511 : i32
      %parallel_loop3A_701 = vector.broadcast %parallel_loop3A_700 : i32 to vector<16xi32>
      %parallel_loop3A_702 = arith.andi %parallel_loop3A_699, %parallel_loop3A_701 : vector<16xi32>
      %parallel_loop3A_703 = arith.xori %parallel_loop3A_696, %parallel_loop3A_702 : vector<16xi32>
      %parallel_loop3A_704 = arith.constant 4 : i32
      %parallel_loop3A_705 = vector.broadcast %parallel_loop3A_704 : i32 to vector<16xi32>
      %parallel_loop3A_706 = arith.shli %parallel_loop3A_703, %parallel_loop3A_705 : vector<16xi32>
      %parallel_loop3A_707 = arith.addi %parallel_loop3A_706, %add3A_67 : vector<16xi32>
      tpu.vector_store_idx %arg6[%parallel_loop3A_707], %broadcast_in_dim3A_3 {add = true} : memref<16384xi32, #tpu.memory_space<vmem>>[vector<16xi32>], vector<16xi32>,
      %parallel_loop3A_708 = arith.maxsi %parallel_loop3A_685, %parallel_loop3A_703 : vector<16xi32>
      %parallel_loop3A_709 = arith.constant 8 : i32
      %parallel_loop3A_710 = arith.muli %parallel_loop3A_546, %parallel_loop3A_709 : i32
      %parallel_loop3A_711 = arith.constant 7 : i32
      %parallel_loop3A_712 = arith.addi %parallel_loop3A_710, %parallel_loop3A_711 : i32
      %parallel_loop3A_713 = arith.constant 16 : i32
      %parallel_loop3A_714 = arith.muli %parallel_loop3A_712, %parallel_loop3A_713 : i32
      %parallel_loop3A_715 = arith.index_cast %parallel_loop3A_714 : i32 to index
      %parallel_loop3A_716 = tpu.vector_load %arg4[%parallel_loop3A_715] {strides = array<i32>} : memref<32768xi32, #tpu.memory_space<vmem>>, vector<16xi32>,
      %parallel_loop3A_717 = arith.constant 22 : i32
      %parallel_loop3A_718 = vector.broadcast %parallel_loop3A_717 : i32 to vector<16xi32>
      %parallel_loop3A_719 = arith.shrsi %parallel_loop3A_716, %parallel_loop3A_718 : vector<16xi32>
      %parallel_loop3A_720 = arith.constant 31 : i32
      %parallel_loop3A_721 = vector.broadcast %parallel_loop3A_720 : i32 to vector<16xi32>
      %parallel_loop3A_722 = arith.shrsi %parallel_loop3A_716, %parallel_loop3A_721 : vector<16xi32>
      %parallel_loop3A_723 = arith.constant 511 : i32
      %parallel_loop3A_724 = vector.broadcast %parallel_loop3A_723 : i32 to vector<16xi32>
      %parallel_loop3A_725 = arith.andi %parallel_loop3A_722, %parallel_loop3A_724 : vector<16xi32>
      %parallel_loop3A_726 = arith.xori %parallel_loop3A_719, %parallel_loop3A_725 : vector<16xi32>
      %parallel_loop3A_727 = arith.constant 4 : i32
      %parallel_loop3A_728 = vector.broadcast %parallel_loop3A_727 : i32 to vector<16xi32>
      %parallel_loop3A_729 = arith.shli %parallel_loop3A_726, %parallel_loop3A_728 : vector<16xi32>
      %parallel_loop3A_730 = arith.addi %parallel_loop3A_729, %add3A_76 : vector<16xi32>
      tpu.vector_store_idx %arg6[%parallel_loop3A_730], %broadcast_in_dim3A_3 {add = true} : memref<16384xi32, #tpu.memory_space<vmem>>[vector<16xi32>], vector<16xi32>,
      %parallel_loop3A_731 = arith.maxsi %parallel_loop3A_708, %parallel_loop3A_726 : vector<16xi32>
      scf.yield %parallel_loop3A_731 : vector<16xi32>
    } {sc.loop_unroll_factor = 1 : i64, sc.parallel_access}
    %reduce_max3A = arith.constant true
    %reduce_max3A_95 = vector.broadcast %reduce_max3A : i1 to vector<16xi1>
    %reduce_max3A_96 = arith.constant -2147483648 : i32
    %reduce_max3A_97 = vector.broadcast %reduce_max3A_96 : i32 to vector<16xi32>
    %reduce_max3A_98 = arith.xori %parallel_loop3A_94, %reduce_max3A_97 : vector<16xi32>
    %reduce_max3A_99 = tpu.scan <max>, %reduce_max3A_98 masked %reduce_max3A_95 : vector<16xi32>, vector<16xi1> -> vector<16xi32>
    %reduce_max3A_100 = arith.xori %reduce_max3A_99, %reduce_max3A_97 : vector<16xi32>
    %reduce_max3A_101 = vector.extract %reduce_max3A_100[15] : i32 from vector<16xi32>
    %mul3A_102 = arith.constant 16 : i32
    %mul3A_103 = arith.muli %reduce_max3A_101, %mul3A_102 : i32
    %add3A_104 = arith.constant 8192 : i32
    %add3A_105 = arith.addi %mul3A_103, %add3A_104 : i32
    %get3A = arith.index_cast %add3A_105 : i32 to index
    %get3A_106 = tpu.vector_load %arg6[%get3A] {strides = array<i32>} : memref<16384xi32, #tpu.memory_space<vmem>>, vector<16xi32>,
    %reduce_sum3A = arith.constant true
    %reduce_sum3A_107 = vector.broadcast %reduce_sum3A : i1 to vector<16xi1>
    %reduce_sum3A_108 = tpu.scan <sum>, %get3A_106 masked %reduce_sum3A_107 : vector<16xi32>, vector<16xi1> -> vector<16xi32>
    %reduce_sum3A_109 = vector.extract %reduce_sum3A_108[15] : i32 from vector<16xi32>
    %while3A = arith.constant 0 : i32
    %while3A_110:3 = scf.while (%while3A_546 = %reduce_max3A_101, %while3A_547 = %while3A, %while3A_548 = %reduce_sum3A_109) : (i32, i32, i32) -> (i32, i32, i32) {
      %add3A_549 = arith.addi %while3A_547, %while3A_548 : i32
      %lt3A_550 = arith.constant 64 : i32
      %lt3A_551 = arith.cmpi slt, %add3A_549, %lt3A_550 : i32
      scf.condition(%lt3A_551) %while3A_546, %while3A_547, %while3A_548 : i32, i32, i32
    } do {
    ^bb0(%while3A_546: i32, %while3A_547: i32, %while3A_548: i32):
      %sub3A_549 = arith.constant 1 : i32
      %sub3A_550 = arith.subi %while3A_546, %sub3A_549 : i32
      %add3A_551 = arith.addi %while3A_547, %while3A_548 : i32
      %sub3A_552 = arith.constant 1 : i32
      %sub3A_553 = arith.subi %while3A_546, %sub3A_552 : i32
      %mul3A_554 = arith.constant 16 : i32
      %mul3A_555 = arith.muli %sub3A_553, %mul3A_554 : i32
      %add3A_556 = arith.constant 8192 : i32
      %add3A_557 = arith.addi %mul3A_555, %add3A_556 : i32
      %get3A_558 = arith.index_cast %add3A_557 : i32 to index
      %get3A_559 = tpu.vector_load %arg6[%get3A_558] {strides = array<i32>} : memref<16384xi32, #tpu.memory_space<vmem>>, vector<16xi32>,
      %reduce_sum3A_560 = arith.constant true
      %reduce_sum3A_561 = vector.broadcast %reduce_sum3A_560 : i1 to vector<16xi1>
      %reduce_sum3A_562 = tpu.scan <sum>, %get3A_559 masked %reduce_sum3A_561 : vector<16xi32>, vector<16xi1> -> vector<16xi32>
      %reduce_sum3A_563 = vector.extract %reduce_sum3A_562[15] : i32 from vector<16xi32>
      scf.yield %sub3A_550, %add3A_551, %reduce_sum3A_563 : i32, i32, i32
    }
    %sub3A = arith.constant 64 : i32
    %sub3A_111 = arith.subi %sub3A, %while3A_110#1 : i32
    %add3A_112 = arith.constant 0 : i32
    %add3A_113 = arith.addi %mul3A_2, %add3A_112 : i32
    %add3A_114 = arith.constant 1 : i32
    %add3A_115 = arith.addi %add3A_113, %add3A_114 : i32
    %dma_start3A_116 = arith.constant 0 : i32
    %dma_start3A_117 = tpu.memref_slice %arg2[%add3A_115, %dma_start3A_116] : memref<128x32768xi32, #tpu.memory_space<hbm>> -> memref<1x32768xi32, #tpu.memory_space<hbm>>
    %dma_start3A_118 = tpu.memref_squeeze %dma_start3A_117 : memref<1x32768xi32, #tpu.memory_space<hbm>> -> memref<32768xi32, #tpu.memory_space<hbm>>
    %dma_start3A_119 = arith.constant 0 : i32
    %dma_start3A_120 = tpu.memref_slice %arg2[%add3A_115, %dma_start3A_119] : memref<128x32768xi32, #tpu.memory_space<hbm>> -> memref<1x32768xi32, #tpu.memory_space<hbm>>
    %dma_start3A_121 = tpu.memref_squeeze %dma_start3A_120 : memref<1x32768xi32, #tpu.memory_space<hbm>> -> memref<32768xi32, #tpu.memory_space<hbm>>
    tpu.enqueue_dma source(%dma_start3A_121 : memref<32768xi32, #tpu.memory_space<hbm>>) target(%arg5 : memref<32768xi32, #tpu.memory_space<vmem>>) target_semaphore(%arg9 : memref<!tpu.dma_semaphore, #tpu.memory_space<semaphore_mem>>)
    %parallel_loop3A_122 = arith.constant 0 : i32
    %parallel_loop3A_123 = arith.constant 2048 : i32
    %parallel_loop3A_124 = arith.constant 1 : i32
    %parallel_loop3A_125 = scf.for %parallel_loop3A_546 = %parallel_loop3A_122 to %parallel_loop3A_123 step %parallel_loop3A_124 iter_args(%parallel_loop3A_547 = %broadcast_in_dim3A_5) -> (vector<16xi32>)  : i32 {
      %parallel_loop3A_548 = arith.constant 16 : i32
      %parallel_loop3A_549 = arith.muli %parallel_loop3A_546, %parallel_loop3A_548 : i32
      %parallel_loop3A_550 = arith.index_cast %parallel_loop3A_549 : i32 to index
      %parallel_loop3A_551 = tpu.vector_load %arg4[%parallel_loop3A_550] {strides = array<i32>} : memref<32768xi32, #tpu.memory_space<vmem>>, vector<16xi32>,
      %parallel_loop3A_552 = arith.constant 31 : i32
      %parallel_loop3A_553 = vector.broadcast %parallel_loop3A_552 : i32 to vector<16xi32>
      %parallel_loop3A_554 = arith.shrsi %parallel_loop3A_551, %parallel_loop3A_553 : vector<16xi32>
      %parallel_loop3A_555 = arith.constant 2147483647 : i32
      %parallel_loop3A_556 = vector.broadcast %parallel_loop3A_555 : i32 to vector<16xi32>
      %parallel_loop3A_557 = arith.andi %parallel_loop3A_554, %parallel_loop3A_556 : vector<16xi32>
      %parallel_loop3A_558 = arith.xori %parallel_loop3A_551, %parallel_loop3A_557 : vector<16xi32>
      %parallel_loop3A_559 = arith.constant 22 : i32
      %parallel_loop3A_560 = vector.broadcast %parallel_loop3A_559 : i32 to vector<16xi32>
      %parallel_loop3A_561 = arith.shrsi %parallel_loop3A_558, %parallel_loop3A_560 : vector<16xi32>
      %parallel_loop3A_562 = vector.broadcast %while3A_110#0 : i32 to vector<16xi32>
      %parallel_loop3A_563 = arith.cmpi eq, %parallel_loop3A_561, %parallel_loop3A_562 : vector<16xi32>
      %parallel_loop3A_564 = arith.constant 4 : i32
      %parallel_loop3A_565 = vector.broadcast %parallel_loop3A_564 : i32 to vector<16xi32>
      %parallel_loop3A_566 = arith.shli %parallel_loop3A_547, %parallel_loop3A_565 : vector<16xi32>
      %parallel_loop3A_567 = arith.ori %parallel_loop3A_566, %iota3A : vector<16xi32>
      tpu.vector_store_idx %arg7[%parallel_loop3A_567], %parallel_loop3A_558 masked %parallel_loop3A_563 : memref<32768xi32, #tpu.memory_space<vmem>>[vector<16xi32>], vector<16xi32>, vector<16xi1>
      %parallel_loop3A_568 = arith.extui %parallel_loop3A_563 : vector<16xi1> to vector<16xi32>
      %parallel_loop3A_569 = arith.addi %parallel_loop3A_547, %parallel_loop3A_568 : vector<16xi32>
      scf.yield %parallel_loop3A_569 : vector<16xi32>
    } {sc.loop_unroll_factor = 8 : i64, sc.parallel_access}
    %reduce_max3A_126 = arith.constant true
    %reduce_max3A_127 = vector.broadcast %reduce_max3A_126 : i1 to vector<16xi1>
    %reduce_max3A_128 = arith.constant -2147483648 : i32
    %reduce_max3A_129 = vector.broadcast %reduce_max3A_128 : i32 to vector<16xi32>
    %reduce_max3A_130 = arith.xori %parallel_loop3A_125, %reduce_max3A_129 : vector<16xi32>
    %reduce_max3A_131 = tpu.scan <max>, %reduce_max3A_130 masked %reduce_max3A_127 : vector<16xi32>, vector<16xi1> -> vector<16xi32>
    %reduce_max3A_132 = arith.xori %reduce_max3A_131, %reduce_max3A_129 : vector<16xi32>
    %reduce_max3A_133 = vector.extract %reduce_max3A_132[15] : i32 from vector<16xi32>
    %parallel_loop3A_134 = arith.constant 0 : i32
    %parallel_loop3A_135 = arith.constant 1024 : i32
    %parallel_loop3A_136 = arith.constant 1 : i32
    scf.for %parallel_loop3A_546 = %parallel_loop3A_134 to %parallel_loop3A_135 step %parallel_loop3A_136  : i32 {
      %parallel_loop3A_547 = arith.constant 16 : i32
      %parallel_loop3A_548 = arith.muli %parallel_loop3A_546, %parallel_loop3A_547 : i32
      %parallel_loop3A_549 = arith.index_cast %parallel_loop3A_548 : i32 to index
      %parallel_loop3A_550 = tpu.vector_load %arg6[%parallel_loop3A_549] {strides = array<i32>} : memref<16384xi32, #tpu.memory_space<vmem>>, vector<16xi32>,
      tpu.vector_store %arg6[%parallel_loop3A_549], %broadcast_in_dim3A_5 {strides = array<i32>} : memref<16384xi32, #tpu.memory_space<vmem>>, vector<16xi32>,
    } {sc.loop_unroll_factor = 8 : i64, sc.parallel_access}
    %while3A_137 = arith.constant 0 : i32
    %while3A_138 = arith.constant 0 : i32
    %while3A_139 = arith.subi %reduce_max3A_133, %while3A_137 : i32
    %while3A_140 = arith.addi %while3A_137, %while3A_139 : i32
    %while3A_141 = arith.constant 1 : i32
    %while3A_142 = arith.divsi %while3A_139, %while3A_141 : i32
    %while3A_143 = arith.muli %while3A_142, %while3A_141 : i32
    %while3A_144 = arith.addi %while3A_137, %while3A_143 : i32
    %while3A_145 = arith.constant 1 : i32
    %while3A_146 = scf.for %while3A_546 = %while3A_137 to %while3A_144 step %while3A_145 iter_args(%while3A_547 = %while3A_138) -> (i32)  : i32 {
      %mul3A_548 = arith.constant 16 : i32
      %mul3A_549 = arith.muli %while3A_546, %mul3A_548 : i32
      %get3A_550 = arith.index_cast %mul3A_549 : i32 to index
      %get3A_551 = tpu.vector_load %arg7[%get3A_550] {strides = array<i32>} : memref<32768xi32, #tpu.memory_space<vmem>>, vector<16xi32>,
      %lt3A_552 = vector.broadcast %while3A_546 : i32 to vector<16xi32>
      %lt3A_553 = arith.cmpi slt, %lt3A_552, %parallel_loop3A_125 : vector<16xi32>
      %jit3A = arith.constant -2147483648 : i32
      %broadcast_in_dim3A_554 = vector.broadcast %jit3A : i32 to vector<16xi32>
      %select_n3A = arith.select %lt3A_553, %get3A_551, %broadcast_in_dim3A_554 : vector<16xi1>, vector<16xi32>
      %swap3A = arith.index_cast %mul3A_549 : i32 to index
      %swap3A_555 = tpu.vector_load %arg7[%swap3A] {strides = array<i32>} : memref<32768xi32, #tpu.memory_space<vmem>>, vector<16xi32>,
      tpu.vector_store %arg7[%swap3A], %select_n3A {strides = array<i32>} : memref<32768xi32, #tpu.memory_space<vmem>>, vector<16xi32>,
      %while3A_556 = arith.constant 0 : i32
      scf.yield %while3A_556 : i32
    }
    %while3A_147 = arith.constant 1 : i32
    %while3A_148 = scf.for %while3A_546 = %while3A_144 to %while3A_140 step %while3A_147 iter_args(%while3A_547 = %while3A_146) -> (i32)  : i32 {
      %mul3A_548 = arith.constant 16 : i32
      %mul3A_549 = arith.muli %while3A_546, %mul3A_548 : i32
      %get3A_550 = arith.index_cast %mul3A_549 : i32 to index
      %get3A_551 = tpu.vector_load %arg7[%get3A_550] {strides = array<i32>} : memref<32768xi32, #tpu.memory_space<vmem>>, vector<16xi32>,
      %lt3A_552 = vector.broadcast %while3A_546 : i32 to vector<16xi32>
      %lt3A_553 = arith.cmpi slt, %lt3A_552, %parallel_loop3A_125 : vector<16xi32>
      %jit3A = arith.constant -2147483648 : i32
      %broadcast_in_dim3A_554 = vector.broadcast %jit3A : i32 to vector<16xi32>
      %select_n3A = arith.select %lt3A_553, %get3A_551, %broadcast_in_dim3A_554 : vector<16xi1>, vector<16xi32>
      %swap3A = arith.index_cast %mul3A_549 : i32 to index
      %swap3A_555 = tpu.vector_load %arg7[%swap3A] {strides = array<i32>} : memref<32768xi32, #tpu.memory_space<vmem>>, vector<16xi32>,
      tpu.vector_store %arg7[%swap3A], %select_n3A {strides = array<i32>} : memref<32768xi32, #tpu.memory_space<vmem>>, vector<16xi32>,
      %while3A_556 = arith.constant 0 : i32
      scf.yield %while3A_556 : i32
    }
    %broadcast_in_dim3A_149 = arith.constant 1 : i32
    %broadcast_in_dim3A_150 = vector.broadcast %broadcast_in_dim3A_149 : i32 to vector<16xi32>
    %mul3A_151 = vector.broadcast %sub3A_111 : i32 to vector<16xi32>
    %mul3A_152 = arith.muli %broadcast_in_dim3A_150, %mul3A_151 : vector<16xi32>
    %broadcast_in_dim3A_153 = arith.constant 1 : i32
    %broadcast_in_dim3A_154 = vector.broadcast %broadcast_in_dim3A_153 : i32 to vector<16xi32>
    %shift_left3A = arith.constant 22 : i32
    %shift_left3A_155 = arith.shli %while3A_110#0, %shift_left3A : i32
    %mul3A_156 = vector.broadcast %shift_left3A_155 : i32 to vector<16xi32>
    %mul3A_157 = arith.muli %broadcast_in_dim3A_154, %mul3A_156 : vector<16xi32>
    %scan3A = arith.constant 0 : i32
    %scan3A_158 = arith.constant 22 : i32
    %scan3A_159 = arith.addi %scan3A, %scan3A_158 : i32
    %scan3A_160 = arith.constant 1 : i32
    %scan3A_161 = scf.for %scan3A_546 = %scan3A to %scan3A_159 step %scan3A_160 iter_args(%scan3A_547 = %mul3A_157) -> (vector<16xi32>)  : i32 {
      %broadcast_in_dim3A_548 = arith.constant 1 : i32
      %broadcast_in_dim3A_549 = vector.broadcast %broadcast_in_dim3A_548 : i32 to vector<16xi32>
      %sub3A_550 = arith.constant 21 : i32
      %sub3A_551 = arith.subi %sub3A_550, %scan3A_546 : i32
      %shift_left3A_552 = vector.broadcast %sub3A_551 : i32 to vector<16xi32>
      %shift_left3A_553 = arith.shli %broadcast_in_dim3A_549, %shift_left3A_552 : vector<16xi32>
      %or3A = arith.ori %scan3A_547, %shift_left3A_553 : vector<16xi32>
      %while3A_554 = arith.constant 0 : i32
      %while3A_555 = arith.subi %reduce_max3A_133, %while3A_554 : i32
      %while3A_556 = arith.addi %while3A_554, %while3A_555 : i32
      %while3A_557 = arith.constant 1 : i32
      %while3A_558 = arith.divsi %while3A_555, %while3A_557 : i32
      %while3A_559 = arith.muli %while3A_558, %while3A_557 : i32
      %while3A_560 = arith.addi %while3A_554, %while3A_559 : i32
      %while3A_561 = arith.constant 1 : i32
      %while3A_562 = scf.for %while3A_566 = %while3A_554 to %while3A_560 step %while3A_561 iter_args(%while3A_567 = %broadcast_in_dim3A_5) -> (vector<16xi32>)  : i32 {
        %mul3A_568 = arith.constant 16 : i32
        %mul3A_569 = arith.muli %while3A_566, %mul3A_568 : i32
        %get3A_570 = arith.index_cast %mul3A_569 : i32 to index
        %get3A_571 = tpu.vector_load %arg7[%get3A_570] {strides = array<i32>} : memref<32768xi32, #tpu.memory_space<vmem>>, vector<16xi32>,
        %ge3A_572 = arith.cmpi sge, %get3A_571, %or3A : vector<16xi32>
        %all_reduce_population_count3A = tpu.all_reduce %ge3A_572 {dim = 0 : i64, kind = #tpu.reduction_kind<sum>} : vector<16xi1> -> vector<16xi32>
        %add3A_573 = arith.addi %while3A_567, %all_reduce_population_count3A : vector<16xi32>
        scf.yield %add3A_573 : vector<16xi32>
      }
      %while3A_563 = arith.constant 1 : i32
      %while3A_564 = scf.for %while3A_566 = %while3A_560 to %while3A_556 step %while3A_563 iter_args(%while3A_567 = %while3A_562) -> (vector<16xi32>)  : i32 {
        %mul3A_568 = arith.constant 16 : i32
        %mul3A_569 = arith.muli %while3A_566, %mul3A_568 : i32
        %get3A_570 = arith.index_cast %mul3A_569 : i32 to index
        %get3A_571 = tpu.vector_load %arg7[%get3A_570] {strides = array<i32>} : memref<32768xi32, #tpu.memory_space<vmem>>, vector<16xi32>,
        %ge3A_572 = arith.cmpi sge, %get3A_571, %or3A : vector<16xi32>
        %all_reduce_population_count3A = tpu.all_reduce %ge3A_572 {dim = 0 : i64, kind = #tpu.reduction_kind<sum>} : vector<16xi1> -> vector<16xi32>
        %add3A_573 = arith.addi %while3A_567, %all_reduce_population_count3A : vector<16xi32>
        scf.yield %add3A_573 : vector<16xi32>
      }
      %ge3A_565 = arith.cmpi sge, %while3A_564, %mul3A_152 : vector<16xi32>
      %select_n3A = arith.select %ge3A_565, %or3A, %scan3A_547 : vector<16xi1>, vector<16xi32>
      scf.yield %select_n3A : vector<16xi32>
    }
    %scan3A_162 = arith.constant 22 : i32
    %reduce_max3A_163 = arith.constant true
    %reduce_max3A_164 = vector.broadcast %reduce_max3A_163 : i1 to vector<16xi1>
    %reduce_max3A_165 = arith.constant -2147483648 : i32
    %reduce_max3A_166 = vector.broadcast %reduce_max3A_165 : i32 to vector<16xi32>
    %reduce_max3A_167 = arith.xori %scan3A_161, %reduce_max3A_166 : vector<16xi32>
    %reduce_max3A_168 = tpu.scan <max>, %reduce_max3A_167 masked %reduce_max3A_164 : vector<16xi32>, vector<16xi1> -> vector<16xi32>
    %reduce_max3A_169 = arith.xori %reduce_max3A_168, %reduce_max3A_166 : vector<16xi32>
    %reduce_max3A_170 = vector.extract %reduce_max3A_169[15] : i32 from vector<16xi32>
    %ge3A = arith.constant 0 : i32
    %ge3A_171 = arith.cmpi sge, %reduce_max3A_170, %ge3A : i32
    %convert_element_type3A = arith.extui %ge3A_171 : i1 to i32
    %cond3A = arith.constant 1065353216 : i32
    %cond3A_172 = arith.constant 0 : i32
    %cond3A_173 = arith.cmpi ne, %convert_element_type3A, %cond3A_172 : i32
    scf.if %cond3A_173 {
      %parallel_loop3A_546 = arith.constant 0 : i32
      %parallel_loop3A_547 = arith.constant 2048 : i32
      %parallel_loop3A_548 = arith.constant 1 : i32
      scf.for %parallel_loop3A_549 = %parallel_loop3A_546 to %parallel_loop3A_547 step %parallel_loop3A_548  : i32 {
        %parallel_loop3A_550 = arith.constant 16 : i32
        %parallel_loop3A_551 = arith.muli %parallel_loop3A_549, %parallel_loop3A_550 : i32
        %parallel_loop3A_552 = arith.index_cast %parallel_loop3A_551 : i32 to index
        %parallel_loop3A_553 = tpu.vector_load %arg4[%parallel_loop3A_552] {strides = array<i32>} : memref<32768xi32, #tpu.memory_space<vmem>>, vector<16xi32>,
        %parallel_loop3A_554 = vector.broadcast %reduce_max3A_170 : i32 to vector<16xi32>
        %parallel_loop3A_555 = arith.cmpi sge, %parallel_loop3A_553, %parallel_loop3A_554 : vector<16xi32>
        %parallel_loop3A_556 = arith.constant 0 : i32
        %parallel_loop3A_557 = vector.broadcast %cond3A : i32 to vector<16xi32>
        %parallel_loop3A_558 = vector.broadcast %parallel_loop3A_556 : i32 to vector<16xi32>
        %parallel_loop3A_559 = arith.select %parallel_loop3A_555, %parallel_loop3A_557, %parallel_loop3A_558 : vector<16xi1>, vector<16xi32>
        %parallel_loop3A_560 = arith.index_cast %parallel_loop3A_551 : i32 to index
        %parallel_loop3A_561 = tpu.vector_load %arg4[%parallel_loop3A_560] {strides = array<i32>} : memref<32768xi32, #tpu.memory_space<vmem>>, vector<16xi32>,
        tpu.vector_store %arg4[%parallel_loop3A_560], %parallel_loop3A_559 {strides = array<i32>} : memref<32768xi32, #tpu.memory_space<vmem>>, vector<16xi32>,
      } {sc.loop_unroll_factor = 8 : i64, sc.parallel_access}
    } else {
    }
    %lt3A = arith.constant 0 : i32
    %lt3A_174 = arith.cmpi slt, %reduce_max3A_170, %lt3A : i32
    %convert_element_type3A_175 = arith.extui %lt3A_174 : i1 to i32
    %cond3A_176 = arith.constant 1065353216 : i32
    %cond3A_177 = arith.constant 0 : i32
    %cond3A_178 = arith.cmpi ne, %convert_element_type3A_175, %cond3A_177 : i32
    scf.if %cond3A_178 {
      %xor3A = arith.constant 2147483647 : i32
      %xor3A_546 = arith.xori %reduce_max3A_170, %xor3A : i32
      %parallel_loop3A_547 = arith.constant 0 : i32
      %parallel_loop3A_548 = arith.constant 2048 : i32
      %parallel_loop3A_549 = arith.constant 1 : i32
      scf.for %parallel_loop3A_550 = %parallel_loop3A_547 to %parallel_loop3A_548 step %parallel_loop3A_549  : i32 {
        %parallel_loop3A_551 = arith.constant 16 : i32
        %parallel_loop3A_552 = arith.muli %parallel_loop3A_550, %parallel_loop3A_551 : i32
        %parallel_loop3A_553 = arith.index_cast %parallel_loop3A_552 : i32 to index
        %parallel_loop3A_554 = tpu.vector_load %arg4[%parallel_loop3A_553] {strides = array<i32>} : memref<32768xi32, #tpu.memory_space<vmem>>, vector<16xi32>,
        %parallel_loop3A_555 = arith.constant 0 : i32
        %parallel_loop3A_556 = vector.broadcast %parallel_loop3A_555 : i32 to vector<16xi32>
        %parallel_loop3A_557 = arith.cmpi sge, %parallel_loop3A_554, %parallel_loop3A_556 : vector<16xi32>
        %parallel_loop3A_558 = vector.broadcast %xor3A_546 : i32 to vector<16xi32>
        %parallel_loop3A_559 = arith.cmpi sle, %parallel_loop3A_554, %parallel_loop3A_558 : vector<16xi32>
        %parallel_loop3A_560 = arith.ori %parallel_loop3A_557, %parallel_loop3A_559 : vector<16xi1>
        %parallel_loop3A_561 = arith.constant 0 : i32
        %parallel_loop3A_562 = vector.broadcast %cond3A_176 : i32 to vector<16xi32>
        %parallel_loop3A_563 = vector.broadcast %parallel_loop3A_561 : i32 to vector<16xi32>
        %parallel_loop3A_564 = arith.select %parallel_loop3A_560, %parallel_loop3A_562, %parallel_loop3A_563 : vector<16xi1>, vector<16xi32>
        %parallel_loop3A_565 = arith.index_cast %parallel_loop3A_552 : i32 to index
        %parallel_loop3A_566 = tpu.vector_load %arg4[%parallel_loop3A_565] {strides = array<i32>} : memref<32768xi32, #tpu.memory_space<vmem>>, vector<16xi32>,
        tpu.vector_store %arg4[%parallel_loop3A_565], %parallel_loop3A_564 {strides = array<i32>} : memref<32768xi32, #tpu.memory_space<vmem>>, vector<16xi32>,
      } {sc.loop_unroll_factor = 8 : i64, sc.parallel_access}
    } else {
    }
    %add3A_179 = arith.constant 0 : i32
    %add3A_180 = arith.addi %mul3A_2, %add3A_179 : i32
    %dma_start3A_181 = arith.constant 0 : i32
    %dma_start3A_182 = tpu.memref_slice %arg3[%add3A_180, %dma_start3A_181] : memref<128x32768xi32, #tpu.memory_space<hbm>> -> memref<1x32768xi32, #tpu.memory_space<hbm>>
    %dma_start3A_183 = tpu.memref_squeeze %dma_start3A_182 : memref<1x32768xi32, #tpu.memory_space<hbm>> -> memref<32768xi32, #tpu.memory_space<hbm>>
    %dma_start3A_184 = arith.constant 0 : i32
    %dma_start3A_185 = tpu.memref_slice %arg3[%add3A_180, %dma_start3A_184] : memref<128x32768xi32, #tpu.memory_space<hbm>> -> memref<1x32768xi32, #tpu.memory_space<hbm>>
    %dma_start3A_186 = tpu.memref_squeeze %dma_start3A_185 : memref<1x32768xi32, #tpu.memory_space<hbm>> -> memref<32768xi32, #tpu.memory_space<hbm>>
    tpu.enqueue_dma source(%arg4 : memref<32768xi32, #tpu.memory_space<vmem>>) target(%dma_start3A_186 : memref<32768xi32, #tpu.memory_space<hbm>>) target_semaphore(%arg10 : memref<!tpu.dma_semaphore, #tpu.memory_space<semaphore_mem>>)
    %dma_wait3A_187 = arith.constant 0 : i32
    %dma_wait3A_188 = tpu.memref_slice %arg2[%add3A_115, %dma_wait3A_187] : memref<128x32768xi32, #tpu.memory_space<hbm>> -> memref<1x32768xi32, #tpu.memory_space<hbm>>
    %dma_wait3A_189 = tpu.memref_squeeze %dma_wait3A_188 : memref<1x32768xi32, #tpu.memory_space<hbm>> -> memref<32768xi32, #tpu.memory_space<hbm>>
    %dma_wait3A_190 = arith.constant 0 : i32
    %dma_wait3A_191 = tpu.memref_slice %arg2[%add3A_115, %dma_wait3A_190] : memref<128x32768xi32, #tpu.memory_space<hbm>> -> memref<1x32768xi32, #tpu.memory_space<hbm>>
    %dma_wait3A_192 = tpu.memref_squeeze %dma_wait3A_191 : memref<1x32768xi32, #tpu.memory_space<hbm>> -> memref<32768xi32, #tpu.memory_space<hbm>>
    tpu.wait_dma2 semaphore(%arg9 : memref<!tpu.dma_semaphore, #tpu.memory_space<semaphore_mem>>) src(%dma_wait3A_192 : memref<32768xi32, #tpu.memory_space<hbm>>) dst(%arg5 : memref<32768xi32, #tpu.memory_space<vmem>>)
    %broadcast_in_dim3A_193 = arith.constant -512 : i32
    %broadcast_in_dim3A_194 = vector.broadcast %broadcast_in_dim3A_193 : i32 to vector<16xi32>
    %parallel_loop3A_195 = arith.constant 0 : i32
    %parallel_loop3A_196 = arith.constant 256 : i32
    %parallel_loop3A_197 = arith.constant 1 : i32
    %parallel_loop3A_198 = scf.for %parallel_loop3A_546 = %parallel_loop3A_195 to %parallel_loop3A_196 step %parallel_loop3A_197 iter_args(%parallel_loop3A_547 = %broadcast_in_dim3A_194) -> (vector<16xi32>)  : i32 {
      %parallel_loop3A_548 = arith.constant 8 : i32
      %parallel_loop3A_549 = arith.muli %parallel_loop3A_546, %parallel_loop3A_548 : i32
      %parallel_loop3A_550 = arith.constant 0 : i32
      %parallel_loop3A_551 = arith.addi %parallel_loop3A_549, %parallel_loop3A_550 : i32
      %parallel_loop3A_552 = arith.constant 16 : i32
      %parallel_loop3A_553 = arith.muli %parallel_loop3A_551, %parallel_loop3A_552 : i32
      %parallel_loop3A_554 = arith.index_cast %parallel_loop3A_553 : i32 to index
      %parallel_loop3A_555 = tpu.vector_load %arg5[%parallel_loop3A_554] {strides = array<i32>} : memref<32768xi32, #tpu.memory_space<vmem>>, vector<16xi32>,
      %parallel_loop3A_556 = arith.constant 22 : i32
      %parallel_loop3A_557 = vector.broadcast %parallel_loop3A_556 : i32 to vector<16xi32>
      %parallel_loop3A_558 = arith.shrsi %parallel_loop3A_555, %parallel_loop3A_557 : vector<16xi32>
      %parallel_loop3A_559 = arith.constant 31 : i32
      %parallel_loop3A_560 = vector.broadcast %parallel_loop3A_559 : i32 to vector<16xi32>
      %parallel_loop3A_561 = arith.shrsi %parallel_loop3A_555, %parallel_loop3A_560 : vector<16xi32>
      %parallel_loop3A_562 = arith.constant 511 : i32
      %parallel_loop3A_563 = vector.broadcast %parallel_loop3A_562 : i32 to vector<16xi32>
      %parallel_loop3A_564 = arith.andi %parallel_loop3A_561, %parallel_loop3A_563 : vector<16xi32>
      %parallel_loop3A_565 = arith.xori %parallel_loop3A_558, %parallel_loop3A_564 : vector<16xi32>
      %parallel_loop3A_566 = arith.constant 4 : i32
      %parallel_loop3A_567 = vector.broadcast %parallel_loop3A_566 : i32 to vector<16xi32>
      %parallel_loop3A_568 = arith.shli %parallel_loop3A_565, %parallel_loop3A_567 : vector<16xi32>
      %parallel_loop3A_569 = arith.addi %parallel_loop3A_568, %add3A_13 : vector<16xi32>
      tpu.vector_store_idx %arg6[%parallel_loop3A_569], %broadcast_in_dim3A_3 {add = true} : memref<16384xi32, #tpu.memory_space<vmem>>[vector<16xi32>], vector<16xi32>,
      %parallel_loop3A_570 = arith.maxsi %parallel_loop3A_547, %parallel_loop3A_565 : vector<16xi32>
      %parallel_loop3A_571 = arith.constant 8 : i32
      %parallel_loop3A_572 = arith.muli %parallel_loop3A_546, %parallel_loop3A_571 : i32
      %parallel_loop3A_573 = arith.constant 1 : i32
      %parallel_loop3A_574 = arith.addi %parallel_loop3A_572, %parallel_loop3A_573 : i32
      %parallel_loop3A_575 = arith.constant 16 : i32
      %parallel_loop3A_576 = arith.muli %parallel_loop3A_574, %parallel_loop3A_575 : i32
      %parallel_loop3A_577 = arith.index_cast %parallel_loop3A_576 : i32 to index
      %parallel_loop3A_578 = tpu.vector_load %arg5[%parallel_loop3A_577] {strides = array<i32>} : memref<32768xi32, #tpu.memory_space<vmem>>, vector<16xi32>,
      %parallel_loop3A_579 = arith.constant 22 : i32
      %parallel_loop3A_580 = vector.broadcast %parallel_loop3A_579 : i32 to vector<16xi32>
      %parallel_loop3A_581 = arith.shrsi %parallel_loop3A_578, %parallel_loop3A_580 : vector<16xi32>
      %parallel_loop3A_582 = arith.constant 31 : i32
      %parallel_loop3A_583 = vector.broadcast %parallel_loop3A_582 : i32 to vector<16xi32>
      %parallel_loop3A_584 = arith.shrsi %parallel_loop3A_578, %parallel_loop3A_583 : vector<16xi32>
      %parallel_loop3A_585 = arith.constant 511 : i32
      %parallel_loop3A_586 = vector.broadcast %parallel_loop3A_585 : i32 to vector<16xi32>
      %parallel_loop3A_587 = arith.andi %parallel_loop3A_584, %parallel_loop3A_586 : vector<16xi32>
      %parallel_loop3A_588 = arith.xori %parallel_loop3A_581, %parallel_loop3A_587 : vector<16xi32>
      %parallel_loop3A_589 = arith.constant 4 : i32
      %parallel_loop3A_590 = vector.broadcast %parallel_loop3A_589 : i32 to vector<16xi32>
      %parallel_loop3A_591 = arith.shli %parallel_loop3A_588, %parallel_loop3A_590 : vector<16xi32>
      %parallel_loop3A_592 = arith.addi %parallel_loop3A_591, %add3A_22 : vector<16xi32>
      tpu.vector_store_idx %arg6[%parallel_loop3A_592], %broadcast_in_dim3A_3 {add = true} : memref<16384xi32, #tpu.memory_space<vmem>>[vector<16xi32>], vector<16xi32>,
      %parallel_loop3A_593 = arith.maxsi %parallel_loop3A_570, %parallel_loop3A_588 : vector<16xi32>
      %parallel_loop3A_594 = arith.constant 8 : i32
      %parallel_loop3A_595 = arith.muli %parallel_loop3A_546, %parallel_loop3A_594 : i32
      %parallel_loop3A_596 = arith.constant 2 : i32
      %parallel_loop3A_597 = arith.addi %parallel_loop3A_595, %parallel_loop3A_596 : i32
      %parallel_loop3A_598 = arith.constant 16 : i32
      %parallel_loop3A_599 = arith.muli %parallel_loop3A_597, %parallel_loop3A_598 : i32
      %parallel_loop3A_600 = arith.index_cast %parallel_loop3A_599 : i32 to index
      %parallel_loop3A_601 = tpu.vector_load %arg5[%parallel_loop3A_600] {strides = array<i32>} : memref<32768xi32, #tpu.memory_space<vmem>>, vector<16xi32>,
      %parallel_loop3A_602 = arith.constant 22 : i32
      %parallel_loop3A_603 = vector.broadcast %parallel_loop3A_602 : i32 to vector<16xi32>
      %parallel_loop3A_604 = arith.shrsi %parallel_loop3A_601, %parallel_loop3A_603 : vector<16xi32>
      %parallel_loop3A_605 = arith.constant 31 : i32
      %parallel_loop3A_606 = vector.broadcast %parallel_loop3A_605 : i32 to vector<16xi32>
      %parallel_loop3A_607 = arith.shrsi %parallel_loop3A_601, %parallel_loop3A_606 : vector<16xi32>
      %parallel_loop3A_608 = arith.constant 511 : i32
      %parallel_loop3A_609 = vector.broadcast %parallel_loop3A_608 : i32 to vector<16xi32>
      %parallel_loop3A_610 = arith.andi %parallel_loop3A_607, %parallel_loop3A_609 : vector<16xi32>
      %parallel_loop3A_611 = arith.xori %parallel_loop3A_604, %parallel_loop3A_610 : vector<16xi32>
      %parallel_loop3A_612 = arith.constant 4 : i32
      %parallel_loop3A_613 = vector.broadcast %parallel_loop3A_612 : i32 to vector<16xi32>
      %parallel_loop3A_614 = arith.shli %parallel_loop3A_611, %parallel_loop3A_613 : vector<16xi32>
      %parallel_loop3A_615 = arith.addi %parallel_loop3A_614, %add3A_31 : vector<16xi32>
      tpu.vector_store_idx %arg6[%parallel_loop3A_615], %broadcast_in_dim3A_3 {add = true} : memref<16384xi32, #tpu.memory_space<vmem>>[vector<16xi32>], vector<16xi32>,
      %parallel_loop3A_616 = arith.maxsi %parallel_loop3A_593, %parallel_loop3A_611 : vector<16xi32>
      %parallel_loop3A_617 = arith.constant 8 : i32
      %parallel_loop3A_618 = arith.muli %parallel_loop3A_546, %parallel_loop3A_617 : i32
      %parallel_loop3A_619 = arith.constant 3 : i32
      %parallel_loop3A_620 = arith.addi %parallel_loop3A_618, %parallel_loop3A_619 : i32
      %parallel_loop3A_621 = arith.constant 16 : i32
      %parallel_loop3A_622 = arith.muli %parallel_loop3A_620, %parallel_loop3A_621 : i32
      %parallel_loop3A_623 = arith.index_cast %parallel_loop3A_622 : i32 to index
      %parallel_loop3A_624 = tpu.vector_load %arg5[%parallel_loop3A_623] {strides = array<i32>} : memref<32768xi32, #tpu.memory_space<vmem>>, vector<16xi32>,
      %parallel_loop3A_625 = arith.constant 22 : i32
      %parallel_loop3A_626 = vector.broadcast %parallel_loop3A_625 : i32 to vector<16xi32>
      %parallel_loop3A_627 = arith.shrsi %parallel_loop3A_624, %parallel_loop3A_626 : vector<16xi32>
      %parallel_loop3A_628 = arith.constant 31 : i32
      %parallel_loop3A_629 = vector.broadcast %parallel_loop3A_628 : i32 to vector<16xi32>
      %parallel_loop3A_630 = arith.shrsi %parallel_loop3A_624, %parallel_loop3A_629 : vector<16xi32>
      %parallel_loop3A_631 = arith.constant 511 : i32
      %parallel_loop3A_632 = vector.broadcast %parallel_loop3A_631 : i32 to vector<16xi32>
      %parallel_loop3A_633 = arith.andi %parallel_loop3A_630, %parallel_loop3A_632 : vector<16xi32>
      %parallel_loop3A_634 = arith.xori %parallel_loop3A_627, %parallel_loop3A_633 : vector<16xi32>
      %parallel_loop3A_635 = arith.constant 4 : i32
      %parallel_loop3A_636 = vector.broadcast %parallel_loop3A_635 : i32 to vector<16xi32>
      %parallel_loop3A_637 = arith.shli %parallel_loop3A_634, %parallel_loop3A_636 : vector<16xi32>
      %parallel_loop3A_638 = arith.addi %parallel_loop3A_637, %add3A_40 : vector<16xi32>
      tpu.vector_store_idx %arg6[%parallel_loop3A_638], %broadcast_in_dim3A_3 {add = true} : memref<16384xi32, #tpu.memory_space<vmem>>[vector<16xi32>], vector<16xi32>,
      %parallel_loop3A_639 = arith.maxsi %parallel_loop3A_616, %parallel_loop3A_634 : vector<16xi32>
      %parallel_loop3A_640 = arith.constant 8 : i32
      %parallel_loop3A_641 = arith.muli %parallel_loop3A_546, %parallel_loop3A_640 : i32
      %parallel_loop3A_642 = arith.constant 4 : i32
      %parallel_loop3A_643 = arith.addi %parallel_loop3A_641, %parallel_loop3A_642 : i32
      %parallel_loop3A_644 = arith.constant 16 : i32
      %parallel_loop3A_645 = arith.muli %parallel_loop3A_643, %parallel_loop3A_644 : i32
      %parallel_loop3A_646 = arith.index_cast %parallel_loop3A_645 : i32 to index
      %parallel_loop3A_647 = tpu.vector_load %arg5[%parallel_loop3A_646] {strides = array<i32>} : memref<32768xi32, #tpu.memory_space<vmem>>, vector<16xi32>,
      %parallel_loop3A_648 = arith.constant 22 : i32
      %parallel_loop3A_649 = vector.broadcast %parallel_loop3A_648 : i32 to vector<16xi32>
      %parallel_loop3A_650 = arith.shrsi %parallel_loop3A_647, %parallel_loop3A_649 : vector<16xi32>
      %parallel_loop3A_651 = arith.constant 31 : i32
      %parallel_loop3A_652 = vector.broadcast %parallel_loop3A_651 : i32 to vector<16xi32>
      %parallel_loop3A_653 = arith.shrsi %parallel_loop3A_647, %parallel_loop3A_652 : vector<16xi32>
      %parallel_loop3A_654 = arith.constant 511 : i32
      %parallel_loop3A_655 = vector.broadcast %parallel_loop3A_654 : i32 to vector<16xi32>
      %parallel_loop3A_656 = arith.andi %parallel_loop3A_653, %parallel_loop3A_655 : vector<16xi32>
      %parallel_loop3A_657 = arith.xori %parallel_loop3A_650, %parallel_loop3A_656 : vector<16xi32>
      %parallel_loop3A_658 = arith.constant 4 : i32
      %parallel_loop3A_659 = vector.broadcast %parallel_loop3A_658 : i32 to vector<16xi32>
      %parallel_loop3A_660 = arith.shli %parallel_loop3A_657, %parallel_loop3A_659 : vector<16xi32>
      %parallel_loop3A_661 = arith.addi %parallel_loop3A_660, %add3A_49 : vector<16xi32>
      tpu.vector_store_idx %arg6[%parallel_loop3A_661], %broadcast_in_dim3A_3 {add = true} : memref<16384xi32, #tpu.memory_space<vmem>>[vector<16xi32>], vector<16xi32>,
      %parallel_loop3A_662 = arith.maxsi %parallel_loop3A_639, %parallel_loop3A_657 : vector<16xi32>
      %parallel_loop3A_663 = arith.constant 8 : i32
      %parallel_loop3A_664 = arith.muli %parallel_loop3A_546, %parallel_loop3A_663 : i32
      %parallel_loop3A_665 = arith.constant 5 : i32
      %parallel_loop3A_666 = arith.addi %parallel_loop3A_664, %parallel_loop3A_665 : i32
      %parallel_loop3A_667 = arith.constant 16 : i32
      %parallel_loop3A_668 = arith.muli %parallel_loop3A_666, %parallel_loop3A_667 : i32
      %parallel_loop3A_669 = arith.index_cast %parallel_loop3A_668 : i32 to index
      %parallel_loop3A_670 = tpu.vector_load %arg5[%parallel_loop3A_669] {strides = array<i32>} : memref<32768xi32, #tpu.memory_space<vmem>>, vector<16xi32>,
      %parallel_loop3A_671 = arith.constant 22 : i32
      %parallel_loop3A_672 = vector.broadcast %parallel_loop3A_671 : i32 to vector<16xi32>
      %parallel_loop3A_673 = arith.shrsi %parallel_loop3A_670, %parallel_loop3A_672 : vector<16xi32>
      %parallel_loop3A_674 = arith.constant 31 : i32
      %parallel_loop3A_675 = vector.broadcast %parallel_loop3A_674 : i32 to vector<16xi32>
      %parallel_loop3A_676 = arith.shrsi %parallel_loop3A_670, %parallel_loop3A_675 : vector<16xi32>
      %parallel_loop3A_677 = arith.constant 511 : i32
      %parallel_loop3A_678 = vector.broadcast %parallel_loop3A_677 : i32 to vector<16xi32>
      %parallel_loop3A_679 = arith.andi %parallel_loop3A_676, %parallel_loop3A_678 : vector<16xi32>
      %parallel_loop3A_680 = arith.xori %parallel_loop3A_673, %parallel_loop3A_679 : vector<16xi32>
      %parallel_loop3A_681 = arith.constant 4 : i32
      %parallel_loop3A_682 = vector.broadcast %parallel_loop3A_681 : i32 to vector<16xi32>
      %parallel_loop3A_683 = arith.shli %parallel_loop3A_680, %parallel_loop3A_682 : vector<16xi32>
      %parallel_loop3A_684 = arith.addi %parallel_loop3A_683, %add3A_58 : vector<16xi32>
      tpu.vector_store_idx %arg6[%parallel_loop3A_684], %broadcast_in_dim3A_3 {add = true} : memref<16384xi32, #tpu.memory_space<vmem>>[vector<16xi32>], vector<16xi32>,
      %parallel_loop3A_685 = arith.maxsi %parallel_loop3A_662, %parallel_loop3A_680 : vector<16xi32>
      %parallel_loop3A_686 = arith.constant 8 : i32
      %parallel_loop3A_687 = arith.muli %parallel_loop3A_546, %parallel_loop3A_686 : i32
      %parallel_loop3A_688 = arith.constant 6 : i32
      %parallel_loop3A_689 = arith.addi %parallel_loop3A_687, %parallel_loop3A_688 : i32
      %parallel_loop3A_690 = arith.constant 16 : i32
      %parallel_loop3A_691 = arith.muli %parallel_loop3A_689, %parallel_loop3A_690 : i32
      %parallel_loop3A_692 = arith.index_cast %parallel_loop3A_691 : i32 to index
      %parallel_loop3A_693 = tpu.vector_load %arg5[%parallel_loop3A_692] {strides = array<i32>} : memref<32768xi32, #tpu.memory_space<vmem>>, vector<16xi32>,
      %parallel_loop3A_694 = arith.constant 22 : i32
      %parallel_loop3A_695 = vector.broadcast %parallel_loop3A_694 : i32 to vector<16xi32>
      %parallel_loop3A_696 = arith.shrsi %parallel_loop3A_693, %parallel_loop3A_695 : vector<16xi32>
      %parallel_loop3A_697 = arith.constant 31 : i32
      %parallel_loop3A_698 = vector.broadcast %parallel_loop3A_697 : i32 to vector<16xi32>
      %parallel_loop3A_699 = arith.shrsi %parallel_loop3A_693, %parallel_loop3A_698 : vector<16xi32>
      %parallel_loop3A_700 = arith.constant 511 : i32
      %parallel_loop3A_701 = vector.broadcast %parallel_loop3A_700 : i32 to vector<16xi32>
      %parallel_loop3A_702 = arith.andi %parallel_loop3A_699, %parallel_loop3A_701 : vector<16xi32>
      %parallel_loop3A_703 = arith.xori %parallel_loop3A_696, %parallel_loop3A_702 : vector<16xi32>
      %parallel_loop3A_704 = arith.constant 4 : i32
      %parallel_loop3A_705 = vector.broadcast %parallel_loop3A_704 : i32 to vector<16xi32>
      %parallel_loop3A_706 = arith.shli %parallel_loop3A_703, %parallel_loop3A_705 : vector<16xi32>
      %parallel_loop3A_707 = arith.addi %parallel_loop3A_706, %add3A_67 : vector<16xi32>
      tpu.vector_store_idx %arg6[%parallel_loop3A_707], %broadcast_in_dim3A_3 {add = true} : memref<16384xi32, #tpu.memory_space<vmem>>[vector<16xi32>], vector<16xi32>,
      %parallel_loop3A_708 = arith.maxsi %parallel_loop3A_685, %parallel_loop3A_703 : vector<16xi32>
      %parallel_loop3A_709 = arith.constant 8 : i32
      %parallel_loop3A_710 = arith.muli %parallel_loop3A_546, %parallel_loop3A_709 : i32
      %parallel_loop3A_711 = arith.constant 7 : i32
      %parallel_loop3A_712 = arith.addi %parallel_loop3A_710, %parallel_loop3A_711 : i32
      %parallel_loop3A_713 = arith.constant 16 : i32
      %parallel_loop3A_714 = arith.muli %parallel_loop3A_712, %parallel_loop3A_713 : i32
      %parallel_loop3A_715 = arith.index_cast %parallel_loop3A_714 : i32 to index
      %parallel_loop3A_716 = tpu.vector_load %arg5[%parallel_loop3A_715] {strides = array<i32>} : memref<32768xi32, #tpu.memory_space<vmem>>, vector<16xi32>,
      %parallel_loop3A_717 = arith.constant 22 : i32
      %parallel_loop3A_718 = vector.broadcast %parallel_loop3A_717 : i32 to vector<16xi32>
      %parallel_loop3A_719 = arith.shrsi %parallel_loop3A_716, %parallel_loop3A_718 : vector<16xi32>
      %parallel_loop3A_720 = arith.constant 31 : i32
      %parallel_loop3A_721 = vector.broadcast %parallel_loop3A_720 : i32 to vector<16xi32>
      %parallel_loop3A_722 = arith.shrsi %parallel_loop3A_716, %parallel_loop3A_721 : vector<16xi32>
      %parallel_loop3A_723 = arith.constant 511 : i32
      %parallel_loop3A_724 = vector.broadcast %parallel_loop3A_723 : i32 to vector<16xi32>
      %parallel_loop3A_725 = arith.andi %parallel_loop3A_722, %parallel_loop3A_724 : vector<16xi32>
      %parallel_loop3A_726 = arith.xori %parallel_loop3A_719, %parallel_loop3A_725 : vector<16xi32>
      %parallel_loop3A_727 = arith.constant 4 : i32
      %parallel_loop3A_728 = vector.broadcast %parallel_loop3A_727 : i32 to vector<16xi32>
      %parallel_loop3A_729 = arith.shli %parallel_loop3A_726, %parallel_loop3A_728 : vector<16xi32>
      %parallel_loop3A_730 = arith.addi %parallel_loop3A_729, %add3A_76 : vector<16xi32>
      tpu.vector_store_idx %arg6[%parallel_loop3A_730], %broadcast_in_dim3A_3 {add = true} : memref<16384xi32, #tpu.memory_space<vmem>>[vector<16xi32>], vector<16xi32>,
      %parallel_loop3A_731 = arith.maxsi %parallel_loop3A_708, %parallel_loop3A_726 : vector<16xi32>
      scf.yield %parallel_loop3A_731 : vector<16xi32>
    } {sc.loop_unroll_factor = 1 : i64, sc.parallel_access}
    %reduce_max3A_199 = arith.constant true
    %reduce_max3A_200 = vector.broadcast %reduce_max3A_199 : i1 to vector<16xi1>
    %reduce_max3A_201 = arith.constant -2147483648 : i32
    %reduce_max3A_202 = vector.broadcast %reduce_max3A_201 : i32 to vector<16xi32>
    %reduce_max3A_203 = arith.xori %parallel_loop3A_198, %reduce_max3A_202 : vector<16xi32>
    %reduce_max3A_204 = tpu.scan <max>, %reduce_max3A_203 masked %reduce_max3A_200 : vector<16xi32>, vector<16xi1> -> vector<16xi32>
    %reduce_max3A_205 = arith.xori %reduce_max3A_204, %reduce_max3A_202 : vector<16xi32>
    %reduce_max3A_206 = vector.extract %reduce_max3A_205[15] : i32 from vector<16xi32>
    %mul3A_207 = arith.constant 16 : i32
    %mul3A_208 = arith.muli %reduce_max3A_206, %mul3A_207 : i32
    %add3A_209 = arith.constant 8192 : i32
    %add3A_210 = arith.addi %mul3A_208, %add3A_209 : i32
    %get3A_211 = arith.index_cast %add3A_210 : i32 to index
    %get3A_212 = tpu.vector_load %arg6[%get3A_211] {strides = array<i32>} : memref<16384xi32, #tpu.memory_space<vmem>>, vector<16xi32>,
    %reduce_sum3A_213 = arith.constant true
    %reduce_sum3A_214 = vector.broadcast %reduce_sum3A_213 : i1 to vector<16xi1>
    %reduce_sum3A_215 = tpu.scan <sum>, %get3A_212 masked %reduce_sum3A_214 : vector<16xi32>, vector<16xi1> -> vector<16xi32>
    %reduce_sum3A_216 = vector.extract %reduce_sum3A_215[15] : i32 from vector<16xi32>
    %while3A_217 = arith.constant 0 : i32
    %while3A_218:3 = scf.while (%while3A_546 = %reduce_max3A_206, %while3A_547 = %while3A_217, %while3A_548 = %reduce_sum3A_216) : (i32, i32, i32) -> (i32, i32, i32) {
      %add3A_549 = arith.addi %while3A_547, %while3A_548 : i32
      %lt3A_550 = arith.constant 64 : i32
      %lt3A_551 = arith.cmpi slt, %add3A_549, %lt3A_550 : i32
      scf.condition(%lt3A_551) %while3A_546, %while3A_547, %while3A_548 : i32, i32, i32
    } do {
    ^bb0(%while3A_546: i32, %while3A_547: i32, %while3A_548: i32):
      %sub3A_549 = arith.constant 1 : i32
      %sub3A_550 = arith.subi %while3A_546, %sub3A_549 : i32
      %add3A_551 = arith.addi %while3A_547, %while3A_548 : i32
      %sub3A_552 = arith.constant 1 : i32
      %sub3A_553 = arith.subi %while3A_546, %sub3A_552 : i32
      %mul3A_554 = arith.constant 16 : i32
      %mul3A_555 = arith.muli %sub3A_553, %mul3A_554 : i32
      %add3A_556 = arith.constant 8192 : i32
      %add3A_557 = arith.addi %mul3A_555, %add3A_556 : i32
      %get3A_558 = arith.index_cast %add3A_557 : i32 to index
      %get3A_559 = tpu.vector_load %arg6[%get3A_558] {strides = array<i32>} : memref<16384xi32, #tpu.memory_space<vmem>>, vector<16xi32>,
      %reduce_sum3A_560 = arith.constant true
      %reduce_sum3A_561 = vector.broadcast %reduce_sum3A_560 : i1 to vector<16xi1>
      %reduce_sum3A_562 = tpu.scan <sum>, %get3A_559 masked %reduce_sum3A_561 : vector<16xi32>, vector<16xi1> -> vector<16xi32>
      %reduce_sum3A_563 = vector.extract %reduce_sum3A_562[15] : i32 from vector<16xi32>
      scf.yield %sub3A_550, %add3A_551, %reduce_sum3A_563 : i32, i32, i32
    }
    %sub3A_219 = arith.constant 64 : i32
    %sub3A_220 = arith.subi %sub3A_219, %while3A_218#1 : i32
    %dma_wait3A_221 = arith.constant 0 : i32
    %dma_wait3A_222 = tpu.memref_slice %arg3[%add3A_180, %dma_wait3A_221] : memref<128x32768xi32, #tpu.memory_space<hbm>> -> memref<1x32768xi32, #tpu.memory_space<hbm>>
    %dma_wait3A_223 = tpu.memref_squeeze %dma_wait3A_222 : memref<1x32768xi32, #tpu.memory_space<hbm>> -> memref<32768xi32, #tpu.memory_space<hbm>>
    %dma_wait3A_224 = arith.constant 0 : i32
    %dma_wait3A_225 = tpu.memref_slice %arg3[%add3A_180, %dma_wait3A_224] : memref<128x32768xi32, #tpu.memory_space<hbm>> -> memref<1x32768xi32, #tpu.memory_space<hbm>>
    %dma_wait3A_226 = tpu.memref_squeeze %dma_wait3A_225 : memref<1x32768xi32, #tpu.memory_space<hbm>> -> memref<32768xi32, #tpu.memory_space<hbm>>
    tpu.wait_dma2 semaphore(%arg10 : memref<!tpu.dma_semaphore, #tpu.memory_space<semaphore_mem>>) src(%arg4 : memref<32768xi32, #tpu.memory_space<vmem>>) dst(%dma_wait3A_226 : memref<32768xi32, #tpu.memory_space<hbm>>)
    %add3A_227 = arith.constant 1 : i32
    %add3A_228 = arith.addi %mul3A_2, %add3A_227 : i32
    %add3A_229 = arith.constant 1 : i32
    %add3A_230 = arith.addi %add3A_228, %add3A_229 : i32
    %dma_start3A_231 = arith.constant 0 : i32
    %dma_start3A_232 = tpu.memref_slice %arg2[%add3A_230, %dma_start3A_231] : memref<128x32768xi32, #tpu.memory_space<hbm>> -> memref<1x32768xi32, #tpu.memory_space<hbm>>
    %dma_start3A_233 = tpu.memref_squeeze %dma_start3A_232 : memref<1x32768xi32, #tpu.memory_space<hbm>> -> memref<32768xi32, #tpu.memory_space<hbm>>
    %dma_start3A_234 = arith.constant 0 : i32
    %dma_start3A_235 = tpu.memref_slice %arg2[%add3A_230, %dma_start3A_234] : memref<128x32768xi32, #tpu.memory_space<hbm>> -> memref<1x32768xi32, #tpu.memory_space<hbm>>
    %dma_start3A_236 = tpu.memref_squeeze %dma_start3A_235 : memref<1x32768xi32, #tpu.memory_space<hbm>> -> memref<32768xi32, #tpu.memory_space<hbm>>
    tpu.enqueue_dma source(%dma_start3A_236 : memref<32768xi32, #tpu.memory_space<hbm>>) target(%arg4 : memref<32768xi32, #tpu.memory_space<vmem>>) target_semaphore(%arg8 : memref<!tpu.dma_semaphore, #tpu.memory_space<semaphore_mem>>)
    %parallel_loop3A_237 = arith.constant 0 : i32
    %parallel_loop3A_238 = arith.constant 2048 : i32
    %parallel_loop3A_239 = arith.constant 1 : i32
    %parallel_loop3A_240 = scf.for %parallel_loop3A_546 = %parallel_loop3A_237 to %parallel_loop3A_238 step %parallel_loop3A_239 iter_args(%parallel_loop3A_547 = %broadcast_in_dim3A_5) -> (vector<16xi32>)  : i32 {
      %parallel_loop3A_548 = arith.constant 16 : i32
      %parallel_loop3A_549 = arith.muli %parallel_loop3A_546, %parallel_loop3A_548 : i32
      %parallel_loop3A_550 = arith.index_cast %parallel_loop3A_549 : i32 to index
      %parallel_loop3A_551 = tpu.vector_load %arg5[%parallel_loop3A_550] {strides = array<i32>} : memref<32768xi32, #tpu.memory_space<vmem>>, vector<16xi32>,
      %parallel_loop3A_552 = arith.constant 31 : i32
      %parallel_loop3A_553 = vector.broadcast %parallel_loop3A_552 : i32 to vector<16xi32>
      %parallel_loop3A_554 = arith.shrsi %parallel_loop3A_551, %parallel_loop3A_553 : vector<16xi32>
      %parallel_loop3A_555 = arith.constant 2147483647 : i32
      %parallel_loop3A_556 = vector.broadcast %parallel_loop3A_555 : i32 to vector<16xi32>
      %parallel_loop3A_557 = arith.andi %parallel_loop3A_554, %parallel_loop3A_556 : vector<16xi32>
      %parallel_loop3A_558 = arith.xori %parallel_loop3A_551, %parallel_loop3A_557 : vector<16xi32>
      %parallel_loop3A_559 = arith.constant 22 : i32
      %parallel_loop3A_560 = vector.broadcast %parallel_loop3A_559 : i32 to vector<16xi32>
      %parallel_loop3A_561 = arith.shrsi %parallel_loop3A_558, %parallel_loop3A_560 : vector<16xi32>
      %parallel_loop3A_562 = vector.broadcast %while3A_218#0 : i32 to vector<16xi32>
      %parallel_loop3A_563 = arith.cmpi eq, %parallel_loop3A_561, %parallel_loop3A_562 : vector<16xi32>
      %parallel_loop3A_564 = arith.constant 4 : i32
      %parallel_loop3A_565 = vector.broadcast %parallel_loop3A_564 : i32 to vector<16xi32>
      %parallel_loop3A_566 = arith.shli %parallel_loop3A_547, %parallel_loop3A_565 : vector<16xi32>
      %parallel_loop3A_567 = arith.ori %parallel_loop3A_566, %iota3A : vector<16xi32>
      tpu.vector_store_idx %arg7[%parallel_loop3A_567], %parallel_loop3A_558 masked %parallel_loop3A_563 : memref<32768xi32, #tpu.memory_space<vmem>>[vector<16xi32>], vector<16xi32>, vector<16xi1>
      %parallel_loop3A_568 = arith.extui %parallel_loop3A_563 : vector<16xi1> to vector<16xi32>
      %parallel_loop3A_569 = arith.addi %parallel_loop3A_547, %parallel_loop3A_568 : vector<16xi32>
      scf.yield %parallel_loop3A_569 : vector<16xi32>
    } {sc.loop_unroll_factor = 8 : i64, sc.parallel_access}
    %reduce_max3A_241 = arith.constant true
    %reduce_max3A_242 = vector.broadcast %reduce_max3A_241 : i1 to vector<16xi1>
    %reduce_max3A_243 = arith.constant -2147483648 : i32
    %reduce_max3A_244 = vector.broadcast %reduce_max3A_243 : i32 to vector<16xi32>
    %reduce_max3A_245 = arith.xori %parallel_loop3A_240, %reduce_max3A_244 : vector<16xi32>
    %reduce_max3A_246 = tpu.scan <max>, %reduce_max3A_245 masked %reduce_max3A_242 : vector<16xi32>, vector<16xi1> -> vector<16xi32>
    %reduce_max3A_247 = arith.xori %reduce_max3A_246, %reduce_max3A_244 : vector<16xi32>
    %reduce_max3A_248 = vector.extract %reduce_max3A_247[15] : i32 from vector<16xi32>
    %parallel_loop3A_249 = arith.constant 0 : i32
    %parallel_loop3A_250 = arith.constant 1024 : i32
    %parallel_loop3A_251 = arith.constant 1 : i32
    scf.for %parallel_loop3A_546 = %parallel_loop3A_249 to %parallel_loop3A_250 step %parallel_loop3A_251  : i32 {
      %parallel_loop3A_547 = arith.constant 16 : i32
      %parallel_loop3A_548 = arith.muli %parallel_loop3A_546, %parallel_loop3A_547 : i32
      %parallel_loop3A_549 = arith.index_cast %parallel_loop3A_548 : i32 to index
      %parallel_loop3A_550 = tpu.vector_load %arg6[%parallel_loop3A_549] {strides = array<i32>} : memref<16384xi32, #tpu.memory_space<vmem>>, vector<16xi32>,
      tpu.vector_store %arg6[%parallel_loop3A_549], %broadcast_in_dim3A_5 {strides = array<i32>} : memref<16384xi32, #tpu.memory_space<vmem>>, vector<16xi32>,
    } {sc.loop_unroll_factor = 8 : i64, sc.parallel_access}
    %while3A_252 = arith.constant 0 : i32
    %while3A_253 = arith.constant 0 : i32
    %while3A_254 = arith.subi %reduce_max3A_248, %while3A_252 : i32
    %while3A_255 = arith.addi %while3A_252, %while3A_254 : i32
    %while3A_256 = arith.constant 1 : i32
    %while3A_257 = arith.divsi %while3A_254, %while3A_256 : i32
    %while3A_258 = arith.muli %while3A_257, %while3A_256 : i32
    %while3A_259 = arith.addi %while3A_252, %while3A_258 : i32
    %while3A_260 = arith.constant 1 : i32
    %while3A_261 = scf.for %while3A_546 = %while3A_252 to %while3A_259 step %while3A_260 iter_args(%while3A_547 = %while3A_253) -> (i32)  : i32 {
      %mul3A_548 = arith.constant 16 : i32
      %mul3A_549 = arith.muli %while3A_546, %mul3A_548 : i32
      %get3A_550 = arith.index_cast %mul3A_549 : i32 to index
      %get3A_551 = tpu.vector_load %arg7[%get3A_550] {strides = array<i32>} : memref<32768xi32, #tpu.memory_space<vmem>>, vector<16xi32>,
      %lt3A_552 = vector.broadcast %while3A_546 : i32 to vector<16xi32>
      %lt3A_553 = arith.cmpi slt, %lt3A_552, %parallel_loop3A_240 : vector<16xi32>
      %jit3A = arith.constant -2147483648 : i32
      %broadcast_in_dim3A_554 = vector.broadcast %jit3A : i32 to vector<16xi32>
      %select_n3A = arith.select %lt3A_553, %get3A_551, %broadcast_in_dim3A_554 : vector<16xi1>, vector<16xi32>
      %swap3A = arith.index_cast %mul3A_549 : i32 to index
      %swap3A_555 = tpu.vector_load %arg7[%swap3A] {strides = array<i32>} : memref<32768xi32, #tpu.memory_space<vmem>>, vector<16xi32>,
      tpu.vector_store %arg7[%swap3A], %select_n3A {strides = array<i32>} : memref<32768xi32, #tpu.memory_space<vmem>>, vector<16xi32>,
      %while3A_556 = arith.constant 0 : i32
      scf.yield %while3A_556 : i32
    }
    %while3A_262 = arith.constant 1 : i32
    %while3A_263 = scf.for %while3A_546 = %while3A_259 to %while3A_255 step %while3A_262 iter_args(%while3A_547 = %while3A_261) -> (i32)  : i32 {
      %mul3A_548 = arith.constant 16 : i32
      %mul3A_549 = arith.muli %while3A_546, %mul3A_548 : i32
      %get3A_550 = arith.index_cast %mul3A_549 : i32 to index
      %get3A_551 = tpu.vector_load %arg7[%get3A_550] {strides = array<i32>} : memref<32768xi32, #tpu.memory_space<vmem>>, vector<16xi32>,
      %lt3A_552 = vector.broadcast %while3A_546 : i32 to vector<16xi32>
      %lt3A_553 = arith.cmpi slt, %lt3A_552, %parallel_loop3A_240 : vector<16xi32>
      %jit3A = arith.constant -2147483648 : i32
      %broadcast_in_dim3A_554 = vector.broadcast %jit3A : i32 to vector<16xi32>
      %select_n3A = arith.select %lt3A_553, %get3A_551, %broadcast_in_dim3A_554 : vector<16xi1>, vector<16xi32>
      %swap3A = arith.index_cast %mul3A_549 : i32 to index
      %swap3A_555 = tpu.vector_load %arg7[%swap3A] {strides = array<i32>} : memref<32768xi32, #tpu.memory_space<vmem>>, vector<16xi32>,
      tpu.vector_store %arg7[%swap3A], %select_n3A {strides = array<i32>} : memref<32768xi32, #tpu.memory_space<vmem>>, vector<16xi32>,
      %while3A_556 = arith.constant 0 : i32
      scf.yield %while3A_556 : i32
    }
    %broadcast_in_dim3A_264 = arith.constant 1 : i32
    %broadcast_in_dim3A_265 = vector.broadcast %broadcast_in_dim3A_264 : i32 to vector<16xi32>
    %mul3A_266 = vector.broadcast %sub3A_220 : i32 to vector<16xi32>
    %mul3A_267 = arith.muli %broadcast_in_dim3A_265, %mul3A_266 : vector<16xi32>
    %broadcast_in_dim3A_268 = arith.constant 1 : i32
    %broadcast_in_dim3A_269 = vector.broadcast %broadcast_in_dim3A_268 : i32 to vector<16xi32>
    %shift_left3A_270 = arith.constant 22 : i32
    %shift_left3A_271 = arith.shli %while3A_218#0, %shift_left3A_270 : i32
    %mul3A_272 = vector.broadcast %shift_left3A_271 : i32 to vector<16xi32>
    %mul3A_273 = arith.muli %broadcast_in_dim3A_269, %mul3A_272 : vector<16xi32>
    %scan3A_274 = arith.constant 0 : i32
    %scan3A_275 = arith.constant 22 : i32
    %scan3A_276 = arith.addi %scan3A_274, %scan3A_275 : i32
    %scan3A_277 = arith.constant 1 : i32
    %scan3A_278 = scf.for %scan3A_546 = %scan3A_274 to %scan3A_276 step %scan3A_277 iter_args(%scan3A_547 = %mul3A_273) -> (vector<16xi32>)  : i32 {
      %broadcast_in_dim3A_548 = arith.constant 1 : i32
      %broadcast_in_dim3A_549 = vector.broadcast %broadcast_in_dim3A_548 : i32 to vector<16xi32>
      %sub3A_550 = arith.constant 21 : i32
      %sub3A_551 = arith.subi %sub3A_550, %scan3A_546 : i32
      %shift_left3A_552 = vector.broadcast %sub3A_551 : i32 to vector<16xi32>
      %shift_left3A_553 = arith.shli %broadcast_in_dim3A_549, %shift_left3A_552 : vector<16xi32>
      %or3A = arith.ori %scan3A_547, %shift_left3A_553 : vector<16xi32>
      %while3A_554 = arith.constant 0 : i32
      %while3A_555 = arith.subi %reduce_max3A_248, %while3A_554 : i32
      %while3A_556 = arith.addi %while3A_554, %while3A_555 : i32
      %while3A_557 = arith.constant 1 : i32
      %while3A_558 = arith.divsi %while3A_555, %while3A_557 : i32
      %while3A_559 = arith.muli %while3A_558, %while3A_557 : i32
      %while3A_560 = arith.addi %while3A_554, %while3A_559 : i32
      %while3A_561 = arith.constant 1 : i32
      %while3A_562 = scf.for %while3A_566 = %while3A_554 to %while3A_560 step %while3A_561 iter_args(%while3A_567 = %broadcast_in_dim3A_5) -> (vector<16xi32>)  : i32 {
        %mul3A_568 = arith.constant 16 : i32
        %mul3A_569 = arith.muli %while3A_566, %mul3A_568 : i32
        %get3A_570 = arith.index_cast %mul3A_569 : i32 to index
        %get3A_571 = tpu.vector_load %arg7[%get3A_570] {strides = array<i32>} : memref<32768xi32, #tpu.memory_space<vmem>>, vector<16xi32>,
        %ge3A_572 = arith.cmpi sge, %get3A_571, %or3A : vector<16xi32>
        %all_reduce_population_count3A = tpu.all_reduce %ge3A_572 {dim = 0 : i64, kind = #tpu.reduction_kind<sum>} : vector<16xi1> -> vector<16xi32>
        %add3A_573 = arith.addi %while3A_567, %all_reduce_population_count3A : vector<16xi32>
        scf.yield %add3A_573 : vector<16xi32>
      }
      %while3A_563 = arith.constant 1 : i32
      %while3A_564 = scf.for %while3A_566 = %while3A_560 to %while3A_556 step %while3A_563 iter_args(%while3A_567 = %while3A_562) -> (vector<16xi32>)  : i32 {
        %mul3A_568 = arith.constant 16 : i32
        %mul3A_569 = arith.muli %while3A_566, %mul3A_568 : i32
        %get3A_570 = arith.index_cast %mul3A_569 : i32 to index
        %get3A_571 = tpu.vector_load %arg7[%get3A_570] {strides = array<i32>} : memref<32768xi32, #tpu.memory_space<vmem>>, vector<16xi32>,
        %ge3A_572 = arith.cmpi sge, %get3A_571, %or3A : vector<16xi32>
        %all_reduce_population_count3A = tpu.all_reduce %ge3A_572 {dim = 0 : i64, kind = #tpu.reduction_kind<sum>} : vector<16xi1> -> vector<16xi32>
        %add3A_573 = arith.addi %while3A_567, %all_reduce_population_count3A : vector<16xi32>
        scf.yield %add3A_573 : vector<16xi32>
      }
      %ge3A_565 = arith.cmpi sge, %while3A_564, %mul3A_267 : vector<16xi32>
      %select_n3A = arith.select %ge3A_565, %or3A, %scan3A_547 : vector<16xi1>, vector<16xi32>
      scf.yield %select_n3A : vector<16xi32>
    }
    %scan3A_279 = arith.constant 22 : i32
    %reduce_max3A_280 = arith.constant true
    %reduce_max3A_281 = vector.broadcast %reduce_max3A_280 : i1 to vector<16xi1>
    %reduce_max3A_282 = arith.constant -2147483648 : i32
    %reduce_max3A_283 = vector.broadcast %reduce_max3A_282 : i32 to vector<16xi32>
    %reduce_max3A_284 = arith.xori %scan3A_278, %reduce_max3A_283 : vector<16xi32>
    %reduce_max3A_285 = tpu.scan <max>, %reduce_max3A_284 masked %reduce_max3A_281 : vector<16xi32>, vector<16xi1> -> vector<16xi32>
    %reduce_max3A_286 = arith.xori %reduce_max3A_285, %reduce_max3A_283 : vector<16xi32>
    %reduce_max3A_287 = vector.extract %reduce_max3A_286[15] : i32 from vector<16xi32>
    %ge3A_288 = arith.constant 0 : i32
    %ge3A_289 = arith.cmpi sge, %reduce_max3A_287, %ge3A_288 : i32
    %convert_element_type3A_290 = arith.extui %ge3A_289 : i1 to i32
    %cond3A_291 = arith.constant 1065353216 : i32
    %cond3A_292 = arith.constant 0 : i32
    %cond3A_293 = arith.cmpi ne, %convert_element_type3A_290, %cond3A_292 : i32
    scf.if %cond3A_293 {
      %parallel_loop3A_546 = arith.constant 0 : i32
      %parallel_loop3A_547 = arith.constant 2048 : i32
      %parallel_loop3A_548 = arith.constant 1 : i32
      scf.for %parallel_loop3A_549 = %parallel_loop3A_546 to %parallel_loop3A_547 step %parallel_loop3A_548  : i32 {
        %parallel_loop3A_550 = arith.constant 16 : i32
        %parallel_loop3A_551 = arith.muli %parallel_loop3A_549, %parallel_loop3A_550 : i32
        %parallel_loop3A_552 = arith.index_cast %parallel_loop3A_551 : i32 to index
        %parallel_loop3A_553 = tpu.vector_load %arg5[%parallel_loop3A_552] {strides = array<i32>} : memref<32768xi32, #tpu.memory_space<vmem>>, vector<16xi32>,
        %parallel_loop3A_554 = vector.broadcast %reduce_max3A_287 : i32 to vector<16xi32>
        %parallel_loop3A_555 = arith.cmpi sge, %parallel_loop3A_553, %parallel_loop3A_554 : vector<16xi32>
        %parallel_loop3A_556 = arith.constant 0 : i32
        %parallel_loop3A_557 = vector.broadcast %cond3A_291 : i32 to vector<16xi32>
        %parallel_loop3A_558 = vector.broadcast %parallel_loop3A_556 : i32 to vector<16xi32>
        %parallel_loop3A_559 = arith.select %parallel_loop3A_555, %parallel_loop3A_557, %parallel_loop3A_558 : vector<16xi1>, vector<16xi32>
        %parallel_loop3A_560 = arith.index_cast %parallel_loop3A_551 : i32 to index
        %parallel_loop3A_561 = tpu.vector_load %arg5[%parallel_loop3A_560] {strides = array<i32>} : memref<32768xi32, #tpu.memory_space<vmem>>, vector<16xi32>,
        tpu.vector_store %arg5[%parallel_loop3A_560], %parallel_loop3A_559 {strides = array<i32>} : memref<32768xi32, #tpu.memory_space<vmem>>, vector<16xi32>,
      } {sc.loop_unroll_factor = 8 : i64, sc.parallel_access}
    } else {
    }
    %lt3A_294 = arith.constant 0 : i32
    %lt3A_295 = arith.cmpi slt, %reduce_max3A_287, %lt3A_294 : i32
    %convert_element_type3A_296 = arith.extui %lt3A_295 : i1 to i32
    %cond3A_297 = arith.constant 1065353216 : i32
    %cond3A_298 = arith.constant 0 : i32
    %cond3A_299 = arith.cmpi ne, %convert_element_type3A_296, %cond3A_298 : i32
    scf.if %cond3A_299 {
      %xor3A = arith.constant 2147483647 : i32
      %xor3A_546 = arith.xori %reduce_max3A_287, %xor3A : i32
      %parallel_loop3A_547 = arith.constant 0 : i32
      %parallel_loop3A_548 = arith.constant 2048 : i32
      %parallel_loop3A_549 = arith.constant 1 : i32
      scf.for %parallel_loop3A_550 = %parallel_loop3A_547 to %parallel_loop3A_548 step %parallel_loop3A_549  : i32 {
        %parallel_loop3A_551 = arith.constant 16 : i32
        %parallel_loop3A_552 = arith.muli %parallel_loop3A_550, %parallel_loop3A_551 : i32
        %parallel_loop3A_553 = arith.index_cast %parallel_loop3A_552 : i32 to index
        %parallel_loop3A_554 = tpu.vector_load %arg5[%parallel_loop3A_553] {strides = array<i32>} : memref<32768xi32, #tpu.memory_space<vmem>>, vector<16xi32>,
        %parallel_loop3A_555 = arith.constant 0 : i32
        %parallel_loop3A_556 = vector.broadcast %parallel_loop3A_555 : i32 to vector<16xi32>
        %parallel_loop3A_557 = arith.cmpi sge, %parallel_loop3A_554, %parallel_loop3A_556 : vector<16xi32>
        %parallel_loop3A_558 = vector.broadcast %xor3A_546 : i32 to vector<16xi32>
        %parallel_loop3A_559 = arith.cmpi sle, %parallel_loop3A_554, %parallel_loop3A_558 : vector<16xi32>
        %parallel_loop3A_560 = arith.ori %parallel_loop3A_557, %parallel_loop3A_559 : vector<16xi1>
        %parallel_loop3A_561 = arith.constant 0 : i32
        %parallel_loop3A_562 = vector.broadcast %cond3A_297 : i32 to vector<16xi32>
        %parallel_loop3A_563 = vector.broadcast %parallel_loop3A_561 : i32 to vector<16xi32>
        %parallel_loop3A_564 = arith.select %parallel_loop3A_560, %parallel_loop3A_562, %parallel_loop3A_563 : vector<16xi1>, vector<16xi32>
        %parallel_loop3A_565 = arith.index_cast %parallel_loop3A_552 : i32 to index
        %parallel_loop3A_566 = tpu.vector_load %arg5[%parallel_loop3A_565] {strides = array<i32>} : memref<32768xi32, #tpu.memory_space<vmem>>, vector<16xi32>,
        tpu.vector_store %arg5[%parallel_loop3A_565], %parallel_loop3A_564 {strides = array<i32>} : memref<32768xi32, #tpu.memory_space<vmem>>, vector<16xi32>,
      } {sc.loop_unroll_factor = 8 : i64, sc.parallel_access}
    } else {
    }
    %add3A_300 = arith.constant 1 : i32
    %add3A_301 = arith.addi %mul3A_2, %add3A_300 : i32
    %dma_start3A_302 = arith.constant 0 : i32
    %dma_start3A_303 = tpu.memref_slice %arg3[%add3A_301, %dma_start3A_302] : memref<128x32768xi32, #tpu.memory_space<hbm>> -> memref<1x32768xi32, #tpu.memory_space<hbm>>
    %dma_start3A_304 = tpu.memref_squeeze %dma_start3A_303 : memref<1x32768xi32, #tpu.memory_space<hbm>> -> memref<32768xi32, #tpu.memory_space<hbm>>
    %dma_start3A_305 = arith.constant 0 : i32
    %dma_start3A_306 = tpu.memref_slice %arg3[%add3A_301, %dma_start3A_305] : memref<128x32768xi32, #tpu.memory_space<hbm>> -> memref<1x32768xi32, #tpu.memory_space<hbm>>
    %dma_start3A_307 = tpu.memref_squeeze %dma_start3A_306 : memref<1x32768xi32, #tpu.memory_space<hbm>> -> memref<32768xi32, #tpu.memory_space<hbm>>
    tpu.enqueue_dma source(%arg5 : memref<32768xi32, #tpu.memory_space<vmem>>) target(%dma_start3A_307 : memref<32768xi32, #tpu.memory_space<hbm>>) target_semaphore(%arg11 : memref<!tpu.dma_semaphore, #tpu.memory_space<semaphore_mem>>)
    %dma_wait3A_308 = arith.constant 0 : i32
    %dma_wait3A_309 = tpu.memref_slice %arg2[%add3A_230, %dma_wait3A_308] : memref<128x32768xi32, #tpu.memory_space<hbm>> -> memref<1x32768xi32, #tpu.memory_space<hbm>>
    %dma_wait3A_310 = tpu.memref_squeeze %dma_wait3A_309 : memref<1x32768xi32, #tpu.memory_space<hbm>> -> memref<32768xi32, #tpu.memory_space<hbm>>
    %dma_wait3A_311 = arith.constant 0 : i32
    %dma_wait3A_312 = tpu.memref_slice %arg2[%add3A_230, %dma_wait3A_311] : memref<128x32768xi32, #tpu.memory_space<hbm>> -> memref<1x32768xi32, #tpu.memory_space<hbm>>
    %dma_wait3A_313 = tpu.memref_squeeze %dma_wait3A_312 : memref<1x32768xi32, #tpu.memory_space<hbm>> -> memref<32768xi32, #tpu.memory_space<hbm>>
    tpu.wait_dma2 semaphore(%arg8 : memref<!tpu.dma_semaphore, #tpu.memory_space<semaphore_mem>>) src(%dma_wait3A_313 : memref<32768xi32, #tpu.memory_space<hbm>>) dst(%arg4 : memref<32768xi32, #tpu.memory_space<vmem>>)
    %broadcast_in_dim3A_314 = arith.constant -512 : i32
    %broadcast_in_dim3A_315 = vector.broadcast %broadcast_in_dim3A_314 : i32 to vector<16xi32>
    %parallel_loop3A_316 = arith.constant 0 : i32
    %parallel_loop3A_317 = arith.constant 256 : i32
    %parallel_loop3A_318 = arith.constant 1 : i32
    %parallel_loop3A_319 = scf.for %parallel_loop3A_546 = %parallel_loop3A_316 to %parallel_loop3A_317 step %parallel_loop3A_318 iter_args(%parallel_loop3A_547 = %broadcast_in_dim3A_315) -> (vector<16xi32>)  : i32 {
      %parallel_loop3A_548 = arith.constant 8 : i32
      %parallel_loop3A_549 = arith.muli %parallel_loop3A_546, %parallel_loop3A_548 : i32
      %parallel_loop3A_550 = arith.constant 0 : i32
      %parallel_loop3A_551 = arith.addi %parallel_loop3A_549, %parallel_loop3A_550 : i32
      %parallel_loop3A_552 = arith.constant 16 : i32
      %parallel_loop3A_553 = arith.muli %parallel_loop3A_551, %parallel_loop3A_552 : i32
      %parallel_loop3A_554 = arith.index_cast %parallel_loop3A_553 : i32 to index
      %parallel_loop3A_555 = tpu.vector_load %arg4[%parallel_loop3A_554] {strides = array<i32>} : memref<32768xi32, #tpu.memory_space<vmem>>, vector<16xi32>,
      %parallel_loop3A_556 = arith.constant 22 : i32
      %parallel_loop3A_557 = vector.broadcast %parallel_loop3A_556 : i32 to vector<16xi32>
      %parallel_loop3A_558 = arith.shrsi %parallel_loop3A_555, %parallel_loop3A_557 : vector<16xi32>
      %parallel_loop3A_559 = arith.constant 31 : i32
      %parallel_loop3A_560 = vector.broadcast %parallel_loop3A_559 : i32 to vector<16xi32>
      %parallel_loop3A_561 = arith.shrsi %parallel_loop3A_555, %parallel_loop3A_560 : vector<16xi32>
      %parallel_loop3A_562 = arith.constant 511 : i32
      %parallel_loop3A_563 = vector.broadcast %parallel_loop3A_562 : i32 to vector<16xi32>
      %parallel_loop3A_564 = arith.andi %parallel_loop3A_561, %parallel_loop3A_563 : vector<16xi32>
      %parallel_loop3A_565 = arith.xori %parallel_loop3A_558, %parallel_loop3A_564 : vector<16xi32>
      %parallel_loop3A_566 = arith.constant 4 : i32
      %parallel_loop3A_567 = vector.broadcast %parallel_loop3A_566 : i32 to vector<16xi32>
      %parallel_loop3A_568 = arith.shli %parallel_loop3A_565, %parallel_loop3A_567 : vector<16xi32>
      %parallel_loop3A_569 = arith.addi %parallel_loop3A_568, %add3A_13 : vector<16xi32>
      tpu.vector_store_idx %arg6[%parallel_loop3A_569], %broadcast_in_dim3A_3 {add = true} : memref<16384xi32, #tpu.memory_space<vmem>>[vector<16xi32>], vector<16xi32>,
      %parallel_loop3A_570 = arith.maxsi %parallel_loop3A_547, %parallel_loop3A_565 : vector<16xi32>
      %parallel_loop3A_571 = arith.constant 8 : i32
      %parallel_loop3A_572 = arith.muli %parallel_loop3A_546, %parallel_loop3A_571 : i32
      %parallel_loop3A_573 = arith.constant 1 : i32
      %parallel_loop3A_574 = arith.addi %parallel_loop3A_572, %parallel_loop3A_573 : i32
      %parallel_loop3A_575 = arith.constant 16 : i32
      %parallel_loop3A_576 = arith.muli %parallel_loop3A_574, %parallel_loop3A_575 : i32
      %parallel_loop3A_577 = arith.index_cast %parallel_loop3A_576 : i32 to index
      %parallel_loop3A_578 = tpu.vector_load %arg4[%parallel_loop3A_577] {strides = array<i32>} : memref<32768xi32, #tpu.memory_space<vmem>>, vector<16xi32>,
      %parallel_loop3A_579 = arith.constant 22 : i32
      %parallel_loop3A_580 = vector.broadcast %parallel_loop3A_579 : i32 to vector<16xi32>
      %parallel_loop3A_581 = arith.shrsi %parallel_loop3A_578, %parallel_loop3A_580 : vector<16xi32>
      %parallel_loop3A_582 = arith.constant 31 : i32
      %parallel_loop3A_583 = vector.broadcast %parallel_loop3A_582 : i32 to vector<16xi32>
      %parallel_loop3A_584 = arith.shrsi %parallel_loop3A_578, %parallel_loop3A_583 : vector<16xi32>
      %parallel_loop3A_585 = arith.constant 511 : i32
      %parallel_loop3A_586 = vector.broadcast %parallel_loop3A_585 : i32 to vector<16xi32>
      %parallel_loop3A_587 = arith.andi %parallel_loop3A_584, %parallel_loop3A_586 : vector<16xi32>
      %parallel_loop3A_588 = arith.xori %parallel_loop3A_581, %parallel_loop3A_587 : vector<16xi32>
      %parallel_loop3A_589 = arith.constant 4 : i32
      %parallel_loop3A_590 = vector.broadcast %parallel_loop3A_589 : i32 to vector<16xi32>
      %parallel_loop3A_591 = arith.shli %parallel_loop3A_588, %parallel_loop3A_590 : vector<16xi32>
      %parallel_loop3A_592 = arith.addi %parallel_loop3A_591, %add3A_22 : vector<16xi32>
      tpu.vector_store_idx %arg6[%parallel_loop3A_592], %broadcast_in_dim3A_3 {add = true} : memref<16384xi32, #tpu.memory_space<vmem>>[vector<16xi32>], vector<16xi32>,
      %parallel_loop3A_593 = arith.maxsi %parallel_loop3A_570, %parallel_loop3A_588 : vector<16xi32>
      %parallel_loop3A_594 = arith.constant 8 : i32
      %parallel_loop3A_595 = arith.muli %parallel_loop3A_546, %parallel_loop3A_594 : i32
      %parallel_loop3A_596 = arith.constant 2 : i32
      %parallel_loop3A_597 = arith.addi %parallel_loop3A_595, %parallel_loop3A_596 : i32
      %parallel_loop3A_598 = arith.constant 16 : i32
      %parallel_loop3A_599 = arith.muli %parallel_loop3A_597, %parallel_loop3A_598 : i32
      %parallel_loop3A_600 = arith.index_cast %parallel_loop3A_599 : i32 to index
      %parallel_loop3A_601 = tpu.vector_load %arg4[%parallel_loop3A_600] {strides = array<i32>} : memref<32768xi32, #tpu.memory_space<vmem>>, vector<16xi32>,
      %parallel_loop3A_602 = arith.constant 22 : i32
      %parallel_loop3A_603 = vector.broadcast %parallel_loop3A_602 : i32 to vector<16xi32>
      %parallel_loop3A_604 = arith.shrsi %parallel_loop3A_601, %parallel_loop3A_603 : vector<16xi32>
      %parallel_loop3A_605 = arith.constant 31 : i32
      %parallel_loop3A_606 = vector.broadcast %parallel_loop3A_605 : i32 to vector<16xi32>
      %parallel_loop3A_607 = arith.shrsi %parallel_loop3A_601, %parallel_loop3A_606 : vector<16xi32>
      %parallel_loop3A_608 = arith.constant 511 : i32
      %parallel_loop3A_609 = vector.broadcast %parallel_loop3A_608 : i32 to vector<16xi32>
      %parallel_loop3A_610 = arith.andi %parallel_loop3A_607, %parallel_loop3A_609 : vector<16xi32>
      %parallel_loop3A_611 = arith.xori %parallel_loop3A_604, %parallel_loop3A_610 : vector<16xi32>
      %parallel_loop3A_612 = arith.constant 4 : i32
      %parallel_loop3A_613 = vector.broadcast %parallel_loop3A_612 : i32 to vector<16xi32>
      %parallel_loop3A_614 = arith.shli %parallel_loop3A_611, %parallel_loop3A_613 : vector<16xi32>
      %parallel_loop3A_615 = arith.addi %parallel_loop3A_614, %add3A_31 : vector<16xi32>
      tpu.vector_store_idx %arg6[%parallel_loop3A_615], %broadcast_in_dim3A_3 {add = true} : memref<16384xi32, #tpu.memory_space<vmem>>[vector<16xi32>], vector<16xi32>,
      %parallel_loop3A_616 = arith.maxsi %parallel_loop3A_593, %parallel_loop3A_611 : vector<16xi32>
      %parallel_loop3A_617 = arith.constant 8 : i32
      %parallel_loop3A_618 = arith.muli %parallel_loop3A_546, %parallel_loop3A_617 : i32
      %parallel_loop3A_619 = arith.constant 3 : i32
      %parallel_loop3A_620 = arith.addi %parallel_loop3A_618, %parallel_loop3A_619 : i32
      %parallel_loop3A_621 = arith.constant 16 : i32
      %parallel_loop3A_622 = arith.muli %parallel_loop3A_620, %parallel_loop3A_621 : i32
      %parallel_loop3A_623 = arith.index_cast %parallel_loop3A_622 : i32 to index
      %parallel_loop3A_624 = tpu.vector_load %arg4[%parallel_loop3A_623] {strides = array<i32>} : memref<32768xi32, #tpu.memory_space<vmem>>, vector<16xi32>,
      %parallel_loop3A_625 = arith.constant 22 : i32
      %parallel_loop3A_626 = vector.broadcast %parallel_loop3A_625 : i32 to vector<16xi32>
      %parallel_loop3A_627 = arith.shrsi %parallel_loop3A_624, %parallel_loop3A_626 : vector<16xi32>
      %parallel_loop3A_628 = arith.constant 31 : i32
      %parallel_loop3A_629 = vector.broadcast %parallel_loop3A_628 : i32 to vector<16xi32>
      %parallel_loop3A_630 = arith.shrsi %parallel_loop3A_624, %parallel_loop3A_629 : vector<16xi32>
      %parallel_loop3A_631 = arith.constant 511 : i32
      %parallel_loop3A_632 = vector.broadcast %parallel_loop3A_631 : i32 to vector<16xi32>
      %parallel_loop3A_633 = arith.andi %parallel_loop3A_630, %parallel_loop3A_632 : vector<16xi32>
      %parallel_loop3A_634 = arith.xori %parallel_loop3A_627, %parallel_loop3A_633 : vector<16xi32>
      %parallel_loop3A_635 = arith.constant 4 : i32
      %parallel_loop3A_636 = vector.broadcast %parallel_loop3A_635 : i32 to vector<16xi32>
      %parallel_loop3A_637 = arith.shli %parallel_loop3A_634, %parallel_loop3A_636 : vector<16xi32>
      %parallel_loop3A_638 = arith.addi %parallel_loop3A_637, %add3A_40 : vector<16xi32>
      tpu.vector_store_idx %arg6[%parallel_loop3A_638], %broadcast_in_dim3A_3 {add = true} : memref<16384xi32, #tpu.memory_space<vmem>>[vector<16xi32>], vector<16xi32>,
      %parallel_loop3A_639 = arith.maxsi %parallel_loop3A_616, %parallel_loop3A_634 : vector<16xi32>
      %parallel_loop3A_640 = arith.constant 8 : i32
      %parallel_loop3A_641 = arith.muli %parallel_loop3A_546, %parallel_loop3A_640 : i32
      %parallel_loop3A_642 = arith.constant 4 : i32
      %parallel_loop3A_643 = arith.addi %parallel_loop3A_641, %parallel_loop3A_642 : i32
      %parallel_loop3A_644 = arith.constant 16 : i32
      %parallel_loop3A_645 = arith.muli %parallel_loop3A_643, %parallel_loop3A_644 : i32
      %parallel_loop3A_646 = arith.index_cast %parallel_loop3A_645 : i32 to index
      %parallel_loop3A_647 = tpu.vector_load %arg4[%parallel_loop3A_646] {strides = array<i32>} : memref<32768xi32, #tpu.memory_space<vmem>>, vector<16xi32>,
      %parallel_loop3A_648 = arith.constant 22 : i32
      %parallel_loop3A_649 = vector.broadcast %parallel_loop3A_648 : i32 to vector<16xi32>
      %parallel_loop3A_650 = arith.shrsi %parallel_loop3A_647, %parallel_loop3A_649 : vector<16xi32>
      %parallel_loop3A_651 = arith.constant 31 : i32
      %parallel_loop3A_652 = vector.broadcast %parallel_loop3A_651 : i32 to vector<16xi32>
      %parallel_loop3A_653 = arith.shrsi %parallel_loop3A_647, %parallel_loop3A_652 : vector<16xi32>
      %parallel_loop3A_654 = arith.constant 511 : i32
      %parallel_loop3A_655 = vector.broadcast %parallel_loop3A_654 : i32 to vector<16xi32>
      %parallel_loop3A_656 = arith.andi %parallel_loop3A_653, %parallel_loop3A_655 : vector<16xi32>
      %parallel_loop3A_657 = arith.xori %parallel_loop3A_650, %parallel_loop3A_656 : vector<16xi32>
      %parallel_loop3A_658 = arith.constant 4 : i32
      %parallel_loop3A_659 = vector.broadcast %parallel_loop3A_658 : i32 to vector<16xi32>
      %parallel_loop3A_660 = arith.shli %parallel_loop3A_657, %parallel_loop3A_659 : vector<16xi32>
      %parallel_loop3A_661 = arith.addi %parallel_loop3A_660, %add3A_49 : vector<16xi32>
      tpu.vector_store_idx %arg6[%parallel_loop3A_661], %broadcast_in_dim3A_3 {add = true} : memref<16384xi32, #tpu.memory_space<vmem>>[vector<16xi32>], vector<16xi32>,
      %parallel_loop3A_662 = arith.maxsi %parallel_loop3A_639, %parallel_loop3A_657 : vector<16xi32>
      %parallel_loop3A_663 = arith.constant 8 : i32
      %parallel_loop3A_664 = arith.muli %parallel_loop3A_546, %parallel_loop3A_663 : i32
      %parallel_loop3A_665 = arith.constant 5 : i32
      %parallel_loop3A_666 = arith.addi %parallel_loop3A_664, %parallel_loop3A_665 : i32
      %parallel_loop3A_667 = arith.constant 16 : i32
      %parallel_loop3A_668 = arith.muli %parallel_loop3A_666, %parallel_loop3A_667 : i32
      %parallel_loop3A_669 = arith.index_cast %parallel_loop3A_668 : i32 to index
      %parallel_loop3A_670 = tpu.vector_load %arg4[%parallel_loop3A_669] {strides = array<i32>} : memref<32768xi32, #tpu.memory_space<vmem>>, vector<16xi32>,
      %parallel_loop3A_671 = arith.constant 22 : i32
      %parallel_loop3A_672 = vector.broadcast %parallel_loop3A_671 : i32 to vector<16xi32>
      %parallel_loop3A_673 = arith.shrsi %parallel_loop3A_670, %parallel_loop3A_672 : vector<16xi32>
      %parallel_loop3A_674 = arith.constant 31 : i32
      %parallel_loop3A_675 = vector.broadcast %parallel_loop3A_674 : i32 to vector<16xi32>
      %parallel_loop3A_676 = arith.shrsi %parallel_loop3A_670, %parallel_loop3A_675 : vector<16xi32>
      %parallel_loop3A_677 = arith.constant 511 : i32
      %parallel_loop3A_678 = vector.broadcast %parallel_loop3A_677 : i32 to vector<16xi32>
      %parallel_loop3A_679 = arith.andi %parallel_loop3A_676, %parallel_loop3A_678 : vector<16xi32>
      %parallel_loop3A_680 = arith.xori %parallel_loop3A_673, %parallel_loop3A_679 : vector<16xi32>
      %parallel_loop3A_681 = arith.constant 4 : i32
      %parallel_loop3A_682 = vector.broadcast %parallel_loop3A_681 : i32 to vector<16xi32>
      %parallel_loop3A_683 = arith.shli %parallel_loop3A_680, %parallel_loop3A_682 : vector<16xi32>
      %parallel_loop3A_684 = arith.addi %parallel_loop3A_683, %add3A_58 : vector<16xi32>
      tpu.vector_store_idx %arg6[%parallel_loop3A_684], %broadcast_in_dim3A_3 {add = true} : memref<16384xi32, #tpu.memory_space<vmem>>[vector<16xi32>], vector<16xi32>,
      %parallel_loop3A_685 = arith.maxsi %parallel_loop3A_662, %parallel_loop3A_680 : vector<16xi32>
      %parallel_loop3A_686 = arith.constant 8 : i32
      %parallel_loop3A_687 = arith.muli %parallel_loop3A_546, %parallel_loop3A_686 : i32
      %parallel_loop3A_688 = arith.constant 6 : i32
      %parallel_loop3A_689 = arith.addi %parallel_loop3A_687, %parallel_loop3A_688 : i32
      %parallel_loop3A_690 = arith.constant 16 : i32
      %parallel_loop3A_691 = arith.muli %parallel_loop3A_689, %parallel_loop3A_690 : i32
      %parallel_loop3A_692 = arith.index_cast %parallel_loop3A_691 : i32 to index
      %parallel_loop3A_693 = tpu.vector_load %arg4[%parallel_loop3A_692] {strides = array<i32>} : memref<32768xi32, #tpu.memory_space<vmem>>, vector<16xi32>,
      %parallel_loop3A_694 = arith.constant 22 : i32
      %parallel_loop3A_695 = vector.broadcast %parallel_loop3A_694 : i32 to vector<16xi32>
      %parallel_loop3A_696 = arith.shrsi %parallel_loop3A_693, %parallel_loop3A_695 : vector<16xi32>
      %parallel_loop3A_697 = arith.constant 31 : i32
      %parallel_loop3A_698 = vector.broadcast %parallel_loop3A_697 : i32 to vector<16xi32>
      %parallel_loop3A_699 = arith.shrsi %parallel_loop3A_693, %parallel_loop3A_698 : vector<16xi32>
      %parallel_loop3A_700 = arith.constant 511 : i32
      %parallel_loop3A_701 = vector.broadcast %parallel_loop3A_700 : i32 to vector<16xi32>
      %parallel_loop3A_702 = arith.andi %parallel_loop3A_699, %parallel_loop3A_701 : vector<16xi32>
      %parallel_loop3A_703 = arith.xori %parallel_loop3A_696, %parallel_loop3A_702 : vector<16xi32>
      %parallel_loop3A_704 = arith.constant 4 : i32
      %parallel_loop3A_705 = vector.broadcast %parallel_loop3A_704 : i32 to vector<16xi32>
      %parallel_loop3A_706 = arith.shli %parallel_loop3A_703, %parallel_loop3A_705 : vector<16xi32>
      %parallel_loop3A_707 = arith.addi %parallel_loop3A_706, %add3A_67 : vector<16xi32>
      tpu.vector_store_idx %arg6[%parallel_loop3A_707], %broadcast_in_dim3A_3 {add = true} : memref<16384xi32, #tpu.memory_space<vmem>>[vector<16xi32>], vector<16xi32>,
      %parallel_loop3A_708 = arith.maxsi %parallel_loop3A_685, %parallel_loop3A_703 : vector<16xi32>
      %parallel_loop3A_709 = arith.constant 8 : i32
      %parallel_loop3A_710 = arith.muli %parallel_loop3A_546, %parallel_loop3A_709 : i32
      %parallel_loop3A_711 = arith.constant 7 : i32
      %parallel_loop3A_712 = arith.addi %parallel_loop3A_710, %parallel_loop3A_711 : i32
      %parallel_loop3A_713 = arith.constant 16 : i32
      %parallel_loop3A_714 = arith.muli %parallel_loop3A_712, %parallel_loop3A_713 : i32
      %parallel_loop3A_715 = arith.index_cast %parallel_loop3A_714 : i32 to index
      %parallel_loop3A_716 = tpu.vector_load %arg4[%parallel_loop3A_715] {strides = array<i32>} : memref<32768xi32, #tpu.memory_space<vmem>>, vector<16xi32>,
      %parallel_loop3A_717 = arith.constant 22 : i32
      %parallel_loop3A_718 = vector.broadcast %parallel_loop3A_717 : i32 to vector<16xi32>
      %parallel_loop3A_719 = arith.shrsi %parallel_loop3A_716, %parallel_loop3A_718 : vector<16xi32>
      %parallel_loop3A_720 = arith.constant 31 : i32
      %parallel_loop3A_721 = vector.broadcast %parallel_loop3A_720 : i32 to vector<16xi32>
      %parallel_loop3A_722 = arith.shrsi %parallel_loop3A_716, %parallel_loop3A_721 : vector<16xi32>
      %parallel_loop3A_723 = arith.constant 511 : i32
      %parallel_loop3A_724 = vector.broadcast %parallel_loop3A_723 : i32 to vector<16xi32>
      %parallel_loop3A_725 = arith.andi %parallel_loop3A_722, %parallel_loop3A_724 : vector<16xi32>
      %parallel_loop3A_726 = arith.xori %parallel_loop3A_719, %parallel_loop3A_725 : vector<16xi32>
      %parallel_loop3A_727 = arith.constant 4 : i32
      %parallel_loop3A_728 = vector.broadcast %parallel_loop3A_727 : i32 to vector<16xi32>
      %parallel_loop3A_729 = arith.shli %parallel_loop3A_726, %parallel_loop3A_728 : vector<16xi32>
      %parallel_loop3A_730 = arith.addi %parallel_loop3A_729, %add3A_76 : vector<16xi32>
      tpu.vector_store_idx %arg6[%parallel_loop3A_730], %broadcast_in_dim3A_3 {add = true} : memref<16384xi32, #tpu.memory_space<vmem>>[vector<16xi32>], vector<16xi32>,
      %parallel_loop3A_731 = arith.maxsi %parallel_loop3A_708, %parallel_loop3A_726 : vector<16xi32>
      scf.yield %parallel_loop3A_731 : vector<16xi32>
    } {sc.loop_unroll_factor = 1 : i64, sc.parallel_access}
    %reduce_max3A_320 = arith.constant true
    %reduce_max3A_321 = vector.broadcast %reduce_max3A_320 : i1 to vector<16xi1>
    %reduce_max3A_322 = arith.constant -2147483648 : i32
    %reduce_max3A_323 = vector.broadcast %reduce_max3A_322 : i32 to vector<16xi32>
    %reduce_max3A_324 = arith.xori %parallel_loop3A_319, %reduce_max3A_323 : vector<16xi32>
    %reduce_max3A_325 = tpu.scan <max>, %reduce_max3A_324 masked %reduce_max3A_321 : vector<16xi32>, vector<16xi1> -> vector<16xi32>
    %reduce_max3A_326 = arith.xori %reduce_max3A_325, %reduce_max3A_323 : vector<16xi32>
    %reduce_max3A_327 = vector.extract %reduce_max3A_326[15] : i32 from vector<16xi32>
    %mul3A_328 = arith.constant 16 : i32
    %mul3A_329 = arith.muli %reduce_max3A_327, %mul3A_328 : i32
    %add3A_330 = arith.constant 8192 : i32
    %add3A_331 = arith.addi %mul3A_329, %add3A_330 : i32
    %get3A_332 = arith.index_cast %add3A_331 : i32 to index
    %get3A_333 = tpu.vector_load %arg6[%get3A_332] {strides = array<i32>} : memref<16384xi32, #tpu.memory_space<vmem>>, vector<16xi32>,
    %reduce_sum3A_334 = arith.constant true
    %reduce_sum3A_335 = vector.broadcast %reduce_sum3A_334 : i1 to vector<16xi1>
    %reduce_sum3A_336 = tpu.scan <sum>, %get3A_333 masked %reduce_sum3A_335 : vector<16xi32>, vector<16xi1> -> vector<16xi32>
    %reduce_sum3A_337 = vector.extract %reduce_sum3A_336[15] : i32 from vector<16xi32>
    %while3A_338 = arith.constant 0 : i32
    %while3A_339:3 = scf.while (%while3A_546 = %reduce_max3A_327, %while3A_547 = %while3A_338, %while3A_548 = %reduce_sum3A_337) : (i32, i32, i32) -> (i32, i32, i32) {
      %add3A_549 = arith.addi %while3A_547, %while3A_548 : i32
      %lt3A_550 = arith.constant 64 : i32
      %lt3A_551 = arith.cmpi slt, %add3A_549, %lt3A_550 : i32
      scf.condition(%lt3A_551) %while3A_546, %while3A_547, %while3A_548 : i32, i32, i32
    } do {
    ^bb0(%while3A_546: i32, %while3A_547: i32, %while3A_548: i32):
      %sub3A_549 = arith.constant 1 : i32
      %sub3A_550 = arith.subi %while3A_546, %sub3A_549 : i32
      %add3A_551 = arith.addi %while3A_547, %while3A_548 : i32
      %sub3A_552 = arith.constant 1 : i32
      %sub3A_553 = arith.subi %while3A_546, %sub3A_552 : i32
      %mul3A_554 = arith.constant 16 : i32
      %mul3A_555 = arith.muli %sub3A_553, %mul3A_554 : i32
      %add3A_556 = arith.constant 8192 : i32
      %add3A_557 = arith.addi %mul3A_555, %add3A_556 : i32
      %get3A_558 = arith.index_cast %add3A_557 : i32 to index
      %get3A_559 = tpu.vector_load %arg6[%get3A_558] {strides = array<i32>} : memref<16384xi32, #tpu.memory_space<vmem>>, vector<16xi32>,
      %reduce_sum3A_560 = arith.constant true
      %reduce_sum3A_561 = vector.broadcast %reduce_sum3A_560 : i1 to vector<16xi1>
      %reduce_sum3A_562 = tpu.scan <sum>, %get3A_559 masked %reduce_sum3A_561 : vector<16xi32>, vector<16xi1> -> vector<16xi32>
      %reduce_sum3A_563 = vector.extract %reduce_sum3A_562[15] : i32 from vector<16xi32>
      scf.yield %sub3A_550, %add3A_551, %reduce_sum3A_563 : i32, i32, i32
    }
    %sub3A_340 = arith.constant 64 : i32
    %sub3A_341 = arith.subi %sub3A_340, %while3A_339#1 : i32
    %dma_wait3A_342 = arith.constant 0 : i32
    %dma_wait3A_343 = tpu.memref_slice %arg3[%add3A_301, %dma_wait3A_342] : memref<128x32768xi32, #tpu.memory_space<hbm>> -> memref<1x32768xi32, #tpu.memory_space<hbm>>
    %dma_wait3A_344 = tpu.memref_squeeze %dma_wait3A_343 : memref<1x32768xi32, #tpu.memory_space<hbm>> -> memref<32768xi32, #tpu.memory_space<hbm>>
    %dma_wait3A_345 = arith.constant 0 : i32
    %dma_wait3A_346 = tpu.memref_slice %arg3[%add3A_301, %dma_wait3A_345] : memref<128x32768xi32, #tpu.memory_space<hbm>> -> memref<1x32768xi32, #tpu.memory_space<hbm>>
    %dma_wait3A_347 = tpu.memref_squeeze %dma_wait3A_346 : memref<1x32768xi32, #tpu.memory_space<hbm>> -> memref<32768xi32, #tpu.memory_space<hbm>>
    tpu.wait_dma2 semaphore(%arg11 : memref<!tpu.dma_semaphore, #tpu.memory_space<semaphore_mem>>) src(%arg5 : memref<32768xi32, #tpu.memory_space<vmem>>) dst(%dma_wait3A_347 : memref<32768xi32, #tpu.memory_space<hbm>>)
    %add3A_348 = arith.constant 2 : i32
    %add3A_349 = arith.addi %mul3A_2, %add3A_348 : i32
    %add3A_350 = arith.constant 1 : i32
    %add3A_351 = arith.addi %add3A_349, %add3A_350 : i32
    %dma_start3A_352 = arith.constant 0 : i32
    %dma_start3A_353 = tpu.memref_slice %arg2[%add3A_351, %dma_start3A_352] : memref<128x32768xi32, #tpu.memory_space<hbm>> -> memref<1x32768xi32, #tpu.memory_space<hbm>>
    %dma_start3A_354 = tpu.memref_squeeze %dma_start3A_353 : memref<1x32768xi32, #tpu.memory_space<hbm>> -> memref<32768xi32, #tpu.memory_space<hbm>>
    %dma_start3A_355 = arith.constant 0 : i32
    %dma_start3A_356 = tpu.memref_slice %arg2[%add3A_351, %dma_start3A_355] : memref<128x32768xi32, #tpu.memory_space<hbm>> -> memref<1x32768xi32, #tpu.memory_space<hbm>>
    %dma_start3A_357 = tpu.memref_squeeze %dma_start3A_356 : memref<1x32768xi32, #tpu.memory_space<hbm>> -> memref<32768xi32, #tpu.memory_space<hbm>>
    tpu.enqueue_dma source(%dma_start3A_357 : memref<32768xi32, #tpu.memory_space<hbm>>) target(%arg5 : memref<32768xi32, #tpu.memory_space<vmem>>) target_semaphore(%arg9 : memref<!tpu.dma_semaphore, #tpu.memory_space<semaphore_mem>>)
    %parallel_loop3A_358 = arith.constant 0 : i32
    %parallel_loop3A_359 = arith.constant 2048 : i32
    %parallel_loop3A_360 = arith.constant 1 : i32
    %parallel_loop3A_361 = scf.for %parallel_loop3A_546 = %parallel_loop3A_358 to %parallel_loop3A_359 step %parallel_loop3A_360 iter_args(%parallel_loop3A_547 = %broadcast_in_dim3A_5) -> (vector<16xi32>)  : i32 {
      %parallel_loop3A_548 = arith.constant 16 : i32
      %parallel_loop3A_549 = arith.muli %parallel_loop3A_546, %parallel_loop3A_548 : i32
      %parallel_loop3A_550 = arith.index_cast %parallel_loop3A_549 : i32 to index
      %parallel_loop3A_551 = tpu.vector_load %arg4[%parallel_loop3A_550] {strides = array<i32>} : memref<32768xi32, #tpu.memory_space<vmem>>, vector<16xi32>,
      %parallel_loop3A_552 = arith.constant 31 : i32
      %parallel_loop3A_553 = vector.broadcast %parallel_loop3A_552 : i32 to vector<16xi32>
      %parallel_loop3A_554 = arith.shrsi %parallel_loop3A_551, %parallel_loop3A_553 : vector<16xi32>
      %parallel_loop3A_555 = arith.constant 2147483647 : i32
      %parallel_loop3A_556 = vector.broadcast %parallel_loop3A_555 : i32 to vector<16xi32>
      %parallel_loop3A_557 = arith.andi %parallel_loop3A_554, %parallel_loop3A_556 : vector<16xi32>
      %parallel_loop3A_558 = arith.xori %parallel_loop3A_551, %parallel_loop3A_557 : vector<16xi32>
      %parallel_loop3A_559 = arith.constant 22 : i32
      %parallel_loop3A_560 = vector.broadcast %parallel_loop3A_559 : i32 to vector<16xi32>
      %parallel_loop3A_561 = arith.shrsi %parallel_loop3A_558, %parallel_loop3A_560 : vector<16xi32>
      %parallel_loop3A_562 = vector.broadcast %while3A_339#0 : i32 to vector<16xi32>
      %parallel_loop3A_563 = arith.cmpi eq, %parallel_loop3A_561, %parallel_loop3A_562 : vector<16xi32>
      %parallel_loop3A_564 = arith.constant 4 : i32
      %parallel_loop3A_565 = vector.broadcast %parallel_loop3A_564 : i32 to vector<16xi32>
      %parallel_loop3A_566 = arith.shli %parallel_loop3A_547, %parallel_loop3A_565 : vector<16xi32>
      %parallel_loop3A_567 = arith.ori %parallel_loop3A_566, %iota3A : vector<16xi32>
      tpu.vector_store_idx %arg7[%parallel_loop3A_567], %parallel_loop3A_558 masked %parallel_loop3A_563 : memref<32768xi32, #tpu.memory_space<vmem>>[vector<16xi32>], vector<16xi32>, vector<16xi1>
      %parallel_loop3A_568 = arith.extui %parallel_loop3A_563 : vector<16xi1> to vector<16xi32>
      %parallel_loop3A_569 = arith.addi %parallel_loop3A_547, %parallel_loop3A_568 : vector<16xi32>
      scf.yield %parallel_loop3A_569 : vector<16xi32>
    } {sc.loop_unroll_factor = 8 : i64, sc.parallel_access}
    %reduce_max3A_362 = arith.constant true
    %reduce_max3A_363 = vector.broadcast %reduce_max3A_362 : i1 to vector<16xi1>
    %reduce_max3A_364 = arith.constant -2147483648 : i32
    %reduce_max3A_365 = vector.broadcast %reduce_max3A_364 : i32 to vector<16xi32>
    %reduce_max3A_366 = arith.xori %parallel_loop3A_361, %reduce_max3A_365 : vector<16xi32>
    %reduce_max3A_367 = tpu.scan <max>, %reduce_max3A_366 masked %reduce_max3A_363 : vector<16xi32>, vector<16xi1> -> vector<16xi32>
    %reduce_max3A_368 = arith.xori %reduce_max3A_367, %reduce_max3A_365 : vector<16xi32>
    %reduce_max3A_369 = vector.extract %reduce_max3A_368[15] : i32 from vector<16xi32>
    %parallel_loop3A_370 = arith.constant 0 : i32
    %parallel_loop3A_371 = arith.constant 1024 : i32
    %parallel_loop3A_372 = arith.constant 1 : i32
    scf.for %parallel_loop3A_546 = %parallel_loop3A_370 to %parallel_loop3A_371 step %parallel_loop3A_372  : i32 {
      %parallel_loop3A_547 = arith.constant 16 : i32
      %parallel_loop3A_548 = arith.muli %parallel_loop3A_546, %parallel_loop3A_547 : i32
      %parallel_loop3A_549 = arith.index_cast %parallel_loop3A_548 : i32 to index
      %parallel_loop3A_550 = tpu.vector_load %arg6[%parallel_loop3A_549] {strides = array<i32>} : memref<16384xi32, #tpu.memory_space<vmem>>, vector<16xi32>,
      tpu.vector_store %arg6[%parallel_loop3A_549], %broadcast_in_dim3A_5 {strides = array<i32>} : memref<16384xi32, #tpu.memory_space<vmem>>, vector<16xi32>,
    } {sc.loop_unroll_factor = 8 : i64, sc.parallel_access}
    %while3A_373 = arith.constant 0 : i32
    %while3A_374 = arith.constant 0 : i32
    %while3A_375 = arith.subi %reduce_max3A_369, %while3A_373 : i32
    %while3A_376 = arith.addi %while3A_373, %while3A_375 : i32
    %while3A_377 = arith.constant 1 : i32
    %while3A_378 = arith.divsi %while3A_375, %while3A_377 : i32
    %while3A_379 = arith.muli %while3A_378, %while3A_377 : i32
    %while3A_380 = arith.addi %while3A_373, %while3A_379 : i32
    %while3A_381 = arith.constant 1 : i32
    %while3A_382 = scf.for %while3A_546 = %while3A_373 to %while3A_380 step %while3A_381 iter_args(%while3A_547 = %while3A_374) -> (i32)  : i32 {
      %mul3A_548 = arith.constant 16 : i32
      %mul3A_549 = arith.muli %while3A_546, %mul3A_548 : i32
      %get3A_550 = arith.index_cast %mul3A_549 : i32 to index
      %get3A_551 = tpu.vector_load %arg7[%get3A_550] {strides = array<i32>} : memref<32768xi32, #tpu.memory_space<vmem>>, vector<16xi32>,
      %lt3A_552 = vector.broadcast %while3A_546 : i32 to vector<16xi32>
      %lt3A_553 = arith.cmpi slt, %lt3A_552, %parallel_loop3A_361 : vector<16xi32>
      %jit3A = arith.constant -2147483648 : i32
      %broadcast_in_dim3A_554 = vector.broadcast %jit3A : i32 to vector<16xi32>
      %select_n3A = arith.select %lt3A_553, %get3A_551, %broadcast_in_dim3A_554 : vector<16xi1>, vector<16xi32>
      %swap3A = arith.index_cast %mul3A_549 : i32 to index
      %swap3A_555 = tpu.vector_load %arg7[%swap3A] {strides = array<i32>} : memref<32768xi32, #tpu.memory_space<vmem>>, vector<16xi32>,
      tpu.vector_store %arg7[%swap3A], %select_n3A {strides = array<i32>} : memref<32768xi32, #tpu.memory_space<vmem>>, vector<16xi32>,
      %while3A_556 = arith.constant 0 : i32
      scf.yield %while3A_556 : i32
    }
    %while3A_383 = arith.constant 1 : i32
    %while3A_384 = scf.for %while3A_546 = %while3A_380 to %while3A_376 step %while3A_383 iter_args(%while3A_547 = %while3A_382) -> (i32)  : i32 {
      %mul3A_548 = arith.constant 16 : i32
      %mul3A_549 = arith.muli %while3A_546, %mul3A_548 : i32
      %get3A_550 = arith.index_cast %mul3A_549 : i32 to index
      %get3A_551 = tpu.vector_load %arg7[%get3A_550] {strides = array<i32>} : memref<32768xi32, #tpu.memory_space<vmem>>, vector<16xi32>,
      %lt3A_552 = vector.broadcast %while3A_546 : i32 to vector<16xi32>
      %lt3A_553 = arith.cmpi slt, %lt3A_552, %parallel_loop3A_361 : vector<16xi32>
      %jit3A = arith.constant -2147483648 : i32
      %broadcast_in_dim3A_554 = vector.broadcast %jit3A : i32 to vector<16xi32>
      %select_n3A = arith.select %lt3A_553, %get3A_551, %broadcast_in_dim3A_554 : vector<16xi1>, vector<16xi32>
      %swap3A = arith.index_cast %mul3A_549 : i32 to index
      %swap3A_555 = tpu.vector_load %arg7[%swap3A] {strides = array<i32>} : memref<32768xi32, #tpu.memory_space<vmem>>, vector<16xi32>,
      tpu.vector_store %arg7[%swap3A], %select_n3A {strides = array<i32>} : memref<32768xi32, #tpu.memory_space<vmem>>, vector<16xi32>,
      %while3A_556 = arith.constant 0 : i32
      scf.yield %while3A_556 : i32
    }
    %broadcast_in_dim3A_385 = arith.constant 1 : i32
    %broadcast_in_dim3A_386 = vector.broadcast %broadcast_in_dim3A_385 : i32 to vector<16xi32>
    %mul3A_387 = vector.broadcast %sub3A_341 : i32 to vector<16xi32>
    %mul3A_388 = arith.muli %broadcast_in_dim3A_386, %mul3A_387 : vector<16xi32>
    %broadcast_in_dim3A_389 = arith.constant 1 : i32
    %broadcast_in_dim3A_390 = vector.broadcast %broadcast_in_dim3A_389 : i32 to vector<16xi32>
    %shift_left3A_391 = arith.constant 22 : i32
    %shift_left3A_392 = arith.shli %while3A_339#0, %shift_left3A_391 : i32
    %mul3A_393 = vector.broadcast %shift_left3A_392 : i32 to vector<16xi32>
    %mul3A_394 = arith.muli %broadcast_in_dim3A_390, %mul3A_393 : vector<16xi32>
    %scan3A_395 = arith.constant 0 : i32
    %scan3A_396 = arith.constant 22 : i32
    %scan3A_397 = arith.addi %scan3A_395, %scan3A_396 : i32
    %scan3A_398 = arith.constant 1 : i32
    %scan3A_399 = scf.for %scan3A_546 = %scan3A_395 to %scan3A_397 step %scan3A_398 iter_args(%scan3A_547 = %mul3A_394) -> (vector<16xi32>)  : i32 {
      %broadcast_in_dim3A_548 = arith.constant 1 : i32
      %broadcast_in_dim3A_549 = vector.broadcast %broadcast_in_dim3A_548 : i32 to vector<16xi32>
      %sub3A_550 = arith.constant 21 : i32
      %sub3A_551 = arith.subi %sub3A_550, %scan3A_546 : i32
      %shift_left3A_552 = vector.broadcast %sub3A_551 : i32 to vector<16xi32>
      %shift_left3A_553 = arith.shli %broadcast_in_dim3A_549, %shift_left3A_552 : vector<16xi32>
      %or3A = arith.ori %scan3A_547, %shift_left3A_553 : vector<16xi32>
      %while3A_554 = arith.constant 0 : i32
      %while3A_555 = arith.subi %reduce_max3A_369, %while3A_554 : i32
      %while3A_556 = arith.addi %while3A_554, %while3A_555 : i32
      %while3A_557 = arith.constant 1 : i32
      %while3A_558 = arith.divsi %while3A_555, %while3A_557 : i32
      %while3A_559 = arith.muli %while3A_558, %while3A_557 : i32
      %while3A_560 = arith.addi %while3A_554, %while3A_559 : i32
      %while3A_561 = arith.constant 1 : i32
      %while3A_562 = scf.for %while3A_566 = %while3A_554 to %while3A_560 step %while3A_561 iter_args(%while3A_567 = %broadcast_in_dim3A_5) -> (vector<16xi32>)  : i32 {
        %mul3A_568 = arith.constant 16 : i32
        %mul3A_569 = arith.muli %while3A_566, %mul3A_568 : i32
        %get3A_570 = arith.index_cast %mul3A_569 : i32 to index
        %get3A_571 = tpu.vector_load %arg7[%get3A_570] {strides = array<i32>} : memref<32768xi32, #tpu.memory_space<vmem>>, vector<16xi32>,
        %ge3A_572 = arith.cmpi sge, %get3A_571, %or3A : vector<16xi32>
        %all_reduce_population_count3A = tpu.all_reduce %ge3A_572 {dim = 0 : i64, kind = #tpu.reduction_kind<sum>} : vector<16xi1> -> vector<16xi32>
        %add3A_573 = arith.addi %while3A_567, %all_reduce_population_count3A : vector<16xi32>
        scf.yield %add3A_573 : vector<16xi32>
      }
      %while3A_563 = arith.constant 1 : i32
      %while3A_564 = scf.for %while3A_566 = %while3A_560 to %while3A_556 step %while3A_563 iter_args(%while3A_567 = %while3A_562) -> (vector<16xi32>)  : i32 {
        %mul3A_568 = arith.constant 16 : i32
        %mul3A_569 = arith.muli %while3A_566, %mul3A_568 : i32
        %get3A_570 = arith.index_cast %mul3A_569 : i32 to index
        %get3A_571 = tpu.vector_load %arg7[%get3A_570] {strides = array<i32>} : memref<32768xi32, #tpu.memory_space<vmem>>, vector<16xi32>,
        %ge3A_572 = arith.cmpi sge, %get3A_571, %or3A : vector<16xi32>
        %all_reduce_population_count3A = tpu.all_reduce %ge3A_572 {dim = 0 : i64, kind = #tpu.reduction_kind<sum>} : vector<16xi1> -> vector<16xi32>
        %add3A_573 = arith.addi %while3A_567, %all_reduce_population_count3A : vector<16xi32>
        scf.yield %add3A_573 : vector<16xi32>
      }
      %ge3A_565 = arith.cmpi sge, %while3A_564, %mul3A_388 : vector<16xi32>
      %select_n3A = arith.select %ge3A_565, %or3A, %scan3A_547 : vector<16xi1>, vector<16xi32>
      scf.yield %select_n3A : vector<16xi32>
    }
    %scan3A_400 = arith.constant 22 : i32
    %reduce_max3A_401 = arith.constant true
    %reduce_max3A_402 = vector.broadcast %reduce_max3A_401 : i1 to vector<16xi1>
    %reduce_max3A_403 = arith.constant -2147483648 : i32
    %reduce_max3A_404 = vector.broadcast %reduce_max3A_403 : i32 to vector<16xi32>
    %reduce_max3A_405 = arith.xori %scan3A_399, %reduce_max3A_404 : vector<16xi32>
    %reduce_max3A_406 = tpu.scan <max>, %reduce_max3A_405 masked %reduce_max3A_402 : vector<16xi32>, vector<16xi1> -> vector<16xi32>
    %reduce_max3A_407 = arith.xori %reduce_max3A_406, %reduce_max3A_404 : vector<16xi32>
    %reduce_max3A_408 = vector.extract %reduce_max3A_407[15] : i32 from vector<16xi32>
    %ge3A_409 = arith.constant 0 : i32
    %ge3A_410 = arith.cmpi sge, %reduce_max3A_408, %ge3A_409 : i32
    %convert_element_type3A_411 = arith.extui %ge3A_410 : i1 to i32
    %cond3A_412 = arith.constant 1065353216 : i32
    %cond3A_413 = arith.constant 0 : i32
    %cond3A_414 = arith.cmpi ne, %convert_element_type3A_411, %cond3A_413 : i32
    scf.if %cond3A_414 {
      %parallel_loop3A_546 = arith.constant 0 : i32
      %parallel_loop3A_547 = arith.constant 2048 : i32
      %parallel_loop3A_548 = arith.constant 1 : i32
      scf.for %parallel_loop3A_549 = %parallel_loop3A_546 to %parallel_loop3A_547 step %parallel_loop3A_548  : i32 {
        %parallel_loop3A_550 = arith.constant 16 : i32
        %parallel_loop3A_551 = arith.muli %parallel_loop3A_549, %parallel_loop3A_550 : i32
        %parallel_loop3A_552 = arith.index_cast %parallel_loop3A_551 : i32 to index
        %parallel_loop3A_553 = tpu.vector_load %arg4[%parallel_loop3A_552] {strides = array<i32>} : memref<32768xi32, #tpu.memory_space<vmem>>, vector<16xi32>,
        %parallel_loop3A_554 = vector.broadcast %reduce_max3A_408 : i32 to vector<16xi32>
        %parallel_loop3A_555 = arith.cmpi sge, %parallel_loop3A_553, %parallel_loop3A_554 : vector<16xi32>
        %parallel_loop3A_556 = arith.constant 0 : i32
        %parallel_loop3A_557 = vector.broadcast %cond3A_412 : i32 to vector<16xi32>
        %parallel_loop3A_558 = vector.broadcast %parallel_loop3A_556 : i32 to vector<16xi32>
        %parallel_loop3A_559 = arith.select %parallel_loop3A_555, %parallel_loop3A_557, %parallel_loop3A_558 : vector<16xi1>, vector<16xi32>
        %parallel_loop3A_560 = arith.index_cast %parallel_loop3A_551 : i32 to index
        %parallel_loop3A_561 = tpu.vector_load %arg4[%parallel_loop3A_560] {strides = array<i32>} : memref<32768xi32, #tpu.memory_space<vmem>>, vector<16xi32>,
        tpu.vector_store %arg4[%parallel_loop3A_560], %parallel_loop3A_559 {strides = array<i32>} : memref<32768xi32, #tpu.memory_space<vmem>>, vector<16xi32>,
      } {sc.loop_unroll_factor = 8 : i64, sc.parallel_access}
    } else {
    }
    %lt3A_415 = arith.constant 0 : i32
    %lt3A_416 = arith.cmpi slt, %reduce_max3A_408, %lt3A_415 : i32
    %convert_element_type3A_417 = arith.extui %lt3A_416 : i1 to i32
    %cond3A_418 = arith.constant 1065353216 : i32
    %cond3A_419 = arith.constant 0 : i32
    %cond3A_420 = arith.cmpi ne, %convert_element_type3A_417, %cond3A_419 : i32
    scf.if %cond3A_420 {
      %xor3A = arith.constant 2147483647 : i32
      %xor3A_546 = arith.xori %reduce_max3A_408, %xor3A : i32
      %parallel_loop3A_547 = arith.constant 0 : i32
      %parallel_loop3A_548 = arith.constant 2048 : i32
      %parallel_loop3A_549 = arith.constant 1 : i32
      scf.for %parallel_loop3A_550 = %parallel_loop3A_547 to %parallel_loop3A_548 step %parallel_loop3A_549  : i32 {
        %parallel_loop3A_551 = arith.constant 16 : i32
        %parallel_loop3A_552 = arith.muli %parallel_loop3A_550, %parallel_loop3A_551 : i32
        %parallel_loop3A_553 = arith.index_cast %parallel_loop3A_552 : i32 to index
        %parallel_loop3A_554 = tpu.vector_load %arg4[%parallel_loop3A_553] {strides = array<i32>} : memref<32768xi32, #tpu.memory_space<vmem>>, vector<16xi32>,
        %parallel_loop3A_555 = arith.constant 0 : i32
        %parallel_loop3A_556 = vector.broadcast %parallel_loop3A_555 : i32 to vector<16xi32>
        %parallel_loop3A_557 = arith.cmpi sge, %parallel_loop3A_554, %parallel_loop3A_556 : vector<16xi32>
        %parallel_loop3A_558 = vector.broadcast %xor3A_546 : i32 to vector<16xi32>
        %parallel_loop3A_559 = arith.cmpi sle, %parallel_loop3A_554, %parallel_loop3A_558 : vector<16xi32>
        %parallel_loop3A_560 = arith.ori %parallel_loop3A_557, %parallel_loop3A_559 : vector<16xi1>
        %parallel_loop3A_561 = arith.constant 0 : i32
        %parallel_loop3A_562 = vector.broadcast %cond3A_418 : i32 to vector<16xi32>
        %parallel_loop3A_563 = vector.broadcast %parallel_loop3A_561 : i32 to vector<16xi32>
        %parallel_loop3A_564 = arith.select %parallel_loop3A_560, %parallel_loop3A_562, %parallel_loop3A_563 : vector<16xi1>, vector<16xi32>
        %parallel_loop3A_565 = arith.index_cast %parallel_loop3A_552 : i32 to index
        %parallel_loop3A_566 = tpu.vector_load %arg4[%parallel_loop3A_565] {strides = array<i32>} : memref<32768xi32, #tpu.memory_space<vmem>>, vector<16xi32>,
        tpu.vector_store %arg4[%parallel_loop3A_565], %parallel_loop3A_564 {strides = array<i32>} : memref<32768xi32, #tpu.memory_space<vmem>>, vector<16xi32>,
      } {sc.loop_unroll_factor = 8 : i64, sc.parallel_access}
    } else {
    }
    %add3A_421 = arith.constant 2 : i32
    %add3A_422 = arith.addi %mul3A_2, %add3A_421 : i32
    %dma_start3A_423 = arith.constant 0 : i32
    %dma_start3A_424 = tpu.memref_slice %arg3[%add3A_422, %dma_start3A_423] : memref<128x32768xi32, #tpu.memory_space<hbm>> -> memref<1x32768xi32, #tpu.memory_space<hbm>>
    %dma_start3A_425 = tpu.memref_squeeze %dma_start3A_424 : memref<1x32768xi32, #tpu.memory_space<hbm>> -> memref<32768xi32, #tpu.memory_space<hbm>>
    %dma_start3A_426 = arith.constant 0 : i32
    %dma_start3A_427 = tpu.memref_slice %arg3[%add3A_422, %dma_start3A_426] : memref<128x32768xi32, #tpu.memory_space<hbm>> -> memref<1x32768xi32, #tpu.memory_space<hbm>>
    %dma_start3A_428 = tpu.memref_squeeze %dma_start3A_427 : memref<1x32768xi32, #tpu.memory_space<hbm>> -> memref<32768xi32, #tpu.memory_space<hbm>>
    tpu.enqueue_dma source(%arg4 : memref<32768xi32, #tpu.memory_space<vmem>>) target(%dma_start3A_428 : memref<32768xi32, #tpu.memory_space<hbm>>) target_semaphore(%arg10 : memref<!tpu.dma_semaphore, #tpu.memory_space<semaphore_mem>>)
    %dma_wait3A_429 = arith.constant 0 : i32
    %dma_wait3A_430 = tpu.memref_slice %arg2[%add3A_351, %dma_wait3A_429] : memref<128x32768xi32, #tpu.memory_space<hbm>> -> memref<1x32768xi32, #tpu.memory_space<hbm>>
    %dma_wait3A_431 = tpu.memref_squeeze %dma_wait3A_430 : memref<1x32768xi32, #tpu.memory_space<hbm>> -> memref<32768xi32, #tpu.memory_space<hbm>>
    %dma_wait3A_432 = arith.constant 0 : i32
    %dma_wait3A_433 = tpu.memref_slice %arg2[%add3A_351, %dma_wait3A_432] : memref<128x32768xi32, #tpu.memory_space<hbm>> -> memref<1x32768xi32, #tpu.memory_space<hbm>>
    %dma_wait3A_434 = tpu.memref_squeeze %dma_wait3A_433 : memref<1x32768xi32, #tpu.memory_space<hbm>> -> memref<32768xi32, #tpu.memory_space<hbm>>
    tpu.wait_dma2 semaphore(%arg9 : memref<!tpu.dma_semaphore, #tpu.memory_space<semaphore_mem>>) src(%dma_wait3A_434 : memref<32768xi32, #tpu.memory_space<hbm>>) dst(%arg5 : memref<32768xi32, #tpu.memory_space<vmem>>)
    %broadcast_in_dim3A_435 = arith.constant -512 : i32
    %broadcast_in_dim3A_436 = vector.broadcast %broadcast_in_dim3A_435 : i32 to vector<16xi32>
    %parallel_loop3A_437 = arith.constant 0 : i32
    %parallel_loop3A_438 = arith.constant 256 : i32
    %parallel_loop3A_439 = arith.constant 1 : i32
    %parallel_loop3A_440 = scf.for %parallel_loop3A_546 = %parallel_loop3A_437 to %parallel_loop3A_438 step %parallel_loop3A_439 iter_args(%parallel_loop3A_547 = %broadcast_in_dim3A_436) -> (vector<16xi32>)  : i32 {
      %parallel_loop3A_548 = arith.constant 8 : i32
      %parallel_loop3A_549 = arith.muli %parallel_loop3A_546, %parallel_loop3A_548 : i32
      %parallel_loop3A_550 = arith.constant 0 : i32
      %parallel_loop3A_551 = arith.addi %parallel_loop3A_549, %parallel_loop3A_550 : i32
      %parallel_loop3A_552 = arith.constant 16 : i32
      %parallel_loop3A_553 = arith.muli %parallel_loop3A_551, %parallel_loop3A_552 : i32
      %parallel_loop3A_554 = arith.index_cast %parallel_loop3A_553 : i32 to index
      %parallel_loop3A_555 = tpu.vector_load %arg5[%parallel_loop3A_554] {strides = array<i32>} : memref<32768xi32, #tpu.memory_space<vmem>>, vector<16xi32>,
      %parallel_loop3A_556 = arith.constant 22 : i32
      %parallel_loop3A_557 = vector.broadcast %parallel_loop3A_556 : i32 to vector<16xi32>
      %parallel_loop3A_558 = arith.shrsi %parallel_loop3A_555, %parallel_loop3A_557 : vector<16xi32>
      %parallel_loop3A_559 = arith.constant 31 : i32
      %parallel_loop3A_560 = vector.broadcast %parallel_loop3A_559 : i32 to vector<16xi32>
      %parallel_loop3A_561 = arith.shrsi %parallel_loop3A_555, %parallel_loop3A_560 : vector<16xi32>
      %parallel_loop3A_562 = arith.constant 511 : i32
      %parallel_loop3A_563 = vector.broadcast %parallel_loop3A_562 : i32 to vector<16xi32>
      %parallel_loop3A_564 = arith.andi %parallel_loop3A_561, %parallel_loop3A_563 : vector<16xi32>
      %parallel_loop3A_565 = arith.xori %parallel_loop3A_558, %parallel_loop3A_564 : vector<16xi32>
      %parallel_loop3A_566 = arith.constant 4 : i32
      %parallel_loop3A_567 = vector.broadcast %parallel_loop3A_566 : i32 to vector<16xi32>
      %parallel_loop3A_568 = arith.shli %parallel_loop3A_565, %parallel_loop3A_567 : vector<16xi32>
      %parallel_loop3A_569 = arith.addi %parallel_loop3A_568, %add3A_13 : vector<16xi32>
      tpu.vector_store_idx %arg6[%parallel_loop3A_569], %broadcast_in_dim3A_3 {add = true} : memref<16384xi32, #tpu.memory_space<vmem>>[vector<16xi32>], vector<16xi32>,
      %parallel_loop3A_570 = arith.maxsi %parallel_loop3A_547, %parallel_loop3A_565 : vector<16xi32>
      %parallel_loop3A_571 = arith.constant 8 : i32
      %parallel_loop3A_572 = arith.muli %parallel_loop3A_546, %parallel_loop3A_571 : i32
      %parallel_loop3A_573 = arith.constant 1 : i32
      %parallel_loop3A_574 = arith.addi %parallel_loop3A_572, %parallel_loop3A_573 : i32
      %parallel_loop3A_575 = arith.constant 16 : i32
      %parallel_loop3A_576 = arith.muli %parallel_loop3A_574, %parallel_loop3A_575 : i32
      %parallel_loop3A_577 = arith.index_cast %parallel_loop3A_576 : i32 to index
      %parallel_loop3A_578 = tpu.vector_load %arg5[%parallel_loop3A_577] {strides = array<i32>} : memref<32768xi32, #tpu.memory_space<vmem>>, vector<16xi32>,
      %parallel_loop3A_579 = arith.constant 22 : i32
      %parallel_loop3A_580 = vector.broadcast %parallel_loop3A_579 : i32 to vector<16xi32>
      %parallel_loop3A_581 = arith.shrsi %parallel_loop3A_578, %parallel_loop3A_580 : vector<16xi32>
      %parallel_loop3A_582 = arith.constant 31 : i32
      %parallel_loop3A_583 = vector.broadcast %parallel_loop3A_582 : i32 to vector<16xi32>
      %parallel_loop3A_584 = arith.shrsi %parallel_loop3A_578, %parallel_loop3A_583 : vector<16xi32>
      %parallel_loop3A_585 = arith.constant 511 : i32
      %parallel_loop3A_586 = vector.broadcast %parallel_loop3A_585 : i32 to vector<16xi32>
      %parallel_loop3A_587 = arith.andi %parallel_loop3A_584, %parallel_loop3A_586 : vector<16xi32>
      %parallel_loop3A_588 = arith.xori %parallel_loop3A_581, %parallel_loop3A_587 : vector<16xi32>
      %parallel_loop3A_589 = arith.constant 4 : i32
      %parallel_loop3A_590 = vector.broadcast %parallel_loop3A_589 : i32 to vector<16xi32>
      %parallel_loop3A_591 = arith.shli %parallel_loop3A_588, %parallel_loop3A_590 : vector<16xi32>
      %parallel_loop3A_592 = arith.addi %parallel_loop3A_591, %add3A_22 : vector<16xi32>
      tpu.vector_store_idx %arg6[%parallel_loop3A_592], %broadcast_in_dim3A_3 {add = true} : memref<16384xi32, #tpu.memory_space<vmem>>[vector<16xi32>], vector<16xi32>,
      %parallel_loop3A_593 = arith.maxsi %parallel_loop3A_570, %parallel_loop3A_588 : vector<16xi32>
      %parallel_loop3A_594 = arith.constant 8 : i32
      %parallel_loop3A_595 = arith.muli %parallel_loop3A_546, %parallel_loop3A_594 : i32
      %parallel_loop3A_596 = arith.constant 2 : i32
      %parallel_loop3A_597 = arith.addi %parallel_loop3A_595, %parallel_loop3A_596 : i32
      %parallel_loop3A_598 = arith.constant 16 : i32
      %parallel_loop3A_599 = arith.muli %parallel_loop3A_597, %parallel_loop3A_598 : i32
      %parallel_loop3A_600 = arith.index_cast %parallel_loop3A_599 : i32 to index
      %parallel_loop3A_601 = tpu.vector_load %arg5[%parallel_loop3A_600] {strides = array<i32>} : memref<32768xi32, #tpu.memory_space<vmem>>, vector<16xi32>,
      %parallel_loop3A_602 = arith.constant 22 : i32
      %parallel_loop3A_603 = vector.broadcast %parallel_loop3A_602 : i32 to vector<16xi32>
      %parallel_loop3A_604 = arith.shrsi %parallel_loop3A_601, %parallel_loop3A_603 : vector<16xi32>
      %parallel_loop3A_605 = arith.constant 31 : i32
      %parallel_loop3A_606 = vector.broadcast %parallel_loop3A_605 : i32 to vector<16xi32>
      %parallel_loop3A_607 = arith.shrsi %parallel_loop3A_601, %parallel_loop3A_606 : vector<16xi32>
      %parallel_loop3A_608 = arith.constant 511 : i32
      %parallel_loop3A_609 = vector.broadcast %parallel_loop3A_608 : i32 to vector<16xi32>
      %parallel_loop3A_610 = arith.andi %parallel_loop3A_607, %parallel_loop3A_609 : vector<16xi32>
      %parallel_loop3A_611 = arith.xori %parallel_loop3A_604, %parallel_loop3A_610 : vector<16xi32>
      %parallel_loop3A_612 = arith.constant 4 : i32
      %parallel_loop3A_613 = vector.broadcast %parallel_loop3A_612 : i32 to vector<16xi32>
      %parallel_loop3A_614 = arith.shli %parallel_loop3A_611, %parallel_loop3A_613 : vector<16xi32>
      %parallel_loop3A_615 = arith.addi %parallel_loop3A_614, %add3A_31 : vector<16xi32>
      tpu.vector_store_idx %arg6[%parallel_loop3A_615], %broadcast_in_dim3A_3 {add = true} : memref<16384xi32, #tpu.memory_space<vmem>>[vector<16xi32>], vector<16xi32>,
      %parallel_loop3A_616 = arith.maxsi %parallel_loop3A_593, %parallel_loop3A_611 : vector<16xi32>
      %parallel_loop3A_617 = arith.constant 8 : i32
      %parallel_loop3A_618 = arith.muli %parallel_loop3A_546, %parallel_loop3A_617 : i32
      %parallel_loop3A_619 = arith.constant 3 : i32
      %parallel_loop3A_620 = arith.addi %parallel_loop3A_618, %parallel_loop3A_619 : i32
      %parallel_loop3A_621 = arith.constant 16 : i32
      %parallel_loop3A_622 = arith.muli %parallel_loop3A_620, %parallel_loop3A_621 : i32
      %parallel_loop3A_623 = arith.index_cast %parallel_loop3A_622 : i32 to index
      %parallel_loop3A_624 = tpu.vector_load %arg5[%parallel_loop3A_623] {strides = array<i32>} : memref<32768xi32, #tpu.memory_space<vmem>>, vector<16xi32>,
      %parallel_loop3A_625 = arith.constant 22 : i32
      %parallel_loop3A_626 = vector.broadcast %parallel_loop3A_625 : i32 to vector<16xi32>
      %parallel_loop3A_627 = arith.shrsi %parallel_loop3A_624, %parallel_loop3A_626 : vector<16xi32>
      %parallel_loop3A_628 = arith.constant 31 : i32
      %parallel_loop3A_629 = vector.broadcast %parallel_loop3A_628 : i32 to vector<16xi32>
      %parallel_loop3A_630 = arith.shrsi %parallel_loop3A_624, %parallel_loop3A_629 : vector<16xi32>
      %parallel_loop3A_631 = arith.constant 511 : i32
      %parallel_loop3A_632 = vector.broadcast %parallel_loop3A_631 : i32 to vector<16xi32>
      %parallel_loop3A_633 = arith.andi %parallel_loop3A_630, %parallel_loop3A_632 : vector<16xi32>
      %parallel_loop3A_634 = arith.xori %parallel_loop3A_627, %parallel_loop3A_633 : vector<16xi32>
      %parallel_loop3A_635 = arith.constant 4 : i32
      %parallel_loop3A_636 = vector.broadcast %parallel_loop3A_635 : i32 to vector<16xi32>
      %parallel_loop3A_637 = arith.shli %parallel_loop3A_634, %parallel_loop3A_636 : vector<16xi32>
      %parallel_loop3A_638 = arith.addi %parallel_loop3A_637, %add3A_40 : vector<16xi32>
      tpu.vector_store_idx %arg6[%parallel_loop3A_638], %broadcast_in_dim3A_3 {add = true} : memref<16384xi32, #tpu.memory_space<vmem>>[vector<16xi32>], vector<16xi32>,
      %parallel_loop3A_639 = arith.maxsi %parallel_loop3A_616, %parallel_loop3A_634 : vector<16xi32>
      %parallel_loop3A_640 = arith.constant 8 : i32
      %parallel_loop3A_641 = arith.muli %parallel_loop3A_546, %parallel_loop3A_640 : i32
      %parallel_loop3A_642 = arith.constant 4 : i32
      %parallel_loop3A_643 = arith.addi %parallel_loop3A_641, %parallel_loop3A_642 : i32
      %parallel_loop3A_644 = arith.constant 16 : i32
      %parallel_loop3A_645 = arith.muli %parallel_loop3A_643, %parallel_loop3A_644 : i32
      %parallel_loop3A_646 = arith.index_cast %parallel_loop3A_645 : i32 to index
      %parallel_loop3A_647 = tpu.vector_load %arg5[%parallel_loop3A_646] {strides = array<i32>} : memref<32768xi32, #tpu.memory_space<vmem>>, vector<16xi32>,
      %parallel_loop3A_648 = arith.constant 22 : i32
      %parallel_loop3A_649 = vector.broadcast %parallel_loop3A_648 : i32 to vector<16xi32>
      %parallel_loop3A_650 = arith.shrsi %parallel_loop3A_647, %parallel_loop3A_649 : vector<16xi32>
      %parallel_loop3A_651 = arith.constant 31 : i32
      %parallel_loop3A_652 = vector.broadcast %parallel_loop3A_651 : i32 to vector<16xi32>
      %parallel_loop3A_653 = arith.shrsi %parallel_loop3A_647, %parallel_loop3A_652 : vector<16xi32>
      %parallel_loop3A_654 = arith.constant 511 : i32
      %parallel_loop3A_655 = vector.broadcast %parallel_loop3A_654 : i32 to vector<16xi32>
      %parallel_loop3A_656 = arith.andi %parallel_loop3A_653, %parallel_loop3A_655 : vector<16xi32>
      %parallel_loop3A_657 = arith.xori %parallel_loop3A_650, %parallel_loop3A_656 : vector<16xi32>
      %parallel_loop3A_658 = arith.constant 4 : i32
      %parallel_loop3A_659 = vector.broadcast %parallel_loop3A_658 : i32 to vector<16xi32>
      %parallel_loop3A_660 = arith.shli %parallel_loop3A_657, %parallel_loop3A_659 : vector<16xi32>
      %parallel_loop3A_661 = arith.addi %parallel_loop3A_660, %add3A_49 : vector<16xi32>
      tpu.vector_store_idx %arg6[%parallel_loop3A_661], %broadcast_in_dim3A_3 {add = true} : memref<16384xi32, #tpu.memory_space<vmem>>[vector<16xi32>], vector<16xi32>,
      %parallel_loop3A_662 = arith.maxsi %parallel_loop3A_639, %parallel_loop3A_657 : vector<16xi32>
      %parallel_loop3A_663 = arith.constant 8 : i32
      %parallel_loop3A_664 = arith.muli %parallel_loop3A_546, %parallel_loop3A_663 : i32
      %parallel_loop3A_665 = arith.constant 5 : i32
      %parallel_loop3A_666 = arith.addi %parallel_loop3A_664, %parallel_loop3A_665 : i32
      %parallel_loop3A_667 = arith.constant 16 : i32
      %parallel_loop3A_668 = arith.muli %parallel_loop3A_666, %parallel_loop3A_667 : i32
      %parallel_loop3A_669 = arith.index_cast %parallel_loop3A_668 : i32 to index
      %parallel_loop3A_670 = tpu.vector_load %arg5[%parallel_loop3A_669] {strides = array<i32>} : memref<32768xi32, #tpu.memory_space<vmem>>, vector<16xi32>,
      %parallel_loop3A_671 = arith.constant 22 : i32
      %parallel_loop3A_672 = vector.broadcast %parallel_loop3A_671 : i32 to vector<16xi32>
      %parallel_loop3A_673 = arith.shrsi %parallel_loop3A_670, %parallel_loop3A_672 : vector<16xi32>
      %parallel_loop3A_674 = arith.constant 31 : i32
      %parallel_loop3A_675 = vector.broadcast %parallel_loop3A_674 : i32 to vector<16xi32>
      %parallel_loop3A_676 = arith.shrsi %parallel_loop3A_670, %parallel_loop3A_675 : vector<16xi32>
      %parallel_loop3A_677 = arith.constant 511 : i32
      %parallel_loop3A_678 = vector.broadcast %parallel_loop3A_677 : i32 to vector<16xi32>
      %parallel_loop3A_679 = arith.andi %parallel_loop3A_676, %parallel_loop3A_678 : vector<16xi32>
      %parallel_loop3A_680 = arith.xori %parallel_loop3A_673, %parallel_loop3A_679 : vector<16xi32>
      %parallel_loop3A_681 = arith.constant 4 : i32
      %parallel_loop3A_682 = vector.broadcast %parallel_loop3A_681 : i32 to vector<16xi32>
      %parallel_loop3A_683 = arith.shli %parallel_loop3A_680, %parallel_loop3A_682 : vector<16xi32>
      %parallel_loop3A_684 = arith.addi %parallel_loop3A_683, %add3A_58 : vector<16xi32>
      tpu.vector_store_idx %arg6[%parallel_loop3A_684], %broadcast_in_dim3A_3 {add = true} : memref<16384xi32, #tpu.memory_space<vmem>>[vector<16xi32>], vector<16xi32>,
      %parallel_loop3A_685 = arith.maxsi %parallel_loop3A_662, %parallel_loop3A_680 : vector<16xi32>
      %parallel_loop3A_686 = arith.constant 8 : i32
      %parallel_loop3A_687 = arith.muli %parallel_loop3A_546, %parallel_loop3A_686 : i32
      %parallel_loop3A_688 = arith.constant 6 : i32
      %parallel_loop3A_689 = arith.addi %parallel_loop3A_687, %parallel_loop3A_688 : i32
      %parallel_loop3A_690 = arith.constant 16 : i32
      %parallel_loop3A_691 = arith.muli %parallel_loop3A_689, %parallel_loop3A_690 : i32
      %parallel_loop3A_692 = arith.index_cast %parallel_loop3A_691 : i32 to index
      %parallel_loop3A_693 = tpu.vector_load %arg5[%parallel_loop3A_692] {strides = array<i32>} : memref<32768xi32, #tpu.memory_space<vmem>>, vector<16xi32>,
      %parallel_loop3A_694 = arith.constant 22 : i32
      %parallel_loop3A_695 = vector.broadcast %parallel_loop3A_694 : i32 to vector<16xi32>
      %parallel_loop3A_696 = arith.shrsi %parallel_loop3A_693, %parallel_loop3A_695 : vector<16xi32>
      %parallel_loop3A_697 = arith.constant 31 : i32
      %parallel_loop3A_698 = vector.broadcast %parallel_loop3A_697 : i32 to vector<16xi32>
      %parallel_loop3A_699 = arith.shrsi %parallel_loop3A_693, %parallel_loop3A_698 : vector<16xi32>
      %parallel_loop3A_700 = arith.constant 511 : i32
      %parallel_loop3A_701 = vector.broadcast %parallel_loop3A_700 : i32 to vector<16xi32>
      %parallel_loop3A_702 = arith.andi %parallel_loop3A_699, %parallel_loop3A_701 : vector<16xi32>
      %parallel_loop3A_703 = arith.xori %parallel_loop3A_696, %parallel_loop3A_702 : vector<16xi32>
      %parallel_loop3A_704 = arith.constant 4 : i32
      %parallel_loop3A_705 = vector.broadcast %parallel_loop3A_704 : i32 to vector<16xi32>
      %parallel_loop3A_706 = arith.shli %parallel_loop3A_703, %parallel_loop3A_705 : vector<16xi32>
      %parallel_loop3A_707 = arith.addi %parallel_loop3A_706, %add3A_67 : vector<16xi32>
      tpu.vector_store_idx %arg6[%parallel_loop3A_707], %broadcast_in_dim3A_3 {add = true} : memref<16384xi32, #tpu.memory_space<vmem>>[vector<16xi32>], vector<16xi32>,
      %parallel_loop3A_708 = arith.maxsi %parallel_loop3A_685, %parallel_loop3A_703 : vector<16xi32>
      %parallel_loop3A_709 = arith.constant 8 : i32
      %parallel_loop3A_710 = arith.muli %parallel_loop3A_546, %parallel_loop3A_709 : i32
      %parallel_loop3A_711 = arith.constant 7 : i32
      %parallel_loop3A_712 = arith.addi %parallel_loop3A_710, %parallel_loop3A_711 : i32
      %parallel_loop3A_713 = arith.constant 16 : i32
      %parallel_loop3A_714 = arith.muli %parallel_loop3A_712, %parallel_loop3A_713 : i32
      %parallel_loop3A_715 = arith.index_cast %parallel_loop3A_714 : i32 to index
      %parallel_loop3A_716 = tpu.vector_load %arg5[%parallel_loop3A_715] {strides = array<i32>} : memref<32768xi32, #tpu.memory_space<vmem>>, vector<16xi32>,
      %parallel_loop3A_717 = arith.constant 22 : i32
      %parallel_loop3A_718 = vector.broadcast %parallel_loop3A_717 : i32 to vector<16xi32>
      %parallel_loop3A_719 = arith.shrsi %parallel_loop3A_716, %parallel_loop3A_718 : vector<16xi32>
      %parallel_loop3A_720 = arith.constant 31 : i32
      %parallel_loop3A_721 = vector.broadcast %parallel_loop3A_720 : i32 to vector<16xi32>
      %parallel_loop3A_722 = arith.shrsi %parallel_loop3A_716, %parallel_loop3A_721 : vector<16xi32>
      %parallel_loop3A_723 = arith.constant 511 : i32
      %parallel_loop3A_724 = vector.broadcast %parallel_loop3A_723 : i32 to vector<16xi32>
      %parallel_loop3A_725 = arith.andi %parallel_loop3A_722, %parallel_loop3A_724 : vector<16xi32>
      %parallel_loop3A_726 = arith.xori %parallel_loop3A_719, %parallel_loop3A_725 : vector<16xi32>
      %parallel_loop3A_727 = arith.constant 4 : i32
      %parallel_loop3A_728 = vector.broadcast %parallel_loop3A_727 : i32 to vector<16xi32>
      %parallel_loop3A_729 = arith.shli %parallel_loop3A_726, %parallel_loop3A_728 : vector<16xi32>
      %parallel_loop3A_730 = arith.addi %parallel_loop3A_729, %add3A_76 : vector<16xi32>
      tpu.vector_store_idx %arg6[%parallel_loop3A_730], %broadcast_in_dim3A_3 {add = true} : memref<16384xi32, #tpu.memory_space<vmem>>[vector<16xi32>], vector<16xi32>,
      %parallel_loop3A_731 = arith.maxsi %parallel_loop3A_708, %parallel_loop3A_726 : vector<16xi32>
      scf.yield %parallel_loop3A_731 : vector<16xi32>
    } {sc.loop_unroll_factor = 1 : i64, sc.parallel_access}
    %reduce_max3A_441 = arith.constant true
    %reduce_max3A_442 = vector.broadcast %reduce_max3A_441 : i1 to vector<16xi1>
    %reduce_max3A_443 = arith.constant -2147483648 : i32
    %reduce_max3A_444 = vector.broadcast %reduce_max3A_443 : i32 to vector<16xi32>
    %reduce_max3A_445 = arith.xori %parallel_loop3A_440, %reduce_max3A_444 : vector<16xi32>
    %reduce_max3A_446 = tpu.scan <max>, %reduce_max3A_445 masked %reduce_max3A_442 : vector<16xi32>, vector<16xi1> -> vector<16xi32>
    %reduce_max3A_447 = arith.xori %reduce_max3A_446, %reduce_max3A_444 : vector<16xi32>
    %reduce_max3A_448 = vector.extract %reduce_max3A_447[15] : i32 from vector<16xi32>
    %mul3A_449 = arith.constant 16 : i32
    %mul3A_450 = arith.muli %reduce_max3A_448, %mul3A_449 : i32
    %add3A_451 = arith.constant 8192 : i32
    %add3A_452 = arith.addi %mul3A_450, %add3A_451 : i32
    %get3A_453 = arith.index_cast %add3A_452 : i32 to index
    %get3A_454 = tpu.vector_load %arg6[%get3A_453] {strides = array<i32>} : memref<16384xi32, #tpu.memory_space<vmem>>, vector<16xi32>,
    %reduce_sum3A_455 = arith.constant true
    %reduce_sum3A_456 = vector.broadcast %reduce_sum3A_455 : i1 to vector<16xi1>
    %reduce_sum3A_457 = tpu.scan <sum>, %get3A_454 masked %reduce_sum3A_456 : vector<16xi32>, vector<16xi1> -> vector<16xi32>
    %reduce_sum3A_458 = vector.extract %reduce_sum3A_457[15] : i32 from vector<16xi32>
    %while3A_459 = arith.constant 0 : i32
    %while3A_460:3 = scf.while (%while3A_546 = %reduce_max3A_448, %while3A_547 = %while3A_459, %while3A_548 = %reduce_sum3A_458) : (i32, i32, i32) -> (i32, i32, i32) {
      %add3A_549 = arith.addi %while3A_547, %while3A_548 : i32
      %lt3A_550 = arith.constant 64 : i32
      %lt3A_551 = arith.cmpi slt, %add3A_549, %lt3A_550 : i32
      scf.condition(%lt3A_551) %while3A_546, %while3A_547, %while3A_548 : i32, i32, i32
    } do {
    ^bb0(%while3A_546: i32, %while3A_547: i32, %while3A_548: i32):
      %sub3A_549 = arith.constant 1 : i32
      %sub3A_550 = arith.subi %while3A_546, %sub3A_549 : i32
      %add3A_551 = arith.addi %while3A_547, %while3A_548 : i32
      %sub3A_552 = arith.constant 1 : i32
      %sub3A_553 = arith.subi %while3A_546, %sub3A_552 : i32
      %mul3A_554 = arith.constant 16 : i32
      %mul3A_555 = arith.muli %sub3A_553, %mul3A_554 : i32
      %add3A_556 = arith.constant 8192 : i32
      %add3A_557 = arith.addi %mul3A_555, %add3A_556 : i32
      %get3A_558 = arith.index_cast %add3A_557 : i32 to index
      %get3A_559 = tpu.vector_load %arg6[%get3A_558] {strides = array<i32>} : memref<16384xi32, #tpu.memory_space<vmem>>, vector<16xi32>,
      %reduce_sum3A_560 = arith.constant true
      %reduce_sum3A_561 = vector.broadcast %reduce_sum3A_560 : i1 to vector<16xi1>
      %reduce_sum3A_562 = tpu.scan <sum>, %get3A_559 masked %reduce_sum3A_561 : vector<16xi32>, vector<16xi1> -> vector<16xi32>
      %reduce_sum3A_563 = vector.extract %reduce_sum3A_562[15] : i32 from vector<16xi32>
      scf.yield %sub3A_550, %add3A_551, %reduce_sum3A_563 : i32, i32, i32
    }
    %sub3A_461 = arith.constant 64 : i32
    %sub3A_462 = arith.subi %sub3A_461, %while3A_460#1 : i32
    %parallel_loop3A_463 = arith.constant 0 : i32
    %parallel_loop3A_464 = arith.constant 2048 : i32
    %parallel_loop3A_465 = arith.constant 1 : i32
    %parallel_loop3A_466 = scf.for %parallel_loop3A_546 = %parallel_loop3A_463 to %parallel_loop3A_464 step %parallel_loop3A_465 iter_args(%parallel_loop3A_547 = %broadcast_in_dim3A_5) -> (vector<16xi32>)  : i32 {
      %parallel_loop3A_548 = arith.constant 16 : i32
      %parallel_loop3A_549 = arith.muli %parallel_loop3A_546, %parallel_loop3A_548 : i32
      %parallel_loop3A_550 = arith.index_cast %parallel_loop3A_549 : i32 to index
      %parallel_loop3A_551 = tpu.vector_load %arg5[%parallel_loop3A_550] {strides = array<i32>} : memref<32768xi32, #tpu.memory_space<vmem>>, vector<16xi32>,
      %parallel_loop3A_552 = arith.constant 31 : i32
      %parallel_loop3A_553 = vector.broadcast %parallel_loop3A_552 : i32 to vector<16xi32>
      %parallel_loop3A_554 = arith.shrsi %parallel_loop3A_551, %parallel_loop3A_553 : vector<16xi32>
      %parallel_loop3A_555 = arith.constant 2147483647 : i32
      %parallel_loop3A_556 = vector.broadcast %parallel_loop3A_555 : i32 to vector<16xi32>
      %parallel_loop3A_557 = arith.andi %parallel_loop3A_554, %parallel_loop3A_556 : vector<16xi32>
      %parallel_loop3A_558 = arith.xori %parallel_loop3A_551, %parallel_loop3A_557 : vector<16xi32>
      %parallel_loop3A_559 = arith.constant 22 : i32
      %parallel_loop3A_560 = vector.broadcast %parallel_loop3A_559 : i32 to vector<16xi32>
      %parallel_loop3A_561 = arith.shrsi %parallel_loop3A_558, %parallel_loop3A_560 : vector<16xi32>
      %parallel_loop3A_562 = vector.broadcast %while3A_460#0 : i32 to vector<16xi32>
      %parallel_loop3A_563 = arith.cmpi eq, %parallel_loop3A_561, %parallel_loop3A_562 : vector<16xi32>
      %parallel_loop3A_564 = arith.constant 4 : i32
      %parallel_loop3A_565 = vector.broadcast %parallel_loop3A_564 : i32 to vector<16xi32>
      %parallel_loop3A_566 = arith.shli %parallel_loop3A_547, %parallel_loop3A_565 : vector<16xi32>
      %parallel_loop3A_567 = arith.ori %parallel_loop3A_566, %iota3A : vector<16xi32>
      tpu.vector_store_idx %arg7[%parallel_loop3A_567], %parallel_loop3A_558 masked %parallel_loop3A_563 : memref<32768xi32, #tpu.memory_space<vmem>>[vector<16xi32>], vector<16xi32>, vector<16xi1>
      %parallel_loop3A_568 = arith.extui %parallel_loop3A_563 : vector<16xi1> to vector<16xi32>
      %parallel_loop3A_569 = arith.addi %parallel_loop3A_547, %parallel_loop3A_568 : vector<16xi32>
      scf.yield %parallel_loop3A_569 : vector<16xi32>
    } {sc.loop_unroll_factor = 8 : i64, sc.parallel_access}
    %reduce_max3A_467 = arith.constant true
    %reduce_max3A_468 = vector.broadcast %reduce_max3A_467 : i1 to vector<16xi1>
    %reduce_max3A_469 = arith.constant -2147483648 : i32
    %reduce_max3A_470 = vector.broadcast %reduce_max3A_469 : i32 to vector<16xi32>
    %reduce_max3A_471 = arith.xori %parallel_loop3A_466, %reduce_max3A_470 : vector<16xi32>
    %reduce_max3A_472 = tpu.scan <max>, %reduce_max3A_471 masked %reduce_max3A_468 : vector<16xi32>, vector<16xi1> -> vector<16xi32>
    %reduce_max3A_473 = arith.xori %reduce_max3A_472, %reduce_max3A_470 : vector<16xi32>
    %reduce_max3A_474 = vector.extract %reduce_max3A_473[15] : i32 from vector<16xi32>
    %parallel_loop3A_475 = arith.constant 0 : i32
    %parallel_loop3A_476 = arith.constant 1024 : i32
    %parallel_loop3A_477 = arith.constant 1 : i32
    scf.for %parallel_loop3A_546 = %parallel_loop3A_475 to %parallel_loop3A_476 step %parallel_loop3A_477  : i32 {
      %parallel_loop3A_547 = arith.constant 16 : i32
      %parallel_loop3A_548 = arith.muli %parallel_loop3A_546, %parallel_loop3A_547 : i32
      %parallel_loop3A_549 = arith.index_cast %parallel_loop3A_548 : i32 to index
      %parallel_loop3A_550 = tpu.vector_load %arg6[%parallel_loop3A_549] {strides = array<i32>} : memref<16384xi32, #tpu.memory_space<vmem>>, vector<16xi32>,
      tpu.vector_store %arg6[%parallel_loop3A_549], %broadcast_in_dim3A_5 {strides = array<i32>} : memref<16384xi32, #tpu.memory_space<vmem>>, vector<16xi32>,
    } {sc.loop_unroll_factor = 8 : i64, sc.parallel_access}
    %while3A_478 = arith.constant 0 : i32
    %while3A_479 = arith.constant 0 : i32
    %while3A_480 = arith.subi %reduce_max3A_474, %while3A_478 : i32
    %while3A_481 = arith.addi %while3A_478, %while3A_480 : i32
    %while3A_482 = arith.constant 1 : i32
    %while3A_483 = arith.divsi %while3A_480, %while3A_482 : i32
    %while3A_484 = arith.muli %while3A_483, %while3A_482 : i32
    %while3A_485 = arith.addi %while3A_478, %while3A_484 : i32
    %while3A_486 = arith.constant 1 : i32
    %while3A_487 = scf.for %while3A_546 = %while3A_478 to %while3A_485 step %while3A_486 iter_args(%while3A_547 = %while3A_479) -> (i32)  : i32 {
      %mul3A_548 = arith.constant 16 : i32
      %mul3A_549 = arith.muli %while3A_546, %mul3A_548 : i32
      %get3A_550 = arith.index_cast %mul3A_549 : i32 to index
      %get3A_551 = tpu.vector_load %arg7[%get3A_550] {strides = array<i32>} : memref<32768xi32, #tpu.memory_space<vmem>>, vector<16xi32>,
      %lt3A_552 = vector.broadcast %while3A_546 : i32 to vector<16xi32>
      %lt3A_553 = arith.cmpi slt, %lt3A_552, %parallel_loop3A_466 : vector<16xi32>
      %jit3A = arith.constant -2147483648 : i32
      %broadcast_in_dim3A_554 = vector.broadcast %jit3A : i32 to vector<16xi32>
      %select_n3A = arith.select %lt3A_553, %get3A_551, %broadcast_in_dim3A_554 : vector<16xi1>, vector<16xi32>
      %swap3A = arith.index_cast %mul3A_549 : i32 to index
      %swap3A_555 = tpu.vector_load %arg7[%swap3A] {strides = array<i32>} : memref<32768xi32, #tpu.memory_space<vmem>>, vector<16xi32>,
      tpu.vector_store %arg7[%swap3A], %select_n3A {strides = array<i32>} : memref<32768xi32, #tpu.memory_space<vmem>>, vector<16xi32>,
      %while3A_556 = arith.constant 0 : i32
      scf.yield %while3A_556 : i32
    }
    %while3A_488 = arith.constant 1 : i32
    %while3A_489 = scf.for %while3A_546 = %while3A_485 to %while3A_481 step %while3A_488 iter_args(%while3A_547 = %while3A_487) -> (i32)  : i32 {
      %mul3A_548 = arith.constant 16 : i32
      %mul3A_549 = arith.muli %while3A_546, %mul3A_548 : i32
      %get3A_550 = arith.index_cast %mul3A_549 : i32 to index
      %get3A_551 = tpu.vector_load %arg7[%get3A_550] {strides = array<i32>} : memref<32768xi32, #tpu.memory_space<vmem>>, vector<16xi32>,
      %lt3A_552 = vector.broadcast %while3A_546 : i32 to vector<16xi32>
      %lt3A_553 = arith.cmpi slt, %lt3A_552, %parallel_loop3A_466 : vector<16xi32>
      %jit3A = arith.constant -2147483648 : i32
      %broadcast_in_dim3A_554 = vector.broadcast %jit3A : i32 to vector<16xi32>
      %select_n3A = arith.select %lt3A_553, %get3A_551, %broadcast_in_dim3A_554 : vector<16xi1>, vector<16xi32>
      %swap3A = arith.index_cast %mul3A_549 : i32 to index
      %swap3A_555 = tpu.vector_load %arg7[%swap3A] {strides = array<i32>} : memref<32768xi32, #tpu.memory_space<vmem>>, vector<16xi32>,
      tpu.vector_store %arg7[%swap3A], %select_n3A {strides = array<i32>} : memref<32768xi32, #tpu.memory_space<vmem>>, vector<16xi32>,
      %while3A_556 = arith.constant 0 : i32
      scf.yield %while3A_556 : i32
    }
    %broadcast_in_dim3A_490 = arith.constant 1 : i32
    %broadcast_in_dim3A_491 = vector.broadcast %broadcast_in_dim3A_490 : i32 to vector<16xi32>
    %mul3A_492 = vector.broadcast %sub3A_462 : i32 to vector<16xi32>
    %mul3A_493 = arith.muli %broadcast_in_dim3A_491, %mul3A_492 : vector<16xi32>
    %broadcast_in_dim3A_494 = arith.constant 1 : i32
    %broadcast_in_dim3A_495 = vector.broadcast %broadcast_in_dim3A_494 : i32 to vector<16xi32>
    %shift_left3A_496 = arith.constant 22 : i32
    %shift_left3A_497 = arith.shli %while3A_460#0, %shift_left3A_496 : i32
    %mul3A_498 = vector.broadcast %shift_left3A_497 : i32 to vector<16xi32>
    %mul3A_499 = arith.muli %broadcast_in_dim3A_495, %mul3A_498 : vector<16xi32>
    %scan3A_500 = arith.constant 0 : i32
    %scan3A_501 = arith.constant 22 : i32
    %scan3A_502 = arith.addi %scan3A_500, %scan3A_501 : i32
    %scan3A_503 = arith.constant 1 : i32
    %scan3A_504 = scf.for %scan3A_546 = %scan3A_500 to %scan3A_502 step %scan3A_503 iter_args(%scan3A_547 = %mul3A_499) -> (vector<16xi32>)  : i32 {
      %broadcast_in_dim3A_548 = arith.constant 1 : i32
      %broadcast_in_dim3A_549 = vector.broadcast %broadcast_in_dim3A_548 : i32 to vector<16xi32>
      %sub3A_550 = arith.constant 21 : i32
      %sub3A_551 = arith.subi %sub3A_550, %scan3A_546 : i32
      %shift_left3A_552 = vector.broadcast %sub3A_551 : i32 to vector<16xi32>
      %shift_left3A_553 = arith.shli %broadcast_in_dim3A_549, %shift_left3A_552 : vector<16xi32>
      %or3A = arith.ori %scan3A_547, %shift_left3A_553 : vector<16xi32>
      %while3A_554 = arith.constant 0 : i32
      %while3A_555 = arith.subi %reduce_max3A_474, %while3A_554 : i32
      %while3A_556 = arith.addi %while3A_554, %while3A_555 : i32
      %while3A_557 = arith.constant 1 : i32
      %while3A_558 = arith.divsi %while3A_555, %while3A_557 : i32
      %while3A_559 = arith.muli %while3A_558, %while3A_557 : i32
      %while3A_560 = arith.addi %while3A_554, %while3A_559 : i32
      %while3A_561 = arith.constant 1 : i32
      %while3A_562 = scf.for %while3A_566 = %while3A_554 to %while3A_560 step %while3A_561 iter_args(%while3A_567 = %broadcast_in_dim3A_5) -> (vector<16xi32>)  : i32 {
        %mul3A_568 = arith.constant 16 : i32
        %mul3A_569 = arith.muli %while3A_566, %mul3A_568 : i32
        %get3A_570 = arith.index_cast %mul3A_569 : i32 to index
        %get3A_571 = tpu.vector_load %arg7[%get3A_570] {strides = array<i32>} : memref<32768xi32, #tpu.memory_space<vmem>>, vector<16xi32>,
        %ge3A_572 = arith.cmpi sge, %get3A_571, %or3A : vector<16xi32>
        %all_reduce_population_count3A = tpu.all_reduce %ge3A_572 {dim = 0 : i64, kind = #tpu.reduction_kind<sum>} : vector<16xi1> -> vector<16xi32>
        %add3A_573 = arith.addi %while3A_567, %all_reduce_population_count3A : vector<16xi32>
        scf.yield %add3A_573 : vector<16xi32>
      }
      %while3A_563 = arith.constant 1 : i32
      %while3A_564 = scf.for %while3A_566 = %while3A_560 to %while3A_556 step %while3A_563 iter_args(%while3A_567 = %while3A_562) -> (vector<16xi32>)  : i32 {
        %mul3A_568 = arith.constant 16 : i32
        %mul3A_569 = arith.muli %while3A_566, %mul3A_568 : i32
        %get3A_570 = arith.index_cast %mul3A_569 : i32 to index
        %get3A_571 = tpu.vector_load %arg7[%get3A_570] {strides = array<i32>} : memref<32768xi32, #tpu.memory_space<vmem>>, vector<16xi32>,
        %ge3A_572 = arith.cmpi sge, %get3A_571, %or3A : vector<16xi32>
        %all_reduce_population_count3A = tpu.all_reduce %ge3A_572 {dim = 0 : i64, kind = #tpu.reduction_kind<sum>} : vector<16xi1> -> vector<16xi32>
        %add3A_573 = arith.addi %while3A_567, %all_reduce_population_count3A : vector<16xi32>
        scf.yield %add3A_573 : vector<16xi32>
      }
      %ge3A_565 = arith.cmpi sge, %while3A_564, %mul3A_493 : vector<16xi32>
      %select_n3A = arith.select %ge3A_565, %or3A, %scan3A_547 : vector<16xi1>, vector<16xi32>
      scf.yield %select_n3A : vector<16xi32>
    }
    %scan3A_505 = arith.constant 22 : i32
    %reduce_max3A_506 = arith.constant true
    %reduce_max3A_507 = vector.broadcast %reduce_max3A_506 : i1 to vector<16xi1>
    %reduce_max3A_508 = arith.constant -2147483648 : i32
    %reduce_max3A_509 = vector.broadcast %reduce_max3A_508 : i32 to vector<16xi32>
    %reduce_max3A_510 = arith.xori %scan3A_504, %reduce_max3A_509 : vector<16xi32>
    %reduce_max3A_511 = tpu.scan <max>, %reduce_max3A_510 masked %reduce_max3A_507 : vector<16xi32>, vector<16xi1> -> vector<16xi32>
    %reduce_max3A_512 = arith.xori %reduce_max3A_511, %reduce_max3A_509 : vector<16xi32>
    %reduce_max3A_513 = vector.extract %reduce_max3A_512[15] : i32 from vector<16xi32>
    %ge3A_514 = arith.constant 0 : i32
    %ge3A_515 = arith.cmpi sge, %reduce_max3A_513, %ge3A_514 : i32
    %convert_element_type3A_516 = arith.extui %ge3A_515 : i1 to i32
    %cond3A_517 = arith.constant 1065353216 : i32
    %cond3A_518 = arith.constant 0 : i32
    %cond3A_519 = arith.cmpi ne, %convert_element_type3A_516, %cond3A_518 : i32
    scf.if %cond3A_519 {
      %parallel_loop3A_546 = arith.constant 0 : i32
      %parallel_loop3A_547 = arith.constant 2048 : i32
      %parallel_loop3A_548 = arith.constant 1 : i32
      scf.for %parallel_loop3A_549 = %parallel_loop3A_546 to %parallel_loop3A_547 step %parallel_loop3A_548  : i32 {
        %parallel_loop3A_550 = arith.constant 16 : i32
        %parallel_loop3A_551 = arith.muli %parallel_loop3A_549, %parallel_loop3A_550 : i32
        %parallel_loop3A_552 = arith.index_cast %parallel_loop3A_551 : i32 to index
        %parallel_loop3A_553 = tpu.vector_load %arg5[%parallel_loop3A_552] {strides = array<i32>} : memref<32768xi32, #tpu.memory_space<vmem>>, vector<16xi32>,
        %parallel_loop3A_554 = vector.broadcast %reduce_max3A_513 : i32 to vector<16xi32>
        %parallel_loop3A_555 = arith.cmpi sge, %parallel_loop3A_553, %parallel_loop3A_554 : vector<16xi32>
        %parallel_loop3A_556 = arith.constant 0 : i32
        %parallel_loop3A_557 = vector.broadcast %cond3A_517 : i32 to vector<16xi32>
        %parallel_loop3A_558 = vector.broadcast %parallel_loop3A_556 : i32 to vector<16xi32>
        %parallel_loop3A_559 = arith.select %parallel_loop3A_555, %parallel_loop3A_557, %parallel_loop3A_558 : vector<16xi1>, vector<16xi32>
        %parallel_loop3A_560 = arith.index_cast %parallel_loop3A_551 : i32 to index
        %parallel_loop3A_561 = tpu.vector_load %arg5[%parallel_loop3A_560] {strides = array<i32>} : memref<32768xi32, #tpu.memory_space<vmem>>, vector<16xi32>,
        tpu.vector_store %arg5[%parallel_loop3A_560], %parallel_loop3A_559 {strides = array<i32>} : memref<32768xi32, #tpu.memory_space<vmem>>, vector<16xi32>,
      } {sc.loop_unroll_factor = 8 : i64, sc.parallel_access}
    } else {
    }
    %lt3A_520 = arith.constant 0 : i32
    %lt3A_521 = arith.cmpi slt, %reduce_max3A_513, %lt3A_520 : i32
    %convert_element_type3A_522 = arith.extui %lt3A_521 : i1 to i32
    %cond3A_523 = arith.constant 1065353216 : i32
    %cond3A_524 = arith.constant 0 : i32
    %cond3A_525 = arith.cmpi ne, %convert_element_type3A_522, %cond3A_524 : i32
    scf.if %cond3A_525 {
      %xor3A = arith.constant 2147483647 : i32
      %xor3A_546 = arith.xori %reduce_max3A_513, %xor3A : i32
      %parallel_loop3A_547 = arith.constant 0 : i32
      %parallel_loop3A_548 = arith.constant 2048 : i32
      %parallel_loop3A_549 = arith.constant 1 : i32
      scf.for %parallel_loop3A_550 = %parallel_loop3A_547 to %parallel_loop3A_548 step %parallel_loop3A_549  : i32 {
        %parallel_loop3A_551 = arith.constant 16 : i32
        %parallel_loop3A_552 = arith.muli %parallel_loop3A_550, %parallel_loop3A_551 : i32
        %parallel_loop3A_553 = arith.index_cast %parallel_loop3A_552 : i32 to index
        %parallel_loop3A_554 = tpu.vector_load %arg5[%parallel_loop3A_553] {strides = array<i32>} : memref<32768xi32, #tpu.memory_space<vmem>>, vector<16xi32>,
        %parallel_loop3A_555 = arith.constant 0 : i32
        %parallel_loop3A_556 = vector.broadcast %parallel_loop3A_555 : i32 to vector<16xi32>
        %parallel_loop3A_557 = arith.cmpi sge, %parallel_loop3A_554, %parallel_loop3A_556 : vector<16xi32>
        %parallel_loop3A_558 = vector.broadcast %xor3A_546 : i32 to vector<16xi32>
        %parallel_loop3A_559 = arith.cmpi sle, %parallel_loop3A_554, %parallel_loop3A_558 : vector<16xi32>
        %parallel_loop3A_560 = arith.ori %parallel_loop3A_557, %parallel_loop3A_559 : vector<16xi1>
        %parallel_loop3A_561 = arith.constant 0 : i32
        %parallel_loop3A_562 = vector.broadcast %cond3A_523 : i32 to vector<16xi32>
        %parallel_loop3A_563 = vector.broadcast %parallel_loop3A_561 : i32 to vector<16xi32>
        %parallel_loop3A_564 = arith.select %parallel_loop3A_560, %parallel_loop3A_562, %parallel_loop3A_563 : vector<16xi1>, vector<16xi32>
        %parallel_loop3A_565 = arith.index_cast %parallel_loop3A_552 : i32 to index
        %parallel_loop3A_566 = tpu.vector_load %arg5[%parallel_loop3A_565] {strides = array<i32>} : memref<32768xi32, #tpu.memory_space<vmem>>, vector<16xi32>,
        tpu.vector_store %arg5[%parallel_loop3A_565], %parallel_loop3A_564 {strides = array<i32>} : memref<32768xi32, #tpu.memory_space<vmem>>, vector<16xi32>,
      } {sc.loop_unroll_factor = 8 : i64, sc.parallel_access}
    } else {
    }
    %add3A_526 = arith.constant 3 : i32
    %add3A_527 = arith.addi %mul3A_2, %add3A_526 : i32
    %dma_start3A_528 = arith.constant 0 : i32
    %dma_start3A_529 = tpu.memref_slice %arg3[%add3A_527, %dma_start3A_528] : memref<128x32768xi32, #tpu.memory_space<hbm>> -> memref<1x32768xi32, #tpu.memory_space<hbm>>
    %dma_start3A_530 = tpu.memref_squeeze %dma_start3A_529 : memref<1x32768xi32, #tpu.memory_space<hbm>> -> memref<32768xi32, #tpu.memory_space<hbm>>
    %dma_start3A_531 = arith.constant 0 : i32
    %dma_start3A_532 = tpu.memref_slice %arg3[%add3A_527, %dma_start3A_531] : memref<128x32768xi32, #tpu.memory_space<hbm>> -> memref<1x32768xi32, #tpu.memory_space<hbm>>
    %dma_start3A_533 = tpu.memref_squeeze %dma_start3A_532 : memref<1x32768xi32, #tpu.memory_space<hbm>> -> memref<32768xi32, #tpu.memory_space<hbm>>
    tpu.enqueue_dma source(%arg5 : memref<32768xi32, #tpu.memory_space<vmem>>) target(%dma_start3A_533 : memref<32768xi32, #tpu.memory_space<hbm>>) target_semaphore(%arg11 : memref<!tpu.dma_semaphore, #tpu.memory_space<semaphore_mem>>)
    %dma_wait3A_534 = arith.constant 0 : i32
    %dma_wait3A_535 = tpu.memref_slice %arg3[%add3A_422, %dma_wait3A_534] : memref<128x32768xi32, #tpu.memory_space<hbm>> -> memref<1x32768xi32, #tpu.memory_space<hbm>>
    %dma_wait3A_536 = tpu.memref_squeeze %dma_wait3A_535 : memref<1x32768xi32, #tpu.memory_space<hbm>> -> memref<32768xi32, #tpu.memory_space<hbm>>
    %dma_wait3A_537 = arith.constant 0 : i32
    %dma_wait3A_538 = tpu.memref_slice %arg3[%add3A_422, %dma_wait3A_537] : memref<128x32768xi32, #tpu.memory_space<hbm>> -> memref<1x32768xi32, #tpu.memory_space<hbm>>
    %dma_wait3A_539 = tpu.memref_squeeze %dma_wait3A_538 : memref<1x32768xi32, #tpu.memory_space<hbm>> -> memref<32768xi32, #tpu.memory_space<hbm>>
    tpu.wait_dma2 semaphore(%arg10 : memref<!tpu.dma_semaphore, #tpu.memory_space<semaphore_mem>>) src(%arg4 : memref<32768xi32, #tpu.memory_space<vmem>>) dst(%dma_wait3A_539 : memref<32768xi32, #tpu.memory_space<hbm>>)
    %dma_wait3A_540 = arith.constant 0 : i32
    %dma_wait3A_541 = tpu.memref_slice %arg3[%add3A_527, %dma_wait3A_540] : memref<128x32768xi32, #tpu.memory_space<hbm>> -> memref<1x32768xi32, #tpu.memory_space<hbm>>
    %dma_wait3A_542 = tpu.memref_squeeze %dma_wait3A_541 : memref<1x32768xi32, #tpu.memory_space<hbm>> -> memref<32768xi32, #tpu.memory_space<hbm>>
    %dma_wait3A_543 = arith.constant 0 : i32
    %dma_wait3A_544 = tpu.memref_slice %arg3[%add3A_527, %dma_wait3A_543] : memref<128x32768xi32, #tpu.memory_space<hbm>> -> memref<1x32768xi32, #tpu.memory_space<hbm>>
    %dma_wait3A_545 = tpu.memref_squeeze %dma_wait3A_544 : memref<1x32768xi32, #tpu.memory_space<hbm>> -> memref<32768xi32, #tpu.memory_space<hbm>>
    tpu.wait_dma2 semaphore(%arg11 : memref<!tpu.dma_semaphore, #tpu.memory_space<semaphore_mem>>) src(%arg5 : memref<32768xi32, #tpu.memory_space<vmem>>) dst(%dma_wait3A_545 : memref<32768xi32, #tpu.memory_space<hbm>>)
    return
  }
}

</mosaic_0001>

<sc_bundles>
// kernel: kernel.3.cloned.1.call-start
scs
__scs_entry_jumppad:
0x0: {  	(pc) =	sbr.rel $0x88, $3  }
0x1: {  	(tag) =	ssettag $0x0;
	lr =	simm.s32 $0x1  }
0x2: {  	[smem:$0x3FA0] =	sst lr;
	_ =	strace $0xD0000000  }
0x3: {  	_ = 	snop  }
0x4: {  	_ = 	snop  }
0x5: {  	_ = 	snop  }
0x6: {  	_ = 	snop  }
0x7: {  	_ = 	snop  }
__scs_overlays_trampoline_lowered:
0x8: {  	[smem:$0x3FAF] =	sst s0  }
0x9: {  	[smem:$0x3FB0] =	sst s1  }
0xa: {  	[smem:$0x3FB1] =	sst s2  }
0xb: {  	[smem:$0x3FB2] =	sst s3  }
0xc: {  	[smem:$0x3FB3] =	sst s4  }
0xd: {  	[smem:$0x3FB4] =	sst s5  }
0xe: {  	[smem:$0x3FB5] =	sst s6  }
0xf: {  	[smem:$0x3FB6] =	sst s7  }
0x10: {  	[smem:$0x3FB7] =	sst s8  }
0x11: {  	[smem:$0x3FB8] =	sst s9;
	s0 =	simm.s32 @!p0 $0x0  }
0x12: {  	s1 =	sld [smem:$0x3F9E];
	s0 =	simm.s32 @p0 $0x1  }
0x13: {  	[smem:$0x3FB9] =	sst s0;
	s0 =	simm.s32 @!p1 $0x0  }
0x14: {  	s2 =	sld [smem:$0x3F9D];
	s0 =	simm.s32 @p1 $0x1  }
0x15: {  	[smem:$0x3FBA] =	sst s0;
	s0 =	simm.s32 @!p2 $0x0  }
0x16: {  	s3 =	sld [smem:$0x3FDB];
	s0 =	simm.s32 @p2 $0x1  }
0x17: {  	s4 =	simm.s32 $0x1BF5;
	[smem:$0x3FBC] =	sst s0  }
0x18: {  	s0 =	sld [smem:$0x3F9F];
	_ =	swait.ge [sflag:s4], $0x0  }
0x19: {  	s7 =	sld [smem:$0x3FA0]  }
0x1a: {  	s8 =	sadd.s32 $0xFFFFE003, lr  }
0x1b: {  	s9 =	sadd.s32 $0xFFFFFEF7, lr;
	s5 =	simm.s32 $0xFFFFFFFF;
	p2 =	slt.u32 s8, $0xFFFFF086  }
0x1c: {  	p1 =	slt.u32 s9, $0xF7A;
	s5 =	simm.s32 @!p2 $0x0  }
0x1d: {  	s5 =	simm.s32 @p1 $0x1;
	p0 =	seq.s32 s7, s2  }
0x1e: {  	s7 =	smul.u32 @!p0 $0xF7A, s2;
	p2 =	seq.s32 @!p0 s5, $0x0  }
0x1f: {  	s9 =	smul.u32 $0xF7A, s1;
	s8 =	simm.s32 @!p0 $0x1BF5;
	p2 =	por !p2, p0  }
0x20: {  	[sflag:s8] =	ssyncset.s32 @!p0 $0xFFFFF086;
	s6 =	sadd.s32 @!p0 s3, s7;
	s7 =	simm.s32 @!p0 $0x108  }
0x21: {  	s3 =	sadd.s32 s3, s9;
	s6 =	sadd.s32 @!p0 $0x88, s6;
	s7 =	simm.s32 @p2 $0x1082  }
0x22: {  	[simem:s7], [sflag:s8] =	dma.local @!p0 [hbm:s6], $0xF7A  }
0x23: {  	s9 =	sor.u32 $0xD0000000, s2;
	s6 =	simm.s32 $0x108;
	_ =	swait.ge @!p0 [sflag:s8], $0x0  }
0x24: {  	s3 =	sadd.s32 $0x88, s3;
	s6 =	simm.s32 @!p1 $0x1082;
	[sflag:s4] =	ssyncset.s32 $0xFFFFF086  }
0x25: {  	[simem:s6], [sflag:s4] =	dma.local [hbm:s3], $0xF7A  }
0x26: {  	[smem:$0x3FA0] =	sst s1;
	(tag) =	ssettag s2;
	_ =	strace s9  }
0x27: {  	s1 =	sld [smem:$0x3FB0]  }
0x28: {  	s2 =	sld [smem:$0x3FB1]  }
0x29: {  	s4 =	sld [smem:$0x3FB3]  }
0x2a: {  	p0 =	seq.s32 s5, $0x0;
	s5 =	sld [smem:$0x3FB4]  }
0x2b: {  	s6 =	sld [smem:$0x3FB5]  }
0x2c: {  	s7 =	sld [smem:$0x3FB6]  }
0x2d: {  	s3 =	simm.s32 $0x108;
	s8 =	sld [smem:$0x3FB7]  }
0x2e: {  	s3 =	simm.s32 @!p0 $0x1082;
	s9 =	sld [smem:$0x3FB8]  }
0x2f: {  	lr =	sadd.s32 s0, s3;
	s0 =	sld [smem:$0x3FAF]  }
0x30: {  	s3 =	sld [smem:$0x3FB2]  }
0x31: {  	[smem:$0x3FBB] =	sst s10  }
0x32: {  	s10 =	sld [smem:$0x3FB9];
	_ =	sdelay $0x3  }
0x33: {  	p0 =	seq.s32 s10, $0x1;
	s10 =	sld [smem:$0x3FBB];
	_ =	sdelay $0x3  }
0x34: {  	[smem:$0x3FBB] =	sst s10  }
0x35: {  	s10 =	sld [smem:$0x3FBA];
	_ =	sdelay $0x3  }
0x36: {  	p1 =	seq.s32 s10, $0x1;
	s10 =	sld [smem:$0x3FBB];
	_ =	sdelay $0x3  }
0x37: {  	[smem:$0x3FBB] =	sst s10  }
0x38: {  	s10 =	sld [smem:$0x3FBC]  }
0x39: {  	_ = 	snop;
	(pc) =	sbr.ind lr, $3  }
0x3a: {  	_ = 	snop  }
0x3b: {  	_ = 	snop  }
0x3c: {  	p2 =	seq.s32 s10, $0x1;
	s10 =	sld [smem:$0x3FBB]  }
0x3d: {  	_ =	shalt  }
0x3e: {  	_ =	shalt  }
0x3f: {  	_ =	shalt  }
0x40: {  	_ =	shalt  }
0x41: {  	_ =	shalt  }
0x42: {  	_ =	shalt  }
0x43: {  	_ =	shalt  }
0x44: {  	_ =	shalt  }
0x45: {  	_ =	shalt  }
0x46: {  	_ =	shalt  }
0x47: {  	_ =	shalt  }
0x48: {  	_ =	shalt  }
0x49: {  	_ =	shalt  }
0x4a: {  	_ =	shalt  }
0x4b: {  	_ =	shalt  }
0x4c: {  	_ =	shalt  }
0x4d: {  	_ =	shalt  }
0x4e: {  	_ =	shalt  }
0x4f: {  	_ =	shalt  }
0x50: {  	_ =	shalt  }
0x51: {  	_ =	shalt  }
0x52: {  	_ =	shalt  }
0x53: {  	_ =	shalt  }
0x54: {  	_ =	shalt  }
0x55: {  	_ =	shalt  }
0x56: {  	_ =	shalt  }
0x57: {  	_ =	shalt  }
0x58: {  	_ =	shalt  }
0x59: {  	_ =	shalt  }
0x5a: {  	_ =	shalt  }
0x5b: {  	_ =	shalt  }
0x5c: {  	_ =	shalt  }
0x5d: {  	_ =	shalt  }
0x5e: {  	_ =	shalt  }
0x5f: {  	_ =	shalt  }
0x60: {  	_ =	shalt  }
0x61: {  	_ =	shalt  }
0x62: {  	_ =	shalt  }
0x63: {  	_ =	shalt  }
0x64: {  	_ =	shalt  }
0x65: {  	_ =	shalt  }
0x66: {  	_ =	shalt  }
0x67: {  	_ =	shalt  }
0x68: {  	_ =	shalt  }
0x69: {  	_ =	shalt  }
0x6a: {  	_ =	shalt  }
0x6b: {  	_ =	shalt  }
0x6c: {  	_ =	shalt  }
0x6d: {  	_ =	shalt  }
0x6e: {  	_ =	shalt  }
0x6f: {  	_ =	shalt  }
0x70: {  	_ =	shalt  }
0x71: {  	_ =	shalt  }
0x72: {  	_ =	shalt  }
0x73: {  	_ =	shalt  }
0x74: {  	_ =	shalt  }
0x75: {  	_ =	shalt  }
0x76: {  	_ =	shalt  }
0x77: {  	_ =	shalt  }
0x78: {  	_ =	shalt  }
0x79: {  	_ =	shalt  }
0x7a: {  	_ =	shalt  }
0x7b: {  	_ =	shalt  }
0x7c: {  	_ =	shalt  }
0x7d: {  	_ =	shalt  }
0x7e: {  	_ =	shalt  }
0x7f: {  	_ =	shalt  }
0x80: {  	_ =	shalt  }
0x81: {  	_ =	shalt  }
0x82: {  	_ =	shalt  }
0x83: {  	_ =	shalt  }
0x84: {  	_ =	shalt  }
0x85: {  	_ =	shalt  }
0x86: {  	_ =	shalt  }
0x87: {  	_ =	shalt  }
.Lfunc_end0:
.L_simem_size_0:
called_computation_lowered:
.L_overlay_start_0:
0x88: {  	s2 =	sld [smem:$0x3FD9]  }
0x89: {  	s3 =	sld [smem:$0x3FFE];
	_ =	sdelay $0x1  }
0x8a: {  	s1 =	srdreg.scid  }
0x8b: {  	s0 =	sand.u32 $0x1, s1  }
0x8c: {  	s17 =	sshll.u32 s0, $0xA;
	s2 =	sadd.s32 s3, s2  }
0x8d: {  	s2 =	sadd.s32 s2, s17  }
0x8e: {  	[smem:$0x3FC7] =	sst s2  }
0x8f: {  	_ = 	snop  }
0x90: {  	s2 =	sld [smem:$0x3FD0];
	(tm) =	ssettm $0x1  }
0x91: {  	s18 =	sld [smem:$0x3FFB];
	_ =	sdelay $0x3  }
0x92: {  	_ =	strace s18  }
0x93: {  	s3 =	sld [smem:$0x3FFC];
	_ =	sdelay $0x3  }
0x94: {  	_ =	strace s3  }
0x95: {  	s3 =	sld [smem:$0x3FFD];
	_ =	sdelay $0x3  }
0x96: {  	_ =	strace s3  }
0x97: {  	_ =	strace $0x8FFFFFFF  }
0x98: {  	s19 =	sld [smem:$0x3FDB];
	_ =	sdelay $0x1  }
0x99: {  	s4 =	simm.s32 $_scs_section_size  }
0x9a: {  	s5 =	simm.s32 $_size__tile_overlayer_lowered;
	s6 =	simm.s32 $_tile_overlayer_lowered  }
0x9b: {  	s22 =	simm.s32 $0x1BFF;
	s21 =	sshll.u32 s6, $0x1;
	s3 =	sadd.s32 s4, s19  }
0x9c: {  	s7 =	simm.s32 $0x0;
	s20 =	sshll.u32 s5, $0x1;
	s5 =	sadd.s32 s21, s3  }
0x9d: {  	[timem:s7], [sflag:s22] =	dma.local [hbm:s5], s20  }
0x9e: {  	_ =	swait.ge [sflag:s22], s20  }
0x9f: {  	s4 =	ssub.s32 $0x0, s20;
	[sflag:s22] =	ssyncset.done $0x0  }
0xa0: {  	[sflag:s22] =	ssyncadd.s32 s4;
	_ =	sdelay $0x1  }
0xa1: {  	s23 =	simm.s32 $0x1B8B  }
0xa2: {  	_ =	swait.ge [sflag:s23], $0x1  }
0xa3: {  	[sflag:s23] =	ssyncset.done $0x0  }
0xa4: {  	s25 =	simm.s32 $0x1B8E;
	s24 =	sld [smem:$0x3FFE];
	[sflag:s23] =	ssyncadd.s32 $0xFFFFFFFF  }
0xa5: {  	s26 =	simm.s32 $execute0_lowered;
	[smem:$0x3FD2] =	sst s25  }
0xa6: {  	s5 =	sshll.u32 s26, $0x1;
	_ =	strace $0x80000046;
	[dreg:$0x1] =	wrdreg $0xFFFFFFFF  }
0xa7: {  	s28 =	simm.s32 $_size_execute0_lowered;
	s3 =	sadd.s32 s3, s5;
	[dreg:$0x0] =	wrdreg $0x0  }
0xa8: {  	s5 =	sshll.u32 s28, $0x1;
	[dreg:$0x2] =	wrdreg s3  }
0xa9: {  	[dreg:$0x3] =	wrdreg s5  }
0xaa: {  	[dreg:$0x4] =	wrdreg $0xC0  }
0xab: {  	_ =	task [dreg:s7], $0x5FFFF  }
0xac: {  	[dreg:$0x1] =	wrdreg $0xFFFFFFFF  }
0xad: {  	[dreg:$0x0] =	wrdreg $0x60  }
0xae: {  	[dreg:$0x2] =	wrdreg s2  }
0xaf: {  	[dreg:$0x3] =	wrdreg s24  }
0xb0: {  	[dreg:$0x4] =	wrdreg $0x9  }
0xb1: {  	_ =	task.clear_ibuf [dreg:s7], $0x5FFFF;
	_ =	strace $0x90000046  }
0xb2: {  	s29 =	simm.s32 $0x9;
	_ =	strace $0x80000048  }
0xb3: {  	_ =	swait.ge [sflag:s29], $0x1  }
0xb4: {  	[sflag:s29] =	ssyncadd.s32 $0xFFFFFFFF  }
0xb5: {  	_ =	strace $0x90000048  }
0xb6: {  	_ =	sfence  }
0xb7: {  	s30 =	sld [smem:$0x0];
	_ =	sdelay $0x2  }
0xb8: {  	s31 =	sshll.u32 s1, $0xD;
	s1 =	sshrl.u32 s1, $0x2  }
0xb9: {  	s3 =	sand.u32 $0x4000, s31;
	s1 =	sadd.s32 s1, s30  }
0xba: {  	s0 =	sor.u32 s3, s0;
	s1 =	sshll.u32 s1, $0x11  }
0xbb: {  	s0 =	sor.u32 s1, s0  }
0xbc: {  	s0 =	sadd.s32 $0x8F2B, s0  }
0xbd: {  	[sflag:s0] =	ssyncadd.remote.s32 $0x1  }
0xbe: {  	_ =	sfence.sel $0xFFFF  }
0xbf: {  	[dreg:$0x0] =	wrdreg $0xFFFFFFFF;
	(pc) =	sbr.abs _section_cstart, $3  }
0xc0: {  	[dreg:$0x1] =	wrdreg $0xFFFFFFFF  }
0xc1: {  	_ =	task.clear_ibuf [dreg:s7], $0x2FFFF;
	_ =	strace $0x9FFFFFFF  }
0xc2: {  	(tm) =	ssettm $0x7FFFFFFF  }
0xc3: {  	_ =	shalt  }
tec
execute0_lowered:
.L_overlay_start_1:
0x0: {  	(tag) =	ssettag $0x1  }
0x1: {  	vm14 =	vcmask $0x300;
	v0 =	vimm.s32 $0x2000;
	vm13 =	vcmask $0x704  }
0x2: {  	vm12 =	vcmask $0xB08;
	vm11 =	vcmask $0xF0C;
	vm10 =	vcmask $0x1310  }
0x3: {  	vm9 =	vcmask $0x1714;
	vm8 =	vcmask $0x1B18;
	vm7 =	vcmask $0x1F1C  }
0x4: {  	vm6 =	vcmask $0x2320;
	vm5 =	vcmask $0x2724;
	vm4 =	vcmask $0x2B28  }
0x5: {  	vm3 =	vcmask $0x2F2C;
	vm1 =	vcmask $0x3330;
	vm2 =	vcmask $0x3734  }
0x6: {  	vm0 =	vcmask $0x3B38;
	v5 =	vimm.s32 $0x2001;
	v6 =	vimm.s32 $0x2002  }
0x7: {  	v7 =	vimm.s32 $0x2003;
	v8 =	vimm.s32 $0x2004;
	v9 =	vimm.s32 $0x2005  }
0x8: {  	v10 =	vimm.s32 $0x2006;
	v11 =	vimm.s32 $0x3F800000;
	v0 =	vsel vm14, $0x2001, v0  }
0x9: {  	v5 =	vsel vm14, $0x2002, v5;
	v6 =	vsel vm14, $0x2003, v6;
	v7 =	vsel vm14, $0x2004, v7  }
0xa: {  	v8 =	vsel vm14, $0x2005, v8;
	v9 =	vsel vm14, $0x2006, v9;
	v10 =	vsel vm14, $0x2007, v10  }
0xb: {  	v0 =	vsel vm13, $0x2002, v0;
	v5 =	vsel vm13, $0x2003, v5;
	v6 =	vsel vm13, $0x2004, v6  }
0xc: {  	v7 =	vsel vm13, $0x2005, v7;
	v8 =	vsel vm13, $0x2006, v8;
	v9 =	vsel vm13, $0x2007, v9  }
0xd: {  	v10 =	vsel vm13, $0x2008, v10;
	v0 =	vsel vm12, $0x2003, v0;
	v5 =	vsel vm12, $0x2004, v5  }
0xe: {  	v6 =	vsel vm12, $0x2005, v6;
	v7 =	vsel vm12, $0x2006, v7;
	v8 =	vsel vm12, $0x2007, v8  }
0xf: {  	v9 =	vsel vm12, $0x2008, v9;
	v10 =	vsel vm12, $0x2009, v10;
	v0 =	vsel vm11, $0x2004, v0  }
0x10: {  	v5 =	vsel vm11, $0x2005, v5;
	v6 =	vsel vm11, $0x2006, v6;
	v7 =	vsel vm11, $0x2007, v7  }
0x11: {  	v8 =	vsel vm11, $0x2008, v8;
	v9 =	vsel vm11, $0x2009, v9;
	v10 =	vsel vm11, $0x200A, v10  }
0x12: {  	v0 =	vsel vm10, $0x2005, v0;
	v5 =	vsel vm10, $0x2006, v5;
	v6 =	vsel vm10, $0x2007, v6  }
0x13: {  	v7 =	vsel vm10, $0x2008, v7;
	v8 =	vsel vm10, $0x2009, v8;
	v9 =	vsel vm10, $0x200A, v9  }
0x14: {  	v10 =	vsel vm10, $0x200B, v10;
	v0 =	vsel vm9, $0x2006, v0;
	v5 =	vsel vm9, $0x2007, v5  }
0x15: {  	v6 =	vsel vm9, $0x2008, v6;
	v7 =	vsel vm9, $0x2009, v7;
	v8 =	vsel vm9, $0x200A, v8  }
0x16: {  	v9 =	vsel vm9, $0x200B, v9;
	v10 =	vsel vm9, $0x200C, v10;
	v0 =	vsel vm8, $0x2007, v0  }
0x17: {  	v5 =	vsel vm8, $0x2008, v5;
	v6 =	vsel vm8, $0x2009, v6;
	v7 =	vsel vm8, $0x200A, v7  }
0x18: {  	v8 =	vsel vm8, $0x200B, v8;
	v9 =	vsel vm8, $0x200C, v9;
	v10 =	vsel vm8, $0x200D, v10  }
0x19: {  	v0 =	vsel vm7, $0x2008, v0;
	v5 =	vsel vm7, $0x2009, v5;
	v6 =	vsel vm7, $0x200A, v6  }
0x1a: {  	v7 =	vsel vm7, $0x200B, v7;
	v8 =	vsel vm7, $0x200C, v8;
	v9 =	vsel vm7, $0x200D, v9  }
0x1b: {  	v10 =	vsel vm7, $0x200E, v10;
	v0 =	vsel vm6, $0x2009, v0;
	v5 =	vsel vm6, $0x200A, v5  }
0x1c: {  	v6 =	vsel vm6, $0x200B, v6;
	v7 =	vsel vm6, $0x200C, v7;
	v8 =	vsel vm6, $0x200D, v8  }
0x1d: {  	v9 =	vsel vm6, $0x200E, v9;
	v10 =	vsel vm6, $0x200F, v10;
	v0 =	vsel vm5, $0x200A, v0  }
0x1e: {  	s8 =	rddreg [dreg:$0x0];
	v5 =	vsel vm5, $0x200B, v5;
	v6 =	vsel vm5, $0x200C, v6;
	v7 =	vsel vm5, $0x200D, v7  }
0x1f: {  	s3 =	rddreg [dreg:$0x1];
	v8 =	vsel vm5, $0x200E, v8;
	v9 =	vsel vm5, $0x200F, v9;
	v10 =	vsel vm5, $0x2000, v10  }
0x20: {  	s0 =	rddreg [dreg:$0x2];
	v1 =	vsel vm4, $0x200B, v0;
	v0 =	vimm.s32 $0x0;
	v5 =	vsel vm4, $0x200C, v5  }
0x21: {  	s1 =	simm.s32 $0x0;
	s4 =	srdreg.scid;
	s2 =	stileid.u32;
	v6 =	vsel vm4, $0x200D, v6;
	v7 =	vsel vm4, $0x200E, v7;
	v8 =	vsel vm4, $0x200F, v8  }
0x22: {  	s14 =	simm.s32 $0x1;
	s15 =	simm.s32 $0x10000;
	s16 =	simm.s32 $0x8000;
	v9 =	vsel vm4, $0x2000, v9;
	v10 =	vsel vm4, $0x2001, v10;
	v2 =	vsel vm3, $0x200C, v1  }
0x23: {  	s17 =	simm.s32 $0x14000;
	s18 =	simm.s32 $0x2;
	s19 =	simm.s32 $0x3;
	v1 =	vlaneseq.u32;
	v5 =	vsel vm3, $0x200D, v5;
	v6 =	vsel vm3, $0x200E, v6  }
0x24: {  	s20 =	simm.s32 $0x4;
	s21 =	simm.s32 $0x0;
	s4 =	sand.u32 $0x1, s4;
	v7 =	vsel vm3, $0x200F, v7;
	v8 =	vsel vm3, $0x2000, v8;
	v9 =	vsel vm3, $0x2001, v9  }
0x25: {  	[smem:$0x7FF] =	sst s1;
	s6 =	sshll.u32 s2, $0xF;
	s5 =	ssub.s32 $0x2, s4;
	v10 =	vsel vm3, $0x2002, v10;
	v3 =	vsel vm1, $0x200D, v2;
	v2 =	vor.u32 $0x2000, v1  }
0x26: {  	s10 =	sadd.s32 $0x400, s3;
	s4 =	sshll.u32 s4, $0x6;
	s7 =	sshrl.u32 s5, $0x1;
	v5 =	vsel vm1, $0x200E, v5;
	v6 =	vsel vm1, $0x200F, v6;
	v7 =	vsel vm1, $0x2000, v7  }
0x27: {  	_ =	strace $0x80000047;
	s9 =	sor.u32 s4, s6;
	s11 =	ssub.s32 s5, s7;
	v8 =	vsel vm1, $0x2001, v8;
	v9 =	vsel vm1, $0x2002, v9;
	v10 =	vsel vm1, $0x2003, v10  }
.Ltmp0:
0x28: {  	s31 =	sor.u32 $0x10, s9;
	s3 =	sadd.s32 s8, s9;
	v4 =	vsel vm2, $0x200E, v3;
	v3 =	vimm.s32 $0x1;
	v5 =	vsel vm2, $0x200F, v5;
	(pc) =	sbr.rel .LBB2_1-.Ltmp0, $4  }
0x29: {  	s12 =	sor.u32 $0x20, s9;
	s5 =	sadd.s32 s10, s9;
	s13 =	sor.u32 $0x30, s9;
	v6 =	vsel vm2, $0x2000, v6;
	v7 =	vsel vm2, $0x2001, v7;
	v8 =	vsel vm2, $0x2002, v8  }
0x2a: {  	s4 =	sadd.s32 s8, s31;
	s6 =	sadd.s32 s8, s12;
	s7 =	sadd.s32 s10, s31;
	v9 =	vsel vm2, $0x2003, v9;
	v10 =	vsel vm2, $0x2004, v10;
	v4 =	vsel vm0, $0x200F, v4  }
0x2b: {  	s8 =	sadd.s32 s8, s13;
	s9 =	sadd.s32 s10, s12;
	s10 =	sadd.s32 s10, s13;
	v5 =	vsel vm0, $0x2000, v5;
	v6 =	vsel vm0, $0x2001, v6;
	v7 =	vsel vm0, $0x2002, v7  }
0x2c: {  	s11 =	smax.u32 s11, $0x1;
	s12 =	simm.s32 $0x80;
	s13 =	simm.s32 $0x400;
	v8 =	vsel vm0, $0x2003, v8;
	v9 =	vsel vm0, $0x2004, v9;
	v10 =	vsel vm0, $0x2005, v10  }
.LBB2_113:
0x2d: {  	[hbm4b:s10+s12] =	stream.strided.scatter [tilespmem:s16], [sflag:$0x4], $0x8000, s13, s12, $0x38;
	[tilespmem:$0x1C000] =	vst v63  }
0x2e: {  	s21 =	sadd.s32 $0x1, s21  }
0x2f: {  	_ =	swait.ge [sflag:s19], $0x8000;
	p0 =	sne.s32 s21, s11  }
.Ltmp1:
0x30: {  	[sflag:s19] =	ssyncset.done $0x0;
	(pc) =	sbr.rel @!p0 .LBB2_114-.Ltmp1, $4  }
0x31: {  	[sflag:s19] =	ssyncadd.s32 $0xFFFF8000  }
0x32: {  	_ =	swait.ge [sflag:s20], $0x8000  }
0x33: {  	[sflag:s20] =	ssyncset.done $0x0  }
0x34: {  	[sflag:s20] =	ssyncadd.s32 $0xFFFF8000  }
.LBB2_1:
0x35: {  	[tilespmem:s1], [sflag:$0x1] =	stream.strided.gather [hbm4b:s3+s12], $0x8000, s13, s12, $0x38;
	[tilespmem:$0x1C000] =	vst v63  }
0x36: {  	s22 =	simm.s32 $0x10040  }
0x37: {  	[tilespmem:s22+$0xFFFFFFC0] =	vst v0  }
0x38: {  	[tilespmem:s22+$0x30] =	vst v0  }
0x39: {  	[tilespmem:s22+$0x20] =	vst v0  }
0x3a: {  	[tilespmem:s22+$0x10] =	vst v0  }
0x3b: {  	[tilespmem:s22+$0x0] =	vst v0  }
0x3c: {  	[tilespmem:s22+$0xFFFFFFF0] =	vst v0  }
0x3d: {  	s23 =	simm.s32 $0x0;
	[tilespmem:s22+$0xFFFFFFE0] =	vst v0  }
.LBB2_2:
0x3e: {  	s23 =	sadd.s32 $0x8, s23;
	[tilespmem:s22+$0xFFFFFFD0] =	vst v0;
	s22 =	sadd.s32 $0x80, s22  }
0x3f: {  	[tilespmem:s22+$0xFFFFFFC0] =	vst v0;
	p0 =	slt.u32 s23, $0x3F8  }
0x40: {  	[tilespmem:s22+$0x30] =	vst v0  }
.Ltmp2:
0x41: {  	[tilespmem:s22+$0x20] =	vst v0;
	(pc) =	sbr.rel @p0 .LBB2_2-.Ltmp2, $4  }
0x42: {  	[tilespmem:s22+$0x10] =	vst v0  }
0x43: {  	[tilespmem:s22+$0x0] =	vst v0  }
0x44: {  	[tilespmem:s22+$0xFFFFFFF0] =	vst v0  }
0x45: {  	[tilespmem:s22+$0xFFFFFFE0] =	vst v0  }
0x46: {  	[tilespmem:s22+$0xFFFFFFD0] =	vst v0  }
0x47: {  	_ =	swait.ge [sflag:s14], $0x8000  }
0x48: {  	[sflag:s14] =	ssyncset.done $0x0  }
0x49: {  	s28 =	simm.s32 $0x0;
	[sflag:s14] =	ssyncadd.s32 $0xFFFF8000  }
0x4a: {  	v12 =	vld [tilespmem:s28+$0x0];
	_ =	sdelay $0x4  }
0x4b: {  	v13 =	vshra.s32 v12, $0x1F  }
0x4c: {  	v12 =	vshra.s32 v12, $0x16;
	v13 =	vand.u32 $0x1FF, v13  }
0x4d: {  	v28 =	vxor.u32 v12, v13  }
0x4e: {  	v12 =	vshll.u32 v28, $0x4  }
0x4f: {  	v12 =	vadd.s32 v2, v12;
	_ =	sdelay $0x4  }
0x50: {  	[tilespmem:v12+s15+$0x0] =	vst.idx.add.s32.msk $0xffff, v3  }
0x51: {  	v12 =	vld [tilespmem:s28+$0x10];
	_ =	sdelay $0x4  }
0x52: {  	v13 =	vshra.s32 v12, $0x1F  }
0x53: {  	s26 =	simm.s32 $0x80;
	v12 =	vshra.s32 v12, $0x16;
	v13 =	vand.u32 $0x1FF, v13  }
0x54: {  	v14 =	vld [tilespmem:s26+$0x0];
	v30 =	vxor.u32 v12, v13  }
0x55: {  	v12 =	vshll.u32 v30, $0x4  }
0x56: {  	v12 =	vadd.s32 v4, v12;
	_ =	sdelay $0x2  }
0x57: {  	v13 =	vshra.s32 v14, $0x1F  }
0x58: {  	v14 =	vshra.s32 v14, $0x16;
	v13 =	vand.u32 $0x1FF, v13  }
0x59: {  	v17 =	vxor.u32 v14, v13;
	[tilespmem:v12+s15+$0x0] =	vst.idx.add.s32.msk $0xffff, v3  }
0x5a: {  	v12 =	vshll.u32 v17, $0x4;
	v13 =	vld [tilespmem:s28+$0x20]  }
0x5b: {  	v12 =	vadd.s32 v2, v12;
	_ =	sdelay $0x3  }
0x5c: {  	v14 =	vshra.s32 v13, $0x1F  }
0x5d: {  	[tilespmem:v12+s15+$0x0] =	vst.idx.add.s32.msk $0xffff, v3;
	v12 =	vshra.s32 v13, $0x16;
	v13 =	vand.u32 $0x1FF, v14  }
0x5e: {  	v14 =	vld [tilespmem:s26+$0x10];
	v33 =	vxor.u32 v12, v13  }
0x5f: {  	v12 =	vshll.u32 v33, $0x4  }
0x60: {  	v12 =	vadd.s32 v5, v12;
	_ =	sdelay $0x2  }
0x61: {  	s25 =	simm.s32 $0x100;
	v13 =	vshra.s32 v14, $0x1F  }
0x62: {  	v15 =	vld [tilespmem:s25+$0x0];
	v14 =	vshra.s32 v14, $0x16;
	v13 =	vand.u32 $0x1FF, v13  }
0x63: {  	v20 =	vxor.u32 v14, v13;
	[tilespmem:v12+s15+$0x0] =	vst.idx.add.s32.msk $0xffff, v3  }
0x64: {  	v12 =	vshll.u32 v20, $0x4;
	v13 =	vld [tilespmem:s28+$0x30]  }
0x65: {  	v12 =	vadd.s32 v4, v12;
	_ =	sdelay $0x1  }
0x66: {  	v14 =	vshra.s32 v15, $0x1F  }
0x67: {  	v15 =	vshra.s32 v15, $0x16;
	v14 =	vand.u32 $0x1FF, v14  }
0x68: {  	v14 =	vxor.u32 v15, v14;
	v15 =	vshra.s32 v13, $0x1F  }
0x69: {  	v16 =	vshll.u32 v14, $0x4;
	[tilespmem:v12+s15+$0x0] =	vst.idx.add.s32.msk $0xffff, v3;
	v12 =	vshra.s32 v13, $0x16;
	v13 =	vand.u32 $0x1FF, v15  }
0x6a: {  	v15 =	vadd.s32 v2, v16;
	v16 =	vld [tilespmem:s26+$0x20];
	v25 =	vxor.u32 v12, v13  }
0x6b: {  	v12 =	vshll.u32 v25, $0x4  }
0x6c: {  	v12 =	vadd.s32 v6, v12;
	_ =	sdelay $0x2  }
0x6d: {  	[tilespmem:v15+s15+$0x0] =	vst.idx.add.s32.msk $0xffff, v3;
	v13 =	vshra.s32 v16, $0x1F  }
0x6e: {  	v16 =	vshra.s32 v16, $0x16;
	v15 =	vld [tilespmem:s25+$0x10];
	v13 =	vand.u32 $0x1FF, v13  }
0x6f: {  	v21 =	vxor.u32 v16, v13;
	[tilespmem:v12+s15+$0x0] =	vst.idx.add.s32.msk $0xffff, v3  }
0x70: {  	v12 =	vshll.u32 v21, $0x4;
	v13 =	vld [tilespmem:s28+$0x40]  }
0x71: {  	v12 =	vadd.s32 v5, v12  }
0x72: {  	s24 =	simm.s32 $0x180  }
0x73: {  	v18 =	vld [tilespmem:s24+$0x0];
	v16 =	vshra.s32 v15, $0x1F  }
0x74: {  	v15 =	vshra.s32 v15, $0x16;
	v16 =	vand.u32 $0x1FF, v16  }
0x75: {  	v16 =	vxor.u32 v15, v16;
	v15 =	vshra.s32 v13, $0x1F  }
0x76: {  	v19 =	vshll.u32 v16, $0x4;
	[tilespmem:v12+s15+$0x0] =	vst.idx.add.s32.msk $0xffff, v3;
	v12 =	vshra.s32 v13, $0x16;
	v13 =	vand.u32 $0x1FF, v15  }
0x77: {  	v15 =	vadd.s32 v4, v19;
	v19 =	vld [tilespmem:s26+$0x30];
	v27 =	vxor.u32 v12, v13  }
0x78: {  	v12 =	vshra.s32 v18, $0x1F;
	v13 =	vshll.u32 v27, $0x4  }
0x79: {  	v18 =	vshra.s32 v18, $0x16;
	v12 =	vand.u32 $0x1FF, v12;
	v23 =	vadd.s32 v7, v13  }
0x7a: {  	v13 =	vxor.u32 v18, v12  }
0x7b: {  	v12 =	vshll.u32 v13, $0x4  }
0x7c: {  	v12 =	vadd.s32 v2, v12;
	[tilespmem:v15+s15+$0x0] =	vst.idx.add.s32.msk $0xffff, v3;
	v15 =	vshra.s32 v19, $0x1F  }
0x7d: {  	v19 =	vshra.s32 v19, $0x16;
	v18 =	vld [tilespmem:s25+$0x20];
	v15 =	vand.u32 $0x1FF, v15  }
0x7e: {  	v22 =	vxor.u32 v19, v15;
	[tilespmem:v23+s15+$0x0] =	vst.idx.add.s32.msk $0xffff, v3  }
0x7f: {  	v15 =	vshll.u32 v22, $0x4;
	v19 =	vld [tilespmem:s28+$0x50]  }
0x80: {  	v15 =	vadd.s32 v6, v15  }
0x81: {  	[tilespmem:v12+s15+$0x0] =	vst.idx.add.s32.msk $0xffff, v3  }
0x82: {  	v12 =	vld [tilespmem:s24+$0x10];
	v23 =	vshra.s32 v18, $0x1F  }
0x83: {  	s23 =	simm.s32 $0x200;
	v18 =	vshra.s32 v18, $0x16;
	v23 =	vand.u32 $0x1FF, v23  }
0x84: {  	v24 =	vld [tilespmem:s23+$0x0];
	v18 =	vxor.u32 v18, v23;
	v23 =	vshra.s32 v19, $0x1F  }
0x85: {  	v26 =	vshll.u32 v18, $0x4;
	[tilespmem:v15+s15+$0x0] =	vst.idx.add.s32.msk $0xffff, v3;
	v15 =	vshra.s32 v19, $0x16;
	v19 =	vand.u32 $0x1FF, v23  }
0x86: {  	v23 =	vadd.s32 v5, v26;
	v26 =	vld [tilespmem:s26+$0x40];
	v29 =	vxor.u32 v15, v19  }
0x87: {  	v15 =	vshra.s32 v12, $0x1F;
	v19 =	vshll.u32 v29, $0x4  }
0x88: {  	v12 =	vshra.s32 v12, $0x16;
	v15 =	vand.u32 $0x1FF, v15;
	v19 =	vadd.s32 v8, v19  }
0x89: {  	s22 =	simm.s32 $0x280;
	v31 =	vshra.s32 v24, $0x1F;
	v15 =	vxor.u32 v12, v15  }
0x8a: {  	v32 =	vld [tilespmem:s22+$0x0];
	v12 =	vshra.s32 v24, $0x16;
	v24 =	vand.u32 $0x1FF, v31;
	v31 =	vshll.u32 v15, $0x4  }
0x8b: {  	v12 =	vxor.u32 v12, v24;
	v31 =	vadd.s32 v4, v31;
	v24 =	vshra.s32 v26, $0x1F;
	[tilespmem:v23+s15+$0x0] =	vst.idx.add.s32.msk $0xffff, v3  }
0x8c: {  	v23 =	vshll.u32 v12, $0x4;
	v26 =	vshra.s32 v26, $0x16;
	v24 =	vand.u32 $0x1FF, v24;
	v34 =	vld [tilespmem:s25+$0x30]  }
0x8d: {  	v23 =	vadd.s32 v2, v23;
	v24 =	vxor.u32 v26, v24;
	[tilespmem:v19+s15+$0x0] =	vst.idx.add.s32.msk $0xffff, v3  }
0x8e: {  	v19 =	vshll.u32 v24, $0x4;
	v35 =	vld [tilespmem:s28+$0x60]  }
0x8f: {  	v19 =	vadd.s32 v7, v19  }
0x90: {  	v36 =	vshra.s32 v32, $0x16;
	v32 =	vshra.s32 v32, $0x1F;
	[tilespmem:v31+s15+$0x0] =	vst.idx.add.s32.msk $0xffff, v3  }
0x91: {  	v32 =	vand.u32 $0x1FF, v32;
	v31 =	vimm.s32 $0xFFFFFE00;
	v37 =	vld [tilespmem:s24+$0x20];
	v26 =	vshra.s32 v34, $0x1F  }
0x92: {  	[tilespmem:v23+s15+$0x0] =	vst.idx.add.s32.msk $0xffff, v3;
	v23 =	vshra.s32 v34, $0x16;
	vm0 =	vgt.s32 v31, v28;
	v26 =	vand.u32 $0x1FF, v26  }
0x93: {  	v38 =	vld [tilespmem:s23+$0x10];
	v31 =	vsel vm0, v31, v28;
	v26 =	vxor.u32 v23, v26;
	v23 =	vshra.s32 v35, $0x1F  }
0x94: {  	v57 =	vshll.u32 v26, $0x4;
	[tilespmem:v19+s15+$0x0] =	vst.idx.add.s32.msk $0xffff, v3;
	v35 =	vshra.s32 v35, $0x16;
	v23 =	vand.u32 $0x1FF, v23  }
0x95: {  	v19 =	vxor.u32 v36, v32;
	v58 =	vadd.s32 v6, v57;
	v39 =	vld [tilespmem:s26+$0x50];
	v32 =	vxor.u32 v35, v23  }
0x96: {  	vm0 =	vgt.s32 v31, v30;
	v35 =	vshll.u32 v32, $0x4  }
0x97: {  	v62 =	vsel vm0, v31, v30;
	v40 =	vadd.s32 v9, v35  }
0x98: {  	v34 =	vshll.u32 v19, $0x4;
	vm0 =	vgt.s32 v62, v33;
	v59 =	vshra.s32 v37, $0x1F  }
0x99: {  	v23 =	vshra.s32 v37, $0x16;
	v33 =	vsel vm0, v62, v33;
	v37 =	vand.u32 $0x1FF, v59  }
0x9a: {  	v28 =	vshra.s32 v38, $0x16;
	v23 =	vxor.u32 v23, v37;
	[tilespmem:v58+s15+$0x0] =	vst.idx.add.s32.msk $0xffff, v3;
	v61 =	vshra.s32 v39, $0x1F  }
0x9b: {  	v60 =	vshll.u32 v23, $0x4;
	v31 =	vshra.s32 v39, $0x16;
	v30 =	vld [tilespmem:s25+$0x40];
	v63 =	vand.u32 $0x1FF, v61  }
0x9c: {  	s29 =	simm.s32 $0xC00;
	v36 =	vshra.s32 v38, $0x1F;
	v35 =	vadd.s32 v5, v60;
	v31 =	vxor.u32 v31, v63;
	[tilespmem:v40+s15+$0x0] =	vst.idx.add.s32.msk $0xffff, v3  }
.LBB2_4:
0x9d: {  	p0 =	sne.s32 s29, $0x1FE00;
	v36 =	vand.u32 $0x1FF, v36;
	v41 =	vshll.u32 v31, $0x4;
	vm0 =	vgt.s32 v33, v25;
	v38 =	vld [tilespmem:s28+$0x70];
	v39 =	vmovc v15;
	v40 =	vmovc v19;
	s28 =	smov.u32 s26;
	s26 =	smov.u32 s25  }
0x9e: {  	s25 =	smov.u32 s24;
	s24 =	smov.u32 s23;
	s23 =	smov.u32 s22;
	v15 =	vxor.u32 v28, v36;
	v19 =	vadd.s32 v8, v41;
	v28 =	vsel vm0, v33, v25;
	v25 =	vmovc v22  }
0x9f: {  	s22 =	sshra.s32 s29, $0x2;
	v37 =	vmovc v21;
	v33 =	vadd.s32 v2, v34;
	v22 =	vmovc v26;
	v34 =	vshll.u32 v15, $0x4;
	vm0 =	vgt.s32 v28, v27  }
0xa0: {  	v21 =	vmovc v18;
	v26 =	vld [tilespmem:s22+$0x0];
	v34 =	vadd.s32 v4, v34;
	v36 =	vshra.s32 v30, $0x1F;
	v28 =	vsel vm0, v28, v27;
	v27 =	vmovc v24  }
0xa1: {  	v18 =	vmovc v23;
	v24 =	vshra.s32 v30, $0x16;
	[tilespmem:v35+s15+$0x0] =	vst.idx.add.s32.msk $0xffff, v3;
	v30 =	vand.u32 $0x1FF, v36;
	vm0 =	vgt.s32 v28, v29  }
0xa2: {  	v23 =	vld [tilespmem:s25+$0x30];
	v24 =	vxor.u32 v24, v30;
	v28 =	vsel vm0, v28, v29;
	v30 =	vshra.s32 v38, $0x1F;
	v29 =	vmovc v31  }
0xa3: {  	[tilespmem:v19+s15+$0x0] =	vst.idx.add.s32.msk $0xffff, v3;
	vm0 =	vgt.s32 v28, v32;
	v19 =	vshra.s32 v38, $0x16;
	v30 =	vand.u32 $0x1FF, v30  }
0xa4: {  	v31 =	vshll.u32 v24, $0x4;
	v35 =	vld [tilespmem:s28+$0x60];
	v28 =	vsel vm0, v28, v32;
	v19 =	vxor.u32 v19, v30  }
0xa5: {  	v30 =	vadd.s32 v7, v31;
	v31 =	vshll.u32 v19, $0x4;
	vm0 =	vgt.s32 v28, v19  }
0xa6: {  	[tilespmem:v34+s15+$0x0] =	vst.idx.add.s32.msk $0xffff, v3;
	v31 =	vadd.s32 v10, v31;
	v28 =	vsel vm0, v28, v19  }
0xa7: {  	v19 =	vshra.s32 v26, $0x16;
	v34 =	vld [tilespmem:s24+$0x20];
	v32 =	vshra.s32 v23, $0x1F  }
0xa8: {  	v26 =	vshra.s32 v26, $0x1F;
	v23 =	vshra.s32 v23, $0x16;
	[tilespmem:v33+s15+$0x0] =	vst.idx.add.s32.msk $0xffff, v3;
	v32 =	vand.u32 $0x1FF, v32  }
0xa9: {  	v33 =	vand.u32 $0x1FF, v26;
	v36 =	vld [tilespmem:s23+$0x10];
	v26 =	vxor.u32 v23, v32;
	v23 =	vshra.s32 v35, $0x1F  }
0xaa: {  	v32 =	vshll.u32 v26, $0x4;
	[tilespmem:v30+s15+$0x0] =	vst.idx.add.s32.msk $0xffff, v3;
	v30 =	vshra.s32 v35, $0x16;
	v23 =	vand.u32 $0x1FF, v23  }
0xab: {  	v19 =	vxor.u32 v19, v33;
	v33 =	vadd.s32 v6, v32;
	v38 =	vld [tilespmem:s26+$0x50];
	v32 =	vxor.u32 v30, v23  }
0xac: {  	v23 =	vshra.s32 v34, $0x16;
	v30 =	vshra.s32 v34, $0x1F;
	v34 =	vshll.u32 v32, $0x4;
	[tilespmem:v31+s15+$0x0] =	vst.idx.add.s32.msk $0xffff, v3  }
0xad: {  	vm0 =	vgt.s32 v28, v17;
	v30 =	vand.u32 $0x1FF, v30;
	v41 =	vadd.s32 v9, v34  }
.Ltmp3:
0xae: {  	v34 =	vshll.u32 v19, $0x4;
	v23 =	vxor.u32 v23, v30;
	v30 =	vsel vm0, v28, v17;
	v17 =	vmovc v14;
	v14 =	vmovc v13;
	(pc) =	sbr.rel @p0 .LBB2_4-.Ltmp3, $4  }
0xaf: {  	v28 =	vshra.s32 v36, $0x16;
	v13 =	vmovc v12;
	v12 =	vmovc v40;
	v31 =	vshll.u32 v23, $0x4;
	vm0 =	vgt.s32 v30, v20  }
0xb0: {  	v35 =	vadd.s32 v5, v31;
	[tilespmem:v33+s15+$0x0] =	vst.idx.add.s32.msk $0xffff, v3;
	v31 =	vshra.s32 v38, $0x1F;
	v33 =	vsel vm0, v30, v20  }
0xb1: {  	v38 =	vshra.s32 v38, $0x16;
	v20 =	vmovc v16;
	v16 =	vmovc v39;
	v30 =	vld [tilespmem:s25+$0x40];
	v31 =	vand.u32 $0x1FF, v31;
	vm0 =	vgt.s32 v33, v37  }
0xb2: {  	s29 =	sadd.s32 $0x200, s29;
	v36 =	vshra.s32 v36, $0x1F;
	v31 =	vxor.u32 v38, v31;
	v33 =	vsel vm0, v33, v37;
	[tilespmem:v41+s15+$0x0] =	vst.idx.add.s32.msk $0xffff, v3  }
0xb3: {  	v36 =	vand.u32 $0x1FF, v36  }
0xb4: {  	v28 =	vxor.u32 v28, v36  }
0xb5: {  	v36 =	vshll.u32 v28, $0x4  }
0xb6: {  	v37 =	vld [tilespmem:s28+$0x70];
	v36 =	vadd.s32 v4, v36  }
0xb7: {  	[tilespmem:v35+s15+$0x0] =	vst.idx.add.s32.msk $0xffff, v3  }
0xb8: {  	vm0 =	vgt.s32 v33, v25;
	v34 =	vadd.s32 v2, v34;
	v35 =	vld [tilespmem:s24+$0x30]  }
0xb9: {  	v40 =	vshll.u32 v31, $0x4;
	v25 =	vsel vm0, v33, v25  }
0xba: {  	v38 =	vadd.s32 v8, v40;
	vm0 =	vgt.s32 v25, v27;
	v41 =	vshra.s32 v30, $0x1F  }
0xbb: {  	v25 =	vsel vm0, v25, v27;
	v42 =	vshra.s32 v30, $0x16;
	v43 =	vand.u32 $0x1FF, v41;
	[tilespmem:v36+s15+$0x0] =	vst.idx.add.s32.msk $0xffff, v3  }
0xbc: {  	vm0 =	vgt.s32 v25, v29;
	v33 =	vxor.u32 v42, v43;
	v36 =	vld [tilespmem:s23+$0x20]  }
0xbd: {  	v25 =	vsel vm0, v25, v29;
	v44 =	vshra.s32 v37, $0x1F;
	[tilespmem:v34+s15+$0x0] =	vst.idx.add.s32.msk $0xffff, v3;
	v46 =	vshra.s32 v35, $0x1F  }
0xbe: {  	v45 =	vshll.u32 v33, $0x4;
	v34 =	vld [tilespmem:s22+$0x10];
	v47 =	vshra.s32 v35, $0x16;
	v30 =	vand.u32 $0x1FF, v46  }
0xbf: {  	v48 =	vshra.s32 v37, $0x16;
	v39 =	vadd.s32 v7, v45;
	v30 =	vxor.u32 v47, v30  }
0xc0: {  	vm0 =	vgt.s32 v25, v32;
	[tilespmem:v38+s15+$0x0] =	vst.idx.add.s32.msk $0xffff, v3;
	v27 =	vand.u32 $0x1FF, v44;
	v50 =	vshll.u32 v30, $0x4  }
0xc1: {  	v49 =	vld [tilespmem:s26+$0x60];
	v32 =	vsel vm0, v25, v32;
	v52 =	vadd.s32 v6, v50;
	v51 =	vshra.s32 v36, $0x1F  }
0xc2: {  	v25 =	vxor.u32 v48, v27;
	v36 =	vshra.s32 v36, $0x16;
	v29 =	vand.u32 $0x1FF, v51  }
0xc3: {  	vm0 =	vgt.s32 v32, v25;
	v53 =	vshra.s32 v34, $0x1F;
	v29 =	vxor.u32 v36, v29  }
0xc4: {  	v34 =	vshra.s32 v34, $0x16;
	[tilespmem:v39+s15+$0x0] =	vst.idx.add.s32.msk $0xffff, v3;
	v27 =	vand.u32 $0x1FF, v53;
	v54 =	vshll.u32 v29, $0x4  }
0xc5: {  	v32 =	vsel vm0, v32, v25;
	v55 =	vld [tilespmem:s25+$0x50];
	v27 =	vxor.u32 v34, v27;
	v35 =	vadd.s32 v5, v54  }
0xc6: {  	vm0 =	vgt.s32 v32, v17;
	v56 =	vshra.s32 v49, $0x1F;
	v57 =	vshll.u32 v27, $0x4;
	[tilespmem:v52+s15+$0x0] =	vst.idx.add.s32.msk $0xffff, v3  }
0xc7: {  	v37 =	vshra.s32 v49, $0x16;
	v34 =	vand.u32 $0x1FF, v56;
	v58 =	vadd.s32 v4, v57;
	v59 =	vld [tilespmem:s24+$0x40]  }
0xc8: {  	v17 =	vsel vm0, v32, v17;
	v34 =	vxor.u32 v37, v34  }
0xc9: {  	vm0 =	vgt.s32 v17, v20;
	v60 =	vshll.u32 v34, $0x4  }
0xca: {  	v17 =	vsel vm0, v17, v20;
	v32 =	vadd.s32 v9, v60;
	v61 =	vshra.s32 v55, $0x1F;
	[tilespmem:v35+s15+$0x0] =	vst.idx.add.s32.msk $0xffff, v3  }
0xcb: {  	vm0 =	vgt.s32 v17, v21;
	v62 =	vshra.s32 v55, $0x16;
	v35 =	vand.u32 $0x1FF, v61;
	v63 =	vld [tilespmem:s23+$0x30]  }
0xcc: {  	v17 =	vsel vm0, v17, v21;
	[tilespmem:v58+s15+$0x0] =	vst.idx.add.s32.msk $0xffff, v3;
	v41 =	vshra.s32 v59, $0x1F;
	v35 =	vxor.u32 v62, v35  }
0xcd: {  	v38 =	vld [tilespmem:s22+$0x20];
	v37 =	vshra.s32 v59, $0x16;
	v21 =	vand.u32 $0x1FF, v41;
	v20 =	vshll.u32 v35, $0x4  }
0xce: {  	vm0 =	vgt.s32 v17, v22;
	v37 =	vxor.u32 v37, v21;
	v20 =	vadd.s32 v8, v20  }
0xcf: {  	v17 =	vsel vm0, v17, v22;
	[tilespmem:v32+s15+$0x0] =	vst.idx.add.s32.msk $0xffff, v3;
	v21 =	vshll.u32 v37, $0x4  }
0xd0: {  	vm0 =	vgt.s32 v17, v24;
	v32 =	vld [tilespmem:s26+$0x70];
	v43 =	vadd.s32 v7, v21;
	v42 =	vshra.s32 v63, $0x1F  }
0xd1: {  	v17 =	vsel vm0, v17, v24;
	v44 =	vshra.s32 v63, $0x16;
	v22 =	vand.u32 $0x1FF, v42  }
0xd2: {  	vm0 =	vgt.s32 v17, v31;
	v45 =	vshra.s32 v38, $0x1F;
	v21 =	vxor.u32 v44, v22  }
0xd3: {  	v47 =	vshra.s32 v38, $0x16;
	[tilespmem:v20+s15+$0x0] =	vst.idx.add.s32.msk $0xffff, v3;
	v22 =	vand.u32 $0x1FF, v45;
	v46 =	vshll.u32 v21, $0x4  }
0xd4: {  	v17 =	vsel vm0, v17, v31;
	v48 =	vld [tilespmem:s25+$0x60];
	v20 =	vxor.u32 v47, v22;
	v49 =	vadd.s32 v6, v46  }
0xd5: {  	vm0 =	vgt.s32 v17, v34;
	v50 =	vshra.s32 v32, $0x1F;
	[tilespmem:v43+s15+$0x0] =	vst.idx.add.s32.msk $0xffff, v3;
	v22 =	vshll.u32 v20, $0x4  }
0xd6: {  	v32 =	vshra.s32 v32, $0x16;
	v31 =	vand.u32 $0x1FF, v50;
	v51 =	vld [tilespmem:s24+$0x50];
	v22 =	vadd.s32 v5, v22  }
0xd7: {  	v34 =	vsel vm0, v17, v34;
	v17 =	vxor.u32 v32, v31  }
0xd8: {  	vm0 =	vgt.s32 v34, v17  }
0xd9: {  	v32 =	vsel vm0, v34, v17;
	v52 =	vshra.s32 v48, $0x1F;
	[tilespmem:v49+s15+$0x0] =	vst.idx.add.s32.msk $0xffff, v3  }
0xda: {  	vm0 =	vgt.s32 v32, v14;
	v24 =	vshra.s32 v48, $0x16;
	v31 =	vand.u32 $0x1FF, v52;
	v53 =	vld [tilespmem:s23+$0x40]  }
0xdb: {  	v14 =	vsel vm0, v32, v14;
	v55 =	vshra.s32 v51, $0x1F;
	v24 =	vxor.u32 v24, v31;
	[tilespmem:v22+s15+$0x0] =	vst.idx.add.s32.msk $0xffff, v3  }
0xdc: {  	v36 =	vshra.s32 v51, $0x16;
	v31 =	vand.u32 $0x1FF, v55;
	v54 =	vshll.u32 v24, $0x4;
	v56 =	vld [tilespmem:s22+$0x30]  }
0xdd: {  	vm0 =	vgt.s32 v14, v16;
	v57 =	vxor.u32 v36, v31;
	v22 =	vadd.s32 v9, v54  }
0xde: {  	v14 =	vsel vm0, v14, v16;
	v31 =	vshll.u32 v57, $0x4  }
0xdf: {  	vm0 =	vgt.s32 v14, v18;
	v31 =	vadd.s32 v8, v31;
	v58 =	vshra.s32 v53, $0x1F  }
0xe0: {  	v14 =	vsel vm0, v14, v18;
	v34 =	vshra.s32 v53, $0x16;
	v36 =	vand.u32 $0x1FF, v58  }
0xe1: {  	vm0 =	vgt.s32 v14, v26;
	v60 =	vshra.s32 v56, $0x1F;
	v59 =	vxor.u32 v34, v36  }
0xe2: {  	v32 =	vshra.s32 v56, $0x16;
	v34 =	vand.u32 $0x1FF, v60;
	[tilespmem:v22+s15+$0x0] =	vst.idx.add.s32.msk $0xffff, v3;
	v36 =	vshll.u32 v59, $0x4  }
0xe3: {  	v14 =	vsel vm0, v14, v26;
	v32 =	vxor.u32 v32, v34;
	v62 =	vld [tilespmem:s25+$0x70];
	v61 =	vadd.s32 v7, v36  }
0xe4: {  	vm0 =	vgt.s32 v14, v33;
	[tilespmem:v31+s15+$0x0] =	vst.idx.add.s32.msk $0xffff, v3;
	v63 =	vshll.u32 v32, $0x4  }
0xe5: {  	v14 =	vsel vm0, v14, v33;
	v31 =	vld [tilespmem:s24+$0x60];
	v36 =	vadd.s32 v6, v63  }
0xe6: {  	vm0 =	vgt.s32 v14, v35  }
0xe7: {  	v14 =	vsel vm0, v14, v35  }
0xe8: {  	vm0 =	vgt.s32 v14, v24;
	[tilespmem:v61+s15+$0x0] =	vst.idx.add.s32.msk $0xffff, v3  }
0xe9: {  	v14 =	vsel vm0, v14, v24;
	v38 =	vshra.s32 v62, $0x1F;
	v39 =	vld [tilespmem:s23+$0x50]  }
0xea: {  	v34 =	vshra.s32 v62, $0x16;
	v22 =	vand.u32 $0x1FF, v38;
	v40 =	vshra.s32 v31, $0x1F;
	[tilespmem:v36+s15+$0x0] =	vst.idx.add.s32.msk $0xffff, v3  }
0xeb: {  	v31 =	vshra.s32 v31, $0x16;
	v22 =	vxor.u32 v34, v22;
	v24 =	vand.u32 $0x1FF, v40;
	v26 =	vld [tilespmem:s22+$0x40]  }
0xec: {  	vm0 =	vgt.s32 v14, v22;
	v24 =	vxor.u32 v31, v24  }
0xed: {  	v14 =	vsel vm0, v14, v22;
	v31 =	vshll.u32 v24, $0x4  }
0xee: {  	vm0 =	vgt.s32 v14, v13;
	v31 =	vadd.s32 v9, v31;
	v41 =	vshra.s32 v39, $0x1F  }
0xef: {  	v13 =	vsel vm0, v14, v13;
	v33 =	vshra.s32 v39, $0x16;
	v34 =	vand.u32 $0x1FF, v41  }
0xf0: {  	vm0 =	vgt.s32 v13, v15;
	v43 =	vshra.s32 v26, $0x1F;
	v42 =	vxor.u32 v33, v34  }
0xf1: {  	v26 =	vshra.s32 v26, $0x16;
	v33 =	vand.u32 $0x1FF, v43;
	v34 =	vshll.u32 v42, $0x4  }
0xf2: {  	v13 =	vsel vm0, v13, v15;
	v26 =	vxor.u32 v26, v33;
	v34 =	vadd.s32 v8, v34  }
0xf3: {  	vm0 =	vgt.s32 v13, v23;
	v44 =	vshll.u32 v26, $0x4  }
0xf4: {  	v13 =	vsel vm0, v13, v23;
	[tilespmem:v31+s15+$0x0] =	vst.idx.add.s32.msk $0xffff, v3;
	v15 =	vadd.s32 v7, v44  }
0xf5: {  	vm0 =	vgt.s32 v13, v30;
	v45 =	vld [tilespmem:s24+$0x70]  }
0xf6: {  	v13 =	vsel vm0, v13, v30  }
0xf7: {  	vm0 =	vgt.s32 v13, v37;
	[tilespmem:v34+s15+$0x0] =	vst.idx.add.s32.msk $0xffff, v3  }
0xf8: {  	v13 =	vsel vm0, v13, v37;
	v46 =	vld [tilespmem:s23+$0x60]  }
0xf9: {  	vm0 =	vgt.s32 v13, v57;
	[tilespmem:v15+s15+$0x0] =	vst.idx.add.s32.msk $0xffff, v3  }
0xfa: {  	v13 =	vsel vm0, v13, v57;
	v47 =	vshra.s32 v45, $0x1F;
	v15 =	vld [tilespmem:s22+$0x50]  }
0xfb: {  	v23 =	vshra.s32 v45, $0x16;
	vm0 =	vgt.s32 v13, v24;
	v16 =	vand.u32 $0x1FF, v47  }
0xfc: {  	v13 =	vsel vm0, v13, v24;
	v16 =	vxor.u32 v23, v16  }
0xfd: {  	vm0 =	vgt.s32 v13, v16;
	v48 =	vshra.s32 v46, $0x1F  }
0xfe: {  	v13 =	vsel vm0, v13, v16;
	v49 =	vshra.s32 v46, $0x16;
	v23 =	vand.u32 $0x1FF, v48  }
0xff: {  	vm0 =	vgt.s32 v13, v12;
	v50 =	vshra.s32 v15, $0x1F;
	v23 =	vxor.u32 v49, v23  }
0x100: {  	v15 =	vshra.s32 v15, $0x16;
	v24 =	vand.u32 $0x1FF, v50;
	v51 =	vshll.u32 v23, $0x4  }
0x101: {  	v12 =	vsel vm0, v13, v12;
	v15 =	vxor.u32 v15, v24;
	v30 =	vadd.s32 v9, v51  }
0x102: {  	vm0 =	vgt.s32 v12, v28;
	v52 =	vshll.u32 v15, $0x4  }
0x103: {  	v12 =	vsel vm0, v12, v28;
	v13 =	vadd.s32 v8, v52  }
0x104: {  	vm0 =	vgt.s32 v12, v29  }
0x105: {  	v12 =	vsel vm0, v12, v29  }
0x106: {  	vm0 =	vgt.s32 v12, v21;
	[tilespmem:v30+s15+$0x0] =	vst.idx.add.s32.msk $0xffff, v3  }
0x107: {  	v12 =	vsel vm0, v12, v21;
	v53 =	vld [tilespmem:s23+$0x70]  }
0x108: {  	vm0 =	vgt.s32 v12, v59;
	[tilespmem:v13+s15+$0x0] =	vst.idx.add.s32.msk $0xffff, v3  }
0x109: {  	v12 =	vsel vm0, v12, v59;
	v13 =	vld [tilespmem:s22+$0x60]  }
0x10a: {  	vm0 =	vgt.s32 v12, v42  }
0x10b: {  	v12 =	vsel vm0, v12, v42  }
0x10c: {  	vm0 =	vgt.s32 v12, v23  }
0x10d: {  	v12 =	vsel vm0, v12, v23;
	v54 =	vshra.s32 v53, $0x1F  }
0x10e: {  	v55 =	vshra.s32 v53, $0x16;
	v14 =	vand.u32 $0x1FF, v54;
	v56 =	vshra.s32 v13, $0x1F  }
0x10f: {  	v13 =	vshra.s32 v13, $0x16;
	v14 =	vxor.u32 v55, v14;
	v57 =	vand.u32 $0x1FF, v56  }
0x110: {  	vm0 =	vgt.s32 v12, v14;
	v13 =	vxor.u32 v13, v57  }
0x111: {  	v12 =	vsel vm0, v12, v14;
	v18 =	vshll.u32 v13, $0x4  }
0x112: {  	vm0 =	vgt.s32 v12, v19;
	v18 =	vadd.s32 v9, v18  }
0x113: {  	v12 =	vsel vm0, v12, v19  }
0x114: {  	vm0 =	vgt.s32 v12, v27  }
0x115: {  	v12 =	vsel vm0, v12, v27  }
0x116: {  	vm0 =	vgt.s32 v12, v20  }
0x117: {  	v12 =	vsel vm0, v12, v20;
	[tilespmem:v18+s15+$0x0] =	vst.idx.add.s32.msk $0xffff, v3  }
0x118: {  	vm0 =	vgt.s32 v12, v32;
	v18 =	vld [tilespmem:s22+$0x70]  }
0x119: {  	v12 =	vsel vm0, v12, v32  }
0x11a: {  	vm0 =	vgt.s32 v12, v26  }
0x11b: {  	v12 =	vsel vm0, v12, v26  }
0x11c: {  	vm0 =	vgt.s32 v12, v15  }
0x11d: {  	v12 =	vsel vm0, v12, v15;
	v58 =	vshra.s32 v18, $0x1F  }
0x11e: {  	v18 =	vshra.s32 v18, $0x16;
	vm0 =	vgt.s32 v12, v13;
	v15 =	vand.u32 $0x1FF, v58  }
0x11f: {  	v12 =	vsel vm0, v12, v13;
	v59 =	vxor.u32 v18, v15  }
0x120: {  	vm0 =	vgt.s32 v12, v59  }
0x121: {  	v12 =	vsel vm0, v12, v59  }
0x122: {  	v12 =	vxor.u32 $0x80000000, v12  }
0x123: {  	(xrf0) =	vmax.scan.msk.u32 $0xffff, v12;
	_ =	sdelay $0x5  }
0x124: {  	v12, _, _ =	vpop (xrf0)  }
0x125: {  	(v2sf) =	vpush v12, $0xF;
	_ =	sdelay $0x4  }
0x126: {  	v62 =	vshll.u32 v22, $0x4  }
0x127: {  	v61 =	vshll.u32 v17, $0x4;
	v17 =	vadd.s32 v10, v62;
	v16 =	vshll.u32 v16, $0x4  }
0x128: {  	v16 =	vadd.s32 v10, v16;
	v14 =	vshll.u32 v14, $0x4  }
0x129: {  	v14 =	vadd.s32 v10, v14  }
0x12a: {  	v15 =	vadd.s32 v10, v61;
	v13 =	vshll.u32 v59, $0x4  }
0x12b: {  	v60 =	vshll.u32 v25, $0x4;
	v63 =	vadd.s32 v10, v13  }
0x12c: {  	[tilespmem:v17+s15+$0x0] =	vst.idx.add.s32.msk $0xffff, v3;
	v12 =	vadd.s32 v10, v60  }
0x12d: {  	[tilespmem:v16+s15+$0x0] =	vst.idx.add.s32.msk $0xffff, v3  }
0x12e: {  	[tilespmem:v14+s15+$0x0] =	vst.idx.add.s32.msk $0xffff, v3  }
0x12f: {  	[tilespmem:v15+s15+$0x0] =	vst.idx.add.s32.msk $0xffff, v3  }
0x130: {  	[tilespmem:v63+s15+$0x0] =	vst.idx.add.s32.msk $0xffff, v3;
	s31 =	spop (v2sf)  }
0x131: {  	[tilespmem:v12+s15+$0x0] =	vst.idx.add.s32.msk $0xffff, v3;
	s25 =	sshll.u32 s31, $0x4  }
0x132: {  	v12 =	vld [tilespmem:s25+$0x12000];
	_ =	sdelay $0x4  }
0x133: {  	(xrf0) =	vadd.scan.msk.s32 $0xffff, v12;
	_ =	sdelay $0x5  }
0x134: {  	v12, _, _ =	vpop (xrf0)  }
0x135: {  	(v2sf) =	vpush v12, $0xF;
	_ =	sdelay $0xe  }
0x136: {  	s23 =	spop (v2sf)  }
0x137: {  	p0 =	sgt.s32 s23, $0x3F  }
.Ltmp4:
0x138: {  	_ = 	snop;
	(pc) =	sbr.rel @p0 .LBB2_6-.Ltmp4, $2  }
0x139: {  	_ =	sdelay $0x2  }
0x13a: {  	s24 =	simm.s32 $0x40;
	s22 =	sxor.u32 $0x80000000, s31  }
0x13b: {  	s25 =	sadd.s32 $0xFFFFFFF0, s25  }
.LBB2_8:
0x13c: {  	s26 =	sand.u32 $0xFFFFFFF0, s25  }
0x13d: {  	v12 =	vld [tilespmem:s26+$0x12000];
	_ =	sdelay $0x4  }
0x13e: {  	(xrf0) =	vadd.scan.msk.s32 $0xffff, v12;
	_ =	sdelay $0x5  }
0x13f: {  	v12, _, _ =	vpop (xrf0)  }
0x140: {  	(v2sf) =	vpush v12, $0xF;
	_ =	sdelay $0xe  }
0x141: {  	s26 =	smov.u32 s23;
	s31 =	spop (v2sf)  }
0x142: {  	s23 =	sadd.s32 s26, s31  }
0x143: {  	p0 =	slt.s32 s23, $0x40  }
.Ltmp5:
0x144: {  	_ = 	snop;
	(pc) =	sbr.rel @p0 .LBB2_8-.Ltmp5, $2  }
0x145: {  	_ =	sdelay $0x2  }
0x146: {  	s22 =	sadd.s32 $0xFFFFFFFF, s22;
	s25 =	sadd.s32 $0xFFFFFFF0, s25  }
.Ltmp6:
0x147: {  	(pc) =	sbr.rel .LBB2_10-.Ltmp6, $2  }
0x148: {  	_ =	sdelay $0x2  }
0x149: {  	s23 =	ssub.s32 $0x40, s26  }
.LBB2_6:
0x14a: {  	s23 =	simm.s32 $0x40  }
.LBB2_10:
0x14b: {  	[tilespmem:s16], [sflag:$0x2] =	stream.strided.gather [hbm4b:s4+s12], $0x8000, s13, s12, $0x38;
	[tilespmem:$0x1C000] =	vst v63  }
0x14c: {  	v12 =	vld [tilespmem:s24+$0x30]  }
0x14d: {  	v14 =	vld [tilespmem:s24+$0x20]  }
0x14e: {  	v16 =	vld [tilespmem:s24+$0x10]  }
0x14f: {  	v15 =	vld [tilespmem:s24+$0x0]  }
0x150: {  	v21 =	vld [tilespmem:s24+$0xFFFFFFF0]  }
0x151: {  	v22 =	vld [tilespmem:s24+$0xFFFFFFE0]  }
0x152: {  	v23 =	vld [tilespmem:s24+$0xFFFFFFD0]  }
0x153: {  	v24 =	vld [tilespmem:s24+$0xFFFFFFC0]  }
0x154: {  	v25 =	vimm.s32 $0x0  }
0x155: {  	v13 =	vmov s22;
	v17 =	vshll.u32 v25, $0x4  }
0x156: {  	v20 =	vor.u32 v1, v17;
	v17 =	vshra.s32 v14, $0x1F;
	v18 =	vshra.s32 v12, $0x1F  }
0x157: {  	v19 =	vshra.s32 v21, $0x1F;
	v26 =	vshra.s32 v15, $0x1F;
	v27 =	vshra.s32 v16, $0x1F  }
0x158: {  	v28 =	vshra.s32 v24, $0x1F;
	v29 =	vshra.s32 v23, $0x1F;
	v30 =	vshra.s32 v22, $0x1F  }
0x159: {  	v27 =	vand.u32 $0x7FFFFFFF, v27;
	v31 =	vand.u32 $0x7FFFFFFF, v17;
	v17 =	vand.u32 $0x7FFFFFFF, v18  }
0x15a: {  	v30 =	vand.u32 $0x7FFFFFFF, v30;
	v32 =	vand.u32 $0x7FFFFFFF, v19;
	v19 =	vand.u32 $0x7FFFFFFF, v26  }
0x15b: {  	v26 =	vand.u32 $0x7FFFFFFF, v28;
	v28 =	vand.u32 $0x7FFFFFFF, v29;
	v18 =	vxor.u32 v12, v17  }
0x15c: {  	v15 =	vxor.u32 v15, v19;
	v17 =	vxor.u32 v16, v27;
	v19 =	vxor.u32 v14, v31  }
0x15d: {  	v12 =	vxor.u32 v23, v28;
	v14 =	vxor.u32 v22, v30;
	v16 =	vxor.u32 v21, v32  }
0x15e: {  	v21 =	vxor.u32 v24, v26;
	v24 =	vshra.s32 v19, $0x16;
	v23 =	vshra.s32 v18, $0x16  }
0x15f: {  	v22 =	vshra.s32 v21, $0x16;
	v27 =	vshra.s32 v15, $0x16;
	v26 =	vshra.s32 v17, $0x16  }
0x160: {  	v29 =	vshra.s32 v16, $0x16;
	vm4 =	veq.s32 v22, v13;
	v22 =	vshra.s32 v12, $0x16  }
0x161: {  	v30 =	vshra.s32 v14, $0x16;
	v28 =	vsel vm4, $0x1, v0;
	vm0 =	veq.s32 v22, v13  }
0x162: {  	vm1 =	veq.s32 v30, v13;
	v22 =	vadd.s32 v28, v25;
	v25 =	vsel vm0, $0x1, v0  }
0x163: {  	s25 =	simm.s32 $0xC0;
	s24 =	simm.s32 $0x0;
	vm2 =	veq.s32 v29, v13;
	v28 =	vsel vm1, $0x1, v0;
	v25 =	vadd.s32 v25, v22  }
.LBB2_11:
0x164: {  	v29 =	vld [tilespmem:s25+$0x30];
	v28 =	vadd.s32 v28, v25;
	v30 =	vsel vm2, $0x1, v0;
	vm3 =	veq.s32 v27, v13  }
0x165: {  	vm5 =	veq.s32 v26, v13;
	v27 =	vld [tilespmem:s25+$0x20];
	v30 =	vadd.s32 v30, v28;
	v31 =	vsel vm3, $0x1, v0  }
0x166: {  	v26 =	vld [tilespmem:s25+$0x10];
	[tilespmem:v20+s17+$0x0] =	vst.idx.msk vm4, v21;
	v20 =	vadd.s32 v31, v30;
	v21 =	vsel vm5, $0x1, v0;
	vm4 =	veq.s32 v24, v13  }
0x167: {  	vm6 =	veq.s32 v23, v13;
	v24 =	vld [tilespmem:s25+$0x0];
	v21 =	vadd.s32 v21, v20;
	v31 =	vsel vm4, $0x1, v0  }
0x168: {  	v23 =	vld [tilespmem:s25+$0xFFFFFFF0];
	v32 =	vshll.u32 v21, $0x4;
	v21 =	vadd.s32 v31, v21;
	v31 =	vsel vm6, $0x1, v0  }
0x169: {  	s24 =	sadd.s32 $0x8, s24;
	v20 =	vshll.u32 v20, $0x4;
	v33 =	vld [tilespmem:s25+$0xFFFFFFE0];
	v34 =	vshll.u32 v21, $0x4;
	v31 =	vadd.s32 v31, v21  }
0x16a: {  	v25 =	vshll.u32 v25, $0x4;
	p0 =	slt.u32 s24, $0x7F8;
	v28 =	vshll.u32 v28, $0x4;
	v30 =	vshll.u32 v30, $0x4;
	v21 =	vld [tilespmem:s25+$0xFFFFFFD0]  }
0x16b: {  	v22 =	vshll.u32 v22, $0x4;
	v36 =	vshll.u32 v31, $0x4;
	v34 =	vor.u32 v1, v34;
	v35 =	vld [tilespmem:s25+$0xFFFFFFC0]  }
0x16c: {  	v30 =	vor.u32 v1, v30;
	v37 =	vor.u32 v1, v20;
	v32 =	vor.u32 v1, v32  }
0x16d: {  	v22 =	vor.u32 v1, v22;
	v25 =	vor.u32 v1, v25;
	v28 =	vor.u32 v1, v28  }
0x16e: {  	v38 =	vshra.s32 v29, $0x1F;
	v20 =	vor.u32 v1, v36;
	v36 =	vshra.s32 v27, $0x1F  }
0x16f: {  	v41 =	vshra.s32 v26, $0x1F;
	v40 =	vshra.s32 v24, $0x1F;
	v39 =	vshra.s32 v23, $0x1F  }
0x170: {  	v44 =	vshra.s32 v33, $0x1F;
	v43 =	vshra.s32 v21, $0x1F;
	v42 =	vshra.s32 v35, $0x1F;
	[tilespmem:v34+s17+$0x0] =	vst.idx.msk vm6, v18  }
0x171: {  	v36 =	vand.u32 $0x7FFFFFFF, v36;
	v34 =	vand.u32 $0x7FFFFFFF, v41;
	v18 =	vand.u32 $0x7FFFFFFF, v38;
	[tilespmem:v32+s17+$0x0] =	vst.idx.msk vm4, v19  }
0x172: {  	v38 =	vand.u32 $0x7FFFFFFF, v39;
	v32 =	vand.u32 $0x7FFFFFFF, v44;
	v19 =	vand.u32 $0x7FFFFFFF, v40;
	[tilespmem:v37+s17+$0x0] =	vst.idx.msk vm5, v17  }
0x173: {  	v39 =	vand.u32 $0x7FFFFFFF, v43;
	v18 =	vxor.u32 v29, v18;
	v37 =	vand.u32 $0x7FFFFFFF, v42;
	[tilespmem:v30+s17+$0x0] =	vst.idx.msk vm3, v15  }
0x174: {  	v17 =	vxor.u32 v26, v34;
	v15 =	vxor.u32 v24, v19;
	v19 =	vxor.u32 v27, v36  }
0x175: {  	v29 =	vxor.u32 v21, v39;
	v26 =	vxor.u32 v23, v38;
	v30 =	vxor.u32 v33, v32  }
0x176: {  	v23 =	vshra.s32 v18, $0x16;
	v21 =	vxor.u32 v35, v37;
	v24 =	vshra.s32 v19, $0x16;
	[tilespmem:v28+s17+$0x0] =	vst.idx.msk vm2, v16;
	v16 =	vmovc v26  }
.Ltmp7:
0x177: {  	v27 =	vshra.s32 v15, $0x16;
	v28 =	vshra.s32 v21, $0x16;
	v26 =	vshra.s32 v17, $0x16;
	[tilespmem:v25+s17+$0x0] =	vst.idx.msk vm1, v14;
	v14 =	vmovc v30;
	(pc) =	sbr.rel @p0 .LBB2_11-.Ltmp7, $4  }
0x178: {  	vm4 =	veq.s32 v28, v13;
	v25 =	vshra.s32 v29, $0x16;
	v30 =	vshra.s32 v16, $0x16;
	[tilespmem:v22+s17+$0x0] =	vst.idx.msk vm0, v12;
	v12 =	vmovc v29  }
0x179: {  	v22 =	vsel vm4, $0x1, v0;
	vm0 =	veq.s32 v25, v13;
	v25 =	vshra.s32 v14, $0x16  }
0x17a: {  	v22 =	vadd.s32 v22, v31;
	v28 =	vsel vm0, $0x1, v0;
	vm1 =	veq.s32 v25, v13  }
0x17b: {  	s25 =	sadd.s32 $0x80, s25;
	vm2 =	veq.s32 v30, v13;
	v25 =	vadd.s32 v28, v22;
	v28 =	vsel vm1, $0x1, v0  }
0x17c: {  	_ =	sdelay $0x1  }
0x17d: {  	v28 =	vadd.s32 v28, v25;
	v29 =	vsel vm2, $0x1, v0  }
0x17e: {  	vm3 =	veq.s32 v27, v13;
	vm5 =	veq.s32 v26, v13;
	vm6 =	veq.s32 v24, v13  }
0x17f: {  	v61 =	vshll.u32 v25, $0x4;
	v22 =	vshll.u32 v22, $0x4;
	v51 =	vadd.s32 v29, v28  }
0x180: {  	[tilespmem:v20+s17+$0x0] =	vst.idx.msk vm4, v21;
	v52 =	vsel vm3, $0x1, v0;
	v54 =	vsel vm5, $0x1, v0;
	v20 =	vor.u32 v1, v61  }
0x181: {  	v56 =	vsel vm6, $0x1, v0;
	v60 =	vshll.u32 v28, $0x4;
	v63 =	vor.u32 v1, v22  }
0x182: {  	v53 =	vadd.s32 v52, v51;
	v59 =	vshll.u32 v51, $0x4;
	v62 =	vor.u32 v1, v60  }
0x183: {  	v55 =	vadd.s32 v54, v53;
	v58 =	vshll.u32 v53, $0x4;
	v26 =	vor.u32 v1, v59  }
0x184: {  	v29 =	vadd.s32 v56, v55;
	v57 =	vshll.u32 v55, $0x4;
	v24 =	vor.u32 v1, v58  }
0x185: {  	vm7 =	veq.s32 v23, v13;
	v13 =	vshll.u32 v29, $0x4;
	v23 =	vor.u32 v1, v57;
	[tilespmem:v20+s17+$0x0] =	vst.idx.msk vm1, v14  }
0x186: {  	v13 =	vor.u32 v1, v13;
	[tilespmem:v63+s17+$0x0] =	vst.idx.msk vm0, v12  }
0x187: {  	[tilespmem:v62+s17+$0x0] =	vst.idx.msk vm2, v16  }
0x188: {  	[tilespmem:v26+s17+$0x0] =	vst.idx.msk vm3, v15  }
0x189: {  	[tilespmem:v24+s17+$0x0] =	vst.idx.msk vm5, v17  }
0x18a: {  	[tilespmem:v23+s17+$0x0] =	vst.idx.msk vm6, v19  }
0x18b: {  	s24 =	simm.s32 $0x10040;
	[tilespmem:v13+s17+$0x0] =	vst.idx.msk vm7, v18  }
0x18c: {  	[tilespmem:s24+$0xFFFFFFC0] =	vst v0  }
0x18d: {  	[tilespmem:s24+$0x30] =	vst v0  }
0x18e: {  	[tilespmem:s24+$0x20] =	vst v0  }
0x18f: {  	[tilespmem:s24+$0x10] =	vst v0  }
0x190: {  	[tilespmem:s24+$0x0] =	vst v0  }
0x191: {  	v13 =	vsel vm7, $0x1, v0;
	[tilespmem:s24+$0xFFFFFFF0] =	vst v0  }
0x192: {  	s25 =	simm.s32 $0x0;
	v13 =	vadd.s32 v13, v29;
	[tilespmem:s24+$0xFFFFFFE0] =	vst v0  }
.LBB2_13:
0x193: {  	s25 =	sadd.s32 $0x8, s25;
	[tilespmem:s24+$0xFFFFFFD0] =	vst v0;
	s24 =	sadd.s32 $0x80, s24  }
0x194: {  	[tilespmem:s24+$0xFFFFFFC0] =	vst v0;
	p0 =	slt.u32 s25, $0x3F8  }
0x195: {  	[tilespmem:s24+$0x30] =	vst v0  }
.Ltmp8:
0x196: {  	[tilespmem:s24+$0x20] =	vst v0;
	(pc) =	sbr.rel @p0 .LBB2_13-.Ltmp8, $4  }
0x197: {  	[tilespmem:s24+$0x10] =	vst v0  }
0x198: {  	[tilespmem:s24+$0x0] =	vst v0  }
0x199: {  	[tilespmem:s24+$0xFFFFFFF0] =	vst v0  }
0x19a: {  	[tilespmem:s24+$0xFFFFFFE0] =	vst v0  }
0x19b: {  	v12 =	vxor.u32 $0x80000000, v13  }
0x19c: {  	(xrf0) =	vmax.scan.msk.u32 $0xffff, v12;
	_ =	sdelay $0x5  }
0x19d: {  	v12, _, _ =	vpop (xrf0)  }
0x19e: {  	(v2sf) =	vpush v12, $0xF;
	_ =	sdelay $0xe  }
0x19f: {  	s31 =	spop (v2sf)  }
0x1a0: {  	[tilespmem:s24+$0xFFFFFFD0] =	vst v0;
	s24 =	sxor.u32 $0x80000000, s31  }
0x1a1: {  	p0 =	sgt.s32 s24, $0x0  }
.Ltmp9:
0x1a2: {  	_ = 	snop;
	(pc) =	sbr.rel @!p0 .LBB2_18-.Ltmp9, $1  }
0x1a3: {  	_ =	sdelay $0x3  }
0x1a4: {  	s25 =	simm.s32 $0x14000  }
0x1a5: {  	p0 =	sne.s32 s24, $0x1;
	v12 =	vld [tilespmem:s25+$0x0]  }
.Ltmp10:
0x1a6: {  	_ = 	snop;
	(pc) =	sbr.rel @!p0 .LBB2_17-.Ltmp10, $4  }
0x1a7: {  	s26 =	simm.s32 $0x0  }
0x1a8: {  	v14 =	vmov s26  }
0x1a9: {  	vm0 =	vlt.s32 v14, v13  }
0x1aa: {  	s26 =	simm.s32 $0x1;
	v12 =	vnsel vm0, $0x80000000, v12  }
.LBB2_16:
0x1ab: {  	[tilespmem:s25+$0x0] =	vst v12;
	s25 =	sadd.s32 $0x10, s25;
	s28 =	smov.u32 s26;
	s26 =	sadd.s32 $0x1, s26  }
0x1ac: {  	v12 =	vld [tilespmem:s25+$0x0];
	p0 =	sne.s32 s24, s26  }
.Ltmp11:
0x1ad: {  	(pc) =	sbr.rel @p0 .LBB2_16-.Ltmp11, $4  }
0x1ae: {  	_ = 	snop  }
0x1af: {  	v14 =	vmov s28  }
0x1b0: {  	vm0 =	vlt.s32 v14, v13  }
0x1b1: {  	v12 =	vnsel vm0, $0x80000000, v12  }
.LBB2_17:
0x1b2: {  	[tilespmem:s25+$0x0] =	vst v12  }
.LBB2_18:
.Ltmp12:
0x1b3: {  	(pc) =	sbr.rel .LBB2_19-.Ltmp12, $3  }
0x1b4: {  	_ =	sdelay $0x1  }
0x1b5: {  	s22 =	sshll.u32 s22, $0x16  }
0x1b6: {  	v13 =	vmov s23;
	p0 =	slt.s32 s24, $0x1;
	v12 =	vmov s22;
	s22 =	simm.s32 $0x0  }
.LBB2_22:
0x1b7: {  	v16 =	vmpcnt.ones.xlane vm0;
	_ =	sdelay $0x1  }
0x1b8: {  	v15 =	vadd.s32 v15, v16  }
.LBB2_23:
0x1b9: {  	s22 =	sadd.s32 $0x1, s22  }
0x1ba: {  	p1 =	sne.s32 s22, $0x16  }
.Ltmp13:
0x1bb: {  	_ = 	snop;
	(pc) =	sbr.rel @!p1 .LBB2_24-.Ltmp13, $3  }
0x1bc: {  	_ =	sdelay $0x1  }
0x1bd: {  	vm0 =	vlt.s32 v15, v13  }
0x1be: {  	v12 =	vsel vm0, v12, v14  }
.LBB2_19:
.Ltmp14:
0x1bf: {  	s23 =	ssub.s32 $0x15, s22;
	(pc) =	sbr.rel @p0 .LBB2_23-.Ltmp14, $3  }
0x1c0: {  	v14 =	vshll.u32 v3, s23  }
0x1c1: {  	v14 =	vbroadcast v14, $0x0;
	_ =	sdelay $0x1  }
0x1c2: {  	v15 =	vimm.s32 $0x0;
	s25 =	simm.s32 $0x14000;
	v14 =	vor.u32 v12, v14  }
0x1c3: {  	v16 =	vld [tilespmem:s25+$0x0];
	p1 =	sne.s32 s24, $0x1  }
.Ltmp15:
0x1c4: {  	_ = 	snop;
	(pc) =	sbr.rel @!p1 .LBB2_22-.Ltmp15, $2  }
0x1c5: {  	_ =	sdelay $0x2  }
0x1c6: {  	s23 =	sadd.s32 $0xFFFFFFFF, s24;
	s25 =	sadd.s32 $0x10, s25;
	vm0 =	vge.s32 v16, v14  }
.LBB2_21:
0x1c7: {  	v16 =	vld [tilespmem:s25+$0x0];
	p1 =	sne.s32 s23, $0x1;
	s23 =	sadd.s32 $0xFFFFFFFF, s23;
	v17 =	vmpcnt.ones.xlane vm0  }
.Ltmp16:
0x1c8: {  	(pc) =	sbr.rel @p1 .LBB2_21-.Ltmp16, $2  }
0x1c9: {  	v15 =	vadd.s32 v15, v17;
	_ =	sdelay $0x2  }
0x1ca: {  	s25 =	sadd.s32 $0x10, s25;
	vm0 =	vge.s32 v16, v14  }
.Ltmp17:
0x1cb: {  	_ = 	snop;
	(pc) =	sbr.rel .LBB2_22-.Ltmp17, $1  }
0x1cc: {  	_ =	sdelay $0x3  }
.LBB2_24:
0x1cd: {  	v12 =	vxor.u32 $0x80000000, v12  }
0x1ce: {  	(xrf0) =	vmax.scan.msk.u32 $0xffff, v12;
	_ =	sdelay $0x5  }
0x1cf: {  	v12, _, _ =	vpop (xrf0)  }
0x1d0: {  	(v2sf) =	vpush v12, $0xF;
	_ =	sdelay $0xe  }
0x1d1: {  	s23 =	spop (v2sf)  }
0x1d2: {  	p0 =	sgt.s32 s23, $0xFFFFFFFF  }
.Ltmp18:
0x1d3: {  	_ = 	snop;
	(pc) =	sbr.rel @!p0 .LBB2_25-.Ltmp18, $2  }
0x1d4: {  	_ =	sdelay $0x2  }
0x1d5: {  	s22 =	simm.s32 $0x40  }
0x1d6: {  	v13 =	vld [tilespmem:s22+$0x30]  }
0x1d7: {  	v14 =	vld [tilespmem:s22+$0xFFFFFFD0]  }
0x1d8: {  	v15 =	vld [tilespmem:s22+$0xFFFFFFE0]  }
0x1d9: {  	v17 =	vld [tilespmem:s22+$0x0]  }
0x1da: {  	v18 =	vld [tilespmem:s22+$0x10]  }
0x1db: {  	s23 =	sxor.u32 $0xFFFFFFFF, s23  }
0x1dc: {  	v16 =	vld [tilespmem:s22+$0xFFFFFFF0];
	v12 =	vmov s23  }
0x1dd: {  	vm0 =	vgt.s32 v13, $0xFFFFFFFF;
	vm1 =	vle.s32 v13, v12  }
0x1de: {  	vm2 =	vgt.s32 v14, $0xFFFFFFFF;
	vm3 =	vle.s32 v14, v12;
	vm4 =	vle.s32 v15, v12;
	v13 =	vld [tilespmem:s22+$0x20]  }
0x1df: {  	vm6 =	vle.s32 v17, v12;
	v14 =	vld [tilespmem:s22+$0xFFFFFFC0];
	vm5 =	vle.s32 v18, v12;
	vm0 =	vmor vm0, vm1  }
0x1e0: {  	vm1 =	vgt.s32 v15, $0xFFFFFFFF;
	v15 =	vsel vm0, $0x3F800000, v0;
	vm0 =	vmor vm2, vm3  }
0x1e1: {  	vm2 =	vgt.s32 v16, $0xFFFFFFFF;
	vm3 =	vle.s32 v16, v12;
	vm1 =	vmor vm1, vm4  }
0x1e2: {  	s24 =	simm.s32 $0xC0;
	s23 =	simm.s32 $0x0;
	vm4 =	vgt.s32 v17, $0xFFFFFFFF;
	[tilespmem:s22+$0x30] =	vst v15;
	vm2 =	vmor vm2, vm3;
	vm3 =	vgt.s32 v18, $0xFFFFFFFF  }
.LBB2_29:
0x1e3: {  	v15 =	vld [tilespmem:s24+$0x30];
	s23 =	sadd.s32 $0x8, s23;
	vm4 =	vmor vm4, vm6;
	vm6 =	vgt.s32 v13, $0xFFFFFFFF;
	vm7 =	vle.s32 v13, v12  }
0x1e4: {  	vm3 =	vmor vm3, vm5;
	v13 =	vld [tilespmem:s24+$0xFFFFFFD0];
	p0 =	slt.u32 s23, $0x7F8;
	vm8 =	vgt.s32 v14, $0xFFFFFFFF;
	vm9 =	vle.s32 v14, v12  }
0x1e5: {  	v14 =	vsel vm0, $0x3F800000, v0;
	vm0 =	vmor vm6, vm7;
	v16 =	vld [tilespmem:s24+$0xFFFFFFE0];
	vm5 =	vmor vm8, vm9  }
0x1e6: {  	v19 =	vsel vm2, $0x3F800000, v0;
	v17 =	vld [tilespmem:s24+$0xFFFFFFF0];
	v18 =	vsel vm5, $0x3F800000, v0;
	[tilespmem:s22+$0xFFFFFFD0] =	vst v14;
	v14 =	vsel vm1, $0x3F800000, v0  }
0x1e7: {  	v21 =	vsel vm3, $0x3F800000, v0;
	v22 =	vsel vm0, $0x3F800000, v0;
	v20 =	vld [tilespmem:s24+$0x0];
	[tilespmem:s22+$0xFFFFFFC0] =	vst v18;
	v18 =	vsel vm4, $0x3F800000, v0  }
0x1e8: {  	v23 =	vld [tilespmem:s24+$0x10];
	vm0 =	vgt.s32 v15, $0xFFFFFFFF;
	vm1 =	vle.s32 v15, v12;
	[tilespmem:s22+$0xFFFFFFE0] =	vst v14  }
.Ltmp19:
0x1e9: {  	vm2 =	vgt.s32 v13, $0xFFFFFFFF;
	vm3 =	vle.s32 v13, v12;
	v13 =	vld [tilespmem:s24+$0x20];
	vm0 =	vmor vm0, vm1;
	[tilespmem:s22+$0xFFFFFFF0] =	vst v19;
	(pc) =	sbr.rel @p0 .LBB2_29-.Ltmp19, $4  }
0x1ea: {  	v14 =	vld [tilespmem:s24+$0xFFFFFFC0];
	vm1 =	vgt.s32 v16, $0xFFFFFFFF;
	vm4 =	vle.s32 v16, v12;
	v15 =	vsel vm0, $0x3F800000, v0;
	[tilespmem:s22+$0x0] =	vst v18  }
0x1eb: {  	vm0 =	vmor vm2, vm3;
	vm2 =	vgt.s32 v17, $0xFFFFFFFF;
	vm3 =	vle.s32 v17, v12;
	[tilespmem:s24+$0x30] =	vst v15  }
0x1ec: {  	vm1 =	vmor vm1, vm4;
	vm4 =	vgt.s32 v20, $0xFFFFFFFF;
	vm6 =	vle.s32 v20, v12;
	[tilespmem:s22+$0x10] =	vst v21  }
0x1ed: {  	vm2 =	vmor vm2, vm3;
	vm3 =	vgt.s32 v23, $0xFFFFFFFF;
	vm5 =	vle.s32 v23, v12;
	[tilespmem:s22+$0x20] =	vst v22;
	s22 =	smov.u32 s24;
	s24 =	sadd.s32 $0x80, s24  }
0x1ee: {  	v58 =	vsel vm0, $0x3F800000, v0  }
0x1ef: {  	v59 =	vsel vm1, $0x3F800000, v0;
	vm12 =	vmor vm4, vm6;
	[tilespmem:s22+$0xFFFFFFD0] =	vst v58  }
0x1f0: {  	vm13 =	vgt.s32 v13, $0xFFFFFFFF;
	v60 =	vsel vm2, $0x3F800000, v0;
	vm14 =	vle.s32 v13, v12;
	[tilespmem:s22+$0xFFFFFFE0] =	vst v59  }
.Ltmp20:
0x1f1: {  	vm3 =	vmor vm3, vm5;
	vm7 =	vgt.s32 v14, $0xFFFFFFFF;
	v61 =	vsel vm12, $0x3F800000, v0;
	[tilespmem:s22+$0xFFFFFFF0] =	vst v60;
	(pc) =	sbr.rel .LBB2_31-.Ltmp20, $4  }
0x1f2: {  	vm8 =	vle.s32 v14, v12;
	vm15 =	vmor vm13, vm14;
	v62 =	vsel vm3, $0x3F800000, v0;
	[tilespmem:s22+$0x0] =	vst v61  }
0x1f3: {  	vm7 =	vmor vm7, vm8;
	v63 =	vsel vm15, $0x3F800000, v0;
	[tilespmem:s22+$0x10] =	vst v62  }
0x1f4: {  	v15 =	vsel vm7, $0x3F800000, v0;
	[tilespmem:s22+$0x20] =	vst v63  }
0x1f5: {  	[tilespmem:s22+$0xFFFFFFC0] =	vst v15  }
.LBB2_25:
0x1f6: {  	v14 =	vld [tilespmem:s22+$0x30]  }
0x1f7: {  	v17 =	vld [tilespmem:s22+$0xFFFFFFD0]  }
0x1f8: {  	v19 =	vld [tilespmem:s22+$0xFFFFFFE0]  }
0x1f9: {  	s23 =	sand.u32 $0x7FFFFFFF, s23;
	v16 =	vld [tilespmem:s22+$0xFFFFFFF0]  }
0x1fa: {  	v15 =	vld [tilespmem:s22+$0x0];
	v12 =	vmov s23  }
0x1fb: {  	v13 =	vld [tilespmem:s22+$0x10];
	vm0 =	vlt.s32 v14, v12  }
0x1fc: {  	vm1 =	vlt.s32 v17, v12;
	v14 =	vld [tilespmem:s22+$0x20];
	v20 =	vsel vm0, $0x0, v11  }
0x1fd: {  	s24 =	simm.s32 $0xC0;
	s23 =	simm.s32 $0x0;
	v17 =	vld [tilespmem:s22+$0xFFFFFFC0];
	v18 =	vsel vm1, $0x0, v11;
	vm0 =	vlt.s32 v19, v12;
	[tilespmem:s22+$0x30] =	vst v20  }
.LBB2_26:
0x1fe: {  	v19 =	vld [tilespmem:s24+$0x30];
	s23 =	sadd.s32 $0x8, s23;
	[tilespmem:s22+$0xFFFFFFD0] =	vst v18;
	v18 =	vsel vm0, $0x0, v11;
	vm0 =	vlt.s32 v16, v12  }
0x1ff: {  	v20 =	vld [tilespmem:s24+$0xFFFFFFD0];
	p0 =	slt.u32 s23, $0x7F8;
	[tilespmem:s22+$0xFFFFFFE0] =	vst v18;
	v16 =	vsel vm0, $0x0, v11;
	vm0 =	vlt.s32 v15, v12  }
0x200: {  	v21 =	vld [tilespmem:s24+$0xFFFFFFE0];
	[tilespmem:s22+$0xFFFFFFF0] =	vst v16;
	v15 =	vsel vm0, $0x0, v11;
	vm0 =	vlt.s32 v13, v12  }
.Ltmp21:
0x201: {  	v16 =	vld [tilespmem:s24+$0xFFFFFFF0];
	[tilespmem:s22+$0x0] =	vst v15;
	v13 =	vsel vm0, $0x0, v11;
	vm0 =	vlt.s32 v14, v12;
	(pc) =	sbr.rel @p0 .LBB2_26-.Ltmp21, $4  }
0x202: {  	v15 =	vld [tilespmem:s24+$0x0];
	vm1 =	vlt.s32 v17, v12;
	[tilespmem:s22+$0x10] =	vst v13;
	v14 =	vsel vm0, $0x0, v11  }
0x203: {  	v13 =	vld [tilespmem:s24+$0x10];
	vm0 =	vlt.s32 v19, v12;
	v17 =	vsel vm1, $0x0, v11;
	[tilespmem:s22+$0x20] =	vst v14  }
0x204: {  	vm1 =	vlt.s32 v20, v12;
	v14 =	vld [tilespmem:s24+$0x20];
	v19 =	vsel vm0, $0x0, v11;
	[tilespmem:s22+$0xFFFFFFC0] =	vst v17;
	s22 =	smov.u32 s24  }
0x205: {  	s24 =	sadd.s32 $0x80, s24;
	v17 =	vld [tilespmem:s22+$0xFFFFFFC0];
	v18 =	vsel vm1, $0x0, v11;
	vm0 =	vlt.s32 v21, v12;
	[tilespmem:s22+$0x30] =	vst v19  }
0x206: {  	[tilespmem:s22+$0xFFFFFFD0] =	vst v18;
	v61 =	vsel vm0, $0x0, v11;
	vm12 =	vlt.s32 v16, v12  }
0x207: {  	[tilespmem:s22+$0xFFFFFFE0] =	vst v61;
	v16 =	vsel vm12, $0x0, v11;
	vm13 =	vlt.s32 v15, v12  }
0x208: {  	[tilespmem:s22+$0xFFFFFFF0] =	vst v16;
	v15 =	vsel vm13, $0x0, v11;
	vm14 =	vlt.s32 v13, v12  }
0x209: {  	[tilespmem:s22+$0x0] =	vst v15;
	v13 =	vsel vm14, $0x0, v11;
	vm15 =	vlt.s32 v14, v12  }
0x20a: {  	vm1 =	vlt.s32 v17, v12;
	[tilespmem:s22+$0x10] =	vst v13;
	v62 =	vsel vm15, $0x0, v11  }
0x20b: {  	v63 =	vsel vm1, $0x0, v11;
	[tilespmem:s22+$0x20] =	vst v62  }
0x20c: {  	[tilespmem:s22+$0xFFFFFFC0] =	vst v63  }
.LBB2_31:
0x20d: {  	s22 =	simm.s32 $0x0  }
0x20e: {  	[hbm4b:s5+s12] =	stream.strided.scatter [tilespmem:s22], [sflag:$0x3], $0x8000, s13, s12, $0x38;
	[tilespmem:$0x1C000] =	vst v63  }
0x20f: {  	_ =	swait.ge [sflag:s18], $0x8000  }
0x210: {  	[sflag:s18] =	ssyncset.done $0x0  }
0x211: {  	s28 =	simm.s32 $0x0;
	[sflag:s18] =	ssyncadd.s32 $0xFFFF8000  }
0x212: {  	v12 =	vld [tilespmem:s28+$0x8000];
	_ =	sdelay $0x4  }
0x213: {  	v13 =	vshra.s32 v12, $0x1F  }
0x214: {  	v12 =	vshra.s32 v12, $0x16;
	v13 =	vand.u32 $0x1FF, v13  }
0x215: {  	v28 =	vxor.u32 v12, v13  }
0x216: {  	v12 =	vshll.u32 v28, $0x4  }
0x217: {  	v12 =	vadd.s32 v2, v12;
	_ =	sdelay $0x4  }
0x218: {  	[tilespmem:v12+s15+$0x0] =	vst.idx.add.s32.msk $0xffff, v3  }
0x219: {  	v12 =	vld [tilespmem:s28+$0x8010];
	_ =	sdelay $0x4  }
0x21a: {  	v13 =	vshra.s32 v12, $0x1F  }
0x21b: {  	s26 =	simm.s32 $0x80;
	v12 =	vshra.s32 v12, $0x16;
	v13 =	vand.u32 $0x1FF, v13  }
0x21c: {  	v14 =	vld [tilespmem:s26+$0x8000];
	v30 =	vxor.u32 v12, v13  }
0x21d: {  	v12 =	vshll.u32 v30, $0x4  }
0x21e: {  	v12 =	vadd.s32 v4, v12;
	_ =	sdelay $0x2  }
0x21f: {  	v13 =	vshra.s32 v14, $0x1F  }
0x220: {  	v14 =	vshra.s32 v14, $0x16;
	v13 =	vand.u32 $0x1FF, v13  }
0x221: {  	v17 =	vxor.u32 v14, v13;
	[tilespmem:v12+s15+$0x0] =	vst.idx.add.s32.msk $0xffff, v3  }
0x222: {  	v12 =	vshll.u32 v17, $0x4;
	v13 =	vld [tilespmem:s28+$0x8020]  }
0x223: {  	v12 =	vadd.s32 v2, v12;
	_ =	sdelay $0x3  }
0x224: {  	v14 =	vshra.s32 v13, $0x1F  }
0x225: {  	[tilespmem:v12+s15+$0x0] =	vst.idx.add.s32.msk $0xffff, v3;
	v12 =	vshra.s32 v13, $0x16;
	v13 =	vand.u32 $0x1FF, v14  }
0x226: {  	v14 =	vld [tilespmem:s26+$0x8010];
	v33 =	vxor.u32 v12, v13  }
0x227: {  	v12 =	vshll.u32 v33, $0x4  }
0x228: {  	v12 =	vadd.s32 v5, v12;
	_ =	sdelay $0x2  }
0x229: {  	s25 =	simm.s32 $0x100;
	v13 =	vshra.s32 v14, $0x1F  }
0x22a: {  	v15 =	vld [tilespmem:s25+$0x8000];
	v14 =	vshra.s32 v14, $0x16;
	v13 =	vand.u32 $0x1FF, v13  }
0x22b: {  	v20 =	vxor.u32 v14, v13;
	[tilespmem:v12+s15+$0x0] =	vst.idx.add.s32.msk $0xffff, v3  }
0x22c: {  	v12 =	vshll.u32 v20, $0x4;
	v13 =	vld [tilespmem:s28+$0x8030]  }
0x22d: {  	v12 =	vadd.s32 v4, v12;
	_ =	sdelay $0x1  }
0x22e: {  	v14 =	vshra.s32 v15, $0x1F  }
0x22f: {  	v15 =	vshra.s32 v15, $0x16;
	v14 =	vand.u32 $0x1FF, v14  }
0x230: {  	v14 =	vxor.u32 v15, v14;
	v15 =	vshra.s32 v13, $0x1F  }
0x231: {  	v16 =	vshll.u32 v14, $0x4;
	[tilespmem:v12+s15+$0x0] =	vst.idx.add.s32.msk $0xffff, v3;
	v12 =	vshra.s32 v13, $0x16;
	v13 =	vand.u32 $0x1FF, v15  }
0x232: {  	v15 =	vadd.s32 v2, v16;
	v16 =	vld [tilespmem:s26+$0x8020];
	v25 =	vxor.u32 v12, v13  }
0x233: {  	v12 =	vshll.u32 v25, $0x4  }
0x234: {  	v12 =	vadd.s32 v6, v12;
	_ =	sdelay $0x2  }
0x235: {  	[tilespmem:v15+s15+$0x0] =	vst.idx.add.s32.msk $0xffff, v3;
	v13 =	vshra.s32 v16, $0x1F  }
0x236: {  	v16 =	vshra.s32 v16, $0x16;
	v15 =	vld [tilespmem:s25+$0x8010];
	v13 =	vand.u32 $0x1FF, v13  }
0x237: {  	v21 =	vxor.u32 v16, v13;
	[tilespmem:v12+s15+$0x0] =	vst.idx.add.s32.msk $0xffff, v3  }
0x238: {  	v12 =	vshll.u32 v21, $0x4;
	v13 =	vld [tilespmem:s28+$0x8040]  }
0x239: {  	v12 =	vadd.s32 v5, v12  }
0x23a: {  	s24 =	simm.s32 $0x180  }
0x23b: {  	v18 =	vld [tilespmem:s24+$0x8000];
	v16 =	vshra.s32 v15, $0x1F  }
0x23c: {  	v15 =	vshra.s32 v15, $0x16;
	v16 =	vand.u32 $0x1FF, v16  }
0x23d: {  	v16 =	vxor.u32 v15, v16;
	v15 =	vshra.s32 v13, $0x1F  }
0x23e: {  	v19 =	vshll.u32 v16, $0x4;
	[tilespmem:v12+s15+$0x0] =	vst.idx.add.s32.msk $0xffff, v3;
	v12 =	vshra.s32 v13, $0x16;
	v13 =	vand.u32 $0x1FF, v15  }
0x23f: {  	v15 =	vadd.s32 v4, v19;
	v19 =	vld [tilespmem:s26+$0x8030];
	v27 =	vxor.u32 v12, v13  }
0x240: {  	v12 =	vshra.s32 v18, $0x1F;
	v13 =	vshll.u32 v27, $0x4  }
0x241: {  	v18 =	vshra.s32 v18, $0x16;
	v12 =	vand.u32 $0x1FF, v12;
	v23 =	vadd.s32 v7, v13  }
0x242: {  	v13 =	vxor.u32 v18, v12  }
0x243: {  	v12 =	vshll.u32 v13, $0x4  }
0x244: {  	v12 =	vadd.s32 v2, v12;
	[tilespmem:v15+s15+$0x0] =	vst.idx.add.s32.msk $0xffff, v3;
	v15 =	vshra.s32 v19, $0x1F  }
0x245: {  	v19 =	vshra.s32 v19, $0x16;
	v18 =	vld [tilespmem:s25+$0x8020];
	v15 =	vand.u32 $0x1FF, v15  }
0x246: {  	v22 =	vxor.u32 v19, v15;
	[tilespmem:v23+s15+$0x0] =	vst.idx.add.s32.msk $0xffff, v3  }
0x247: {  	v15 =	vshll.u32 v22, $0x4;
	v19 =	vld [tilespmem:s28+$0x8050]  }
0x248: {  	v15 =	vadd.s32 v6, v15  }
0x249: {  	[tilespmem:v12+s15+$0x0] =	vst.idx.add.s32.msk $0xffff, v3  }
0x24a: {  	v12 =	vld [tilespmem:s24+$0x8010];
	v23 =	vshra.s32 v18, $0x1F  }
0x24b: {  	s23 =	simm.s32 $0x200;
	v18 =	vshra.s32 v18, $0x16;
	v23 =	vand.u32 $0x1FF, v23  }
0x24c: {  	v24 =	vld [tilespmem:s23+$0x8000];
	v18 =	vxor.u32 v18, v23;
	v23 =	vshra.s32 v19, $0x1F  }
0x24d: {  	v26 =	vshll.u32 v18, $0x4;
	[tilespmem:v15+s15+$0x0] =	vst.idx.add.s32.msk $0xffff, v3;
	v15 =	vshra.s32 v19, $0x16;
	v19 =	vand.u32 $0x1FF, v23  }
0x24e: {  	v23 =	vadd.s32 v5, v26;
	v26 =	vld [tilespmem:s26+$0x8040];
	v29 =	vxor.u32 v15, v19  }
0x24f: {  	v15 =	vshra.s32 v12, $0x1F;
	v19 =	vshll.u32 v29, $0x4  }
0x250: {  	v12 =	vshra.s32 v12, $0x16;
	v15 =	vand.u32 $0x1FF, v15;
	v19 =	vadd.s32 v8, v19  }
0x251: {  	s22 =	simm.s32 $0x280;
	v31 =	vshra.s32 v24, $0x1F;
	v15 =	vxor.u32 v12, v15  }
0x252: {  	v32 =	vld [tilespmem:s22+$0x8000];
	v12 =	vshra.s32 v24, $0x16;
	v24 =	vand.u32 $0x1FF, v31;
	v31 =	vshll.u32 v15, $0x4  }
0x253: {  	v12 =	vxor.u32 v12, v24;
	v31 =	vadd.s32 v4, v31;
	v24 =	vshra.s32 v26, $0x1F;
	[tilespmem:v23+s15+$0x0] =	vst.idx.add.s32.msk $0xffff, v3  }
0x254: {  	v23 =	vshll.u32 v12, $0x4;
	v26 =	vshra.s32 v26, $0x16;
	v24 =	vand.u32 $0x1FF, v24;
	v34 =	vld [tilespmem:s25+$0x8030]  }
0x255: {  	v23 =	vadd.s32 v2, v23;
	v24 =	vxor.u32 v26, v24;
	[tilespmem:v19+s15+$0x0] =	vst.idx.add.s32.msk $0xffff, v3  }
0x256: {  	v19 =	vshll.u32 v24, $0x4;
	v35 =	vld [tilespmem:s28+$0x8060]  }
0x257: {  	v19 =	vadd.s32 v7, v19  }
0x258: {  	v36 =	vshra.s32 v32, $0x16;
	v32 =	vshra.s32 v32, $0x1F;
	[tilespmem:v31+s15+$0x0] =	vst.idx.add.s32.msk $0xffff, v3  }
0x259: {  	v32 =	vand.u32 $0x1FF, v32;
	v31 =	vimm.s32 $0xFFFFFE00;
	v37 =	vld [tilespmem:s24+$0x8020];
	v26 =	vshra.s32 v34, $0x1F  }
0x25a: {  	[tilespmem:v23+s15+$0x0] =	vst.idx.add.s32.msk $0xffff, v3;
	v23 =	vshra.s32 v34, $0x16;
	vm0 =	vgt.s32 v31, v28;
	v26 =	vand.u32 $0x1FF, v26  }
0x25b: {  	v38 =	vld [tilespmem:s23+$0x8010];
	v31 =	vsel vm0, v31, v28;
	v26 =	vxor.u32 v23, v26;
	v23 =	vshra.s32 v35, $0x1F  }
0x25c: {  	v57 =	vshll.u32 v26, $0x4;
	[tilespmem:v19+s15+$0x0] =	vst.idx.add.s32.msk $0xffff, v3;
	v35 =	vshra.s32 v35, $0x16;
	v23 =	vand.u32 $0x1FF, v23  }
0x25d: {  	v19 =	vxor.u32 v36, v32;
	v58 =	vadd.s32 v6, v57;
	v39 =	vld [tilespmem:s26+$0x8050];
	v32 =	vxor.u32 v35, v23  }
0x25e: {  	vm0 =	vgt.s32 v31, v30;
	v35 =	vshll.u32 v32, $0x4  }
0x25f: {  	v62 =	vsel vm0, v31, v30;
	v40 =	vadd.s32 v9, v35  }
0x260: {  	v34 =	vshll.u32 v19, $0x4;
	vm0 =	vgt.s32 v62, v33;
	v59 =	vshra.s32 v37, $0x1F  }
0x261: {  	v23 =	vshra.s32 v37, $0x16;
	v33 =	vsel vm0, v62, v33;
	v37 =	vand.u32 $0x1FF, v59  }
0x262: {  	v28 =	vshra.s32 v38, $0x16;
	v23 =	vxor.u32 v23, v37;
	[tilespmem:v58+s15+$0x0] =	vst.idx.add.s32.msk $0xffff, v3;
	v61 =	vshra.s32 v39, $0x1F  }
0x263: {  	v60 =	vshll.u32 v23, $0x4;
	v31 =	vshra.s32 v39, $0x16;
	v30 =	vld [tilespmem:s25+$0x8040];
	v63 =	vand.u32 $0x1FF, v61  }
0x264: {  	s29 =	simm.s32 $0xC00;
	v36 =	vshra.s32 v38, $0x1F;
	v35 =	vadd.s32 v5, v60;
	v31 =	vxor.u32 v31, v63;
	[tilespmem:v40+s15+$0x0] =	vst.idx.add.s32.msk $0xffff, v3  }
.LBB2_32:
0x265: {  	p0 =	sne.s32 s29, $0x1FE00;
	v36 =	vand.u32 $0x1FF, v36;
	v41 =	vshll.u32 v31, $0x4;
	vm0 =	vgt.s32 v33, v25;
	v38 =	vld [tilespmem:s28+$0x8070];
	v39 =	vmovc v15;
	v40 =	vmovc v19;
	s28 =	smov.u32 s26;
	s26 =	smov.u32 s25  }
0x266: {  	s25 =	smov.u32 s24;
	s24 =	smov.u32 s23;
	s23 =	smov.u32 s22;
	v15 =	vxor.u32 v28, v36;
	v19 =	vadd.s32 v8, v41;
	v28 =	vsel vm0, v33, v25;
	v25 =	vmovc v22  }
0x267: {  	s22 =	sshra.s32 s29, $0x2;
	v37 =	vmovc v21;
	v33 =	vadd.s32 v2, v34;
	v22 =	vmovc v26;
	v34 =	vshll.u32 v15, $0x4;
	vm0 =	vgt.s32 v28, v27  }
0x268: {  	v21 =	vmovc v18;
	v26 =	vld [tilespmem:s22+$0x8000];
	v34 =	vadd.s32 v4, v34;
	v36 =	vshra.s32 v30, $0x1F;
	v28 =	vsel vm0, v28, v27;
	v27 =	vmovc v24  }
0x269: {  	v18 =	vmovc v23;
	v24 =	vshra.s32 v30, $0x16;
	[tilespmem:v35+s15+$0x0] =	vst.idx.add.s32.msk $0xffff, v3;
	v30 =	vand.u32 $0x1FF, v36;
	vm0 =	vgt.s32 v28, v29  }
0x26a: {  	v23 =	vld [tilespmem:s25+$0x8030];
	v24 =	vxor.u32 v24, v30;
	v28 =	vsel vm0, v28, v29;
	v30 =	vshra.s32 v38, $0x1F;
	v29 =	vmovc v31  }
0x26b: {  	[tilespmem:v19+s15+$0x0] =	vst.idx.add.s32.msk $0xffff, v3;
	vm0 =	vgt.s32 v28, v32;
	v19 =	vshra.s32 v38, $0x16;
	v30 =	vand.u32 $0x1FF, v30  }
0x26c: {  	v31 =	vshll.u32 v24, $0x4;
	v35 =	vld [tilespmem:s28+$0x8060];
	v28 =	vsel vm0, v28, v32;
	v19 =	vxor.u32 v19, v30  }
0x26d: {  	v30 =	vadd.s32 v7, v31;
	v31 =	vshll.u32 v19, $0x4;
	vm0 =	vgt.s32 v28, v19  }
0x26e: {  	[tilespmem:v34+s15+$0x0] =	vst.idx.add.s32.msk $0xffff, v3;
	v31 =	vadd.s32 v10, v31;
	v28 =	vsel vm0, v28, v19  }
0x26f: {  	v19 =	vshra.s32 v26, $0x16;
	v34 =	vld [tilespmem:s24+$0x8020];
	v32 =	vshra.s32 v23, $0x1F  }
0x270: {  	v26 =	vshra.s32 v26, $0x1F;
	v23 =	vshra.s32 v23, $0x16;
	[tilespmem:v33+s15+$0x0] =	vst.idx.add.s32.msk $0xffff, v3;
	v32 =	vand.u32 $0x1FF, v32  }
0x271: {  	v33 =	vand.u32 $0x1FF, v26;
	v36 =	vld [tilespmem:s23+$0x8010];
	v26 =	vxor.u32 v23, v32;
	v23 =	vshra.s32 v35, $0x1F  }
0x272: {  	v32 =	vshll.u32 v26, $0x4;
	[tilespmem:v30+s15+$0x0] =	vst.idx.add.s32.msk $0xffff, v3;
	v30 =	vshra.s32 v35, $0x16;
	v23 =	vand.u32 $0x1FF, v23  }
0x273: {  	v19 =	vxor.u32 v19, v33;
	v33 =	vadd.s32 v6, v32;
	v38 =	vld [tilespmem:s26+$0x8050];
	v32 =	vxor.u32 v30, v23  }
0x274: {  	v23 =	vshra.s32 v34, $0x16;
	v30 =	vshra.s32 v34, $0x1F;
	v34 =	vshll.u32 v32, $0x4;
	[tilespmem:v31+s15+$0x0] =	vst.idx.add.s32.msk $0xffff, v3  }
0x275: {  	vm0 =	vgt.s32 v28, v17;
	v30 =	vand.u32 $0x1FF, v30;
	v41 =	vadd.s32 v9, v34  }
.Ltmp22:
0x276: {  	v34 =	vshll.u32 v19, $0x4;
	v23 =	vxor.u32 v23, v30;
	v30 =	vsel vm0, v28, v17;
	v17 =	vmovc v14;
	v14 =	vmovc v13;
	(pc) =	sbr.rel @p0 .LBB2_32-.Ltmp22, $4  }
0x277: {  	v28 =	vshra.s32 v36, $0x16;
	v13 =	vmovc v12;
	v12 =	vmovc v40;
	v31 =	vshll.u32 v23, $0x4;
	vm0 =	vgt.s32 v30, v20  }
0x278: {  	v35 =	vadd.s32 v5, v31;
	[tilespmem:v33+s15+$0x0] =	vst.idx.add.s32.msk $0xffff, v3;
	v31 =	vshra.s32 v38, $0x1F;
	v33 =	vsel vm0, v30, v20  }
0x279: {  	v38 =	vshra.s32 v38, $0x16;
	v20 =	vmovc v16;
	v16 =	vmovc v39;
	v30 =	vld [tilespmem:s25+$0x8040];
	v31 =	vand.u32 $0x1FF, v31;
	vm0 =	vgt.s32 v33, v37  }
0x27a: {  	s29 =	sadd.s32 $0x200, s29;
	v36 =	vshra.s32 v36, $0x1F;
	v31 =	vxor.u32 v38, v31;
	v33 =	vsel vm0, v33, v37;
	[tilespmem:v41+s15+$0x0] =	vst.idx.add.s32.msk $0xffff, v3  }
0x27b: {  	v36 =	vand.u32 $0x1FF, v36  }
0x27c: {  	v28 =	vxor.u32 v28, v36  }
0x27d: {  	v36 =	vshll.u32 v28, $0x4  }
0x27e: {  	v37 =	vld [tilespmem:s28+$0x8070];
	v36 =	vadd.s32 v4, v36  }
0x27f: {  	[tilespmem:v35+s15+$0x0] =	vst.idx.add.s32.msk $0xffff, v3  }
0x280: {  	vm0 =	vgt.s32 v33, v25;
	v34 =	vadd.s32 v2, v34;
	v35 =	vld [tilespmem:s24+$0x8030]  }
0x281: {  	v40 =	vshll.u32 v31, $0x4;
	v25 =	vsel vm0, v33, v25  }
0x282: {  	v38 =	vadd.s32 v8, v40;
	vm0 =	vgt.s32 v25, v27;
	v41 =	vshra.s32 v30, $0x1F  }
0x283: {  	v25 =	vsel vm0, v25, v27;
	v42 =	vshra.s32 v30, $0x16;
	v43 =	vand.u32 $0x1FF, v41;
	[tilespmem:v36+s15+$0x0] =	vst.idx.add.s32.msk $0xffff, v3  }
0x284: {  	vm0 =	vgt.s32 v25, v29;
	v33 =	vxor.u32 v42, v43;
	v36 =	vld [tilespmem:s23+$0x8020]  }
0x285: {  	v25 =	vsel vm0, v25, v29;
	v44 =	vshra.s32 v37, $0x1F;
	[tilespmem:v34+s15+$0x0] =	vst.idx.add.s32.msk $0xffff, v3;
	v46 =	vshra.s32 v35, $0x1F  }
0x286: {  	v45 =	vshll.u32 v33, $0x4;
	v34 =	vld [tilespmem:s22+$0x8010];
	v47 =	vshra.s32 v35, $0x16;
	v30 =	vand.u32 $0x1FF, v46  }
0x287: {  	v48 =	vshra.s32 v37, $0x16;
	v39 =	vadd.s32 v7, v45;
	v30 =	vxor.u32 v47, v30  }
0x288: {  	vm0 =	vgt.s32 v25, v32;
	[tilespmem:v38+s15+$0x0] =	vst.idx.add.s32.msk $0xffff, v3;
	v27 =	vand.u32 $0x1FF, v44;
	v50 =	vshll.u32 v30, $0x4  }
0x289: {  	v49 =	vld [tilespmem:s26+$0x8060];
	v32 =	vsel vm0, v25, v32;
	v52 =	vadd.s32 v6, v50;
	v51 =	vshra.s32 v36, $0x1F  }
0x28a: {  	v25 =	vxor.u32 v48, v27;
	v36 =	vshra.s32 v36, $0x16;
	v29 =	vand.u32 $0x1FF, v51  }
0x28b: {  	vm0 =	vgt.s32 v32, v25;
	v53 =	vshra.s32 v34, $0x1F;
	v29 =	vxor.u32 v36, v29  }
0x28c: {  	v34 =	vshra.s32 v34, $0x16;
	[tilespmem:v39+s15+$0x0] =	vst.idx.add.s32.msk $0xffff, v3;
	v27 =	vand.u32 $0x1FF, v53;
	v54 =	vshll.u32 v29, $0x4  }
0x28d: {  	v32 =	vsel vm0, v32, v25;
	v55 =	vld [tilespmem:s25+$0x8050];
	v27 =	vxor.u32 v34, v27;
	v35 =	vadd.s32 v5, v54  }
0x28e: {  	vm0 =	vgt.s32 v32, v17;
	v56 =	vshra.s32 v49, $0x1F;
	v57 =	vshll.u32 v27, $0x4;
	[tilespmem:v52+s15+$0x0] =	vst.idx.add.s32.msk $0xffff, v3  }
0x28f: {  	v37 =	vshra.s32 v49, $0x16;
	v34 =	vand.u32 $0x1FF, v56;
	v58 =	vadd.s32 v4, v57;
	v59 =	vld [tilespmem:s24+$0x8040]  }
0x290: {  	v17 =	vsel vm0, v32, v17;
	v34 =	vxor.u32 v37, v34  }
0x291: {  	vm0 =	vgt.s32 v17, v20;
	v60 =	vshll.u32 v34, $0x4  }
0x292: {  	v17 =	vsel vm0, v17, v20;
	v32 =	vadd.s32 v9, v60;
	v61 =	vshra.s32 v55, $0x1F;
	[tilespmem:v35+s15+$0x0] =	vst.idx.add.s32.msk $0xffff, v3  }
0x293: {  	vm0 =	vgt.s32 v17, v21;
	v62 =	vshra.s32 v55, $0x16;
	v35 =	vand.u32 $0x1FF, v61;
	v63 =	vld [tilespmem:s23+$0x8030]  }
0x294: {  	v17 =	vsel vm0, v17, v21;
	[tilespmem:v58+s15+$0x0] =	vst.idx.add.s32.msk $0xffff, v3;
	v41 =	vshra.s32 v59, $0x1F;
	v35 =	vxor.u32 v62, v35  }
0x295: {  	v38 =	vld [tilespmem:s22+$0x8020];
	v37 =	vshra.s32 v59, $0x16;
	v21 =	vand.u32 $0x1FF, v41;
	v20 =	vshll.u32 v35, $0x4  }
0x296: {  	vm0 =	vgt.s32 v17, v22;
	v37 =	vxor.u32 v37, v21;
	v20 =	vadd.s32 v8, v20  }
0x297: {  	v17 =	vsel vm0, v17, v22;
	[tilespmem:v32+s15+$0x0] =	vst.idx.add.s32.msk $0xffff, v3;
	v21 =	vshll.u32 v37, $0x4  }
0x298: {  	vm0 =	vgt.s32 v17, v24;
	v32 =	vld [tilespmem:s26+$0x8070];
	v43 =	vadd.s32 v7, v21;
	v42 =	vshra.s32 v63, $0x1F  }
0x299: {  	v17 =	vsel vm0, v17, v24;
	v44 =	vshra.s32 v63, $0x16;
	v22 =	vand.u32 $0x1FF, v42  }
0x29a: {  	vm0 =	vgt.s32 v17, v31;
	v45 =	vshra.s32 v38, $0x1F;
	v21 =	vxor.u32 v44, v22  }
0x29b: {  	v47 =	vshra.s32 v38, $0x16;
	[tilespmem:v20+s15+$0x0] =	vst.idx.add.s32.msk $0xffff, v3;
	v22 =	vand.u32 $0x1FF, v45;
	v46 =	vshll.u32 v21, $0x4  }
0x29c: {  	v17 =	vsel vm0, v17, v31;
	v48 =	vld [tilespmem:s25+$0x8060];
	v20 =	vxor.u32 v47, v22;
	v49 =	vadd.s32 v6, v46  }
0x29d: {  	vm0 =	vgt.s32 v17, v34;
	v50 =	vshra.s32 v32, $0x1F;
	[tilespmem:v43+s15+$0x0] =	vst.idx.add.s32.msk $0xffff, v3;
	v22 =	vshll.u32 v20, $0x4  }
0x29e: {  	v32 =	vshra.s32 v32, $0x16;
	v31 =	vand.u32 $0x1FF, v50;
	v51 =	vld [tilespmem:s24+$0x8050];
	v22 =	vadd.s32 v5, v22  }
0x29f: {  	v34 =	vsel vm0, v17, v34;
	v17 =	vxor.u32 v32, v31  }
0x2a0: {  	vm0 =	vgt.s32 v34, v17  }
0x2a1: {  	v32 =	vsel vm0, v34, v17;
	v52 =	vshra.s32 v48, $0x1F;
	[tilespmem:v49+s15+$0x0] =	vst.idx.add.s32.msk $0xffff, v3  }
0x2a2: {  	vm0 =	vgt.s32 v32, v14;
	v24 =	vshra.s32 v48, $0x16;
	v31 =	vand.u32 $0x1FF, v52;
	v53 =	vld [tilespmem:s23+$0x8040]  }
0x2a3: {  	v14 =	vsel vm0, v32, v14;
	v55 =	vshra.s32 v51, $0x1F;
	v24 =	vxor.u32 v24, v31;
	[tilespmem:v22+s15+$0x0] =	vst.idx.add.s32.msk $0xffff, v3  }
0x2a4: {  	v36 =	vshra.s32 v51, $0x16;
	v31 =	vand.u32 $0x1FF, v55;
	v54 =	vshll.u32 v24, $0x4;
	v56 =	vld [tilespmem:s22+$0x8030]  }
0x2a5: {  	vm0 =	vgt.s32 v14, v16;
	v57 =	vxor.u32 v36, v31;
	v22 =	vadd.s32 v9, v54  }
0x2a6: {  	v14 =	vsel vm0, v14, v16;
	v31 =	vshll.u32 v57, $0x4  }
0x2a7: {  	vm0 =	vgt.s32 v14, v18;
	v31 =	vadd.s32 v8, v31;
	v58 =	vshra.s32 v53, $0x1F  }
0x2a8: {  	v14 =	vsel vm0, v14, v18;
	v34 =	vshra.s32 v53, $0x16;
	v36 =	vand.u32 $0x1FF, v58  }
0x2a9: {  	vm0 =	vgt.s32 v14, v26;
	v60 =	vshra.s32 v56, $0x1F;
	v59 =	vxor.u32 v34, v36  }
0x2aa: {  	v32 =	vshra.s32 v56, $0x16;
	v34 =	vand.u32 $0x1FF, v60;
	[tilespmem:v22+s15+$0x0] =	vst.idx.add.s32.msk $0xffff, v3;
	v36 =	vshll.u32 v59, $0x4  }
0x2ab: {  	v14 =	vsel vm0, v14, v26;
	v32 =	vxor.u32 v32, v34;
	v62 =	vld [tilespmem:s25+$0x8070];
	v61 =	vadd.s32 v7, v36  }
0x2ac: {  	vm0 =	vgt.s32 v14, v33;
	[tilespmem:v31+s15+$0x0] =	vst.idx.add.s32.msk $0xffff, v3;
	v63 =	vshll.u32 v32, $0x4  }
0x2ad: {  	v14 =	vsel vm0, v14, v33;
	v31 =	vld [tilespmem:s24+$0x8060];
	v36 =	vadd.s32 v6, v63  }
0x2ae: {  	vm0 =	vgt.s32 v14, v35  }
0x2af: {  	v14 =	vsel vm0, v14, v35  }
0x2b0: {  	vm0 =	vgt.s32 v14, v24;
	[tilespmem:v61+s15+$0x0] =	vst.idx.add.s32.msk $0xffff, v3  }
0x2b1: {  	v14 =	vsel vm0, v14, v24;
	v38 =	vshra.s32 v62, $0x1F;
	v39 =	vld [tilespmem:s23+$0x8050]  }
0x2b2: {  	v34 =	vshra.s32 v62, $0x16;
	v22 =	vand.u32 $0x1FF, v38;
	v40 =	vshra.s32 v31, $0x1F;
	[tilespmem:v36+s15+$0x0] =	vst.idx.add.s32.msk $0xffff, v3  }
0x2b3: {  	v31 =	vshra.s32 v31, $0x16;
	v22 =	vxor.u32 v34, v22;
	v24 =	vand.u32 $0x1FF, v40;
	v26 =	vld [tilespmem:s22+$0x8040]  }
0x2b4: {  	vm0 =	vgt.s32 v14, v22;
	v24 =	vxor.u32 v31, v24  }
0x2b5: {  	v14 =	vsel vm0, v14, v22;
	v31 =	vshll.u32 v24, $0x4  }
0x2b6: {  	vm0 =	vgt.s32 v14, v13;
	v31 =	vadd.s32 v9, v31;
	v41 =	vshra.s32 v39, $0x1F  }
0x2b7: {  	v13 =	vsel vm0, v14, v13;
	v33 =	vshra.s32 v39, $0x16;
	v34 =	vand.u32 $0x1FF, v41  }
0x2b8: {  	vm0 =	vgt.s32 v13, v15;
	v43 =	vshra.s32 v26, $0x1F;
	v42 =	vxor.u32 v33, v34  }
0x2b9: {  	v26 =	vshra.s32 v26, $0x16;
	v33 =	vand.u32 $0x1FF, v43;
	v34 =	vshll.u32 v42, $0x4  }
0x2ba: {  	v13 =	vsel vm0, v13, v15;
	v26 =	vxor.u32 v26, v33;
	v34 =	vadd.s32 v8, v34  }
0x2bb: {  	vm0 =	vgt.s32 v13, v23;
	v44 =	vshll.u32 v26, $0x4  }
0x2bc: {  	v13 =	vsel vm0, v13, v23;
	[tilespmem:v31+s15+$0x0] =	vst.idx.add.s32.msk $0xffff, v3;
	v15 =	vadd.s32 v7, v44  }
0x2bd: {  	vm0 =	vgt.s32 v13, v30;
	v45 =	vld [tilespmem:s24+$0x8070]  }
0x2be: {  	v13 =	vsel vm0, v13, v30  }
0x2bf: {  	vm0 =	vgt.s32 v13, v37;
	[tilespmem:v34+s15+$0x0] =	vst.idx.add.s32.msk $0xffff, v3  }
0x2c0: {  	v13 =	vsel vm0, v13, v37;
	v46 =	vld [tilespmem:s23+$0x8060]  }
0x2c1: {  	vm0 =	vgt.s32 v13, v57;
	[tilespmem:v15+s15+$0x0] =	vst.idx.add.s32.msk $0xffff, v3  }
0x2c2: {  	v13 =	vsel vm0, v13, v57;
	v47 =	vshra.s32 v45, $0x1F;
	v15 =	vld [tilespmem:s22+$0x8050]  }
0x2c3: {  	v23 =	vshra.s32 v45, $0x16;
	vm0 =	vgt.s32 v13, v24;
	v16 =	vand.u32 $0x1FF, v47  }
0x2c4: {  	v13 =	vsel vm0, v13, v24;
	v16 =	vxor.u32 v23, v16  }
0x2c5: {  	vm0 =	vgt.s32 v13, v16;
	v48 =	vshra.s32 v46, $0x1F  }
0x2c6: {  	v13 =	vsel vm0, v13, v16;
	v49 =	vshra.s32 v46, $0x16;
	v23 =	vand.u32 $0x1FF, v48  }
0x2c7: {  	vm0 =	vgt.s32 v13, v12;
	v50 =	vshra.s32 v15, $0x1F;
	v23 =	vxor.u32 v49, v23  }
0x2c8: {  	v15 =	vshra.s32 v15, $0x16;
	v24 =	vand.u32 $0x1FF, v50;
	v51 =	vshll.u32 v23, $0x4  }
0x2c9: {  	v12 =	vsel vm0, v13, v12;
	v15 =	vxor.u32 v15, v24;
	v30 =	vadd.s32 v9, v51  }
0x2ca: {  	vm0 =	vgt.s32 v12, v28;
	v52 =	vshll.u32 v15, $0x4  }
0x2cb: {  	v12 =	vsel vm0, v12, v28;
	v13 =	vadd.s32 v8, v52  }
0x2cc: {  	vm0 =	vgt.s32 v12, v29  }
0x2cd: {  	v12 =	vsel vm0, v12, v29  }
0x2ce: {  	vm0 =	vgt.s32 v12, v21;
	[tilespmem:v30+s15+$0x0] =	vst.idx.add.s32.msk $0xffff, v3  }
0x2cf: {  	v12 =	vsel vm0, v12, v21;
	v53 =	vld [tilespmem:s23+$0x8070]  }
0x2d0: {  	vm0 =	vgt.s32 v12, v59;
	[tilespmem:v13+s15+$0x0] =	vst.idx.add.s32.msk $0xffff, v3  }
0x2d1: {  	v12 =	vsel vm0, v12, v59;
	v13 =	vld [tilespmem:s22+$0x8060]  }
0x2d2: {  	vm0 =	vgt.s32 v12, v42  }
0x2d3: {  	v12 =	vsel vm0, v12, v42  }
0x2d4: {  	vm0 =	vgt.s32 v12, v23  }
0x2d5: {  	v12 =	vsel vm0, v12, v23;
	v54 =	vshra.s32 v53, $0x1F  }
0x2d6: {  	v55 =	vshra.s32 v53, $0x16;
	v14 =	vand.u32 $0x1FF, v54;
	v56 =	vshra.s32 v13, $0x1F  }
0x2d7: {  	v13 =	vshra.s32 v13, $0x16;
	v14 =	vxor.u32 v55, v14;
	v57 =	vand.u32 $0x1FF, v56  }
0x2d8: {  	vm0 =	vgt.s32 v12, v14;
	v13 =	vxor.u32 v13, v57  }
0x2d9: {  	v12 =	vsel vm0, v12, v14;
	v18 =	vshll.u32 v13, $0x4  }
0x2da: {  	vm0 =	vgt.s32 v12, v19;
	v18 =	vadd.s32 v9, v18  }
0x2db: {  	v12 =	vsel vm0, v12, v19  }
0x2dc: {  	vm0 =	vgt.s32 v12, v27  }
0x2dd: {  	v12 =	vsel vm0, v12, v27  }
0x2de: {  	vm0 =	vgt.s32 v12, v20  }
0x2df: {  	v12 =	vsel vm0, v12, v20;
	[tilespmem:v18+s15+$0x0] =	vst.idx.add.s32.msk $0xffff, v3  }
0x2e0: {  	vm0 =	vgt.s32 v12, v32;
	v18 =	vld [tilespmem:s22+$0x8070]  }
0x2e1: {  	v12 =	vsel vm0, v12, v32  }
0x2e2: {  	vm0 =	vgt.s32 v12, v26  }
0x2e3: {  	v12 =	vsel vm0, v12, v26  }
0x2e4: {  	vm0 =	vgt.s32 v12, v15  }
0x2e5: {  	v12 =	vsel vm0, v12, v15;
	v58 =	vshra.s32 v18, $0x1F  }
0x2e6: {  	v18 =	vshra.s32 v18, $0x16;
	vm0 =	vgt.s32 v12, v13;
	v15 =	vand.u32 $0x1FF, v58  }
0x2e7: {  	v12 =	vsel vm0, v12, v13;
	v59 =	vxor.u32 v18, v15  }
0x2e8: {  	vm0 =	vgt.s32 v12, v59  }
0x2e9: {  	v12 =	vsel vm0, v12, v59  }
0x2ea: {  	v12 =	vxor.u32 $0x80000000, v12  }
0x2eb: {  	(xrf0) =	vmax.scan.msk.u32 $0xffff, v12;
	_ =	sdelay $0x5  }
0x2ec: {  	v12, _, _ =	vpop (xrf0)  }
0x2ed: {  	(v2sf) =	vpush v12, $0xF;
	_ =	sdelay $0x4  }
0x2ee: {  	v62 =	vshll.u32 v22, $0x4  }
0x2ef: {  	v61 =	vshll.u32 v17, $0x4;
	v17 =	vadd.s32 v10, v62;
	v16 =	vshll.u32 v16, $0x4  }
0x2f0: {  	v16 =	vadd.s32 v10, v16;
	v14 =	vshll.u32 v14, $0x4  }
0x2f1: {  	v14 =	vadd.s32 v10, v14  }
0x2f2: {  	v15 =	vadd.s32 v10, v61;
	v13 =	vshll.u32 v59, $0x4  }
0x2f3: {  	v60 =	vshll.u32 v25, $0x4;
	v63 =	vadd.s32 v10, v13  }
0x2f4: {  	[tilespmem:v17+s15+$0x0] =	vst.idx.add.s32.msk $0xffff, v3;
	v12 =	vadd.s32 v10, v60  }
0x2f5: {  	[tilespmem:v16+s15+$0x0] =	vst.idx.add.s32.msk $0xffff, v3  }
0x2f6: {  	[tilespmem:v14+s15+$0x0] =	vst.idx.add.s32.msk $0xffff, v3  }
0x2f7: {  	[tilespmem:v15+s15+$0x0] =	vst.idx.add.s32.msk $0xffff, v3  }
0x2f8: {  	[tilespmem:v63+s15+$0x0] =	vst.idx.add.s32.msk $0xffff, v3;
	s31 =	spop (v2sf)  }
0x2f9: {  	[tilespmem:v12+s15+$0x0] =	vst.idx.add.s32.msk $0xffff, v3;
	s25 =	sshll.u32 s31, $0x4  }
0x2fa: {  	v12 =	vld [tilespmem:s25+$0x12000];
	_ =	sdelay $0x4  }
0x2fb: {  	(xrf0) =	vadd.scan.msk.s32 $0xffff, v12;
	_ =	sdelay $0x5  }
0x2fc: {  	v12, _, _ =	vpop (xrf0)  }
0x2fd: {  	(v2sf) =	vpush v12, $0xF;
	_ =	sdelay $0xe  }
0x2fe: {  	s24 =	spop (v2sf)  }
0x2ff: {  	p0 =	sgt.s32 s24, $0x3F  }
.Ltmp23:
0x300: {  	_ = 	snop;
	(pc) =	sbr.rel @p0 .LBB2_37-.Ltmp23, $2  }
0x301: {  	_ =	sdelay $0x2  }
0x302: {  	s23 =	simm.s32 $0x40;
	s22 =	sxor.u32 $0x80000000, s31  }
0x303: {  	s23 =	sadd.s32 $0xFFFFFFF0, s25  }
.LBB2_35:
0x304: {  	s25 =	sand.u32 $0xFFFFFFF0, s23  }
0x305: {  	v12 =	vld [tilespmem:s25+$0x12000];
	_ =	sdelay $0x4  }
0x306: {  	(xrf0) =	vadd.scan.msk.s32 $0xffff, v12;
	_ =	sdelay $0x5  }
0x307: {  	v12, _, _ =	vpop (xrf0)  }
0x308: {  	(v2sf) =	vpush v12, $0xF;
	_ =	sdelay $0xe  }
0x309: {  	s25 =	smov.u32 s24;
	s31 =	spop (v2sf)  }
0x30a: {  	s24 =	sadd.s32 s25, s31  }
0x30b: {  	p0 =	slt.s32 s24, $0x40  }
.Ltmp24:
0x30c: {  	_ = 	snop;
	(pc) =	sbr.rel @p0 .LBB2_35-.Ltmp24, $2  }
0x30d: {  	_ =	sdelay $0x2  }
0x30e: {  	s22 =	sadd.s32 $0xFFFFFFFF, s22;
	s23 =	sadd.s32 $0xFFFFFFF0, s23  }
0x30f: {  	s23 =	ssub.s32 $0x40, s25  }
.LBB2_37:
0x310: {  	_ =	swait.ge [sflag:s19], $0x8000  }
0x311: {  	[sflag:s19] =	ssyncset.done $0x0  }
0x312: {  	s24 =	simm.s32 $0x8040;
	[sflag:s19] =	ssyncadd.s32 $0xFFFF8000  }
0x313: {  	[tilespmem:s1], [sflag:$0x1] =	stream.strided.gather [hbm4b:s6+s12], $0x8000, s13, s12, $0x38;
	[tilespmem:$0x1C000] =	vst v63  }
0x314: {  	v12 =	vld [tilespmem:s24+$0x30]  }
0x315: {  	v14 =	vld [tilespmem:s24+$0x20]  }
0x316: {  	v16 =	vld [tilespmem:s24+$0x10]  }
0x317: {  	v15 =	vld [tilespmem:s24+$0x0]  }
0x318: {  	v21 =	vld [tilespmem:s24+$0xFFFFFFF0]  }
0x319: {  	v22 =	vld [tilespmem:s24+$0xFFFFFFE0]  }
0x31a: {  	v23 =	vld [tilespmem:s24+$0xFFFFFFD0]  }
0x31b: {  	v24 =	vld [tilespmem:s24+$0xFFFFFFC0]  }
0x31c: {  	v25 =	vimm.s32 $0x0  }
0x31d: {  	v13 =	vmov s22;
	v17 =	vshll.u32 v25, $0x4  }
0x31e: {  	v20 =	vor.u32 v1, v17;
	v17 =	vshra.s32 v14, $0x1F;
	v18 =	vshra.s32 v12, $0x1F  }
0x31f: {  	v19 =	vshra.s32 v21, $0x1F;
	v26 =	vshra.s32 v15, $0x1F;
	v27 =	vshra.s32 v16, $0x1F  }
0x320: {  	v28 =	vshra.s32 v24, $0x1F;
	v29 =	vshra.s32 v23, $0x1F;
	v30 =	vshra.s32 v22, $0x1F  }
0x321: {  	v27 =	vand.u32 $0x7FFFFFFF, v27;
	v31 =	vand.u32 $0x7FFFFFFF, v17;
	v17 =	vand.u32 $0x7FFFFFFF, v18  }
0x322: {  	v30 =	vand.u32 $0x7FFFFFFF, v30;
	v32 =	vand.u32 $0x7FFFFFFF, v19;
	v19 =	vand.u32 $0x7FFFFFFF, v26  }
0x323: {  	v26 =	vand.u32 $0x7FFFFFFF, v28;
	v28 =	vand.u32 $0x7FFFFFFF, v29;
	v18 =	vxor.u32 v12, v17  }
0x324: {  	v15 =	vxor.u32 v15, v19;
	v17 =	vxor.u32 v16, v27;
	v19 =	vxor.u32 v14, v31  }
0x325: {  	v12 =	vxor.u32 v23, v28;
	v14 =	vxor.u32 v22, v30;
	v16 =	vxor.u32 v21, v32  }
0x326: {  	v21 =	vxor.u32 v24, v26;
	v24 =	vshra.s32 v19, $0x16;
	v23 =	vshra.s32 v18, $0x16  }
0x327: {  	v22 =	vshra.s32 v21, $0x16;
	v27 =	vshra.s32 v15, $0x16;
	v26 =	vshra.s32 v17, $0x16  }
0x328: {  	v29 =	vshra.s32 v16, $0x16;
	vm4 =	veq.s32 v22, v13;
	v22 =	vshra.s32 v12, $0x16  }
0x329: {  	v30 =	vshra.s32 v14, $0x16;
	v28 =	vsel vm4, $0x1, v0;
	vm0 =	veq.s32 v22, v13  }
0x32a: {  	vm1 =	veq.s32 v30, v13;
	v22 =	vadd.s32 v28, v25;
	v25 =	vsel vm0, $0x1, v0  }
0x32b: {  	s25 =	simm.s32 $0x80C0;
	s24 =	simm.s32 $0x0;
	vm2 =	veq.s32 v29, v13;
	v28 =	vsel vm1, $0x1, v0;
	v25 =	vadd.s32 v25, v22  }
.LBB2_38:
0x32c: {  	v29 =	vld [tilespmem:s25+$0x30];
	v28 =	vadd.s32 v28, v25;
	v30 =	vsel vm2, $0x1, v0;
	vm3 =	veq.s32 v27, v13  }
0x32d: {  	vm5 =	veq.s32 v26, v13;
	v27 =	vld [tilespmem:s25+$0x20];
	v30 =	vadd.s32 v30, v28;
	v31 =	vsel vm3, $0x1, v0  }
0x32e: {  	v26 =	vld [tilespmem:s25+$0x10];
	[tilespmem:v20+s17+$0x0] =	vst.idx.msk vm4, v21;
	v20 =	vadd.s32 v31, v30;
	v21 =	vsel vm5, $0x1, v0;
	vm4 =	veq.s32 v24, v13  }
0x32f: {  	vm6 =	veq.s32 v23, v13;
	v24 =	vld [tilespmem:s25+$0x0];
	v21 =	vadd.s32 v21, v20;
	v31 =	vsel vm4, $0x1, v0  }
0x330: {  	v23 =	vld [tilespmem:s25+$0xFFFFFFF0];
	v32 =	vshll.u32 v21, $0x4;
	v21 =	vadd.s32 v31, v21;
	v31 =	vsel vm6, $0x1, v0  }
0x331: {  	s24 =	sadd.s32 $0x8, s24;
	v20 =	vshll.u32 v20, $0x4;
	v33 =	vld [tilespmem:s25+$0xFFFFFFE0];
	v34 =	vshll.u32 v21, $0x4;
	v31 =	vadd.s32 v31, v21  }
0x332: {  	v25 =	vshll.u32 v25, $0x4;
	p0 =	slt.u32 s24, $0x7F8;
	v28 =	vshll.u32 v28, $0x4;
	v30 =	vshll.u32 v30, $0x4;
	v21 =	vld [tilespmem:s25+$0xFFFFFFD0]  }
0x333: {  	v22 =	vshll.u32 v22, $0x4;
	v36 =	vshll.u32 v31, $0x4;
	v34 =	vor.u32 v1, v34;
	v35 =	vld [tilespmem:s25+$0xFFFFFFC0]  }
0x334: {  	v30 =	vor.u32 v1, v30;
	v37 =	vor.u32 v1, v20;
	v32 =	vor.u32 v1, v32  }
0x335: {  	v22 =	vor.u32 v1, v22;
	v25 =	vor.u32 v1, v25;
	v28 =	vor.u32 v1, v28  }
0x336: {  	v38 =	vshra.s32 v29, $0x1F;
	v20 =	vor.u32 v1, v36;
	v36 =	vshra.s32 v27, $0x1F  }
0x337: {  	v41 =	vshra.s32 v26, $0x1F;
	v40 =	vshra.s32 v24, $0x1F;
	v39 =	vshra.s32 v23, $0x1F  }
0x338: {  	v44 =	vshra.s32 v33, $0x1F;
	v43 =	vshra.s32 v21, $0x1F;
	v42 =	vshra.s32 v35, $0x1F;
	[tilespmem:v34+s17+$0x0] =	vst.idx.msk vm6, v18  }
0x339: {  	v36 =	vand.u32 $0x7FFFFFFF, v36;
	v34 =	vand.u32 $0x7FFFFFFF, v41;
	v18 =	vand.u32 $0x7FFFFFFF, v38;
	[tilespmem:v32+s17+$0x0] =	vst.idx.msk vm4, v19  }
0x33a: {  	v38 =	vand.u32 $0x7FFFFFFF, v39;
	v32 =	vand.u32 $0x7FFFFFFF, v44;
	v19 =	vand.u32 $0x7FFFFFFF, v40;
	[tilespmem:v37+s17+$0x0] =	vst.idx.msk vm5, v17  }
0x33b: {  	v39 =	vand.u32 $0x7FFFFFFF, v43;
	v18 =	vxor.u32 v29, v18;
	v37 =	vand.u32 $0x7FFFFFFF, v42;
	[tilespmem:v30+s17+$0x0] =	vst.idx.msk vm3, v15  }
0x33c: {  	v17 =	vxor.u32 v26, v34;
	v15 =	vxor.u32 v24, v19;
	v19 =	vxor.u32 v27, v36  }
0x33d: {  	v29 =	vxor.u32 v21, v39;
	v26 =	vxor.u32 v23, v38;
	v30 =	vxor.u32 v33, v32  }
0x33e: {  	v23 =	vshra.s32 v18, $0x16;
	v21 =	vxor.u32 v35, v37;
	v24 =	vshra.s32 v19, $0x16;
	[tilespmem:v28+s17+$0x0] =	vst.idx.msk vm2, v16;
	v16 =	vmovc v26  }
.Ltmp25:
0x33f: {  	v27 =	vshra.s32 v15, $0x16;
	v28 =	vshra.s32 v21, $0x16;
	v26 =	vshra.s32 v17, $0x16;
	[tilespmem:v25+s17+$0x0] =	vst.idx.msk vm1, v14;
	v14 =	vmovc v30;
	(pc) =	sbr.rel @p0 .LBB2_38-.Ltmp25, $4  }
0x340: {  	vm4 =	veq.s32 v28, v13;
	v25 =	vshra.s32 v29, $0x16;
	v30 =	vshra.s32 v16, $0x16;
	[tilespmem:v22+s17+$0x0] =	vst.idx.msk vm0, v12;
	v12 =	vmovc v29  }
0x341: {  	v22 =	vsel vm4, $0x1, v0;
	vm0 =	veq.s32 v25, v13;
	v25 =	vshra.s32 v14, $0x16  }
0x342: {  	v22 =	vadd.s32 v22, v31;
	v28 =	vsel vm0, $0x1, v0;
	vm1 =	veq.s32 v25, v13  }
0x343: {  	s25 =	sadd.s32 $0x80, s25;
	vm2 =	veq.s32 v30, v13;
	v25 =	vadd.s32 v28, v22;
	v28 =	vsel vm1, $0x1, v0  }
0x344: {  	_ =	sdelay $0x1  }
0x345: {  	v28 =	vadd.s32 v28, v25;
	v29 =	vsel vm2, $0x1, v0  }
0x346: {  	vm3 =	veq.s32 v27, v13;
	vm5 =	veq.s32 v26, v13;
	vm6 =	veq.s32 v24, v13  }
0x347: {  	v61 =	vshll.u32 v25, $0x4;
	v22 =	vshll.u32 v22, $0x4;
	v51 =	vadd.s32 v29, v28  }
0x348: {  	[tilespmem:v20+s17+$0x0] =	vst.idx.msk vm4, v21;
	v52 =	vsel vm3, $0x1, v0;
	v54 =	vsel vm5, $0x1, v0;
	v20 =	vor.u32 v1, v61  }
0x349: {  	v56 =	vsel vm6, $0x1, v0;
	v60 =	vshll.u32 v28, $0x4;
	v63 =	vor.u32 v1, v22  }
0x34a: {  	v53 =	vadd.s32 v52, v51;
	v59 =	vshll.u32 v51, $0x4;
	v62 =	vor.u32 v1, v60  }
0x34b: {  	v55 =	vadd.s32 v54, v53;
	v58 =	vshll.u32 v53, $0x4;
	v26 =	vor.u32 v1, v59  }
0x34c: {  	v29 =	vadd.s32 v56, v55;
	v57 =	vshll.u32 v55, $0x4;
	v24 =	vor.u32 v1, v58  }
0x34d: {  	vm7 =	veq.s32 v23, v13;
	v13 =	vshll.u32 v29, $0x4;
	v23 =	vor.u32 v1, v57;
	[tilespmem:v20+s17+$0x0] =	vst.idx.msk vm1, v14  }
0x34e: {  	v13 =	vor.u32 v1, v13;
	[tilespmem:v63+s17+$0x0] =	vst.idx.msk vm0, v12  }
0x34f: {  	[tilespmem:v62+s17+$0x0] =	vst.idx.msk vm2, v16  }
0x350: {  	[tilespmem:v26+s17+$0x0] =	vst.idx.msk vm3, v15  }
0x351: {  	[tilespmem:v24+s17+$0x0] =	vst.idx.msk vm5, v17  }
0x352: {  	[tilespmem:v23+s17+$0x0] =	vst.idx.msk vm6, v19  }
0x353: {  	s24 =	simm.s32 $0x10040;
	[tilespmem:v13+s17+$0x0] =	vst.idx.msk vm7, v18  }
0x354: {  	[tilespmem:s24+$0xFFFFFFC0] =	vst v0  }
0x355: {  	[tilespmem:s24+$0x30] =	vst v0  }
0x356: {  	[tilespmem:s24+$0x20] =	vst v0  }
0x357: {  	[tilespmem:s24+$0x10] =	vst v0  }
0x358: {  	[tilespmem:s24+$0x0] =	vst v0  }
0x359: {  	v13 =	vsel vm7, $0x1, v0;
	[tilespmem:s24+$0xFFFFFFF0] =	vst v0  }
0x35a: {  	s25 =	simm.s32 $0x0;
	v13 =	vadd.s32 v13, v29;
	[tilespmem:s24+$0xFFFFFFE0] =	vst v0  }
.LBB2_40:
0x35b: {  	s25 =	sadd.s32 $0x8, s25;
	[tilespmem:s24+$0xFFFFFFD0] =	vst v0;
	s24 =	sadd.s32 $0x80, s24  }
0x35c: {  	[tilespmem:s24+$0xFFFFFFC0] =	vst v0;
	p0 =	slt.u32 s25, $0x3F8  }
0x35d: {  	[tilespmem:s24+$0x30] =	vst v0  }
.Ltmp26:
0x35e: {  	[tilespmem:s24+$0x20] =	vst v0;
	(pc) =	sbr.rel @p0 .LBB2_40-.Ltmp26, $4  }
0x35f: {  	[tilespmem:s24+$0x10] =	vst v0  }
0x360: {  	[tilespmem:s24+$0x0] =	vst v0  }
0x361: {  	[tilespmem:s24+$0xFFFFFFF0] =	vst v0  }
0x362: {  	[tilespmem:s24+$0xFFFFFFE0] =	vst v0  }
0x363: {  	v12 =	vxor.u32 $0x80000000, v13  }
0x364: {  	(xrf0) =	vmax.scan.msk.u32 $0xffff, v12;
	_ =	sdelay $0x5  }
0x365: {  	v12, _, _ =	vpop (xrf0)  }
0x366: {  	(v2sf) =	vpush v12, $0xF;
	_ =	sdelay $0xe  }
0x367: {  	s31 =	spop (v2sf)  }
0x368: {  	[tilespmem:s24+$0xFFFFFFD0] =	vst v0;
	s24 =	sxor.u32 $0x80000000, s31  }
0x369: {  	p0 =	sgt.s32 s24, $0x0  }
.Ltmp27:
0x36a: {  	_ = 	snop;
	(pc) =	sbr.rel @!p0 .LBB2_45-.Ltmp27, $1  }
0x36b: {  	_ =	sdelay $0x3  }
0x36c: {  	s25 =	simm.s32 $0x14000  }
0x36d: {  	p0 =	sne.s32 s24, $0x1;
	v12 =	vld [tilespmem:s25+$0x0]  }
.Ltmp28:
0x36e: {  	_ = 	snop;
	(pc) =	sbr.rel @!p0 .LBB2_44-.Ltmp28, $4  }
0x36f: {  	s26 =	simm.s32 $0x0  }
0x370: {  	v14 =	vmov s26  }
0x371: {  	vm0 =	vlt.s32 v14, v13  }
0x372: {  	s26 =	simm.s32 $0x1;
	v12 =	vnsel vm0, $0x80000000, v12  }
.LBB2_43:
0x373: {  	[tilespmem:s25+$0x0] =	vst v12;
	s25 =	sadd.s32 $0x10, s25;
	s28 =	smov.u32 s26;
	s26 =	sadd.s32 $0x1, s26  }
0x374: {  	v12 =	vld [tilespmem:s25+$0x0];
	p0 =	sne.s32 s24, s26  }
.Ltmp29:
0x375: {  	(pc) =	sbr.rel @p0 .LBB2_43-.Ltmp29, $4  }
0x376: {  	_ = 	snop  }
0x377: {  	v14 =	vmov s28  }
0x378: {  	vm0 =	vlt.s32 v14, v13  }
0x379: {  	v12 =	vnsel vm0, $0x80000000, v12  }
.LBB2_44:
0x37a: {  	[tilespmem:s25+$0x0] =	vst v12  }
.LBB2_45:
.Ltmp30:
0x37b: {  	(pc) =	sbr.rel .LBB2_46-.Ltmp30, $3  }
0x37c: {  	_ =	sdelay $0x1  }
0x37d: {  	s22 =	sshll.u32 s22, $0x16  }
0x37e: {  	v13 =	vmov s23;
	p0 =	slt.s32 s24, $0x1;
	v12 =	vmov s22;
	s22 =	simm.s32 $0x0  }
.LBB2_49:
0x37f: {  	v16 =	vmpcnt.ones.xlane vm0;
	_ =	sdelay $0x1  }
0x380: {  	v15 =	vadd.s32 v15, v16  }
.LBB2_50:
0x381: {  	s22 =	sadd.s32 $0x1, s22  }
0x382: {  	p1 =	sne.s32 s22, $0x16  }
.Ltmp31:
0x383: {  	_ = 	snop;
	(pc) =	sbr.rel @!p1 .LBB2_51-.Ltmp31, $3  }
0x384: {  	_ =	sdelay $0x1  }
0x385: {  	vm0 =	vlt.s32 v15, v13  }
0x386: {  	v12 =	vsel vm0, v12, v14  }
.LBB2_46:
.Ltmp32:
0x387: {  	s23 =	ssub.s32 $0x15, s22;
	(pc) =	sbr.rel @p0 .LBB2_50-.Ltmp32, $3  }
0x388: {  	v14 =	vshll.u32 v3, s23  }
0x389: {  	v14 =	vbroadcast v14, $0x0;
	_ =	sdelay $0x1  }
0x38a: {  	v15 =	vimm.s32 $0x0;
	s25 =	simm.s32 $0x14000;
	v14 =	vor.u32 v12, v14  }
0x38b: {  	v16 =	vld [tilespmem:s25+$0x0];
	p1 =	sne.s32 s24, $0x1  }
.Ltmp33:
0x38c: {  	_ = 	snop;
	(pc) =	sbr.rel @!p1 .LBB2_49-.Ltmp33, $2  }
0x38d: {  	_ =	sdelay $0x2  }
0x38e: {  	s23 =	sadd.s32 $0xFFFFFFFF, s24;
	s25 =	sadd.s32 $0x10, s25;
	vm0 =	vge.s32 v16, v14  }
.LBB2_48:
0x38f: {  	v16 =	vld [tilespmem:s25+$0x0];
	p1 =	sne.s32 s23, $0x1;
	s23 =	sadd.s32 $0xFFFFFFFF, s23;
	v17 =	vmpcnt.ones.xlane vm0  }
.Ltmp34:
0x390: {  	(pc) =	sbr.rel @p1 .LBB2_48-.Ltmp34, $2  }
0x391: {  	v15 =	vadd.s32 v15, v17;
	_ =	sdelay $0x2  }
0x392: {  	s25 =	sadd.s32 $0x10, s25;
	vm0 =	vge.s32 v16, v14  }
.Ltmp35:
0x393: {  	_ = 	snop;
	(pc) =	sbr.rel .LBB2_49-.Ltmp35, $1  }
0x394: {  	_ =	sdelay $0x3  }
.LBB2_51:
0x395: {  	v12 =	vxor.u32 $0x80000000, v12  }
0x396: {  	(xrf0) =	vmax.scan.msk.u32 $0xffff, v12;
	_ =	sdelay $0x5  }
0x397: {  	v12, _, _ =	vpop (xrf0)  }
0x398: {  	(v2sf) =	vpush v12, $0xF;
	_ =	sdelay $0xe  }
0x399: {  	s23 =	spop (v2sf)  }
0x39a: {  	p0 =	sgt.s32 s23, $0xFFFFFFFF  }
.Ltmp36:
0x39b: {  	_ = 	snop;
	(pc) =	sbr.rel @!p0 .LBB2_52-.Ltmp36, $2  }
0x39c: {  	_ =	sdelay $0x2  }
0x39d: {  	s22 =	simm.s32 $0x8040  }
0x39e: {  	v13 =	vld [tilespmem:s22+$0x30]  }
0x39f: {  	v14 =	vld [tilespmem:s22+$0xFFFFFFD0]  }
0x3a0: {  	v15 =	vld [tilespmem:s22+$0xFFFFFFE0]  }
0x3a1: {  	v17 =	vld [tilespmem:s22+$0x0]  }
0x3a2: {  	v18 =	vld [tilespmem:s22+$0x10]  }
0x3a3: {  	s23 =	sxor.u32 $0xFFFFFFFF, s23  }
0x3a4: {  	v16 =	vld [tilespmem:s22+$0xFFFFFFF0];
	v12 =	vmov s23  }
0x3a5: {  	vm0 =	vgt.s32 v13, $0xFFFFFFFF;
	vm1 =	vle.s32 v13, v12  }
0x3a6: {  	vm2 =	vgt.s32 v14, $0xFFFFFFFF;
	vm3 =	vle.s32 v14, v12;
	vm4 =	vle.s32 v15, v12;
	v13 =	vld [tilespmem:s22+$0x20]  }
0x3a7: {  	vm6 =	vle.s32 v17, v12;
	v14 =	vld [tilespmem:s22+$0xFFFFFFC0];
	vm5 =	vle.s32 v18, v12;
	vm0 =	vmor vm0, vm1  }
0x3a8: {  	vm1 =	vgt.s32 v15, $0xFFFFFFFF;
	v15 =	vsel vm0, $0x3F800000, v0;
	vm0 =	vmor vm2, vm3  }
0x3a9: {  	vm2 =	vgt.s32 v16, $0xFFFFFFFF;
	vm3 =	vle.s32 v16, v12;
	vm1 =	vmor vm1, vm4  }
0x3aa: {  	s24 =	simm.s32 $0x80C0;
	s23 =	simm.s32 $0x0;
	vm4 =	vgt.s32 v17, $0xFFFFFFFF;
	[tilespmem:s22+$0x30] =	vst v15;
	vm2 =	vmor vm2, vm3;
	vm3 =	vgt.s32 v18, $0xFFFFFFFF  }
.LBB2_56:
0x3ab: {  	v15 =	vld [tilespmem:s24+$0x30];
	s23 =	sadd.s32 $0x8, s23;
	vm4 =	vmor vm4, vm6;
	vm6 =	vgt.s32 v13, $0xFFFFFFFF;
	vm7 =	vle.s32 v13, v12  }
0x3ac: {  	vm3 =	vmor vm3, vm5;
	v13 =	vld [tilespmem:s24+$0xFFFFFFD0];
	p0 =	slt.u32 s23, $0x7F8;
	vm8 =	vgt.s32 v14, $0xFFFFFFFF;
	vm9 =	vle.s32 v14, v12  }
0x3ad: {  	v14 =	vsel vm0, $0x3F800000, v0;
	vm0 =	vmor vm6, vm7;
	v16 =	vld [tilespmem:s24+$0xFFFFFFE0];
	vm5 =	vmor vm8, vm9  }
0x3ae: {  	v19 =	vsel vm2, $0x3F800000, v0;
	v17 =	vld [tilespmem:s24+$0xFFFFFFF0];
	v18 =	vsel vm5, $0x3F800000, v0;
	[tilespmem:s22+$0xFFFFFFD0] =	vst v14;
	v14 =	vsel vm1, $0x3F800000, v0  }
0x3af: {  	v21 =	vsel vm3, $0x3F800000, v0;
	v22 =	vsel vm0, $0x3F800000, v0;
	v20 =	vld [tilespmem:s24+$0x0];
	[tilespmem:s22+$0xFFFFFFC0] =	vst v18;
	v18 =	vsel vm4, $0x3F800000, v0  }
0x3b0: {  	v23 =	vld [tilespmem:s24+$0x10];
	vm0 =	vgt.s32 v15, $0xFFFFFFFF;
	vm1 =	vle.s32 v15, v12;
	[tilespmem:s22+$0xFFFFFFE0] =	vst v14  }
.Ltmp37:
0x3b1: {  	vm2 =	vgt.s32 v13, $0xFFFFFFFF;
	vm3 =	vle.s32 v13, v12;
	v13 =	vld [tilespmem:s24+$0x20];
	vm0 =	vmor vm0, vm1;
	[tilespmem:s22+$0xFFFFFFF0] =	vst v19;
	(pc) =	sbr.rel @p0 .LBB2_56-.Ltmp37, $4  }
0x3b2: {  	v14 =	vld [tilespmem:s24+$0xFFFFFFC0];
	vm1 =	vgt.s32 v16, $0xFFFFFFFF;
	vm4 =	vle.s32 v16, v12;
	v15 =	vsel vm0, $0x3F800000, v0;
	[tilespmem:s22+$0x0] =	vst v18  }
0x3b3: {  	vm0 =	vmor vm2, vm3;
	vm2 =	vgt.s32 v17, $0xFFFFFFFF;
	vm3 =	vle.s32 v17, v12;
	[tilespmem:s24+$0x30] =	vst v15  }
0x3b4: {  	vm1 =	vmor vm1, vm4;
	vm4 =	vgt.s32 v20, $0xFFFFFFFF;
	vm6 =	vle.s32 v20, v12;
	[tilespmem:s22+$0x10] =	vst v21  }
0x3b5: {  	vm2 =	vmor vm2, vm3;
	vm3 =	vgt.s32 v23, $0xFFFFFFFF;
	vm5 =	vle.s32 v23, v12;
	[tilespmem:s22+$0x20] =	vst v22;
	s22 =	smov.u32 s24;
	s24 =	sadd.s32 $0x80, s24  }
0x3b6: {  	v58 =	vsel vm0, $0x3F800000, v0  }
0x3b7: {  	v59 =	vsel vm1, $0x3F800000, v0;
	vm12 =	vmor vm4, vm6;
	[tilespmem:s22+$0xFFFFFFD0] =	vst v58  }
0x3b8: {  	vm13 =	vgt.s32 v13, $0xFFFFFFFF;
	v60 =	vsel vm2, $0x3F800000, v0;
	vm14 =	vle.s32 v13, v12;
	[tilespmem:s22+$0xFFFFFFE0] =	vst v59  }
.Ltmp38:
0x3b9: {  	vm3 =	vmor vm3, vm5;
	vm7 =	vgt.s32 v14, $0xFFFFFFFF;
	v61 =	vsel vm12, $0x3F800000, v0;
	[tilespmem:s22+$0xFFFFFFF0] =	vst v60;
	(pc) =	sbr.rel .LBB2_58-.Ltmp38, $4  }
0x3ba: {  	vm8 =	vle.s32 v14, v12;
	vm15 =	vmor vm13, vm14;
	v62 =	vsel vm3, $0x3F800000, v0;
	[tilespmem:s22+$0x0] =	vst v61  }
0x3bb: {  	vm7 =	vmor vm7, vm8;
	v63 =	vsel vm15, $0x3F800000, v0;
	[tilespmem:s22+$0x10] =	vst v62  }
0x3bc: {  	v15 =	vsel vm7, $0x3F800000, v0;
	[tilespmem:s22+$0x20] =	vst v63  }
0x3bd: {  	[tilespmem:s22+$0xFFFFFFC0] =	vst v15  }
.LBB2_52:
0x3be: {  	v14 =	vld [tilespmem:s22+$0x30]  }
0x3bf: {  	v17 =	vld [tilespmem:s22+$0xFFFFFFD0]  }
0x3c0: {  	v19 =	vld [tilespmem:s22+$0xFFFFFFE0]  }
0x3c1: {  	s23 =	sand.u32 $0x7FFFFFFF, s23;
	v16 =	vld [tilespmem:s22+$0xFFFFFFF0]  }
0x3c2: {  	v15 =	vld [tilespmem:s22+$0x0];
	v12 =	vmov s23  }
0x3c3: {  	v13 =	vld [tilespmem:s22+$0x10];
	vm0 =	vlt.s32 v14, v12  }
0x3c4: {  	vm1 =	vlt.s32 v17, v12;
	v14 =	vld [tilespmem:s22+$0x20];
	v20 =	vsel vm0, $0x0, v11  }
0x3c5: {  	s24 =	simm.s32 $0x80C0;
	s23 =	simm.s32 $0x0;
	v17 =	vld [tilespmem:s22+$0xFFFFFFC0];
	v18 =	vsel vm1, $0x0, v11;
	vm0 =	vlt.s32 v19, v12;
	[tilespmem:s22+$0x30] =	vst v20  }
.LBB2_53:
0x3c6: {  	v19 =	vld [tilespmem:s24+$0x30];
	s23 =	sadd.s32 $0x8, s23;
	[tilespmem:s22+$0xFFFFFFD0] =	vst v18;
	v18 =	vsel vm0, $0x0, v11;
	vm0 =	vlt.s32 v16, v12  }
0x3c7: {  	v20 =	vld [tilespmem:s24+$0xFFFFFFD0];
	p0 =	slt.u32 s23, $0x7F8;
	[tilespmem:s22+$0xFFFFFFE0] =	vst v18;
	v16 =	vsel vm0, $0x0, v11;
	vm0 =	vlt.s32 v15, v12  }
0x3c8: {  	v21 =	vld [tilespmem:s24+$0xFFFFFFE0];
	[tilespmem:s22+$0xFFFFFFF0] =	vst v16;
	v15 =	vsel vm0, $0x0, v11;
	vm0 =	vlt.s32 v13, v12  }
.Ltmp39:
0x3c9: {  	v16 =	vld [tilespmem:s24+$0xFFFFFFF0];
	[tilespmem:s22+$0x0] =	vst v15;
	v13 =	vsel vm0, $0x0, v11;
	vm0 =	vlt.s32 v14, v12;
	(pc) =	sbr.rel @p0 .LBB2_53-.Ltmp39, $4  }
0x3ca: {  	v15 =	vld [tilespmem:s24+$0x0];
	vm1 =	vlt.s32 v17, v12;
	[tilespmem:s22+$0x10] =	vst v13;
	v14 =	vsel vm0, $0x0, v11  }
0x3cb: {  	v13 =	vld [tilespmem:s24+$0x10];
	vm0 =	vlt.s32 v19, v12;
	v17 =	vsel vm1, $0x0, v11;
	[tilespmem:s22+$0x20] =	vst v14  }
0x3cc: {  	vm1 =	vlt.s32 v20, v12;
	v14 =	vld [tilespmem:s24+$0x20];
	v19 =	vsel vm0, $0x0, v11;
	[tilespmem:s22+$0xFFFFFFC0] =	vst v17;
	s22 =	smov.u32 s24  }
0x3cd: {  	s24 =	sadd.s32 $0x80, s24;
	v17 =	vld [tilespmem:s22+$0xFFFFFFC0];
	v18 =	vsel vm1, $0x0, v11;
	vm0 =	vlt.s32 v21, v12;
	[tilespmem:s22+$0x30] =	vst v19  }
0x3ce: {  	[tilespmem:s22+$0xFFFFFFD0] =	vst v18;
	v61 =	vsel vm0, $0x0, v11;
	vm12 =	vlt.s32 v16, v12  }
0x3cf: {  	[tilespmem:s22+$0xFFFFFFE0] =	vst v61;
	v16 =	vsel vm12, $0x0, v11;
	vm13 =	vlt.s32 v15, v12  }
0x3d0: {  	[tilespmem:s22+$0xFFFFFFF0] =	vst v16;
	v15 =	vsel vm13, $0x0, v11;
	vm14 =	vlt.s32 v13, v12  }
0x3d1: {  	[tilespmem:s22+$0x0] =	vst v15;
	v13 =	vsel vm14, $0x0, v11;
	vm15 =	vlt.s32 v14, v12  }
0x3d2: {  	vm1 =	vlt.s32 v17, v12;
	[tilespmem:s22+$0x10] =	vst v13;
	v62 =	vsel vm15, $0x0, v11  }
0x3d3: {  	v63 =	vsel vm1, $0x0, v11;
	[tilespmem:s22+$0x20] =	vst v62  }
0x3d4: {  	[tilespmem:s22+$0xFFFFFFC0] =	vst v63  }
.LBB2_58:
0x3d5: {  	[hbm4b:s7+s12] =	stream.strided.scatter [tilespmem:s16], [sflag:$0x4], $0x8000, s13, s12, $0x38;
	[tilespmem:$0x1C000] =	vst v63  }
0x3d6: {  	_ =	swait.ge [sflag:s14], $0x8000  }
0x3d7: {  	[sflag:s14] =	ssyncset.done $0x0  }
0x3d8: {  	s28 =	simm.s32 $0x0;
	[sflag:s14] =	ssyncadd.s32 $0xFFFF8000  }
0x3d9: {  	v12 =	vld [tilespmem:s28+$0x0];
	_ =	sdelay $0x4  }
0x3da: {  	v13 =	vshra.s32 v12, $0x1F  }
0x3db: {  	v12 =	vshra.s32 v12, $0x16;
	v13 =	vand.u32 $0x1FF, v13  }
0x3dc: {  	v28 =	vxor.u32 v12, v13  }
0x3dd: {  	v12 =	vshll.u32 v28, $0x4  }
0x3de: {  	v12 =	vadd.s32 v2, v12;
	_ =	sdelay $0x4  }
0x3df: {  	[tilespmem:v12+s15+$0x0] =	vst.idx.add.s32.msk $0xffff, v3  }
0x3e0: {  	v12 =	vld [tilespmem:s28+$0x10];
	_ =	sdelay $0x4  }
0x3e1: {  	v13 =	vshra.s32 v12, $0x1F  }
0x3e2: {  	s26 =	simm.s32 $0x80;
	v12 =	vshra.s32 v12, $0x16;
	v13 =	vand.u32 $0x1FF, v13  }
0x3e3: {  	v14 =	vld [tilespmem:s26+$0x0];
	v30 =	vxor.u32 v12, v13  }
0x3e4: {  	v12 =	vshll.u32 v30, $0x4  }
0x3e5: {  	v12 =	vadd.s32 v4, v12;
	_ =	sdelay $0x2  }
0x3e6: {  	v13 =	vshra.s32 v14, $0x1F  }
0x3e7: {  	v14 =	vshra.s32 v14, $0x16;
	v13 =	vand.u32 $0x1FF, v13  }
0x3e8: {  	v17 =	vxor.u32 v14, v13;
	[tilespmem:v12+s15+$0x0] =	vst.idx.add.s32.msk $0xffff, v3  }
0x3e9: {  	v12 =	vshll.u32 v17, $0x4;
	v13 =	vld [tilespmem:s28+$0x20]  }
0x3ea: {  	v12 =	vadd.s32 v2, v12;
	_ =	sdelay $0x3  }
0x3eb: {  	v14 =	vshra.s32 v13, $0x1F  }
0x3ec: {  	[tilespmem:v12+s15+$0x0] =	vst.idx.add.s32.msk $0xffff, v3;
	v12 =	vshra.s32 v13, $0x16;
	v13 =	vand.u32 $0x1FF, v14  }
0x3ed: {  	v14 =	vld [tilespmem:s26+$0x10];
	v33 =	vxor.u32 v12, v13  }
0x3ee: {  	v12 =	vshll.u32 v33, $0x4  }
0x3ef: {  	v12 =	vadd.s32 v5, v12;
	_ =	sdelay $0x2  }
0x3f0: {  	s25 =	simm.s32 $0x100;
	v13 =	vshra.s32 v14, $0x1F  }
0x3f1: {  	v15 =	vld [tilespmem:s25+$0x0];
	v14 =	vshra.s32 v14, $0x16;
	v13 =	vand.u32 $0x1FF, v13  }
0x3f2: {  	v20 =	vxor.u32 v14, v13;
	[tilespmem:v12+s15+$0x0] =	vst.idx.add.s32.msk $0xffff, v3  }
0x3f3: {  	v12 =	vshll.u32 v20, $0x4;
	v13 =	vld [tilespmem:s28+$0x30]  }
0x3f4: {  	v12 =	vadd.s32 v4, v12;
	_ =	sdelay $0x1  }
0x3f5: {  	v14 =	vshra.s32 v15, $0x1F  }
0x3f6: {  	v15 =	vshra.s32 v15, $0x16;
	v14 =	vand.u32 $0x1FF, v14  }
0x3f7: {  	v14 =	vxor.u32 v15, v14;
	v15 =	vshra.s32 v13, $0x1F  }
0x3f8: {  	v16 =	vshll.u32 v14, $0x4;
	[tilespmem:v12+s15+$0x0] =	vst.idx.add.s32.msk $0xffff, v3;
	v12 =	vshra.s32 v13, $0x16;
	v13 =	vand.u32 $0x1FF, v15  }
0x3f9: {  	v15 =	vadd.s32 v2, v16;
	v16 =	vld [tilespmem:s26+$0x20];
	v25 =	vxor.u32 v12, v13  }
0x3fa: {  	v12 =	vshll.u32 v25, $0x4  }
0x3fb: {  	v12 =	vadd.s32 v6, v12;
	_ =	sdelay $0x2  }
0x3fc: {  	[tilespmem:v15+s15+$0x0] =	vst.idx.add.s32.msk $0xffff, v3;
	v13 =	vshra.s32 v16, $0x1F  }
0x3fd: {  	v16 =	vshra.s32 v16, $0x16;
	v15 =	vld [tilespmem:s25+$0x10];
	v13 =	vand.u32 $0x1FF, v13  }
0x3fe: {  	v21 =	vxor.u32 v16, v13;
	[tilespmem:v12+s15+$0x0] =	vst.idx.add.s32.msk $0xffff, v3  }
0x3ff: {  	v12 =	vshll.u32 v21, $0x4;
	v13 =	vld [tilespmem:s28+$0x40]  }
0x400: {  	v12 =	vadd.s32 v5, v12  }
0x401: {  	s24 =	simm.s32 $0x180  }
0x402: {  	v18 =	vld [tilespmem:s24+$0x0];
	v16 =	vshra.s32 v15, $0x1F  }
0x403: {  	v15 =	vshra.s32 v15, $0x16;
	v16 =	vand.u32 $0x1FF, v16  }
0x404: {  	v16 =	vxor.u32 v15, v16;
	v15 =	vshra.s32 v13, $0x1F  }
0x405: {  	v19 =	vshll.u32 v16, $0x4;
	[tilespmem:v12+s15+$0x0] =	vst.idx.add.s32.msk $0xffff, v3;
	v12 =	vshra.s32 v13, $0x16;
	v13 =	vand.u32 $0x1FF, v15  }
0x406: {  	v15 =	vadd.s32 v4, v19;
	v19 =	vld [tilespmem:s26+$0x30];
	v27 =	vxor.u32 v12, v13  }
0x407: {  	v12 =	vshra.s32 v18, $0x1F;
	v13 =	vshll.u32 v27, $0x4  }
0x408: {  	v18 =	vshra.s32 v18, $0x16;
	v12 =	vand.u32 $0x1FF, v12;
	v23 =	vadd.s32 v7, v13  }
0x409: {  	v13 =	vxor.u32 v18, v12  }
0x40a: {  	v12 =	vshll.u32 v13, $0x4  }
0x40b: {  	v12 =	vadd.s32 v2, v12;
	[tilespmem:v15+s15+$0x0] =	vst.idx.add.s32.msk $0xffff, v3;
	v15 =	vshra.s32 v19, $0x1F  }
0x40c: {  	v19 =	vshra.s32 v19, $0x16;
	v18 =	vld [tilespmem:s25+$0x20];
	v15 =	vand.u32 $0x1FF, v15  }
0x40d: {  	v22 =	vxor.u32 v19, v15;
	[tilespmem:v23+s15+$0x0] =	vst.idx.add.s32.msk $0xffff, v3  }
0x40e: {  	v15 =	vshll.u32 v22, $0x4;
	v19 =	vld [tilespmem:s28+$0x50]  }
0x40f: {  	v15 =	vadd.s32 v6, v15  }
0x410: {  	[tilespmem:v12+s15+$0x0] =	vst.idx.add.s32.msk $0xffff, v3  }
0x411: {  	v12 =	vld [tilespmem:s24+$0x10];
	v23 =	vshra.s32 v18, $0x1F  }
0x412: {  	s23 =	simm.s32 $0x200;
	v18 =	vshra.s32 v18, $0x16;
	v23 =	vand.u32 $0x1FF, v23  }
0x413: {  	v24 =	vld [tilespmem:s23+$0x0];
	v18 =	vxor.u32 v18, v23;
	v23 =	vshra.s32 v19, $0x1F  }
0x414: {  	v26 =	vshll.u32 v18, $0x4;
	[tilespmem:v15+s15+$0x0] =	vst.idx.add.s32.msk $0xffff, v3;
	v15 =	vshra.s32 v19, $0x16;
	v19 =	vand.u32 $0x1FF, v23  }
0x415: {  	v23 =	vadd.s32 v5, v26;
	v26 =	vld [tilespmem:s26+$0x40];
	v29 =	vxor.u32 v15, v19  }
0x416: {  	v15 =	vshra.s32 v12, $0x1F;
	v19 =	vshll.u32 v29, $0x4  }
0x417: {  	v12 =	vshra.s32 v12, $0x16;
	v15 =	vand.u32 $0x1FF, v15;
	v19 =	vadd.s32 v8, v19  }
0x418: {  	s22 =	simm.s32 $0x280;
	v31 =	vshra.s32 v24, $0x1F;
	v15 =	vxor.u32 v12, v15  }
0x419: {  	v32 =	vld [tilespmem:s22+$0x0];
	v12 =	vshra.s32 v24, $0x16;
	v24 =	vand.u32 $0x1FF, v31;
	v31 =	vshll.u32 v15, $0x4  }
0x41a: {  	v12 =	vxor.u32 v12, v24;
	v31 =	vadd.s32 v4, v31;
	v24 =	vshra.s32 v26, $0x1F;
	[tilespmem:v23+s15+$0x0] =	vst.idx.add.s32.msk $0xffff, v3  }
0x41b: {  	v23 =	vshll.u32 v12, $0x4;
	v26 =	vshra.s32 v26, $0x16;
	v24 =	vand.u32 $0x1FF, v24;
	v34 =	vld [tilespmem:s25+$0x30]  }
0x41c: {  	v23 =	vadd.s32 v2, v23;
	v24 =	vxor.u32 v26, v24;
	[tilespmem:v19+s15+$0x0] =	vst.idx.add.s32.msk $0xffff, v3  }
0x41d: {  	v19 =	vshll.u32 v24, $0x4;
	v35 =	vld [tilespmem:s28+$0x60]  }
0x41e: {  	v19 =	vadd.s32 v7, v19  }
0x41f: {  	v36 =	vshra.s32 v32, $0x16;
	v32 =	vshra.s32 v32, $0x1F;
	[tilespmem:v31+s15+$0x0] =	vst.idx.add.s32.msk $0xffff, v3  }
0x420: {  	v32 =	vand.u32 $0x1FF, v32;
	v31 =	vimm.s32 $0xFFFFFE00;
	v37 =	vld [tilespmem:s24+$0x20];
	v26 =	vshra.s32 v34, $0x1F  }
0x421: {  	[tilespmem:v23+s15+$0x0] =	vst.idx.add.s32.msk $0xffff, v3;
	v23 =	vshra.s32 v34, $0x16;
	vm0 =	vgt.s32 v31, v28;
	v26 =	vand.u32 $0x1FF, v26  }
0x422: {  	v38 =	vld [tilespmem:s23+$0x10];
	v31 =	vsel vm0, v31, v28;
	v26 =	vxor.u32 v23, v26;
	v23 =	vshra.s32 v35, $0x1F  }
0x423: {  	v57 =	vshll.u32 v26, $0x4;
	[tilespmem:v19+s15+$0x0] =	vst.idx.add.s32.msk $0xffff, v3;
	v35 =	vshra.s32 v35, $0x16;
	v23 =	vand.u32 $0x1FF, v23  }
0x424: {  	v19 =	vxor.u32 v36, v32;
	v58 =	vadd.s32 v6, v57;
	v39 =	vld [tilespmem:s26+$0x50];
	v32 =	vxor.u32 v35, v23  }
0x425: {  	vm0 =	vgt.s32 v31, v30;
	v35 =	vshll.u32 v32, $0x4  }
0x426: {  	v62 =	vsel vm0, v31, v30;
	v40 =	vadd.s32 v9, v35  }
0x427: {  	v34 =	vshll.u32 v19, $0x4;
	vm0 =	vgt.s32 v62, v33;
	v59 =	vshra.s32 v37, $0x1F  }
0x428: {  	v23 =	vshra.s32 v37, $0x16;
	v33 =	vsel vm0, v62, v33;
	v37 =	vand.u32 $0x1FF, v59  }
0x429: {  	v28 =	vshra.s32 v38, $0x16;
	v23 =	vxor.u32 v23, v37;
	[tilespmem:v58+s15+$0x0] =	vst.idx.add.s32.msk $0xffff, v3;
	v61 =	vshra.s32 v39, $0x1F  }
0x42a: {  	v60 =	vshll.u32 v23, $0x4;
	v31 =	vshra.s32 v39, $0x16;
	v30 =	vld [tilespmem:s25+$0x40];
	v63 =	vand.u32 $0x1FF, v61  }
0x42b: {  	s29 =	simm.s32 $0xC00;
	v36 =	vshra.s32 v38, $0x1F;
	v35 =	vadd.s32 v5, v60;
	v31 =	vxor.u32 v31, v63;
	[tilespmem:v40+s15+$0x0] =	vst.idx.add.s32.msk $0xffff, v3  }
.LBB2_59:
0x42c: {  	p0 =	sne.s32 s29, $0x1FE00;
	v36 =	vand.u32 $0x1FF, v36;
	v41 =	vshll.u32 v31, $0x4;
	vm0 =	vgt.s32 v33, v25;
	v38 =	vld [tilespmem:s28+$0x70];
	v39 =	vmovc v15;
	v40 =	vmovc v19;
	s28 =	smov.u32 s26;
	s26 =	smov.u32 s25  }
0x42d: {  	s25 =	smov.u32 s24;
	s24 =	smov.u32 s23;
	s23 =	smov.u32 s22;
	v15 =	vxor.u32 v28, v36;
	v19 =	vadd.s32 v8, v41;
	v28 =	vsel vm0, v33, v25;
	v25 =	vmovc v22  }
0x42e: {  	s22 =	sshra.s32 s29, $0x2;
	v37 =	vmovc v21;
	v33 =	vadd.s32 v2, v34;
	v22 =	vmovc v26;
	v34 =	vshll.u32 v15, $0x4;
	vm0 =	vgt.s32 v28, v27  }
0x42f: {  	v21 =	vmovc v18;
	v26 =	vld [tilespmem:s22+$0x0];
	v34 =	vadd.s32 v4, v34;
	v36 =	vshra.s32 v30, $0x1F;
	v28 =	vsel vm0, v28, v27;
	v27 =	vmovc v24  }
0x430: {  	v18 =	vmovc v23;
	v24 =	vshra.s32 v30, $0x16;
	[tilespmem:v35+s15+$0x0] =	vst.idx.add.s32.msk $0xffff, v3;
	v30 =	vand.u32 $0x1FF, v36;
	vm0 =	vgt.s32 v28, v29  }
0x431: {  	v23 =	vld [tilespmem:s25+$0x30];
	v24 =	vxor.u32 v24, v30;
	v28 =	vsel vm0, v28, v29;
	v30 =	vshra.s32 v38, $0x1F;
	v29 =	vmovc v31  }
0x432: {  	[tilespmem:v19+s15+$0x0] =	vst.idx.add.s32.msk $0xffff, v3;
	vm0 =	vgt.s32 v28, v32;
	v19 =	vshra.s32 v38, $0x16;
	v30 =	vand.u32 $0x1FF, v30  }
0x433: {  	v31 =	vshll.u32 v24, $0x4;
	v35 =	vld [tilespmem:s28+$0x60];
	v28 =	vsel vm0, v28, v32;
	v19 =	vxor.u32 v19, v30  }
0x434: {  	v30 =	vadd.s32 v7, v31;
	v31 =	vshll.u32 v19, $0x4;
	vm0 =	vgt.s32 v28, v19  }
0x435: {  	[tilespmem:v34+s15+$0x0] =	vst.idx.add.s32.msk $0xffff, v3;
	v31 =	vadd.s32 v10, v31;
	v28 =	vsel vm0, v28, v19  }
0x436: {  	v19 =	vshra.s32 v26, $0x16;
	v34 =	vld [tilespmem:s24+$0x20];
	v32 =	vshra.s32 v23, $0x1F  }
0x437: {  	v26 =	vshra.s32 v26, $0x1F;
	v23 =	vshra.s32 v23, $0x16;
	[tilespmem:v33+s15+$0x0] =	vst.idx.add.s32.msk $0xffff, v3;
	v32 =	vand.u32 $0x1FF, v32  }
0x438: {  	v33 =	vand.u32 $0x1FF, v26;
	v36 =	vld [tilespmem:s23+$0x10];
	v26 =	vxor.u32 v23, v32;
	v23 =	vshra.s32 v35, $0x1F  }
0x439: {  	v32 =	vshll.u32 v26, $0x4;
	[tilespmem:v30+s15+$0x0] =	vst.idx.add.s32.msk $0xffff, v3;
	v30 =	vshra.s32 v35, $0x16;
	v23 =	vand.u32 $0x1FF, v23  }
0x43a: {  	v19 =	vxor.u32 v19, v33;
	v33 =	vadd.s32 v6, v32;
	v38 =	vld [tilespmem:s26+$0x50];
	v32 =	vxor.u32 v30, v23  }
0x43b: {  	v23 =	vshra.s32 v34, $0x16;
	v30 =	vshra.s32 v34, $0x1F;
	v34 =	vshll.u32 v32, $0x4;
	[tilespmem:v31+s15+$0x0] =	vst.idx.add.s32.msk $0xffff, v3  }
0x43c: {  	vm0 =	vgt.s32 v28, v17;
	v30 =	vand.u32 $0x1FF, v30;
	v41 =	vadd.s32 v9, v34  }
.Ltmp40:
0x43d: {  	v34 =	vshll.u32 v19, $0x4;
	v23 =	vxor.u32 v23, v30;
	v30 =	vsel vm0, v28, v17;
	v17 =	vmovc v14;
	v14 =	vmovc v13;
	(pc) =	sbr.rel @p0 .LBB2_59-.Ltmp40, $4  }
0x43e: {  	v28 =	vshra.s32 v36, $0x16;
	v13 =	vmovc v12;
	v12 =	vmovc v40;
	v31 =	vshll.u32 v23, $0x4;
	vm0 =	vgt.s32 v30, v20  }
0x43f: {  	v35 =	vadd.s32 v5, v31;
	[tilespmem:v33+s15+$0x0] =	vst.idx.add.s32.msk $0xffff, v3;
	v31 =	vshra.s32 v38, $0x1F;
	v33 =	vsel vm0, v30, v20  }
0x440: {  	v38 =	vshra.s32 v38, $0x16;
	v20 =	vmovc v16;
	v16 =	vmovc v39;
	v30 =	vld [tilespmem:s25+$0x40];
	v31 =	vand.u32 $0x1FF, v31;
	vm0 =	vgt.s32 v33, v37  }
0x441: {  	s29 =	sadd.s32 $0x200, s29;
	v36 =	vshra.s32 v36, $0x1F;
	v31 =	vxor.u32 v38, v31;
	v33 =	vsel vm0, v33, v37;
	[tilespmem:v41+s15+$0x0] =	vst.idx.add.s32.msk $0xffff, v3  }
0x442: {  	v36 =	vand.u32 $0x1FF, v36  }
0x443: {  	v28 =	vxor.u32 v28, v36  }
0x444: {  	v36 =	vshll.u32 v28, $0x4  }
0x445: {  	v37 =	vld [tilespmem:s28+$0x70];
	v36 =	vadd.s32 v4, v36  }
0x446: {  	[tilespmem:v35+s15+$0x0] =	vst.idx.add.s32.msk $0xffff, v3  }
0x447: {  	vm0 =	vgt.s32 v33, v25;
	v34 =	vadd.s32 v2, v34;
	v35 =	vld [tilespmem:s24+$0x30]  }
0x448: {  	v40 =	vshll.u32 v31, $0x4;
	v25 =	vsel vm0, v33, v25  }
0x449: {  	v38 =	vadd.s32 v8, v40;
	vm0 =	vgt.s32 v25, v27;
	v41 =	vshra.s32 v30, $0x1F  }
0x44a: {  	v25 =	vsel vm0, v25, v27;
	v42 =	vshra.s32 v30, $0x16;
	v43 =	vand.u32 $0x1FF, v41;
	[tilespmem:v36+s15+$0x0] =	vst.idx.add.s32.msk $0xffff, v3  }
0x44b: {  	vm0 =	vgt.s32 v25, v29;
	v33 =	vxor.u32 v42, v43;
	v36 =	vld [tilespmem:s23+$0x20]  }
0x44c: {  	v25 =	vsel vm0, v25, v29;
	v44 =	vshra.s32 v37, $0x1F;
	[tilespmem:v34+s15+$0x0] =	vst.idx.add.s32.msk $0xffff, v3;
	v46 =	vshra.s32 v35, $0x1F  }
0x44d: {  	v45 =	vshll.u32 v33, $0x4;
	v34 =	vld [tilespmem:s22+$0x10];
	v47 =	vshra.s32 v35, $0x16;
	v30 =	vand.u32 $0x1FF, v46  }
0x44e: {  	v48 =	vshra.s32 v37, $0x16;
	v39 =	vadd.s32 v7, v45;
	v30 =	vxor.u32 v47, v30  }
0x44f: {  	vm0 =	vgt.s32 v25, v32;
	[tilespmem:v38+s15+$0x0] =	vst.idx.add.s32.msk $0xffff, v3;
	v27 =	vand.u32 $0x1FF, v44;
	v50 =	vshll.u32 v30, $0x4  }
0x450: {  	v49 =	vld [tilespmem:s26+$0x60];
	v32 =	vsel vm0, v25, v32;
	v52 =	vadd.s32 v6, v50;
	v51 =	vshra.s32 v36, $0x1F  }
0x451: {  	v25 =	vxor.u32 v48, v27;
	v36 =	vshra.s32 v36, $0x16;
	v29 =	vand.u32 $0x1FF, v51  }
0x452: {  	vm0 =	vgt.s32 v32, v25;
	v53 =	vshra.s32 v34, $0x1F;
	v29 =	vxor.u32 v36, v29  }
0x453: {  	v34 =	vshra.s32 v34, $0x16;
	[tilespmem:v39+s15+$0x0] =	vst.idx.add.s32.msk $0xffff, v3;
	v27 =	vand.u32 $0x1FF, v53;
	v54 =	vshll.u32 v29, $0x4  }
0x454: {  	v32 =	vsel vm0, v32, v25;
	v55 =	vld [tilespmem:s25+$0x50];
	v27 =	vxor.u32 v34, v27;
	v35 =	vadd.s32 v5, v54  }
0x455: {  	vm0 =	vgt.s32 v32, v17;
	v56 =	vshra.s32 v49, $0x1F;
	v57 =	vshll.u32 v27, $0x4;
	[tilespmem:v52+s15+$0x0] =	vst.idx.add.s32.msk $0xffff, v3  }
0x456: {  	v37 =	vshra.s32 v49, $0x16;
	v34 =	vand.u32 $0x1FF, v56;
	v58 =	vadd.s32 v4, v57;
	v59 =	vld [tilespmem:s24+$0x40]  }
0x457: {  	v17 =	vsel vm0, v32, v17;
	v34 =	vxor.u32 v37, v34  }
0x458: {  	vm0 =	vgt.s32 v17, v20;
	v60 =	vshll.u32 v34, $0x4  }
0x459: {  	v17 =	vsel vm0, v17, v20;
	v32 =	vadd.s32 v9, v60;
	v61 =	vshra.s32 v55, $0x1F;
	[tilespmem:v35+s15+$0x0] =	vst.idx.add.s32.msk $0xffff, v3  }
0x45a: {  	vm0 =	vgt.s32 v17, v21;
	v62 =	vshra.s32 v55, $0x16;
	v35 =	vand.u32 $0x1FF, v61;
	v63 =	vld [tilespmem:s23+$0x30]  }
0x45b: {  	v17 =	vsel vm0, v17, v21;
	[tilespmem:v58+s15+$0x0] =	vst.idx.add.s32.msk $0xffff, v3;
	v41 =	vshra.s32 v59, $0x1F;
	v35 =	vxor.u32 v62, v35  }
0x45c: {  	v38 =	vld [tilespmem:s22+$0x20];
	v37 =	vshra.s32 v59, $0x16;
	v21 =	vand.u32 $0x1FF, v41;
	v20 =	vshll.u32 v35, $0x4  }
0x45d: {  	vm0 =	vgt.s32 v17, v22;
	v37 =	vxor.u32 v37, v21;
	v20 =	vadd.s32 v8, v20  }
0x45e: {  	v17 =	vsel vm0, v17, v22;
	[tilespmem:v32+s15+$0x0] =	vst.idx.add.s32.msk $0xffff, v3;
	v21 =	vshll.u32 v37, $0x4  }
0x45f: {  	vm0 =	vgt.s32 v17, v24;
	v32 =	vld [tilespmem:s26+$0x70];
	v43 =	vadd.s32 v7, v21;
	v42 =	vshra.s32 v63, $0x1F  }
0x460: {  	v17 =	vsel vm0, v17, v24;
	v44 =	vshra.s32 v63, $0x16;
	v22 =	vand.u32 $0x1FF, v42  }
0x461: {  	vm0 =	vgt.s32 v17, v31;
	v45 =	vshra.s32 v38, $0x1F;
	v21 =	vxor.u32 v44, v22  }
0x462: {  	v47 =	vshra.s32 v38, $0x16;
	[tilespmem:v20+s15+$0x0] =	vst.idx.add.s32.msk $0xffff, v3;
	v22 =	vand.u32 $0x1FF, v45;
	v46 =	vshll.u32 v21, $0x4  }
0x463: {  	v17 =	vsel vm0, v17, v31;
	v48 =	vld [tilespmem:s25+$0x60];
	v20 =	vxor.u32 v47, v22;
	v49 =	vadd.s32 v6, v46  }
0x464: {  	vm0 =	vgt.s32 v17, v34;
	v50 =	vshra.s32 v32, $0x1F;
	[tilespmem:v43+s15+$0x0] =	vst.idx.add.s32.msk $0xffff, v3;
	v22 =	vshll.u32 v20, $0x4  }
0x465: {  	v32 =	vshra.s32 v32, $0x16;
	v31 =	vand.u32 $0x1FF, v50;
	v51 =	vld [tilespmem:s24+$0x50];
	v22 =	vadd.s32 v5, v22  }
0x466: {  	v34 =	vsel vm0, v17, v34;
	v17 =	vxor.u32 v32, v31  }
0x467: {  	vm0 =	vgt.s32 v34, v17  }
0x468: {  	v32 =	vsel vm0, v34, v17;
	v52 =	vshra.s32 v48, $0x1F;
	[tilespmem:v49+s15+$0x0] =	vst.idx.add.s32.msk $0xffff, v3  }
0x469: {  	vm0 =	vgt.s32 v32, v14;
	v24 =	vshra.s32 v48, $0x16;
	v31 =	vand.u32 $0x1FF, v52;
	v53 =	vld [tilespmem:s23+$0x40]  }
0x46a: {  	v14 =	vsel vm0, v32, v14;
	v55 =	vshra.s32 v51, $0x1F;
	v24 =	vxor.u32 v24, v31;
	[tilespmem:v22+s15+$0x0] =	vst.idx.add.s32.msk $0xffff, v3  }
0x46b: {  	v36 =	vshra.s32 v51, $0x16;
	v31 =	vand.u32 $0x1FF, v55;
	v54 =	vshll.u32 v24, $0x4;
	v56 =	vld [tilespmem:s22+$0x30]  }
0x46c: {  	vm0 =	vgt.s32 v14, v16;
	v57 =	vxor.u32 v36, v31;
	v22 =	vadd.s32 v9, v54  }
0x46d: {  	v14 =	vsel vm0, v14, v16;
	v31 =	vshll.u32 v57, $0x4  }
0x46e: {  	vm0 =	vgt.s32 v14, v18;
	v31 =	vadd.s32 v8, v31;
	v58 =	vshra.s32 v53, $0x1F  }
0x46f: {  	v14 =	vsel vm0, v14, v18;
	v34 =	vshra.s32 v53, $0x16;
	v36 =	vand.u32 $0x1FF, v58  }
0x470: {  	vm0 =	vgt.s32 v14, v26;
	v60 =	vshra.s32 v56, $0x1F;
	v59 =	vxor.u32 v34, v36  }
0x471: {  	v32 =	vshra.s32 v56, $0x16;
	v34 =	vand.u32 $0x1FF, v60;
	[tilespmem:v22+s15+$0x0] =	vst.idx.add.s32.msk $0xffff, v3;
	v36 =	vshll.u32 v59, $0x4  }
0x472: {  	v14 =	vsel vm0, v14, v26;
	v32 =	vxor.u32 v32, v34;
	v62 =	vld [tilespmem:s25+$0x70];
	v61 =	vadd.s32 v7, v36  }
0x473: {  	vm0 =	vgt.s32 v14, v33;
	[tilespmem:v31+s15+$0x0] =	vst.idx.add.s32.msk $0xffff, v3;
	v63 =	vshll.u32 v32, $0x4  }
0x474: {  	v14 =	vsel vm0, v14, v33;
	v31 =	vld [tilespmem:s24+$0x60];
	v36 =	vadd.s32 v6, v63  }
0x475: {  	vm0 =	vgt.s32 v14, v35  }
0x476: {  	v14 =	vsel vm0, v14, v35  }
0x477: {  	vm0 =	vgt.s32 v14, v24;
	[tilespmem:v61+s15+$0x0] =	vst.idx.add.s32.msk $0xffff, v3  }
0x478: {  	v14 =	vsel vm0, v14, v24;
	v38 =	vshra.s32 v62, $0x1F;
	v39 =	vld [tilespmem:s23+$0x50]  }
0x479: {  	v34 =	vshra.s32 v62, $0x16;
	v22 =	vand.u32 $0x1FF, v38;
	v40 =	vshra.s32 v31, $0x1F;
	[tilespmem:v36+s15+$0x0] =	vst.idx.add.s32.msk $0xffff, v3  }
0x47a: {  	v31 =	vshra.s32 v31, $0x16;
	v22 =	vxor.u32 v34, v22;
	v24 =	vand.u32 $0x1FF, v40;
	v26 =	vld [tilespmem:s22+$0x40]  }
0x47b: {  	vm0 =	vgt.s32 v14, v22;
	v24 =	vxor.u32 v31, v24  }
0x47c: {  	v14 =	vsel vm0, v14, v22;
	v31 =	vshll.u32 v24, $0x4  }
0x47d: {  	vm0 =	vgt.s32 v14, v13;
	v31 =	vadd.s32 v9, v31;
	v41 =	vshra.s32 v39, $0x1F  }
0x47e: {  	v13 =	vsel vm0, v14, v13;
	v33 =	vshra.s32 v39, $0x16;
	v34 =	vand.u32 $0x1FF, v41  }
0x47f: {  	vm0 =	vgt.s32 v13, v15;
	v43 =	vshra.s32 v26, $0x1F;
	v42 =	vxor.u32 v33, v34  }
0x480: {  	v26 =	vshra.s32 v26, $0x16;
	v33 =	vand.u32 $0x1FF, v43;
	v34 =	vshll.u32 v42, $0x4  }
0x481: {  	v13 =	vsel vm0, v13, v15;
	v26 =	vxor.u32 v26, v33;
	v34 =	vadd.s32 v8, v34  }
0x482: {  	vm0 =	vgt.s32 v13, v23;
	v44 =	vshll.u32 v26, $0x4  }
0x483: {  	v13 =	vsel vm0, v13, v23;
	[tilespmem:v31+s15+$0x0] =	vst.idx.add.s32.msk $0xffff, v3;
	v15 =	vadd.s32 v7, v44  }
0x484: {  	vm0 =	vgt.s32 v13, v30;
	v45 =	vld [tilespmem:s24+$0x70]  }
0x485: {  	v13 =	vsel vm0, v13, v30  }
0x486: {  	vm0 =	vgt.s32 v13, v37;
	[tilespmem:v34+s15+$0x0] =	vst.idx.add.s32.msk $0xffff, v3  }
0x487: {  	v13 =	vsel vm0, v13, v37;
	v46 =	vld [tilespmem:s23+$0x60]  }
0x488: {  	vm0 =	vgt.s32 v13, v57;
	[tilespmem:v15+s15+$0x0] =	vst.idx.add.s32.msk $0xffff, v3  }
0x489: {  	v13 =	vsel vm0, v13, v57;
	v47 =	vshra.s32 v45, $0x1F;
	v15 =	vld [tilespmem:s22+$0x50]  }
0x48a: {  	v23 =	vshra.s32 v45, $0x16;
	vm0 =	vgt.s32 v13, v24;
	v16 =	vand.u32 $0x1FF, v47  }
0x48b: {  	v13 =	vsel vm0, v13, v24;
	v16 =	vxor.u32 v23, v16  }
0x48c: {  	vm0 =	vgt.s32 v13, v16;
	v48 =	vshra.s32 v46, $0x1F  }
0x48d: {  	v13 =	vsel vm0, v13, v16;
	v49 =	vshra.s32 v46, $0x16;
	v23 =	vand.u32 $0x1FF, v48  }
0x48e: {  	vm0 =	vgt.s32 v13, v12;
	v50 =	vshra.s32 v15, $0x1F;
	v23 =	vxor.u32 v49, v23  }
0x48f: {  	v15 =	vshra.s32 v15, $0x16;
	v24 =	vand.u32 $0x1FF, v50;
	v51 =	vshll.u32 v23, $0x4  }
0x490: {  	v12 =	vsel vm0, v13, v12;
	v15 =	vxor.u32 v15, v24;
	v30 =	vadd.s32 v9, v51  }
0x491: {  	vm0 =	vgt.s32 v12, v28;
	v52 =	vshll.u32 v15, $0x4  }
0x492: {  	v12 =	vsel vm0, v12, v28;
	v13 =	vadd.s32 v8, v52  }
0x493: {  	vm0 =	vgt.s32 v12, v29  }
0x494: {  	v12 =	vsel vm0, v12, v29  }
0x495: {  	vm0 =	vgt.s32 v12, v21;
	[tilespmem:v30+s15+$0x0] =	vst.idx.add.s32.msk $0xffff, v3  }
0x496: {  	v12 =	vsel vm0, v12, v21;
	v53 =	vld [tilespmem:s23+$0x70]  }
0x497: {  	vm0 =	vgt.s32 v12, v59;
	[tilespmem:v13+s15+$0x0] =	vst.idx.add.s32.msk $0xffff, v3  }
0x498: {  	v12 =	vsel vm0, v12, v59;
	v13 =	vld [tilespmem:s22+$0x60]  }
0x499: {  	vm0 =	vgt.s32 v12, v42  }
0x49a: {  	v12 =	vsel vm0, v12, v42  }
0x49b: {  	vm0 =	vgt.s32 v12, v23  }
0x49c: {  	v12 =	vsel vm0, v12, v23;
	v54 =	vshra.s32 v53, $0x1F  }
0x49d: {  	v55 =	vshra.s32 v53, $0x16;
	v14 =	vand.u32 $0x1FF, v54;
	v56 =	vshra.s32 v13, $0x1F  }
0x49e: {  	v13 =	vshra.s32 v13, $0x16;
	v14 =	vxor.u32 v55, v14;
	v57 =	vand.u32 $0x1FF, v56  }
0x49f: {  	vm0 =	vgt.s32 v12, v14;
	v13 =	vxor.u32 v13, v57  }
0x4a0: {  	v12 =	vsel vm0, v12, v14;
	v18 =	vshll.u32 v13, $0x4  }
0x4a1: {  	vm0 =	vgt.s32 v12, v19;
	v18 =	vadd.s32 v9, v18  }
0x4a2: {  	v12 =	vsel vm0, v12, v19  }
0x4a3: {  	vm0 =	vgt.s32 v12, v27  }
0x4a4: {  	v12 =	vsel vm0, v12, v27  }
0x4a5: {  	vm0 =	vgt.s32 v12, v20  }
0x4a6: {  	v12 =	vsel vm0, v12, v20;
	[tilespmem:v18+s15+$0x0] =	vst.idx.add.s32.msk $0xffff, v3  }
0x4a7: {  	vm0 =	vgt.s32 v12, v32;
	v18 =	vld [tilespmem:s22+$0x70]  }
0x4a8: {  	v12 =	vsel vm0, v12, v32  }
0x4a9: {  	vm0 =	vgt.s32 v12, v26  }
0x4aa: {  	v12 =	vsel vm0, v12, v26  }
0x4ab: {  	vm0 =	vgt.s32 v12, v15  }
0x4ac: {  	v12 =	vsel vm0, v12, v15;
	v58 =	vshra.s32 v18, $0x1F  }
0x4ad: {  	v18 =	vshra.s32 v18, $0x16;
	vm0 =	vgt.s32 v12, v13;
	v15 =	vand.u32 $0x1FF, v58  }
0x4ae: {  	v12 =	vsel vm0, v12, v13;
	v59 =	vxor.u32 v18, v15  }
0x4af: {  	vm0 =	vgt.s32 v12, v59  }
0x4b0: {  	v12 =	vsel vm0, v12, v59  }
0x4b1: {  	v12 =	vxor.u32 $0x80000000, v12  }
0x4b2: {  	(xrf0) =	vmax.scan.msk.u32 $0xffff, v12;
	_ =	sdelay $0x5  }
0x4b3: {  	v12, _, _ =	vpop (xrf0)  }
0x4b4: {  	(v2sf) =	vpush v12, $0xF;
	_ =	sdelay $0x4  }
0x4b5: {  	v62 =	vshll.u32 v22, $0x4  }
0x4b6: {  	v61 =	vshll.u32 v17, $0x4;
	v17 =	vadd.s32 v10, v62;
	v16 =	vshll.u32 v16, $0x4  }
0x4b7: {  	v16 =	vadd.s32 v10, v16;
	v14 =	vshll.u32 v14, $0x4  }
0x4b8: {  	v14 =	vadd.s32 v10, v14  }
0x4b9: {  	v15 =	vadd.s32 v10, v61;
	v13 =	vshll.u32 v59, $0x4  }
0x4ba: {  	v60 =	vshll.u32 v25, $0x4;
	v63 =	vadd.s32 v10, v13  }
0x4bb: {  	[tilespmem:v17+s15+$0x0] =	vst.idx.add.s32.msk $0xffff, v3;
	v12 =	vadd.s32 v10, v60  }
0x4bc: {  	[tilespmem:v16+s15+$0x0] =	vst.idx.add.s32.msk $0xffff, v3  }
0x4bd: {  	[tilespmem:v14+s15+$0x0] =	vst.idx.add.s32.msk $0xffff, v3  }
0x4be: {  	[tilespmem:v15+s15+$0x0] =	vst.idx.add.s32.msk $0xffff, v3  }
0x4bf: {  	[tilespmem:v63+s15+$0x0] =	vst.idx.add.s32.msk $0xffff, v3;
	s31 =	spop (v2sf)  }
0x4c0: {  	[tilespmem:v12+s15+$0x0] =	vst.idx.add.s32.msk $0xffff, v3;
	s25 =	sshll.u32 s31, $0x4  }
0x4c1: {  	v12 =	vld [tilespmem:s25+$0x12000];
	_ =	sdelay $0x4  }
0x4c2: {  	(xrf0) =	vadd.scan.msk.s32 $0xffff, v12;
	_ =	sdelay $0x5  }
0x4c3: {  	v12, _, _ =	vpop (xrf0)  }
0x4c4: {  	(v2sf) =	vpush v12, $0xF;
	_ =	sdelay $0xe  }
0x4c5: {  	s23 =	spop (v2sf)  }
0x4c6: {  	p0 =	sgt.s32 s23, $0x3F  }
.Ltmp41:
0x4c7: {  	_ = 	snop;
	(pc) =	sbr.rel @p0 .LBB2_61-.Ltmp41, $2  }
0x4c8: {  	_ =	sdelay $0x2  }
0x4c9: {  	s24 =	simm.s32 $0x40;
	s22 =	sxor.u32 $0x80000000, s31  }
0x4ca: {  	s25 =	sadd.s32 $0xFFFFFFF0, s25  }
.LBB2_63:
0x4cb: {  	s26 =	sand.u32 $0xFFFFFFF0, s25  }
0x4cc: {  	v12 =	vld [tilespmem:s26+$0x12000];
	_ =	sdelay $0x4  }
0x4cd: {  	(xrf0) =	vadd.scan.msk.s32 $0xffff, v12;
	_ =	sdelay $0x5  }
0x4ce: {  	v12, _, _ =	vpop (xrf0)  }
0x4cf: {  	(v2sf) =	vpush v12, $0xF;
	_ =	sdelay $0xe  }
0x4d0: {  	s26 =	smov.u32 s23;
	s31 =	spop (v2sf)  }
0x4d1: {  	s23 =	sadd.s32 s26, s31  }
0x4d2: {  	p0 =	slt.s32 s23, $0x40  }
.Ltmp42:
0x4d3: {  	_ = 	snop;
	(pc) =	sbr.rel @p0 .LBB2_63-.Ltmp42, $2  }
0x4d4: {  	_ =	sdelay $0x2  }
0x4d5: {  	s22 =	sadd.s32 $0xFFFFFFFF, s22;
	s25 =	sadd.s32 $0xFFFFFFF0, s25  }
.Ltmp43:
0x4d6: {  	(pc) =	sbr.rel .LBB2_65-.Ltmp43, $2  }
0x4d7: {  	_ =	sdelay $0x2  }
0x4d8: {  	s23 =	ssub.s32 $0x40, s26  }
.LBB2_61:
0x4d9: {  	s23 =	simm.s32 $0x40  }
.LBB2_65:
0x4da: {  	_ =	swait.ge [sflag:s20], $0x8000  }
0x4db: {  	[sflag:s20] =	ssyncset.done $0x0  }
0x4dc: {  	[sflag:s20] =	ssyncadd.s32 $0xFFFF8000  }
0x4dd: {  	[tilespmem:s16], [sflag:$0x2] =	stream.strided.gather [hbm4b:s8+s12], $0x8000, s13, s12, $0x38;
	[tilespmem:$0x1C000] =	vst v63  }
0x4de: {  	v12 =	vld [tilespmem:s24+$0x30]  }
0x4df: {  	v14 =	vld [tilespmem:s24+$0x20]  }
0x4e0: {  	v16 =	vld [tilespmem:s24+$0x10]  }
0x4e1: {  	v15 =	vld [tilespmem:s24+$0x0]  }
0x4e2: {  	v21 =	vld [tilespmem:s24+$0xFFFFFFF0]  }
0x4e3: {  	v22 =	vld [tilespmem:s24+$0xFFFFFFE0]  }
0x4e4: {  	v23 =	vld [tilespmem:s24+$0xFFFFFFD0]  }
0x4e5: {  	v24 =	vld [tilespmem:s24+$0xFFFFFFC0]  }
0x4e6: {  	v25 =	vimm.s32 $0x0  }
0x4e7: {  	v13 =	vmov s22;
	v17 =	vshll.u32 v25, $0x4  }
0x4e8: {  	v20 =	vor.u32 v1, v17;
	v17 =	vshra.s32 v14, $0x1F;
	v18 =	vshra.s32 v12, $0x1F  }
0x4e9: {  	v19 =	vshra.s32 v21, $0x1F;
	v26 =	vshra.s32 v15, $0x1F;
	v27 =	vshra.s32 v16, $0x1F  }
0x4ea: {  	v28 =	vshra.s32 v24, $0x1F;
	v29 =	vshra.s32 v23, $0x1F;
	v30 =	vshra.s32 v22, $0x1F  }
0x4eb: {  	v27 =	vand.u32 $0x7FFFFFFF, v27;
	v31 =	vand.u32 $0x7FFFFFFF, v17;
	v17 =	vand.u32 $0x7FFFFFFF, v18  }
0x4ec: {  	v30 =	vand.u32 $0x7FFFFFFF, v30;
	v32 =	vand.u32 $0x7FFFFFFF, v19;
	v19 =	vand.u32 $0x7FFFFFFF, v26  }
0x4ed: {  	v26 =	vand.u32 $0x7FFFFFFF, v28;
	v28 =	vand.u32 $0x7FFFFFFF, v29;
	v18 =	vxor.u32 v12, v17  }
0x4ee: {  	v15 =	vxor.u32 v15, v19;
	v17 =	vxor.u32 v16, v27;
	v19 =	vxor.u32 v14, v31  }
0x4ef: {  	v12 =	vxor.u32 v23, v28;
	v14 =	vxor.u32 v22, v30;
	v16 =	vxor.u32 v21, v32  }
0x4f0: {  	v21 =	vxor.u32 v24, v26;
	v24 =	vshra.s32 v19, $0x16;
	v23 =	vshra.s32 v18, $0x16  }
0x4f1: {  	v22 =	vshra.s32 v21, $0x16;
	v27 =	vshra.s32 v15, $0x16;
	v26 =	vshra.s32 v17, $0x16  }
0x4f2: {  	v29 =	vshra.s32 v16, $0x16;
	vm4 =	veq.s32 v22, v13;
	v22 =	vshra.s32 v12, $0x16  }
0x4f3: {  	v30 =	vshra.s32 v14, $0x16;
	v28 =	vsel vm4, $0x1, v0;
	vm0 =	veq.s32 v22, v13  }
0x4f4: {  	vm1 =	veq.s32 v30, v13;
	v22 =	vadd.s32 v28, v25;
	v25 =	vsel vm0, $0x1, v0  }
0x4f5: {  	s25 =	simm.s32 $0xC0;
	s24 =	simm.s32 $0x0;
	vm2 =	veq.s32 v29, v13;
	v28 =	vsel vm1, $0x1, v0;
	v25 =	vadd.s32 v25, v22  }
.LBB2_66:
0x4f6: {  	v29 =	vld [tilespmem:s25+$0x30];
	v28 =	vadd.s32 v28, v25;
	v30 =	vsel vm2, $0x1, v0;
	vm3 =	veq.s32 v27, v13  }
0x4f7: {  	vm5 =	veq.s32 v26, v13;
	v27 =	vld [tilespmem:s25+$0x20];
	v30 =	vadd.s32 v30, v28;
	v31 =	vsel vm3, $0x1, v0  }
0x4f8: {  	v26 =	vld [tilespmem:s25+$0x10];
	[tilespmem:v20+s17+$0x0] =	vst.idx.msk vm4, v21;
	v20 =	vadd.s32 v31, v30;
	v21 =	vsel vm5, $0x1, v0;
	vm4 =	veq.s32 v24, v13  }
0x4f9: {  	vm6 =	veq.s32 v23, v13;
	v24 =	vld [tilespmem:s25+$0x0];
	v21 =	vadd.s32 v21, v20;
	v31 =	vsel vm4, $0x1, v0  }
0x4fa: {  	v23 =	vld [tilespmem:s25+$0xFFFFFFF0];
	v32 =	vshll.u32 v21, $0x4;
	v21 =	vadd.s32 v31, v21;
	v31 =	vsel vm6, $0x1, v0  }
0x4fb: {  	s24 =	sadd.s32 $0x8, s24;
	v20 =	vshll.u32 v20, $0x4;
	v33 =	vld [tilespmem:s25+$0xFFFFFFE0];
	v34 =	vshll.u32 v21, $0x4;
	v31 =	vadd.s32 v31, v21  }
0x4fc: {  	v25 =	vshll.u32 v25, $0x4;
	p0 =	slt.u32 s24, $0x7F8;
	v28 =	vshll.u32 v28, $0x4;
	v30 =	vshll.u32 v30, $0x4;
	v21 =	vld [tilespmem:s25+$0xFFFFFFD0]  }
0x4fd: {  	v22 =	vshll.u32 v22, $0x4;
	v36 =	vshll.u32 v31, $0x4;
	v34 =	vor.u32 v1, v34;
	v35 =	vld [tilespmem:s25+$0xFFFFFFC0]  }
0x4fe: {  	v30 =	vor.u32 v1, v30;
	v37 =	vor.u32 v1, v20;
	v32 =	vor.u32 v1, v32  }
0x4ff: {  	v22 =	vor.u32 v1, v22;
	v25 =	vor.u32 v1, v25;
	v28 =	vor.u32 v1, v28  }
0x500: {  	v38 =	vshra.s32 v29, $0x1F;
	v20 =	vor.u32 v1, v36;
	v36 =	vshra.s32 v27, $0x1F  }
0x501: {  	v41 =	vshra.s32 v26, $0x1F;
	v40 =	vshra.s32 v24, $0x1F;
	v39 =	vshra.s32 v23, $0x1F  }
0x502: {  	v44 =	vshra.s32 v33, $0x1F;
	v43 =	vshra.s32 v21, $0x1F;
	v42 =	vshra.s32 v35, $0x1F;
	[tilespmem:v34+s17+$0x0] =	vst.idx.msk vm6, v18  }
0x503: {  	v36 =	vand.u32 $0x7FFFFFFF, v36;
	v34 =	vand.u32 $0x7FFFFFFF, v41;
	v18 =	vand.u32 $0x7FFFFFFF, v38;
	[tilespmem:v32+s17+$0x0] =	vst.idx.msk vm4, v19  }
0x504: {  	v38 =	vand.u32 $0x7FFFFFFF, v39;
	v32 =	vand.u32 $0x7FFFFFFF, v44;
	v19 =	vand.u32 $0x7FFFFFFF, v40;
	[tilespmem:v37+s17+$0x0] =	vst.idx.msk vm5, v17  }
0x505: {  	v39 =	vand.u32 $0x7FFFFFFF, v43;
	v18 =	vxor.u32 v29, v18;
	v37 =	vand.u32 $0x7FFFFFFF, v42;
	[tilespmem:v30+s17+$0x0] =	vst.idx.msk vm3, v15  }
0x506: {  	v17 =	vxor.u32 v26, v34;
	v15 =	vxor.u32 v24, v19;
	v19 =	vxor.u32 v27, v36  }
0x507: {  	v29 =	vxor.u32 v21, v39;
	v26 =	vxor.u32 v23, v38;
	v30 =	vxor.u32 v33, v32  }
0x508: {  	v23 =	vshra.s32 v18, $0x16;
	v21 =	vxor.u32 v35, v37;
	v24 =	vshra.s32 v19, $0x16;
	[tilespmem:v28+s17+$0x0] =	vst.idx.msk vm2, v16;
	v16 =	vmovc v26  }
.Ltmp44:
0x509: {  	v27 =	vshra.s32 v15, $0x16;
	v28 =	vshra.s32 v21, $0x16;
	v26 =	vshra.s32 v17, $0x16;
	[tilespmem:v25+s17+$0x0] =	vst.idx.msk vm1, v14;
	v14 =	vmovc v30;
	(pc) =	sbr.rel @p0 .LBB2_66-.Ltmp44, $4  }
0x50a: {  	vm4 =	veq.s32 v28, v13;
	v25 =	vshra.s32 v29, $0x16;
	v30 =	vshra.s32 v16, $0x16;
	[tilespmem:v22+s17+$0x0] =	vst.idx.msk vm0, v12;
	v12 =	vmovc v29  }
0x50b: {  	v22 =	vsel vm4, $0x1, v0;
	vm0 =	veq.s32 v25, v13;
	v25 =	vshra.s32 v14, $0x16  }
0x50c: {  	v22 =	vadd.s32 v22, v31;
	v28 =	vsel vm0, $0x1, v0;
	vm1 =	veq.s32 v25, v13  }
0x50d: {  	s25 =	sadd.s32 $0x80, s25;
	vm2 =	veq.s32 v30, v13;
	v25 =	vadd.s32 v28, v22;
	v28 =	vsel vm1, $0x1, v0  }
0x50e: {  	_ =	sdelay $0x1  }
0x50f: {  	v28 =	vadd.s32 v28, v25;
	v29 =	vsel vm2, $0x1, v0  }
0x510: {  	vm3 =	veq.s32 v27, v13;
	vm5 =	veq.s32 v26, v13;
	vm6 =	veq.s32 v24, v13  }
0x511: {  	v61 =	vshll.u32 v25, $0x4;
	v22 =	vshll.u32 v22, $0x4;
	v51 =	vadd.s32 v29, v28  }
0x512: {  	[tilespmem:v20+s17+$0x0] =	vst.idx.msk vm4, v21;
	v52 =	vsel vm3, $0x1, v0;
	v54 =	vsel vm5, $0x1, v0;
	v20 =	vor.u32 v1, v61  }
0x513: {  	v56 =	vsel vm6, $0x1, v0;
	v60 =	vshll.u32 v28, $0x4;
	v63 =	vor.u32 v1, v22  }
0x514: {  	v53 =	vadd.s32 v52, v51;
	v59 =	vshll.u32 v51, $0x4;
	v62 =	vor.u32 v1, v60  }
0x515: {  	v55 =	vadd.s32 v54, v53;
	v58 =	vshll.u32 v53, $0x4;
	v26 =	vor.u32 v1, v59  }
0x516: {  	v29 =	vadd.s32 v56, v55;
	v57 =	vshll.u32 v55, $0x4;
	v24 =	vor.u32 v1, v58  }
0x517: {  	vm7 =	veq.s32 v23, v13;
	v13 =	vshll.u32 v29, $0x4;
	v23 =	vor.u32 v1, v57;
	[tilespmem:v20+s17+$0x0] =	vst.idx.msk vm1, v14  }
0x518: {  	v13 =	vor.u32 v1, v13;
	[tilespmem:v63+s17+$0x0] =	vst.idx.msk vm0, v12  }
0x519: {  	[tilespmem:v62+s17+$0x0] =	vst.idx.msk vm2, v16  }
0x51a: {  	[tilespmem:v26+s17+$0x0] =	vst.idx.msk vm3, v15  }
0x51b: {  	[tilespmem:v24+s17+$0x0] =	vst.idx.msk vm5, v17  }
0x51c: {  	[tilespmem:v23+s17+$0x0] =	vst.idx.msk vm6, v19  }
0x51d: {  	s24 =	simm.s32 $0x10040;
	[tilespmem:v13+s17+$0x0] =	vst.idx.msk vm7, v18  }
0x51e: {  	[tilespmem:s24+$0xFFFFFFC0] =	vst v0  }
0x51f: {  	[tilespmem:s24+$0x30] =	vst v0  }
0x520: {  	[tilespmem:s24+$0x20] =	vst v0  }
0x521: {  	[tilespmem:s24+$0x10] =	vst v0  }
0x522: {  	[tilespmem:s24+$0x0] =	vst v0  }
0x523: {  	v13 =	vsel vm7, $0x1, v0;
	[tilespmem:s24+$0xFFFFFFF0] =	vst v0  }
0x524: {  	s25 =	simm.s32 $0x0;
	v13 =	vadd.s32 v13, v29;
	[tilespmem:s24+$0xFFFFFFE0] =	vst v0  }
.LBB2_68:
0x525: {  	s25 =	sadd.s32 $0x8, s25;
	[tilespmem:s24+$0xFFFFFFD0] =	vst v0;
	s24 =	sadd.s32 $0x80, s24  }
0x526: {  	[tilespmem:s24+$0xFFFFFFC0] =	vst v0;
	p0 =	slt.u32 s25, $0x3F8  }
0x527: {  	[tilespmem:s24+$0x30] =	vst v0  }
.Ltmp45:
0x528: {  	[tilespmem:s24+$0x20] =	vst v0;
	(pc) =	sbr.rel @p0 .LBB2_68-.Ltmp45, $4  }
0x529: {  	[tilespmem:s24+$0x10] =	vst v0  }
0x52a: {  	[tilespmem:s24+$0x0] =	vst v0  }
0x52b: {  	[tilespmem:s24+$0xFFFFFFF0] =	vst v0  }
0x52c: {  	[tilespmem:s24+$0xFFFFFFE0] =	vst v0  }
0x52d: {  	v12 =	vxor.u32 $0x80000000, v13  }
0x52e: {  	(xrf0) =	vmax.scan.msk.u32 $0xffff, v12;
	_ =	sdelay $0x5  }
0x52f: {  	v12, _, _ =	vpop (xrf0)  }
0x530: {  	(v2sf) =	vpush v12, $0xF;
	_ =	sdelay $0xe  }
0x531: {  	s31 =	spop (v2sf)  }
0x532: {  	[tilespmem:s24+$0xFFFFFFD0] =	vst v0;
	s24 =	sxor.u32 $0x80000000, s31  }
0x533: {  	p0 =	sgt.s32 s24, $0x0  }
.Ltmp46:
0x534: {  	_ = 	snop;
	(pc) =	sbr.rel @!p0 .LBB2_73-.Ltmp46, $1  }
0x535: {  	_ =	sdelay $0x3  }
0x536: {  	s25 =	simm.s32 $0x14000  }
0x537: {  	p0 =	sne.s32 s24, $0x1;
	v12 =	vld [tilespmem:s25+$0x0]  }
.Ltmp47:
0x538: {  	_ = 	snop;
	(pc) =	sbr.rel @!p0 .LBB2_72-.Ltmp47, $4  }
0x539: {  	s26 =	simm.s32 $0x0  }
0x53a: {  	v14 =	vmov s26  }
0x53b: {  	vm0 =	vlt.s32 v14, v13  }
0x53c: {  	s26 =	simm.s32 $0x1;
	v12 =	vnsel vm0, $0x80000000, v12  }
.LBB2_71:
0x53d: {  	[tilespmem:s25+$0x0] =	vst v12;
	s25 =	sadd.s32 $0x10, s25;
	s28 =	smov.u32 s26;
	s26 =	sadd.s32 $0x1, s26  }
0x53e: {  	v12 =	vld [tilespmem:s25+$0x0];
	p0 =	sne.s32 s24, s26  }
.Ltmp48:
0x53f: {  	(pc) =	sbr.rel @p0 .LBB2_71-.Ltmp48, $4  }
0x540: {  	_ = 	snop  }
0x541: {  	v14 =	vmov s28  }
0x542: {  	vm0 =	vlt.s32 v14, v13  }
0x543: {  	v12 =	vnsel vm0, $0x80000000, v12  }
.LBB2_72:
0x544: {  	[tilespmem:s25+$0x0] =	vst v12  }
.LBB2_73:
.Ltmp49:
0x545: {  	(pc) =	sbr.rel .LBB2_74-.Ltmp49, $3  }
0x546: {  	_ =	sdelay $0x1  }
0x547: {  	s22 =	sshll.u32 s22, $0x16  }
0x548: {  	v13 =	vmov s23;
	p0 =	slt.s32 s24, $0x1;
	v12 =	vmov s22;
	s22 =	simm.s32 $0x0  }
.LBB2_77:
0x549: {  	v16 =	vmpcnt.ones.xlane vm0;
	_ =	sdelay $0x1  }
0x54a: {  	v15 =	vadd.s32 v15, v16  }
.LBB2_78:
0x54b: {  	s22 =	sadd.s32 $0x1, s22  }
0x54c: {  	p1 =	sne.s32 s22, $0x16  }
.Ltmp50:
0x54d: {  	_ = 	snop;
	(pc) =	sbr.rel @!p1 .LBB2_79-.Ltmp50, $3  }
0x54e: {  	_ =	sdelay $0x1  }
0x54f: {  	vm0 =	vlt.s32 v15, v13  }
0x550: {  	v12 =	vsel vm0, v12, v14  }
.LBB2_74:
.Ltmp51:
0x551: {  	s23 =	ssub.s32 $0x15, s22;
	(pc) =	sbr.rel @p0 .LBB2_78-.Ltmp51, $3  }
0x552: {  	v14 =	vshll.u32 v3, s23  }
0x553: {  	v14 =	vbroadcast v14, $0x0;
	_ =	sdelay $0x1  }
0x554: {  	v15 =	vimm.s32 $0x0;
	s25 =	simm.s32 $0x14000;
	v14 =	vor.u32 v12, v14  }
0x555: {  	v16 =	vld [tilespmem:s25+$0x0];
	p1 =	sne.s32 s24, $0x1  }
.Ltmp52:
0x556: {  	_ = 	snop;
	(pc) =	sbr.rel @!p1 .LBB2_77-.Ltmp52, $2  }
0x557: {  	_ =	sdelay $0x2  }
0x558: {  	s23 =	sadd.s32 $0xFFFFFFFF, s24;
	s25 =	sadd.s32 $0x10, s25;
	vm0 =	vge.s32 v16, v14  }
.LBB2_76:
0x559: {  	v16 =	vld [tilespmem:s25+$0x0];
	p1 =	sne.s32 s23, $0x1;
	s23 =	sadd.s32 $0xFFFFFFFF, s23;
	v17 =	vmpcnt.ones.xlane vm0  }
.Ltmp53:
0x55a: {  	(pc) =	sbr.rel @p1 .LBB2_76-.Ltmp53, $2  }
0x55b: {  	v15 =	vadd.s32 v15, v17;
	_ =	sdelay $0x2  }
0x55c: {  	s25 =	sadd.s32 $0x10, s25;
	vm0 =	vge.s32 v16, v14  }
.Ltmp54:
0x55d: {  	_ = 	snop;
	(pc) =	sbr.rel .LBB2_77-.Ltmp54, $1  }
0x55e: {  	_ =	sdelay $0x3  }
.LBB2_79:
0x55f: {  	v12 =	vxor.u32 $0x80000000, v12  }
0x560: {  	(xrf0) =	vmax.scan.msk.u32 $0xffff, v12;
	_ =	sdelay $0x5  }
0x561: {  	v12, _, _ =	vpop (xrf0)  }
0x562: {  	(v2sf) =	vpush v12, $0xF;
	_ =	sdelay $0xe  }
0x563: {  	s23 =	spop (v2sf)  }
0x564: {  	p0 =	sgt.s32 s23, $0xFFFFFFFF  }
.Ltmp55:
0x565: {  	_ = 	snop;
	(pc) =	sbr.rel @!p0 .LBB2_80-.Ltmp55, $2  }
0x566: {  	_ =	sdelay $0x2  }
0x567: {  	s22 =	simm.s32 $0x40  }
0x568: {  	v13 =	vld [tilespmem:s22+$0x30]  }
0x569: {  	v14 =	vld [tilespmem:s22+$0xFFFFFFD0]  }
0x56a: {  	v15 =	vld [tilespmem:s22+$0xFFFFFFE0]  }
0x56b: {  	v17 =	vld [tilespmem:s22+$0x0]  }
0x56c: {  	v18 =	vld [tilespmem:s22+$0x10]  }
0x56d: {  	s23 =	sxor.u32 $0xFFFFFFFF, s23  }
0x56e: {  	v16 =	vld [tilespmem:s22+$0xFFFFFFF0];
	v12 =	vmov s23  }
0x56f: {  	vm0 =	vgt.s32 v13, $0xFFFFFFFF;
	vm1 =	vle.s32 v13, v12  }
0x570: {  	vm2 =	vgt.s32 v14, $0xFFFFFFFF;
	vm3 =	vle.s32 v14, v12;
	vm4 =	vle.s32 v15, v12;
	v13 =	vld [tilespmem:s22+$0x20]  }
0x571: {  	vm6 =	vle.s32 v17, v12;
	v14 =	vld [tilespmem:s22+$0xFFFFFFC0];
	vm5 =	vle.s32 v18, v12;
	vm0 =	vmor vm0, vm1  }
0x572: {  	vm1 =	vgt.s32 v15, $0xFFFFFFFF;
	v15 =	vsel vm0, $0x3F800000, v0;
	vm0 =	vmor vm2, vm3  }
0x573: {  	vm2 =	vgt.s32 v16, $0xFFFFFFFF;
	vm3 =	vle.s32 v16, v12;
	vm1 =	vmor vm1, vm4  }
0x574: {  	s24 =	simm.s32 $0xC0;
	s23 =	simm.s32 $0x0;
	vm4 =	vgt.s32 v17, $0xFFFFFFFF;
	[tilespmem:s22+$0x30] =	vst v15;
	vm2 =	vmor vm2, vm3;
	vm3 =	vgt.s32 v18, $0xFFFFFFFF  }
.LBB2_84:
0x575: {  	v15 =	vld [tilespmem:s24+$0x30];
	s23 =	sadd.s32 $0x8, s23;
	vm4 =	vmor vm4, vm6;
	vm6 =	vgt.s32 v13, $0xFFFFFFFF;
	vm7 =	vle.s32 v13, v12  }
0x576: {  	vm3 =	vmor vm3, vm5;
	v13 =	vld [tilespmem:s24+$0xFFFFFFD0];
	p0 =	slt.u32 s23, $0x7F8;
	vm8 =	vgt.s32 v14, $0xFFFFFFFF;
	vm9 =	vle.s32 v14, v12  }
0x577: {  	v14 =	vsel vm0, $0x3F800000, v0;
	vm0 =	vmor vm6, vm7;
	v16 =	vld [tilespmem:s24+$0xFFFFFFE0];
	vm5 =	vmor vm8, vm9  }
0x578: {  	v19 =	vsel vm2, $0x3F800000, v0;
	v17 =	vld [tilespmem:s24+$0xFFFFFFF0];
	v18 =	vsel vm5, $0x3F800000, v0;
	[tilespmem:s22+$0xFFFFFFD0] =	vst v14;
	v14 =	vsel vm1, $0x3F800000, v0  }
0x579: {  	v21 =	vsel vm3, $0x3F800000, v0;
	v22 =	vsel vm0, $0x3F800000, v0;
	v20 =	vld [tilespmem:s24+$0x0];
	[tilespmem:s22+$0xFFFFFFC0] =	vst v18;
	v18 =	vsel vm4, $0x3F800000, v0  }
0x57a: {  	v23 =	vld [tilespmem:s24+$0x10];
	vm0 =	vgt.s32 v15, $0xFFFFFFFF;
	vm1 =	vle.s32 v15, v12;
	[tilespmem:s22+$0xFFFFFFE0] =	vst v14  }
.Ltmp56:
0x57b: {  	vm2 =	vgt.s32 v13, $0xFFFFFFFF;
	vm3 =	vle.s32 v13, v12;
	v13 =	vld [tilespmem:s24+$0x20];
	vm0 =	vmor vm0, vm1;
	[tilespmem:s22+$0xFFFFFFF0] =	vst v19;
	(pc) =	sbr.rel @p0 .LBB2_84-.Ltmp56, $4  }
0x57c: {  	v14 =	vld [tilespmem:s24+$0xFFFFFFC0];
	vm1 =	vgt.s32 v16, $0xFFFFFFFF;
	vm4 =	vle.s32 v16, v12;
	v15 =	vsel vm0, $0x3F800000, v0;
	[tilespmem:s22+$0x0] =	vst v18  }
0x57d: {  	vm0 =	vmor vm2, vm3;
	vm2 =	vgt.s32 v17, $0xFFFFFFFF;
	vm3 =	vle.s32 v17, v12;
	[tilespmem:s24+$0x30] =	vst v15  }
0x57e: {  	vm1 =	vmor vm1, vm4;
	vm4 =	vgt.s32 v20, $0xFFFFFFFF;
	vm6 =	vle.s32 v20, v12;
	[tilespmem:s22+$0x10] =	vst v21  }
0x57f: {  	vm2 =	vmor vm2, vm3;
	vm3 =	vgt.s32 v23, $0xFFFFFFFF;
	vm5 =	vle.s32 v23, v12;
	[tilespmem:s22+$0x20] =	vst v22;
	s22 =	smov.u32 s24;
	s24 =	sadd.s32 $0x80, s24  }
0x580: {  	v58 =	vsel vm0, $0x3F800000, v0  }
0x581: {  	v59 =	vsel vm1, $0x3F800000, v0;
	vm12 =	vmor vm4, vm6;
	[tilespmem:s22+$0xFFFFFFD0] =	vst v58  }
0x582: {  	vm13 =	vgt.s32 v13, $0xFFFFFFFF;
	v60 =	vsel vm2, $0x3F800000, v0;
	vm14 =	vle.s32 v13, v12;
	[tilespmem:s22+$0xFFFFFFE0] =	vst v59  }
.Ltmp57:
0x583: {  	vm3 =	vmor vm3, vm5;
	vm7 =	vgt.s32 v14, $0xFFFFFFFF;
	v61 =	vsel vm12, $0x3F800000, v0;
	[tilespmem:s22+$0xFFFFFFF0] =	vst v60;
	(pc) =	sbr.rel .LBB2_86-.Ltmp57, $4  }
0x584: {  	vm8 =	vle.s32 v14, v12;
	vm15 =	vmor vm13, vm14;
	v62 =	vsel vm3, $0x3F800000, v0;
	[tilespmem:s22+$0x0] =	vst v61  }
0x585: {  	vm7 =	vmor vm7, vm8;
	v63 =	vsel vm15, $0x3F800000, v0;
	[tilespmem:s22+$0x10] =	vst v62  }
0x586: {  	v15 =	vsel vm7, $0x3F800000, v0;
	[tilespmem:s22+$0x20] =	vst v63  }
0x587: {  	[tilespmem:s22+$0xFFFFFFC0] =	vst v15  }
.LBB2_80:
0x588: {  	v14 =	vld [tilespmem:s22+$0x30]  }
0x589: {  	v17 =	vld [tilespmem:s22+$0xFFFFFFD0]  }
0x58a: {  	v19 =	vld [tilespmem:s22+$0xFFFFFFE0]  }
0x58b: {  	s23 =	sand.u32 $0x7FFFFFFF, s23;
	v16 =	vld [tilespmem:s22+$0xFFFFFFF0]  }
0x58c: {  	v15 =	vld [tilespmem:s22+$0x0];
	v12 =	vmov s23  }
0x58d: {  	v13 =	vld [tilespmem:s22+$0x10];
	vm0 =	vlt.s32 v14, v12  }
0x58e: {  	vm1 =	vlt.s32 v17, v12;
	v14 =	vld [tilespmem:s22+$0x20];
	v20 =	vsel vm0, $0x0, v11  }
0x58f: {  	s24 =	simm.s32 $0xC0;
	s23 =	simm.s32 $0x0;
	v17 =	vld [tilespmem:s22+$0xFFFFFFC0];
	v18 =	vsel vm1, $0x0, v11;
	vm0 =	vlt.s32 v19, v12;
	[tilespmem:s22+$0x30] =	vst v20  }
.LBB2_81:
0x590: {  	v19 =	vld [tilespmem:s24+$0x30];
	s23 =	sadd.s32 $0x8, s23;
	[tilespmem:s22+$0xFFFFFFD0] =	vst v18;
	v18 =	vsel vm0, $0x0, v11;
	vm0 =	vlt.s32 v16, v12  }
0x591: {  	v20 =	vld [tilespmem:s24+$0xFFFFFFD0];
	p0 =	slt.u32 s23, $0x7F8;
	[tilespmem:s22+$0xFFFFFFE0] =	vst v18;
	v16 =	vsel vm0, $0x0, v11;
	vm0 =	vlt.s32 v15, v12  }
0x592: {  	v21 =	vld [tilespmem:s24+$0xFFFFFFE0];
	[tilespmem:s22+$0xFFFFFFF0] =	vst v16;
	v15 =	vsel vm0, $0x0, v11;
	vm0 =	vlt.s32 v13, v12  }
.Ltmp58:
0x593: {  	v16 =	vld [tilespmem:s24+$0xFFFFFFF0];
	[tilespmem:s22+$0x0] =	vst v15;
	v13 =	vsel vm0, $0x0, v11;
	vm0 =	vlt.s32 v14, v12;
	(pc) =	sbr.rel @p0 .LBB2_81-.Ltmp58, $4  }
0x594: {  	v15 =	vld [tilespmem:s24+$0x0];
	vm1 =	vlt.s32 v17, v12;
	[tilespmem:s22+$0x10] =	vst v13;
	v14 =	vsel vm0, $0x0, v11  }
0x595: {  	v13 =	vld [tilespmem:s24+$0x10];
	vm0 =	vlt.s32 v19, v12;
	v17 =	vsel vm1, $0x0, v11;
	[tilespmem:s22+$0x20] =	vst v14  }
0x596: {  	vm1 =	vlt.s32 v20, v12;
	v14 =	vld [tilespmem:s24+$0x20];
	v19 =	vsel vm0, $0x0, v11;
	[tilespmem:s22+$0xFFFFFFC0] =	vst v17;
	s22 =	smov.u32 s24  }
0x597: {  	s24 =	sadd.s32 $0x80, s24;
	v17 =	vld [tilespmem:s22+$0xFFFFFFC0];
	v18 =	vsel vm1, $0x0, v11;
	vm0 =	vlt.s32 v21, v12;
	[tilespmem:s22+$0x30] =	vst v19  }
0x598: {  	[tilespmem:s22+$0xFFFFFFD0] =	vst v18;
	v61 =	vsel vm0, $0x0, v11;
	vm12 =	vlt.s32 v16, v12  }
0x599: {  	[tilespmem:s22+$0xFFFFFFE0] =	vst v61;
	v16 =	vsel vm12, $0x0, v11;
	vm13 =	vlt.s32 v15, v12  }
0x59a: {  	[tilespmem:s22+$0xFFFFFFF0] =	vst v16;
	v15 =	vsel vm13, $0x0, v11;
	vm14 =	vlt.s32 v13, v12  }
0x59b: {  	[tilespmem:s22+$0x0] =	vst v15;
	v13 =	vsel vm14, $0x0, v11;
	vm15 =	vlt.s32 v14, v12  }
0x59c: {  	vm1 =	vlt.s32 v17, v12;
	[tilespmem:s22+$0x10] =	vst v13;
	v62 =	vsel vm15, $0x0, v11  }
0x59d: {  	v63 =	vsel vm1, $0x0, v11;
	[tilespmem:s22+$0x20] =	vst v62  }
0x59e: {  	[tilespmem:s22+$0xFFFFFFC0] =	vst v63  }
.LBB2_86:
0x59f: {  	s22 =	simm.s32 $0x0  }
0x5a0: {  	[hbm4b:s9+s12] =	stream.strided.scatter [tilespmem:s22], [sflag:$0x3], $0x8000, s13, s12, $0x38;
	[tilespmem:$0x1C000] =	vst v63  }
0x5a1: {  	_ =	swait.ge [sflag:s18], $0x8000  }
0x5a2: {  	[sflag:s18] =	ssyncset.done $0x0  }
0x5a3: {  	s28 =	simm.s32 $0x0;
	[sflag:s18] =	ssyncadd.s32 $0xFFFF8000  }
0x5a4: {  	v12 =	vld [tilespmem:s28+$0x8000];
	_ =	sdelay $0x4  }
0x5a5: {  	v13 =	vshra.s32 v12, $0x1F  }
0x5a6: {  	v12 =	vshra.s32 v12, $0x16;
	v13 =	vand.u32 $0x1FF, v13  }
0x5a7: {  	v28 =	vxor.u32 v12, v13  }
0x5a8: {  	v12 =	vshll.u32 v28, $0x4  }
0x5a9: {  	v12 =	vadd.s32 v2, v12;
	_ =	sdelay $0x4  }
0x5aa: {  	[tilespmem:v12+s15+$0x0] =	vst.idx.add.s32.msk $0xffff, v3  }
0x5ab: {  	v12 =	vld [tilespmem:s28+$0x8010];
	_ =	sdelay $0x4  }
0x5ac: {  	v13 =	vshra.s32 v12, $0x1F  }
0x5ad: {  	s26 =	simm.s32 $0x80;
	v12 =	vshra.s32 v12, $0x16;
	v13 =	vand.u32 $0x1FF, v13  }
0x5ae: {  	v14 =	vld [tilespmem:s26+$0x8000];
	v30 =	vxor.u32 v12, v13  }
0x5af: {  	v12 =	vshll.u32 v30, $0x4  }
0x5b0: {  	v12 =	vadd.s32 v4, v12;
	_ =	sdelay $0x2  }
0x5b1: {  	v13 =	vshra.s32 v14, $0x1F  }
0x5b2: {  	v14 =	vshra.s32 v14, $0x16;
	v13 =	vand.u32 $0x1FF, v13  }
0x5b3: {  	v17 =	vxor.u32 v14, v13;
	[tilespmem:v12+s15+$0x0] =	vst.idx.add.s32.msk $0xffff, v3  }
0x5b4: {  	v12 =	vshll.u32 v17, $0x4;
	v13 =	vld [tilespmem:s28+$0x8020]  }
0x5b5: {  	v12 =	vadd.s32 v2, v12;
	_ =	sdelay $0x3  }
0x5b6: {  	v14 =	vshra.s32 v13, $0x1F  }
0x5b7: {  	[tilespmem:v12+s15+$0x0] =	vst.idx.add.s32.msk $0xffff, v3;
	v12 =	vshra.s32 v13, $0x16;
	v13 =	vand.u32 $0x1FF, v14  }
0x5b8: {  	v14 =	vld [tilespmem:s26+$0x8010];
	v33 =	vxor.u32 v12, v13  }
0x5b9: {  	v12 =	vshll.u32 v33, $0x4  }
0x5ba: {  	v12 =	vadd.s32 v5, v12;
	_ =	sdelay $0x2  }
0x5bb: {  	s25 =	simm.s32 $0x100;
	v13 =	vshra.s32 v14, $0x1F  }
0x5bc: {  	v15 =	vld [tilespmem:s25+$0x8000];
	v14 =	vshra.s32 v14, $0x16;
	v13 =	vand.u32 $0x1FF, v13  }
0x5bd: {  	v20 =	vxor.u32 v14, v13;
	[tilespmem:v12+s15+$0x0] =	vst.idx.add.s32.msk $0xffff, v3  }
0x5be: {  	v12 =	vshll.u32 v20, $0x4;
	v13 =	vld [tilespmem:s28+$0x8030]  }
0x5bf: {  	v12 =	vadd.s32 v4, v12;
	_ =	sdelay $0x1  }
0x5c0: {  	v14 =	vshra.s32 v15, $0x1F  }
0x5c1: {  	v15 =	vshra.s32 v15, $0x16;
	v14 =	vand.u32 $0x1FF, v14  }
0x5c2: {  	v14 =	vxor.u32 v15, v14;
	v15 =	vshra.s32 v13, $0x1F  }
0x5c3: {  	v16 =	vshll.u32 v14, $0x4;
	[tilespmem:v12+s15+$0x0] =	vst.idx.add.s32.msk $0xffff, v3;
	v12 =	vshra.s32 v13, $0x16;
	v13 =	vand.u32 $0x1FF, v15  }
0x5c4: {  	v15 =	vadd.s32 v2, v16;
	v16 =	vld [tilespmem:s26+$0x8020];
	v25 =	vxor.u32 v12, v13  }
0x5c5: {  	v12 =	vshll.u32 v25, $0x4  }
0x5c6: {  	v12 =	vadd.s32 v6, v12;
	_ =	sdelay $0x2  }
0x5c7: {  	[tilespmem:v15+s15+$0x0] =	vst.idx.add.s32.msk $0xffff, v3;
	v13 =	vshra.s32 v16, $0x1F  }
0x5c8: {  	v16 =	vshra.s32 v16, $0x16;
	v15 =	vld [tilespmem:s25+$0x8010];
	v13 =	vand.u32 $0x1FF, v13  }
0x5c9: {  	v21 =	vxor.u32 v16, v13;
	[tilespmem:v12+s15+$0x0] =	vst.idx.add.s32.msk $0xffff, v3  }
0x5ca: {  	v12 =	vshll.u32 v21, $0x4;
	v13 =	vld [tilespmem:s28+$0x8040]  }
0x5cb: {  	v12 =	vadd.s32 v5, v12  }
0x5cc: {  	s24 =	simm.s32 $0x180  }
0x5cd: {  	v18 =	vld [tilespmem:s24+$0x8000];
	v16 =	vshra.s32 v15, $0x1F  }
0x5ce: {  	v15 =	vshra.s32 v15, $0x16;
	v16 =	vand.u32 $0x1FF, v16  }
0x5cf: {  	v16 =	vxor.u32 v15, v16;
	v15 =	vshra.s32 v13, $0x1F  }
0x5d0: {  	v19 =	vshll.u32 v16, $0x4;
	[tilespmem:v12+s15+$0x0] =	vst.idx.add.s32.msk $0xffff, v3;
	v12 =	vshra.s32 v13, $0x16;
	v13 =	vand.u32 $0x1FF, v15  }
0x5d1: {  	v15 =	vadd.s32 v4, v19;
	v19 =	vld [tilespmem:s26+$0x8030];
	v27 =	vxor.u32 v12, v13  }
0x5d2: {  	v12 =	vshra.s32 v18, $0x1F;
	v13 =	vshll.u32 v27, $0x4  }
0x5d3: {  	v18 =	vshra.s32 v18, $0x16;
	v12 =	vand.u32 $0x1FF, v12;
	v23 =	vadd.s32 v7, v13  }
0x5d4: {  	v13 =	vxor.u32 v18, v12  }
0x5d5: {  	v12 =	vshll.u32 v13, $0x4  }
0x5d6: {  	v12 =	vadd.s32 v2, v12;
	[tilespmem:v15+s15+$0x0] =	vst.idx.add.s32.msk $0xffff, v3;
	v15 =	vshra.s32 v19, $0x1F  }
0x5d7: {  	v19 =	vshra.s32 v19, $0x16;
	v18 =	vld [tilespmem:s25+$0x8020];
	v15 =	vand.u32 $0x1FF, v15  }
0x5d8: {  	v22 =	vxor.u32 v19, v15;
	[tilespmem:v23+s15+$0x0] =	vst.idx.add.s32.msk $0xffff, v3  }
0x5d9: {  	v15 =	vshll.u32 v22, $0x4;
	v19 =	vld [tilespmem:s28+$0x8050]  }
0x5da: {  	v15 =	vadd.s32 v6, v15  }
0x5db: {  	[tilespmem:v12+s15+$0x0] =	vst.idx.add.s32.msk $0xffff, v3  }
0x5dc: {  	v12 =	vld [tilespmem:s24+$0x8010];
	v23 =	vshra.s32 v18, $0x1F  }
0x5dd: {  	s23 =	simm.s32 $0x200;
	v18 =	vshra.s32 v18, $0x16;
	v23 =	vand.u32 $0x1FF, v23  }
0x5de: {  	v24 =	vld [tilespmem:s23+$0x8000];
	v18 =	vxor.u32 v18, v23;
	v23 =	vshra.s32 v19, $0x1F  }
0x5df: {  	v26 =	vshll.u32 v18, $0x4;
	[tilespmem:v15+s15+$0x0] =	vst.idx.add.s32.msk $0xffff, v3;
	v15 =	vshra.s32 v19, $0x16;
	v19 =	vand.u32 $0x1FF, v23  }
0x5e0: {  	v23 =	vadd.s32 v5, v26;
	v26 =	vld [tilespmem:s26+$0x8040];
	v29 =	vxor.u32 v15, v19  }
0x5e1: {  	v15 =	vshra.s32 v12, $0x1F;
	v19 =	vshll.u32 v29, $0x4  }
0x5e2: {  	v12 =	vshra.s32 v12, $0x16;
	v15 =	vand.u32 $0x1FF, v15;
	v19 =	vadd.s32 v8, v19  }
0x5e3: {  	s22 =	simm.s32 $0x280;
	v31 =	vshra.s32 v24, $0x1F;
	v15 =	vxor.u32 v12, v15  }
0x5e4: {  	v32 =	vld [tilespmem:s22+$0x8000];
	v12 =	vshra.s32 v24, $0x16;
	v24 =	vand.u32 $0x1FF, v31;
	v31 =	vshll.u32 v15, $0x4  }
0x5e5: {  	v12 =	vxor.u32 v12, v24;
	v31 =	vadd.s32 v4, v31;
	v24 =	vshra.s32 v26, $0x1F;
	[tilespmem:v23+s15+$0x0] =	vst.idx.add.s32.msk $0xffff, v3  }
0x5e6: {  	v23 =	vshll.u32 v12, $0x4;
	v26 =	vshra.s32 v26, $0x16;
	v24 =	vand.u32 $0x1FF, v24;
	v34 =	vld [tilespmem:s25+$0x8030]  }
0x5e7: {  	v23 =	vadd.s32 v2, v23;
	v24 =	vxor.u32 v26, v24;
	[tilespmem:v19+s15+$0x0] =	vst.idx.add.s32.msk $0xffff, v3  }
0x5e8: {  	v19 =	vshll.u32 v24, $0x4;
	v35 =	vld [tilespmem:s28+$0x8060]  }
0x5e9: {  	v19 =	vadd.s32 v7, v19  }
0x5ea: {  	v36 =	vshra.s32 v32, $0x16;
	v32 =	vshra.s32 v32, $0x1F;
	[tilespmem:v31+s15+$0x0] =	vst.idx.add.s32.msk $0xffff, v3  }
0x5eb: {  	v32 =	vand.u32 $0x1FF, v32;
	v31 =	vimm.s32 $0xFFFFFE00;
	v37 =	vld [tilespmem:s24+$0x8020];
	v26 =	vshra.s32 v34, $0x1F  }
0x5ec: {  	[tilespmem:v23+s15+$0x0] =	vst.idx.add.s32.msk $0xffff, v3;
	v23 =	vshra.s32 v34, $0x16;
	vm0 =	vgt.s32 v31, v28;
	v26 =	vand.u32 $0x1FF, v26  }
0x5ed: {  	v38 =	vld [tilespmem:s23+$0x8010];
	v31 =	vsel vm0, v31, v28;
	v26 =	vxor.u32 v23, v26;
	v23 =	vshra.s32 v35, $0x1F  }
0x5ee: {  	v57 =	vshll.u32 v26, $0x4;
	[tilespmem:v19+s15+$0x0] =	vst.idx.add.s32.msk $0xffff, v3;
	v35 =	vshra.s32 v35, $0x16;
	v23 =	vand.u32 $0x1FF, v23  }
0x5ef: {  	v19 =	vxor.u32 v36, v32;
	v58 =	vadd.s32 v6, v57;
	v39 =	vld [tilespmem:s26+$0x8050];
	v32 =	vxor.u32 v35, v23  }
0x5f0: {  	vm0 =	vgt.s32 v31, v30;
	v35 =	vshll.u32 v32, $0x4  }
0x5f1: {  	v62 =	vsel vm0, v31, v30;
	v40 =	vadd.s32 v9, v35  }
0x5f2: {  	v34 =	vshll.u32 v19, $0x4;
	vm0 =	vgt.s32 v62, v33;
	v59 =	vshra.s32 v37, $0x1F  }
0x5f3: {  	v23 =	vshra.s32 v37, $0x16;
	v33 =	vsel vm0, v62, v33;
	v37 =	vand.u32 $0x1FF, v59  }
0x5f4: {  	v28 =	vshra.s32 v38, $0x16;
	v23 =	vxor.u32 v23, v37;
	[tilespmem:v58+s15+$0x0] =	vst.idx.add.s32.msk $0xffff, v3;
	v61 =	vshra.s32 v39, $0x1F  }
0x5f5: {  	v60 =	vshll.u32 v23, $0x4;
	v31 =	vshra.s32 v39, $0x16;
	v30 =	vld [tilespmem:s25+$0x8040];
	v63 =	vand.u32 $0x1FF, v61  }
0x5f6: {  	s29 =	simm.s32 $0xC00;
	v36 =	vshra.s32 v38, $0x1F;
	v35 =	vadd.s32 v5, v60;
	v31 =	vxor.u32 v31, v63;
	[tilespmem:v40+s15+$0x0] =	vst.idx.add.s32.msk $0xffff, v3  }
.LBB2_87:
0x5f7: {  	p0 =	sne.s32 s29, $0x1FE00;
	v36 =	vand.u32 $0x1FF, v36;
	v41 =	vshll.u32 v31, $0x4;
	vm0 =	vgt.s32 v33, v25;
	v38 =	vld [tilespmem:s28+$0x8070];
	v39 =	vmovc v15;
	v40 =	vmovc v19;
	s28 =	smov.u32 s26;
	s26 =	smov.u32 s25  }
0x5f8: {  	s25 =	smov.u32 s24;
	s24 =	smov.u32 s23;
	s23 =	smov.u32 s22;
	v15 =	vxor.u32 v28, v36;
	v19 =	vadd.s32 v8, v41;
	v28 =	vsel vm0, v33, v25;
	v25 =	vmovc v22  }
0x5f9: {  	s22 =	sshra.s32 s29, $0x2;
	v37 =	vmovc v21;
	v33 =	vadd.s32 v2, v34;
	v22 =	vmovc v26;
	v34 =	vshll.u32 v15, $0x4;
	vm0 =	vgt.s32 v28, v27  }
0x5fa: {  	v21 =	vmovc v18;
	v26 =	vld [tilespmem:s22+$0x8000];
	v34 =	vadd.s32 v4, v34;
	v36 =	vshra.s32 v30, $0x1F;
	v28 =	vsel vm0, v28, v27;
	v27 =	vmovc v24  }
0x5fb: {  	v18 =	vmovc v23;
	v24 =	vshra.s32 v30, $0x16;
	[tilespmem:v35+s15+$0x0] =	vst.idx.add.s32.msk $0xffff, v3;
	v30 =	vand.u32 $0x1FF, v36;
	vm0 =	vgt.s32 v28, v29  }
0x5fc: {  	v23 =	vld [tilespmem:s25+$0x8030];
	v24 =	vxor.u32 v24, v30;
	v28 =	vsel vm0, v28, v29;
	v30 =	vshra.s32 v38, $0x1F;
	v29 =	vmovc v31  }
0x5fd: {  	[tilespmem:v19+s15+$0x0] =	vst.idx.add.s32.msk $0xffff, v3;
	vm0 =	vgt.s32 v28, v32;
	v19 =	vshra.s32 v38, $0x16;
	v30 =	vand.u32 $0x1FF, v30  }
0x5fe: {  	v31 =	vshll.u32 v24, $0x4;
	v35 =	vld [tilespmem:s28+$0x8060];
	v28 =	vsel vm0, v28, v32;
	v19 =	vxor.u32 v19, v30  }
0x5ff: {  	v30 =	vadd.s32 v7, v31;
	v31 =	vshll.u32 v19, $0x4;
	vm0 =	vgt.s32 v28, v19  }
0x600: {  	[tilespmem:v34+s15+$0x0] =	vst.idx.add.s32.msk $0xffff, v3;
	v31 =	vadd.s32 v10, v31;
	v28 =	vsel vm0, v28, v19  }
0x601: {  	v19 =	vshra.s32 v26, $0x16;
	v34 =	vld [tilespmem:s24+$0x8020];
	v32 =	vshra.s32 v23, $0x1F  }
0x602: {  	v26 =	vshra.s32 v26, $0x1F;
	v23 =	vshra.s32 v23, $0x16;
	[tilespmem:v33+s15+$0x0] =	vst.idx.add.s32.msk $0xffff, v3;
	v32 =	vand.u32 $0x1FF, v32  }
0x603: {  	v33 =	vand.u32 $0x1FF, v26;
	v36 =	vld [tilespmem:s23+$0x8010];
	v26 =	vxor.u32 v23, v32;
	v23 =	vshra.s32 v35, $0x1F  }
0x604: {  	v32 =	vshll.u32 v26, $0x4;
	[tilespmem:v30+s15+$0x0] =	vst.idx.add.s32.msk $0xffff, v3;
	v30 =	vshra.s32 v35, $0x16;
	v23 =	vand.u32 $0x1FF, v23  }
0x605: {  	v19 =	vxor.u32 v19, v33;
	v33 =	vadd.s32 v6, v32;
	v38 =	vld [tilespmem:s26+$0x8050];
	v32 =	vxor.u32 v30, v23  }
0x606: {  	v23 =	vshra.s32 v34, $0x16;
	v30 =	vshra.s32 v34, $0x1F;
	v34 =	vshll.u32 v32, $0x4;
	[tilespmem:v31+s15+$0x0] =	vst.idx.add.s32.msk $0xffff, v3  }
0x607: {  	vm0 =	vgt.s32 v28, v17;
	v30 =	vand.u32 $0x1FF, v30;
	v41 =	vadd.s32 v9, v34  }
.Ltmp59:
0x608: {  	v34 =	vshll.u32 v19, $0x4;
	v23 =	vxor.u32 v23, v30;
	v30 =	vsel vm0, v28, v17;
	v17 =	vmovc v14;
	v14 =	vmovc v13;
	(pc) =	sbr.rel @p0 .LBB2_87-.Ltmp59, $4  }
0x609: {  	v28 =	vshra.s32 v36, $0x16;
	v13 =	vmovc v12;
	v12 =	vmovc v40;
	v31 =	vshll.u32 v23, $0x4;
	vm0 =	vgt.s32 v30, v20  }
0x60a: {  	v35 =	vadd.s32 v5, v31;
	[tilespmem:v33+s15+$0x0] =	vst.idx.add.s32.msk $0xffff, v3;
	v31 =	vshra.s32 v38, $0x1F;
	v33 =	vsel vm0, v30, v20  }
0x60b: {  	v38 =	vshra.s32 v38, $0x16;
	v20 =	vmovc v16;
	v16 =	vmovc v39;
	v30 =	vld [tilespmem:s25+$0x8040];
	v31 =	vand.u32 $0x1FF, v31;
	vm0 =	vgt.s32 v33, v37  }
0x60c: {  	s29 =	sadd.s32 $0x200, s29;
	v36 =	vshra.s32 v36, $0x1F;
	v31 =	vxor.u32 v38, v31;
	v33 =	vsel vm0, v33, v37;
	[tilespmem:v41+s15+$0x0] =	vst.idx.add.s32.msk $0xffff, v3  }
0x60d: {  	v36 =	vand.u32 $0x1FF, v36  }
0x60e: {  	v28 =	vxor.u32 v28, v36  }
0x60f: {  	v36 =	vshll.u32 v28, $0x4  }
0x610: {  	v37 =	vld [tilespmem:s28+$0x8070];
	v36 =	vadd.s32 v4, v36  }
0x611: {  	[tilespmem:v35+s15+$0x0] =	vst.idx.add.s32.msk $0xffff, v3  }
0x612: {  	vm0 =	vgt.s32 v33, v25;
	v34 =	vadd.s32 v2, v34;
	v35 =	vld [tilespmem:s24+$0x8030]  }
0x613: {  	v40 =	vshll.u32 v31, $0x4;
	v25 =	vsel vm0, v33, v25  }
0x614: {  	v38 =	vadd.s32 v8, v40;
	vm0 =	vgt.s32 v25, v27;
	v41 =	vshra.s32 v30, $0x1F  }
0x615: {  	v25 =	vsel vm0, v25, v27;
	v42 =	vshra.s32 v30, $0x16;
	v43 =	vand.u32 $0x1FF, v41;
	[tilespmem:v36+s15+$0x0] =	vst.idx.add.s32.msk $0xffff, v3  }
0x616: {  	vm0 =	vgt.s32 v25, v29;
	v33 =	vxor.u32 v42, v43;
	v36 =	vld [tilespmem:s23+$0x8020]  }
0x617: {  	v25 =	vsel vm0, v25, v29;
	v44 =	vshra.s32 v37, $0x1F;
	[tilespmem:v34+s15+$0x0] =	vst.idx.add.s32.msk $0xffff, v3;
	v46 =	vshra.s32 v35, $0x1F  }
0x618: {  	v45 =	vshll.u32 v33, $0x4;
	v34 =	vld [tilespmem:s22+$0x8010];
	v47 =	vshra.s32 v35, $0x16;
	v30 =	vand.u32 $0x1FF, v46  }
0x619: {  	v48 =	vshra.s32 v37, $0x16;
	v39 =	vadd.s32 v7, v45;
	v30 =	vxor.u32 v47, v30  }
0x61a: {  	vm0 =	vgt.s32 v25, v32;
	[tilespmem:v38+s15+$0x0] =	vst.idx.add.s32.msk $0xffff, v3;
	v27 =	vand.u32 $0x1FF, v44;
	v50 =	vshll.u32 v30, $0x4  }
0x61b: {  	v49 =	vld [tilespmem:s26+$0x8060];
	v32 =	vsel vm0, v25, v32;
	v52 =	vadd.s32 v6, v50;
	v51 =	vshra.s32 v36, $0x1F  }
0x61c: {  	v25 =	vxor.u32 v48, v27;
	v36 =	vshra.s32 v36, $0x16;
	v29 =	vand.u32 $0x1FF, v51  }
0x61d: {  	vm0 =	vgt.s32 v32, v25;
	v53 =	vshra.s32 v34, $0x1F;
	v29 =	vxor.u32 v36, v29  }
0x61e: {  	v34 =	vshra.s32 v34, $0x16;
	[tilespmem:v39+s15+$0x0] =	vst.idx.add.s32.msk $0xffff, v3;
	v27 =	vand.u32 $0x1FF, v53;
	v54 =	vshll.u32 v29, $0x4  }
0x61f: {  	v32 =	vsel vm0, v32, v25;
	v55 =	vld [tilespmem:s25+$0x8050];
	v27 =	vxor.u32 v34, v27;
	v35 =	vadd.s32 v5, v54  }
0x620: {  	vm0 =	vgt.s32 v32, v17;
	v56 =	vshra.s32 v49, $0x1F;
	v57 =	vshll.u32 v27, $0x4;
	[tilespmem:v52+s15+$0x0] =	vst.idx.add.s32.msk $0xffff, v3  }
0x621: {  	v37 =	vshra.s32 v49, $0x16;
	v34 =	vand.u32 $0x1FF, v56;
	v58 =	vadd.s32 v4, v57;
	v59 =	vld [tilespmem:s24+$0x8040]  }
0x622: {  	v17 =	vsel vm0, v32, v17;
	v34 =	vxor.u32 v37, v34  }
0x623: {  	vm0 =	vgt.s32 v17, v20;
	v60 =	vshll.u32 v34, $0x4  }
0x624: {  	v17 =	vsel vm0, v17, v20;
	v32 =	vadd.s32 v9, v60;
	v61 =	vshra.s32 v55, $0x1F;
	[tilespmem:v35+s15+$0x0] =	vst.idx.add.s32.msk $0xffff, v3  }
0x625: {  	vm0 =	vgt.s32 v17, v21;
	v62 =	vshra.s32 v55, $0x16;
	v35 =	vand.u32 $0x1FF, v61;
	v63 =	vld [tilespmem:s23+$0x8030]  }
0x626: {  	v17 =	vsel vm0, v17, v21;
	[tilespmem:v58+s15+$0x0] =	vst.idx.add.s32.msk $0xffff, v3;
	v41 =	vshra.s32 v59, $0x1F;
	v35 =	vxor.u32 v62, v35  }
0x627: {  	v38 =	vld [tilespmem:s22+$0x8020];
	v37 =	vshra.s32 v59, $0x16;
	v21 =	vand.u32 $0x1FF, v41;
	v20 =	vshll.u32 v35, $0x4  }
0x628: {  	vm0 =	vgt.s32 v17, v22;
	v37 =	vxor.u32 v37, v21;
	v20 =	vadd.s32 v8, v20  }
0x629: {  	v17 =	vsel vm0, v17, v22;
	[tilespmem:v32+s15+$0x0] =	vst.idx.add.s32.msk $0xffff, v3;
	v21 =	vshll.u32 v37, $0x4  }
0x62a: {  	vm0 =	vgt.s32 v17, v24;
	v32 =	vld [tilespmem:s26+$0x8070];
	v43 =	vadd.s32 v7, v21;
	v42 =	vshra.s32 v63, $0x1F  }
0x62b: {  	v17 =	vsel vm0, v17, v24;
	v44 =	vshra.s32 v63, $0x16;
	v22 =	vand.u32 $0x1FF, v42  }
0x62c: {  	vm0 =	vgt.s32 v17, v31;
	v45 =	vshra.s32 v38, $0x1F;
	v21 =	vxor.u32 v44, v22  }
0x62d: {  	v47 =	vshra.s32 v38, $0x16;
	[tilespmem:v20+s15+$0x0] =	vst.idx.add.s32.msk $0xffff, v3;
	v22 =	vand.u32 $0x1FF, v45;
	v46 =	vshll.u32 v21, $0x4  }
0x62e: {  	v17 =	vsel vm0, v17, v31;
	v48 =	vld [tilespmem:s25+$0x8060];
	v20 =	vxor.u32 v47, v22;
	v49 =	vadd.s32 v6, v46  }
0x62f: {  	vm0 =	vgt.s32 v17, v34;
	v50 =	vshra.s32 v32, $0x1F;
	[tilespmem:v43+s15+$0x0] =	vst.idx.add.s32.msk $0xffff, v3;
	v22 =	vshll.u32 v20, $0x4  }
0x630: {  	v32 =	vshra.s32 v32, $0x16;
	v31 =	vand.u32 $0x1FF, v50;
	v51 =	vld [tilespmem:s24+$0x8050];
	v22 =	vadd.s32 v5, v22  }
0x631: {  	v34 =	vsel vm0, v17, v34;
	v17 =	vxor.u32 v32, v31  }
0x632: {  	vm0 =	vgt.s32 v34, v17  }
0x633: {  	v32 =	vsel vm0, v34, v17;
	v52 =	vshra.s32 v48, $0x1F;
	[tilespmem:v49+s15+$0x0] =	vst.idx.add.s32.msk $0xffff, v3  }
0x634: {  	vm0 =	vgt.s32 v32, v14;
	v24 =	vshra.s32 v48, $0x16;
	v31 =	vand.u32 $0x1FF, v52;
	v53 =	vld [tilespmem:s23+$0x8040]  }
0x635: {  	v14 =	vsel vm0, v32, v14;
	v55 =	vshra.s32 v51, $0x1F;
	v24 =	vxor.u32 v24, v31;
	[tilespmem:v22+s15+$0x0] =	vst.idx.add.s32.msk $0xffff, v3  }
0x636: {  	v36 =	vshra.s32 v51, $0x16;
	v31 =	vand.u32 $0x1FF, v55;
	v54 =	vshll.u32 v24, $0x4;
	v56 =	vld [tilespmem:s22+$0x8030]  }
0x637: {  	vm0 =	vgt.s32 v14, v16;
	v57 =	vxor.u32 v36, v31;
	v22 =	vadd.s32 v9, v54  }
0x638: {  	v14 =	vsel vm0, v14, v16;
	v31 =	vshll.u32 v57, $0x4  }
0x639: {  	vm0 =	vgt.s32 v14, v18;
	v31 =	vadd.s32 v8, v31;
	v58 =	vshra.s32 v53, $0x1F  }
0x63a: {  	v14 =	vsel vm0, v14, v18;
	v34 =	vshra.s32 v53, $0x16;
	v36 =	vand.u32 $0x1FF, v58  }
0x63b: {  	vm0 =	vgt.s32 v14, v26;
	v60 =	vshra.s32 v56, $0x1F;
	v59 =	vxor.u32 v34, v36  }
0x63c: {  	v32 =	vshra.s32 v56, $0x16;
	v34 =	vand.u32 $0x1FF, v60;
	[tilespmem:v22+s15+$0x0] =	vst.idx.add.s32.msk $0xffff, v3;
	v36 =	vshll.u32 v59, $0x4  }
0x63d: {  	v14 =	vsel vm0, v14, v26;
	v32 =	vxor.u32 v32, v34;
	v62 =	vld [tilespmem:s25+$0x8070];
	v61 =	vadd.s32 v7, v36  }
0x63e: {  	vm0 =	vgt.s32 v14, v33;
	[tilespmem:v31+s15+$0x0] =	vst.idx.add.s32.msk $0xffff, v3;
	v63 =	vshll.u32 v32, $0x4  }
0x63f: {  	v14 =	vsel vm0, v14, v33;
	v31 =	vld [tilespmem:s24+$0x8060];
	v36 =	vadd.s32 v6, v63  }
0x640: {  	vm0 =	vgt.s32 v14, v35  }
0x641: {  	v14 =	vsel vm0, v14, v35  }
0x642: {  	vm0 =	vgt.s32 v14, v24;
	[tilespmem:v61+s15+$0x0] =	vst.idx.add.s32.msk $0xffff, v3  }
0x643: {  	v14 =	vsel vm0, v14, v24;
	v38 =	vshra.s32 v62, $0x1F;
	v39 =	vld [tilespmem:s23+$0x8050]  }
0x644: {  	v34 =	vshra.s32 v62, $0x16;
	v22 =	vand.u32 $0x1FF, v38;
	v40 =	vshra.s32 v31, $0x1F;
	[tilespmem:v36+s15+$0x0] =	vst.idx.add.s32.msk $0xffff, v3  }
0x645: {  	v31 =	vshra.s32 v31, $0x16;
	v22 =	vxor.u32 v34, v22;
	v24 =	vand.u32 $0x1FF, v40;
	v26 =	vld [tilespmem:s22+$0x8040]  }
0x646: {  	vm0 =	vgt.s32 v14, v22;
	v24 =	vxor.u32 v31, v24  }
0x647: {  	v14 =	vsel vm0, v14, v22;
	v31 =	vshll.u32 v24, $0x4  }
0x648: {  	vm0 =	vgt.s32 v14, v13;
	v31 =	vadd.s32 v9, v31;
	v41 =	vshra.s32 v39, $0x1F  }
0x649: {  	v13 =	vsel vm0, v14, v13;
	v33 =	vshra.s32 v39, $0x16;
	v34 =	vand.u32 $0x1FF, v41  }
0x64a: {  	vm0 =	vgt.s32 v13, v15;
	v43 =	vshra.s32 v26, $0x1F;
	v42 =	vxor.u32 v33, v34  }
0x64b: {  	v26 =	vshra.s32 v26, $0x16;
	v33 =	vand.u32 $0x1FF, v43;
	v34 =	vshll.u32 v42, $0x4  }
0x64c: {  	v13 =	vsel vm0, v13, v15;
	v26 =	vxor.u32 v26, v33;
	v34 =	vadd.s32 v8, v34  }
0x64d: {  	vm0 =	vgt.s32 v13, v23;
	v44 =	vshll.u32 v26, $0x4  }
0x64e: {  	v13 =	vsel vm0, v13, v23;
	[tilespmem:v31+s15+$0x0] =	vst.idx.add.s32.msk $0xffff, v3;
	v15 =	vadd.s32 v7, v44  }
0x64f: {  	vm0 =	vgt.s32 v13, v30;
	v45 =	vld [tilespmem:s24+$0x8070]  }
0x650: {  	v13 =	vsel vm0, v13, v30  }
0x651: {  	vm0 =	vgt.s32 v13, v37;
	[tilespmem:v34+s15+$0x0] =	vst.idx.add.s32.msk $0xffff, v3  }
0x652: {  	v13 =	vsel vm0, v13, v37;
	v46 =	vld [tilespmem:s23+$0x8060]  }
0x653: {  	vm0 =	vgt.s32 v13, v57;
	[tilespmem:v15+s15+$0x0] =	vst.idx.add.s32.msk $0xffff, v3  }
0x654: {  	v13 =	vsel vm0, v13, v57;
	v47 =	vshra.s32 v45, $0x1F;
	v15 =	vld [tilespmem:s22+$0x8050]  }
0x655: {  	v23 =	vshra.s32 v45, $0x16;
	vm0 =	vgt.s32 v13, v24;
	v16 =	vand.u32 $0x1FF, v47  }
0x656: {  	v13 =	vsel vm0, v13, v24;
	v16 =	vxor.u32 v23, v16  }
0x657: {  	vm0 =	vgt.s32 v13, v16;
	v48 =	vshra.s32 v46, $0x1F  }
0x658: {  	v13 =	vsel vm0, v13, v16;
	v49 =	vshra.s32 v46, $0x16;
	v23 =	vand.u32 $0x1FF, v48  }
0x659: {  	vm0 =	vgt.s32 v13, v12;
	v50 =	vshra.s32 v15, $0x1F;
	v23 =	vxor.u32 v49, v23  }
0x65a: {  	v15 =	vshra.s32 v15, $0x16;
	v24 =	vand.u32 $0x1FF, v50;
	v51 =	vshll.u32 v23, $0x4  }
0x65b: {  	v12 =	vsel vm0, v13, v12;
	v15 =	vxor.u32 v15, v24;
	v30 =	vadd.s32 v9, v51  }
0x65c: {  	vm0 =	vgt.s32 v12, v28;
	v52 =	vshll.u32 v15, $0x4  }
0x65d: {  	v12 =	vsel vm0, v12, v28;
	v13 =	vadd.s32 v8, v52  }
0x65e: {  	vm0 =	vgt.s32 v12, v29  }
0x65f: {  	v12 =	vsel vm0, v12, v29  }
0x660: {  	vm0 =	vgt.s32 v12, v21;
	[tilespmem:v30+s15+$0x0] =	vst.idx.add.s32.msk $0xffff, v3  }
0x661: {  	v12 =	vsel vm0, v12, v21;
	v53 =	vld [tilespmem:s23+$0x8070]  }
0x662: {  	vm0 =	vgt.s32 v12, v59;
	[tilespmem:v13+s15+$0x0] =	vst.idx.add.s32.msk $0xffff, v3  }
0x663: {  	v12 =	vsel vm0, v12, v59;
	v13 =	vld [tilespmem:s22+$0x8060]  }
0x664: {  	vm0 =	vgt.s32 v12, v42  }
0x665: {  	v12 =	vsel vm0, v12, v42  }
0x666: {  	vm0 =	vgt.s32 v12, v23  }
0x667: {  	v12 =	vsel vm0, v12, v23;
	v54 =	vshra.s32 v53, $0x1F  }
0x668: {  	v55 =	vshra.s32 v53, $0x16;
	v14 =	vand.u32 $0x1FF, v54;
	v56 =	vshra.s32 v13, $0x1F  }
0x669: {  	v13 =	vshra.s32 v13, $0x16;
	v14 =	vxor.u32 v55, v14;
	v57 =	vand.u32 $0x1FF, v56  }
0x66a: {  	vm0 =	vgt.s32 v12, v14;
	v13 =	vxor.u32 v13, v57  }
0x66b: {  	v12 =	vsel vm0, v12, v14;
	v18 =	vshll.u32 v13, $0x4  }
0x66c: {  	vm0 =	vgt.s32 v12, v19;
	v18 =	vadd.s32 v9, v18  }
0x66d: {  	v12 =	vsel vm0, v12, v19  }
0x66e: {  	vm0 =	vgt.s32 v12, v27  }
0x66f: {  	v12 =	vsel vm0, v12, v27  }
0x670: {  	vm0 =	vgt.s32 v12, v20  }
0x671: {  	v12 =	vsel vm0, v12, v20;
	[tilespmem:v18+s15+$0x0] =	vst.idx.add.s32.msk $0xffff, v3  }
0x672: {  	vm0 =	vgt.s32 v12, v32;
	v18 =	vld [tilespmem:s22+$0x8070]  }
0x673: {  	v12 =	vsel vm0, v12, v32  }
0x674: {  	vm0 =	vgt.s32 v12, v26  }
0x675: {  	v12 =	vsel vm0, v12, v26  }
0x676: {  	vm0 =	vgt.s32 v12, v15  }
0x677: {  	v12 =	vsel vm0, v12, v15;
	v58 =	vshra.s32 v18, $0x1F  }
0x678: {  	v18 =	vshra.s32 v18, $0x16;
	vm0 =	vgt.s32 v12, v13;
	v15 =	vand.u32 $0x1FF, v58  }
0x679: {  	v12 =	vsel vm0, v12, v13;
	v59 =	vxor.u32 v18, v15  }
0x67a: {  	vm0 =	vgt.s32 v12, v59  }
0x67b: {  	v12 =	vsel vm0, v12, v59  }
0x67c: {  	v12 =	vxor.u32 $0x80000000, v12  }
0x67d: {  	(xrf0) =	vmax.scan.msk.u32 $0xffff, v12;
	_ =	sdelay $0x5  }
0x67e: {  	v12, _, _ =	vpop (xrf0)  }
0x67f: {  	(v2sf) =	vpush v12, $0xF;
	_ =	sdelay $0x4  }
0x680: {  	v62 =	vshll.u32 v22, $0x4  }
0x681: {  	v61 =	vshll.u32 v17, $0x4;
	v17 =	vadd.s32 v10, v62;
	v16 =	vshll.u32 v16, $0x4  }
0x682: {  	v16 =	vadd.s32 v10, v16;
	v14 =	vshll.u32 v14, $0x4  }
0x683: {  	v14 =	vadd.s32 v10, v14  }
0x684: {  	v15 =	vadd.s32 v10, v61;
	v13 =	vshll.u32 v59, $0x4  }
0x685: {  	v60 =	vshll.u32 v25, $0x4;
	v63 =	vadd.s32 v10, v13  }
0x686: {  	[tilespmem:v17+s15+$0x0] =	vst.idx.add.s32.msk $0xffff, v3;
	v12 =	vadd.s32 v10, v60  }
0x687: {  	[tilespmem:v16+s15+$0x0] =	vst.idx.add.s32.msk $0xffff, v3  }
0x688: {  	[tilespmem:v14+s15+$0x0] =	vst.idx.add.s32.msk $0xffff, v3  }
0x689: {  	[tilespmem:v15+s15+$0x0] =	vst.idx.add.s32.msk $0xffff, v3  }
0x68a: {  	[tilespmem:v63+s15+$0x0] =	vst.idx.add.s32.msk $0xffff, v3;
	s31 =	spop (v2sf)  }
0x68b: {  	[tilespmem:v12+s15+$0x0] =	vst.idx.add.s32.msk $0xffff, v3;
	s25 =	sshll.u32 s31, $0x4  }
0x68c: {  	v12 =	vld [tilespmem:s25+$0x12000];
	_ =	sdelay $0x4  }
0x68d: {  	(xrf0) =	vadd.scan.msk.s32 $0xffff, v12;
	_ =	sdelay $0x5  }
0x68e: {  	v12, _, _ =	vpop (xrf0)  }
0x68f: {  	(v2sf) =	vpush v12, $0xF;
	_ =	sdelay $0xe  }
0x690: {  	s24 =	spop (v2sf)  }
0x691: {  	p0 =	sgt.s32 s24, $0x3F  }
.Ltmp60:
0x692: {  	_ = 	snop;
	(pc) =	sbr.rel @p0 .LBB2_92-.Ltmp60, $2  }
0x693: {  	_ =	sdelay $0x2  }
0x694: {  	s23 =	simm.s32 $0x40;
	s22 =	sxor.u32 $0x80000000, s31  }
0x695: {  	s23 =	sadd.s32 $0xFFFFFFF0, s25  }
.LBB2_90:
0x696: {  	s25 =	sand.u32 $0xFFFFFFF0, s23  }
0x697: {  	v12 =	vld [tilespmem:s25+$0x12000];
	_ =	sdelay $0x4  }
0x698: {  	(xrf0) =	vadd.scan.msk.s32 $0xffff, v12;
	_ =	sdelay $0x5  }
0x699: {  	v12, _, _ =	vpop (xrf0)  }
0x69a: {  	(v2sf) =	vpush v12, $0xF;
	_ =	sdelay $0xe  }
0x69b: {  	s25 =	smov.u32 s24;
	s31 =	spop (v2sf)  }
0x69c: {  	s24 =	sadd.s32 s25, s31  }
0x69d: {  	p0 =	slt.s32 s24, $0x40  }
.Ltmp61:
0x69e: {  	_ = 	snop;
	(pc) =	sbr.rel @p0 .LBB2_90-.Ltmp61, $2  }
0x69f: {  	_ =	sdelay $0x2  }
0x6a0: {  	s22 =	sadd.s32 $0xFFFFFFFF, s22;
	s23 =	sadd.s32 $0xFFFFFFF0, s23  }
0x6a1: {  	s23 =	ssub.s32 $0x40, s25  }
.LBB2_92:
0x6a2: {  	s24 =	simm.s32 $0x8040  }
0x6a3: {  	v12 =	vld [tilespmem:s24+$0x30]  }
0x6a4: {  	v14 =	vld [tilespmem:s24+$0x20]  }
0x6a5: {  	v16 =	vld [tilespmem:s24+$0x10]  }
0x6a6: {  	v15 =	vld [tilespmem:s24+$0x0]  }
0x6a7: {  	v21 =	vld [tilespmem:s24+$0xFFFFFFF0]  }
0x6a8: {  	v22 =	vld [tilespmem:s24+$0xFFFFFFE0]  }
0x6a9: {  	v23 =	vld [tilespmem:s24+$0xFFFFFFD0]  }
0x6aa: {  	v24 =	vld [tilespmem:s24+$0xFFFFFFC0]  }
0x6ab: {  	v25 =	vimm.s32 $0x0  }
0x6ac: {  	v13 =	vmov s22;
	v17 =	vshll.u32 v25, $0x4  }
0x6ad: {  	v20 =	vor.u32 v1, v17;
	v17 =	vshra.s32 v14, $0x1F;
	v18 =	vshra.s32 v12, $0x1F  }
0x6ae: {  	v19 =	vshra.s32 v21, $0x1F;
	v26 =	vshra.s32 v15, $0x1F;
	v27 =	vshra.s32 v16, $0x1F  }
0x6af: {  	v28 =	vshra.s32 v24, $0x1F;
	v29 =	vshra.s32 v23, $0x1F;
	v30 =	vshra.s32 v22, $0x1F  }
0x6b0: {  	v27 =	vand.u32 $0x7FFFFFFF, v27;
	v31 =	vand.u32 $0x7FFFFFFF, v17;
	v17 =	vand.u32 $0x7FFFFFFF, v18  }
0x6b1: {  	v30 =	vand.u32 $0x7FFFFFFF, v30;
	v32 =	vand.u32 $0x7FFFFFFF, v19;
	v19 =	vand.u32 $0x7FFFFFFF, v26  }
0x6b2: {  	v26 =	vand.u32 $0x7FFFFFFF, v28;
	v28 =	vand.u32 $0x7FFFFFFF, v29;
	v18 =	vxor.u32 v12, v17  }
0x6b3: {  	v15 =	vxor.u32 v15, v19;
	v17 =	vxor.u32 v16, v27;
	v19 =	vxor.u32 v14, v31  }
0x6b4: {  	v12 =	vxor.u32 v23, v28;
	v14 =	vxor.u32 v22, v30;
	v16 =	vxor.u32 v21, v32  }
0x6b5: {  	v21 =	vxor.u32 v24, v26;
	v24 =	vshra.s32 v19, $0x16;
	v23 =	vshra.s32 v18, $0x16  }
0x6b6: {  	v22 =	vshra.s32 v21, $0x16;
	v27 =	vshra.s32 v15, $0x16;
	v26 =	vshra.s32 v17, $0x16  }
0x6b7: {  	v29 =	vshra.s32 v16, $0x16;
	vm4 =	veq.s32 v22, v13;
	v22 =	vshra.s32 v12, $0x16  }
0x6b8: {  	v30 =	vshra.s32 v14, $0x16;
	v28 =	vsel vm4, $0x1, v0;
	vm0 =	veq.s32 v22, v13  }
0x6b9: {  	vm1 =	veq.s32 v30, v13;
	v22 =	vadd.s32 v28, v25;
	v25 =	vsel vm0, $0x1, v0  }
0x6ba: {  	s25 =	simm.s32 $0x80C0;
	s24 =	simm.s32 $0x0;
	vm2 =	veq.s32 v29, v13;
	v28 =	vsel vm1, $0x1, v0;
	v25 =	vadd.s32 v25, v22  }
.LBB2_93:
0x6bb: {  	v29 =	vld [tilespmem:s25+$0x30];
	v28 =	vadd.s32 v28, v25;
	v30 =	vsel vm2, $0x1, v0;
	vm3 =	veq.s32 v27, v13  }
0x6bc: {  	vm5 =	veq.s32 v26, v13;
	v27 =	vld [tilespmem:s25+$0x20];
	v30 =	vadd.s32 v30, v28;
	v31 =	vsel vm3, $0x1, v0  }
0x6bd: {  	v26 =	vld [tilespmem:s25+$0x10];
	[tilespmem:v20+s17+$0x0] =	vst.idx.msk vm4, v21;
	v20 =	vadd.s32 v31, v30;
	v21 =	vsel vm5, $0x1, v0;
	vm4 =	veq.s32 v24, v13  }
0x6be: {  	vm6 =	veq.s32 v23, v13;
	v24 =	vld [tilespmem:s25+$0x0];
	v21 =	vadd.s32 v21, v20;
	v31 =	vsel vm4, $0x1, v0  }
0x6bf: {  	v23 =	vld [tilespmem:s25+$0xFFFFFFF0];
	v32 =	vshll.u32 v21, $0x4;
	v21 =	vadd.s32 v31, v21;
	v31 =	vsel vm6, $0x1, v0  }
0x6c0: {  	s24 =	sadd.s32 $0x8, s24;
	v20 =	vshll.u32 v20, $0x4;
	v33 =	vld [tilespmem:s25+$0xFFFFFFE0];
	v34 =	vshll.u32 v21, $0x4;
	v31 =	vadd.s32 v31, v21  }
0x6c1: {  	v25 =	vshll.u32 v25, $0x4;
	p0 =	slt.u32 s24, $0x7F8;
	v28 =	vshll.u32 v28, $0x4;
	v30 =	vshll.u32 v30, $0x4;
	v21 =	vld [tilespmem:s25+$0xFFFFFFD0]  }
0x6c2: {  	v22 =	vshll.u32 v22, $0x4;
	v36 =	vshll.u32 v31, $0x4;
	v34 =	vor.u32 v1, v34;
	v35 =	vld [tilespmem:s25+$0xFFFFFFC0]  }
0x6c3: {  	v30 =	vor.u32 v1, v30;
	v37 =	vor.u32 v1, v20;
	v32 =	vor.u32 v1, v32  }
0x6c4: {  	v22 =	vor.u32 v1, v22;
	v25 =	vor.u32 v1, v25;
	v28 =	vor.u32 v1, v28  }
0x6c5: {  	v38 =	vshra.s32 v29, $0x1F;
	v20 =	vor.u32 v1, v36;
	v36 =	vshra.s32 v27, $0x1F  }
0x6c6: {  	v41 =	vshra.s32 v26, $0x1F;
	v40 =	vshra.s32 v24, $0x1F;
	v39 =	vshra.s32 v23, $0x1F  }
0x6c7: {  	v44 =	vshra.s32 v33, $0x1F;
	v43 =	vshra.s32 v21, $0x1F;
	v42 =	vshra.s32 v35, $0x1F;
	[tilespmem:v34+s17+$0x0] =	vst.idx.msk vm6, v18  }
0x6c8: {  	v36 =	vand.u32 $0x7FFFFFFF, v36;
	v34 =	vand.u32 $0x7FFFFFFF, v41;
	v18 =	vand.u32 $0x7FFFFFFF, v38;
	[tilespmem:v32+s17+$0x0] =	vst.idx.msk vm4, v19  }
0x6c9: {  	v38 =	vand.u32 $0x7FFFFFFF, v39;
	v32 =	vand.u32 $0x7FFFFFFF, v44;
	v19 =	vand.u32 $0x7FFFFFFF, v40;
	[tilespmem:v37+s17+$0x0] =	vst.idx.msk vm5, v17  }
0x6ca: {  	v39 =	vand.u32 $0x7FFFFFFF, v43;
	v18 =	vxor.u32 v29, v18;
	v37 =	vand.u32 $0x7FFFFFFF, v42;
	[tilespmem:v30+s17+$0x0] =	vst.idx.msk vm3, v15  }
0x6cb: {  	v17 =	vxor.u32 v26, v34;
	v15 =	vxor.u32 v24, v19;
	v19 =	vxor.u32 v27, v36  }
0x6cc: {  	v29 =	vxor.u32 v21, v39;
	v26 =	vxor.u32 v23, v38;
	v30 =	vxor.u32 v33, v32  }
0x6cd: {  	v23 =	vshra.s32 v18, $0x16;
	v21 =	vxor.u32 v35, v37;
	v24 =	vshra.s32 v19, $0x16;
	[tilespmem:v28+s17+$0x0] =	vst.idx.msk vm2, v16;
	v16 =	vmovc v26  }
.Ltmp62:
0x6ce: {  	v27 =	vshra.s32 v15, $0x16;
	v28 =	vshra.s32 v21, $0x16;
	v26 =	vshra.s32 v17, $0x16;
	[tilespmem:v25+s17+$0x0] =	vst.idx.msk vm1, v14;
	v14 =	vmovc v30;
	(pc) =	sbr.rel @p0 .LBB2_93-.Ltmp62, $4  }
0x6cf: {  	vm4 =	veq.s32 v28, v13;
	v25 =	vshra.s32 v29, $0x16;
	v30 =	vshra.s32 v16, $0x16;
	[tilespmem:v22+s17+$0x0] =	vst.idx.msk vm0, v12;
	v12 =	vmovc v29  }
0x6d0: {  	v22 =	vsel vm4, $0x1, v0;
	vm0 =	veq.s32 v25, v13;
	v25 =	vshra.s32 v14, $0x16  }
0x6d1: {  	v22 =	vadd.s32 v22, v31;
	v28 =	vsel vm0, $0x1, v0;
	vm1 =	veq.s32 v25, v13  }
0x6d2: {  	s25 =	sadd.s32 $0x80, s25;
	vm2 =	veq.s32 v30, v13;
	v25 =	vadd.s32 v28, v22;
	v28 =	vsel vm1, $0x1, v0  }
0x6d3: {  	_ =	sdelay $0x1  }
0x6d4: {  	v28 =	vadd.s32 v28, v25;
	v29 =	vsel vm2, $0x1, v0  }
0x6d5: {  	vm3 =	veq.s32 v27, v13;
	vm5 =	veq.s32 v26, v13;
	vm6 =	veq.s32 v24, v13  }
0x6d6: {  	v61 =	vshll.u32 v25, $0x4;
	v22 =	vshll.u32 v22, $0x4;
	v51 =	vadd.s32 v29, v28  }
0x6d7: {  	[tilespmem:v20+s17+$0x0] =	vst.idx.msk vm4, v21;
	v52 =	vsel vm3, $0x1, v0;
	v54 =	vsel vm5, $0x1, v0;
	v20 =	vor.u32 v1, v61  }
0x6d8: {  	v56 =	vsel vm6, $0x1, v0;
	v60 =	vshll.u32 v28, $0x4;
	v63 =	vor.u32 v1, v22  }
0x6d9: {  	v53 =	vadd.s32 v52, v51;
	v59 =	vshll.u32 v51, $0x4;
	v62 =	vor.u32 v1, v60  }
0x6da: {  	v55 =	vadd.s32 v54, v53;
	v58 =	vshll.u32 v53, $0x4;
	v26 =	vor.u32 v1, v59  }
0x6db: {  	v29 =	vadd.s32 v56, v55;
	v57 =	vshll.u32 v55, $0x4;
	v24 =	vor.u32 v1, v58  }
0x6dc: {  	vm7 =	veq.s32 v23, v13;
	v13 =	vshll.u32 v29, $0x4;
	v23 =	vor.u32 v1, v57;
	[tilespmem:v20+s17+$0x0] =	vst.idx.msk vm1, v14  }
0x6dd: {  	v13 =	vor.u32 v1, v13;
	[tilespmem:v63+s17+$0x0] =	vst.idx.msk vm0, v12  }
0x6de: {  	[tilespmem:v62+s17+$0x0] =	vst.idx.msk vm2, v16  }
0x6df: {  	[tilespmem:v26+s17+$0x0] =	vst.idx.msk vm3, v15  }
0x6e0: {  	[tilespmem:v24+s17+$0x0] =	vst.idx.msk vm5, v17  }
0x6e1: {  	[tilespmem:v23+s17+$0x0] =	vst.idx.msk vm6, v19  }
0x6e2: {  	s24 =	simm.s32 $0x10040;
	[tilespmem:v13+s17+$0x0] =	vst.idx.msk vm7, v18  }
0x6e3: {  	[tilespmem:s24+$0xFFFFFFC0] =	vst v0  }
0x6e4: {  	[tilespmem:s24+$0x30] =	vst v0  }
0x6e5: {  	[tilespmem:s24+$0x20] =	vst v0  }
0x6e6: {  	[tilespmem:s24+$0x10] =	vst v0  }
0x6e7: {  	[tilespmem:s24+$0x0] =	vst v0  }
0x6e8: {  	v13 =	vsel vm7, $0x1, v0;
	[tilespmem:s24+$0xFFFFFFF0] =	vst v0  }
0x6e9: {  	s25 =	simm.s32 $0x0;
	v13 =	vadd.s32 v13, v29;
	[tilespmem:s24+$0xFFFFFFE0] =	vst v0  }
.LBB2_95:
0x6ea: {  	s25 =	sadd.s32 $0x8, s25;
	[tilespmem:s24+$0xFFFFFFD0] =	vst v0;
	s24 =	sadd.s32 $0x80, s24  }
0x6eb: {  	[tilespmem:s24+$0xFFFFFFC0] =	vst v0;
	p0 =	slt.u32 s25, $0x3F8  }
0x6ec: {  	[tilespmem:s24+$0x30] =	vst v0  }
.Ltmp63:
0x6ed: {  	[tilespmem:s24+$0x20] =	vst v0;
	(pc) =	sbr.rel @p0 .LBB2_95-.Ltmp63, $4  }
0x6ee: {  	[tilespmem:s24+$0x10] =	vst v0  }
0x6ef: {  	[tilespmem:s24+$0x0] =	vst v0  }
0x6f0: {  	[tilespmem:s24+$0xFFFFFFF0] =	vst v0  }
0x6f1: {  	[tilespmem:s24+$0xFFFFFFE0] =	vst v0  }
0x6f2: {  	v12 =	vxor.u32 $0x80000000, v13  }
0x6f3: {  	(xrf0) =	vmax.scan.msk.u32 $0xffff, v12;
	_ =	sdelay $0x5  }
0x6f4: {  	v12, _, _ =	vpop (xrf0)  }
0x6f5: {  	(v2sf) =	vpush v12, $0xF;
	_ =	sdelay $0xe  }
0x6f6: {  	s31 =	spop (v2sf)  }
0x6f7: {  	[tilespmem:s24+$0xFFFFFFD0] =	vst v0;
	s24 =	sxor.u32 $0x80000000, s31  }
0x6f8: {  	p0 =	sgt.s32 s24, $0x0  }
.Ltmp64:
0x6f9: {  	_ = 	snop;
	(pc) =	sbr.rel @!p0 .LBB2_100-.Ltmp64, $1  }
0x6fa: {  	_ =	sdelay $0x3  }
0x6fb: {  	s25 =	simm.s32 $0x14000  }
0x6fc: {  	p0 =	sne.s32 s24, $0x1;
	v12 =	vld [tilespmem:s25+$0x0]  }
.Ltmp65:
0x6fd: {  	_ = 	snop;
	(pc) =	sbr.rel @!p0 .LBB2_99-.Ltmp65, $4  }
0x6fe: {  	s26 =	simm.s32 $0x0  }
0x6ff: {  	v14 =	vmov s26  }
0x700: {  	vm0 =	vlt.s32 v14, v13  }
0x701: {  	s26 =	simm.s32 $0x1;
	v12 =	vnsel vm0, $0x80000000, v12  }
.LBB2_98:
0x702: {  	[tilespmem:s25+$0x0] =	vst v12;
	s25 =	sadd.s32 $0x10, s25;
	s28 =	smov.u32 s26;
	s26 =	sadd.s32 $0x1, s26  }
0x703: {  	v12 =	vld [tilespmem:s25+$0x0];
	p0 =	sne.s32 s24, s26  }
.Ltmp66:
0x704: {  	(pc) =	sbr.rel @p0 .LBB2_98-.Ltmp66, $4  }
0x705: {  	_ = 	snop  }
0x706: {  	v14 =	vmov s28  }
0x707: {  	vm0 =	vlt.s32 v14, v13  }
0x708: {  	v12 =	vnsel vm0, $0x80000000, v12  }
.LBB2_99:
0x709: {  	[tilespmem:s25+$0x0] =	vst v12  }
.LBB2_100:
.Ltmp67:
0x70a: {  	(pc) =	sbr.rel .LBB2_101-.Ltmp67, $3  }
0x70b: {  	_ =	sdelay $0x1  }
0x70c: {  	s22 =	sshll.u32 s22, $0x16  }
0x70d: {  	v13 =	vmov s23;
	p0 =	slt.s32 s24, $0x1;
	v12 =	vmov s22;
	s22 =	simm.s32 $0x0  }
.LBB2_104:
0x70e: {  	v16 =	vmpcnt.ones.xlane vm0;
	_ =	sdelay $0x1  }
0x70f: {  	v15 =	vadd.s32 v15, v16  }
.LBB2_105:
0x710: {  	s22 =	sadd.s32 $0x1, s22  }
0x711: {  	p1 =	sne.s32 s22, $0x16  }
.Ltmp68:
0x712: {  	_ = 	snop;
	(pc) =	sbr.rel @!p1 .LBB2_106-.Ltmp68, $3  }
0x713: {  	_ =	sdelay $0x1  }
0x714: {  	vm0 =	vlt.s32 v15, v13  }
0x715: {  	v12 =	vsel vm0, v12, v14  }
.LBB2_101:
.Ltmp69:
0x716: {  	s23 =	ssub.s32 $0x15, s22;
	(pc) =	sbr.rel @p0 .LBB2_105-.Ltmp69, $3  }
0x717: {  	v14 =	vshll.u32 v3, s23  }
0x718: {  	v14 =	vbroadcast v14, $0x0;
	_ =	sdelay $0x1  }
0x719: {  	v15 =	vimm.s32 $0x0;
	s25 =	simm.s32 $0x14000;
	v14 =	vor.u32 v12, v14  }
0x71a: {  	v16 =	vld [tilespmem:s25+$0x0];
	p1 =	sne.s32 s24, $0x1  }
.Ltmp70:
0x71b: {  	_ = 	snop;
	(pc) =	sbr.rel @!p1 .LBB2_104-.Ltmp70, $2  }
0x71c: {  	_ =	sdelay $0x2  }
0x71d: {  	s23 =	sadd.s32 $0xFFFFFFFF, s24;
	s25 =	sadd.s32 $0x10, s25;
	vm0 =	vge.s32 v16, v14  }
.LBB2_103:
0x71e: {  	v16 =	vld [tilespmem:s25+$0x0];
	p1 =	sne.s32 s23, $0x1;
	s23 =	sadd.s32 $0xFFFFFFFF, s23;
	v17 =	vmpcnt.ones.xlane vm0  }
.Ltmp71:
0x71f: {  	(pc) =	sbr.rel @p1 .LBB2_103-.Ltmp71, $2  }
0x720: {  	v15 =	vadd.s32 v15, v17;
	_ =	sdelay $0x2  }
0x721: {  	s25 =	sadd.s32 $0x10, s25;
	vm0 =	vge.s32 v16, v14  }
.Ltmp72:
0x722: {  	_ = 	snop;
	(pc) =	sbr.rel .LBB2_104-.Ltmp72, $1  }
0x723: {  	_ =	sdelay $0x3  }
.LBB2_106:
0x724: {  	v12 =	vxor.u32 $0x80000000, v12  }
0x725: {  	(xrf0) =	vmax.scan.msk.u32 $0xffff, v12;
	_ =	sdelay $0x5  }
0x726: {  	v12, _, _ =	vpop (xrf0)  }
0x727: {  	(v2sf) =	vpush v12, $0xF;
	_ =	sdelay $0xe  }
0x728: {  	s23 =	spop (v2sf)  }
0x729: {  	p0 =	sgt.s32 s23, $0xFFFFFFFF  }
.Ltmp73:
0x72a: {  	_ = 	snop;
	(pc) =	sbr.rel @!p0 .LBB2_107-.Ltmp73, $2  }
0x72b: {  	_ =	sdelay $0x2  }
0x72c: {  	s22 =	simm.s32 $0x8040  }
0x72d: {  	v13 =	vld [tilespmem:s22+$0x30]  }
0x72e: {  	v14 =	vld [tilespmem:s22+$0xFFFFFFD0]  }
0x72f: {  	v15 =	vld [tilespmem:s22+$0xFFFFFFE0]  }
0x730: {  	v17 =	vld [tilespmem:s22+$0x0]  }
0x731: {  	v18 =	vld [tilespmem:s22+$0x10]  }
0x732: {  	s23 =	sxor.u32 $0xFFFFFFFF, s23  }
0x733: {  	v16 =	vld [tilespmem:s22+$0xFFFFFFF0];
	v12 =	vmov s23  }
0x734: {  	vm0 =	vgt.s32 v13, $0xFFFFFFFF;
	vm1 =	vle.s32 v13, v12  }
0x735: {  	vm2 =	vgt.s32 v14, $0xFFFFFFFF;
	vm3 =	vle.s32 v14, v12;
	vm4 =	vle.s32 v15, v12;
	v13 =	vld [tilespmem:s22+$0x20]  }
0x736: {  	vm6 =	vle.s32 v17, v12;
	v14 =	vld [tilespmem:s22+$0xFFFFFFC0];
	vm5 =	vle.s32 v18, v12;
	vm0 =	vmor vm0, vm1  }
0x737: {  	vm1 =	vgt.s32 v15, $0xFFFFFFFF;
	v15 =	vsel vm0, $0x3F800000, v0;
	vm0 =	vmor vm2, vm3  }
0x738: {  	vm2 =	vgt.s32 v16, $0xFFFFFFFF;
	vm3 =	vle.s32 v16, v12;
	vm1 =	vmor vm1, vm4  }
0x739: {  	s24 =	simm.s32 $0x80C0;
	s23 =	simm.s32 $0x0;
	vm4 =	vgt.s32 v17, $0xFFFFFFFF;
	[tilespmem:s22+$0x30] =	vst v15;
	vm2 =	vmor vm2, vm3;
	vm3 =	vgt.s32 v18, $0xFFFFFFFF  }
.LBB2_111:
0x73a: {  	v15 =	vld [tilespmem:s24+$0x30];
	s23 =	sadd.s32 $0x8, s23;
	vm4 =	vmor vm4, vm6;
	vm6 =	vgt.s32 v13, $0xFFFFFFFF;
	vm7 =	vle.s32 v13, v12  }
0x73b: {  	vm3 =	vmor vm3, vm5;
	v13 =	vld [tilespmem:s24+$0xFFFFFFD0];
	p0 =	slt.u32 s23, $0x7F8;
	vm8 =	vgt.s32 v14, $0xFFFFFFFF;
	vm9 =	vle.s32 v14, v12  }
0x73c: {  	v14 =	vsel vm0, $0x3F800000, v0;
	vm0 =	vmor vm6, vm7;
	v16 =	vld [tilespmem:s24+$0xFFFFFFE0];
	vm5 =	vmor vm8, vm9  }
0x73d: {  	v19 =	vsel vm2, $0x3F800000, v0;
	v17 =	vld [tilespmem:s24+$0xFFFFFFF0];
	v18 =	vsel vm5, $0x3F800000, v0;
	[tilespmem:s22+$0xFFFFFFD0] =	vst v14;
	v14 =	vsel vm1, $0x3F800000, v0  }
0x73e: {  	v21 =	vsel vm3, $0x3F800000, v0;
	v22 =	vsel vm0, $0x3F800000, v0;
	v20 =	vld [tilespmem:s24+$0x0];
	[tilespmem:s22+$0xFFFFFFC0] =	vst v18;
	v18 =	vsel vm4, $0x3F800000, v0  }
0x73f: {  	v23 =	vld [tilespmem:s24+$0x10];
	vm0 =	vgt.s32 v15, $0xFFFFFFFF;
	vm1 =	vle.s32 v15, v12;
	[tilespmem:s22+$0xFFFFFFE0] =	vst v14  }
.Ltmp74:
0x740: {  	vm2 =	vgt.s32 v13, $0xFFFFFFFF;
	vm3 =	vle.s32 v13, v12;
	v13 =	vld [tilespmem:s24+$0x20];
	vm0 =	vmor vm0, vm1;
	[tilespmem:s22+$0xFFFFFFF0] =	vst v19;
	(pc) =	sbr.rel @p0 .LBB2_111-.Ltmp74, $4  }
0x741: {  	v14 =	vld [tilespmem:s24+$0xFFFFFFC0];
	vm1 =	vgt.s32 v16, $0xFFFFFFFF;
	vm4 =	vle.s32 v16, v12;
	v15 =	vsel vm0, $0x3F800000, v0;
	[tilespmem:s22+$0x0] =	vst v18  }
0x742: {  	vm0 =	vmor vm2, vm3;
	vm2 =	vgt.s32 v17, $0xFFFFFFFF;
	vm3 =	vle.s32 v17, v12;
	[tilespmem:s24+$0x30] =	vst v15  }
0x743: {  	vm1 =	vmor vm1, vm4;
	vm4 =	vgt.s32 v20, $0xFFFFFFFF;
	vm6 =	vle.s32 v20, v12;
	[tilespmem:s22+$0x10] =	vst v21  }
0x744: {  	vm2 =	vmor vm2, vm3;
	vm3 =	vgt.s32 v23, $0xFFFFFFFF;
	vm5 =	vle.s32 v23, v12;
	[tilespmem:s22+$0x20] =	vst v22;
	s22 =	smov.u32 s24;
	s24 =	sadd.s32 $0x80, s24  }
0x745: {  	v58 =	vsel vm0, $0x3F800000, v0  }
0x746: {  	v59 =	vsel vm1, $0x3F800000, v0;
	vm12 =	vmor vm4, vm6;
	[tilespmem:s22+$0xFFFFFFD0] =	vst v58  }
0x747: {  	vm13 =	vgt.s32 v13, $0xFFFFFFFF;
	v60 =	vsel vm2, $0x3F800000, v0;
	vm14 =	vle.s32 v13, v12;
	[tilespmem:s22+$0xFFFFFFE0] =	vst v59  }
.Ltmp75:
0x748: {  	vm3 =	vmor vm3, vm5;
	vm7 =	vgt.s32 v14, $0xFFFFFFFF;
	v61 =	vsel vm12, $0x3F800000, v0;
	[tilespmem:s22+$0xFFFFFFF0] =	vst v60;
	(pc) =	sbr.rel .LBB2_113-.Ltmp75, $4  }
0x749: {  	vm8 =	vle.s32 v14, v12;
	vm15 =	vmor vm13, vm14;
	v62 =	vsel vm3, $0x3F800000, v0;
	[tilespmem:s22+$0x0] =	vst v61  }
0x74a: {  	vm7 =	vmor vm7, vm8;
	v63 =	vsel vm15, $0x3F800000, v0;
	[tilespmem:s22+$0x10] =	vst v62  }
0x74b: {  	v15 =	vsel vm7, $0x3F800000, v0;
	[tilespmem:s22+$0x20] =	vst v63  }
0x74c: {  	[tilespmem:s22+$0xFFFFFFC0] =	vst v15  }
.LBB2_107:
0x74d: {  	v14 =	vld [tilespmem:s22+$0x30]  }
0x74e: {  	v17 =	vld [tilespmem:s22+$0xFFFFFFD0]  }
0x74f: {  	v19 =	vld [tilespmem:s22+$0xFFFFFFE0]  }
0x750: {  	s23 =	sand.u32 $0x7FFFFFFF, s23;
	v16 =	vld [tilespmem:s22+$0xFFFFFFF0]  }
0x751: {  	v15 =	vld [tilespmem:s22+$0x0];
	v12 =	vmov s23  }
0x752: {  	v13 =	vld [tilespmem:s22+$0x10];
	vm0 =	vlt.s32 v14, v12  }
0x753: {  	vm1 =	vlt.s32 v17, v12;
	v14 =	vld [tilespmem:s22+$0x20];
	v20 =	vsel vm0, $0x0, v11  }
0x754: {  	s24 =	simm.s32 $0x80C0;
	s23 =	simm.s32 $0x0;
	v17 =	vld [tilespmem:s22+$0xFFFFFFC0];
	v18 =	vsel vm1, $0x0, v11;
	vm0 =	vlt.s32 v19, v12;
	[tilespmem:s22+$0x30] =	vst v20  }
.LBB2_108:
0x755: {  	v19 =	vld [tilespmem:s24+$0x30];
	s23 =	sadd.s32 $0x8, s23;
	[tilespmem:s22+$0xFFFFFFD0] =	vst v18;
	v18 =	vsel vm0, $0x0, v11;
	vm0 =	vlt.s32 v16, v12  }
0x756: {  	v20 =	vld [tilespmem:s24+$0xFFFFFFD0];
	p0 =	slt.u32 s23, $0x7F8;
	[tilespmem:s22+$0xFFFFFFE0] =	vst v18;
	v16 =	vsel vm0, $0x0, v11;
	vm0 =	vlt.s32 v15, v12  }
0x757: {  	v21 =	vld [tilespmem:s24+$0xFFFFFFE0];
	[tilespmem:s22+$0xFFFFFFF0] =	vst v16;
	v15 =	vsel vm0, $0x0, v11;
	vm0 =	vlt.s32 v13, v12  }
.Ltmp76:
0x758: {  	v16 =	vld [tilespmem:s24+$0xFFFFFFF0];
	[tilespmem:s22+$0x0] =	vst v15;
	v13 =	vsel vm0, $0x0, v11;
	vm0 =	vlt.s32 v14, v12;
	(pc) =	sbr.rel @p0 .LBB2_108-.Ltmp76, $4  }
0x759: {  	v15 =	vld [tilespmem:s24+$0x0];
	vm1 =	vlt.s32 v17, v12;
	[tilespmem:s22+$0x10] =	vst v13;
	v14 =	vsel vm0, $0x0, v11  }
0x75a: {  	v13 =	vld [tilespmem:s24+$0x10];
	vm0 =	vlt.s32 v19, v12;
	v17 =	vsel vm1, $0x0, v11;
	[tilespmem:s22+$0x20] =	vst v14  }
0x75b: {  	vm1 =	vlt.s32 v20, v12;
	v14 =	vld [tilespmem:s24+$0x20];
	v19 =	vsel vm0, $0x0, v11;
	[tilespmem:s22+$0xFFFFFFC0] =	vst v17;
	s22 =	smov.u32 s24  }
0x75c: {  	s24 =	sadd.s32 $0x80, s24;
	v17 =	vld [tilespmem:s22+$0xFFFFFFC0];
	v18 =	vsel vm1, $0x0, v11;
	vm0 =	vlt.s32 v21, v12;
	[tilespmem:s22+$0x30] =	vst v19  }
0x75d: {  	[tilespmem:s22+$0xFFFFFFD0] =	vst v18;
	v61 =	vsel vm0, $0x0, v11;
	vm12 =	vlt.s32 v16, v12  }
0x75e: {  	[tilespmem:s22+$0xFFFFFFE0] =	vst v61;
	v16 =	vsel vm12, $0x0, v11;
	vm13 =	vlt.s32 v15, v12  }
.Ltmp77:
0x75f: {  	[tilespmem:s22+$0xFFFFFFF0] =	vst v16;
	v15 =	vsel vm13, $0x0, v11;
	vm14 =	vlt.s32 v13, v12;
	(pc) =	sbr.rel .LBB2_113-.Ltmp77, $4  }
0x760: {  	[tilespmem:s22+$0x0] =	vst v15;
	v13 =	vsel vm14, $0x0, v11;
	vm15 =	vlt.s32 v14, v12  }
0x761: {  	vm1 =	vlt.s32 v17, v12;
	[tilespmem:s22+$0x10] =	vst v13;
	v62 =	vsel vm15, $0x0, v11  }
0x762: {  	v63 =	vsel vm1, $0x0, v11;
	[tilespmem:s22+$0x20] =	vst v62  }
0x763: {  	[tilespmem:s22+$0xFFFFFFC0] =	vst v63  }
.LBB2_114:
0x764: {  	_ =	sfence.sel $0x180000  }
0x765: {  	[bflag:$0x0] =	sbarrier.arrive $0xFFFF  }
0x766: {  	p0 =	sne.s32 s2, $0x0;
	_ =	strace $0x90000047  }
0x767: {  	s0 =	sadd.s32 @!p0 $0x100000, s0;
	[bflag:$0x2] =	sbarrier.arrive $0xFFFF  }
0x768: {  	[sflag:s0] =	ssyncadd.tile.s32 @!p0 $0x1;
	_ =	shalt  }
.Lfunc_end2:
_tile_overlayer_lowered:
.L_overlay_start_2:
0x769: {  	(tag) =	ssettag $0x2  }
0x76a: {  	s0 =	rddreg [dreg:$0x0];
	s2 =	stileid.u32  }
0x76b: {  	s1 =	rddreg [dreg:$0x1];
	p0 =	sne.s32 s2, $0x0  }
0x76c: {  	s3 =	rddreg [dreg:$0x2];
	[bflag:$0x3] =	sbarrier.arrive $0xFFFF;
	s2 =	simm.s32 @!p0 $0x1C05  }
0x76d: {  	[timem:s3], [sflag:s2] =	dma.local @!p0 [hbm:s0], s1  }
0x76e: {  	s0 =	simm.s32 @!p0 $0x5  }
0x76f: {  	_ =	swait.ge @!p0 [sflag:s0], s1  }
0x770: {  	s1 =	ssub.s32 @!p0 $0x0, s1;
	[sflag:s0] =	ssyncset.done @!p0 $0x0  }
0x771: {  	[sflag:s0] =	ssyncadd.s32 @!p0 s1  }
0x772: {  	[bflag:$0x3] =	sbarrier.arrive $0xFFFF  }
0x773: {  	_ =	shalt  }

</sc_bundles>
